<compile_context>
chip_gen: v7x
topology: tpu7x:2x2x1
jax: 0.10.2.dev20260603
libtpu: 0.0.44.dev20260713+nightly
codegen_flags: <defaults>
</compile_context>

<pallas_src>
import functools

import jax
import jax.numpy as jnp
from jax import lax
from jax.experimental import pallas as pl
from jax.experimental.pallas import tpu as pltpu
from jax.experimental.pallas import tpu_sc as plsc

_PI = 3.1415926
_SIGN = -2147483648


def _vgather16(arr, idx):
  dnums = lax.GatherDimensionNumbers(
      offset_dims=(), collapsed_slice_dims=(0,), start_index_map=(0,))
  return lax.gather(arr, idx[:, None], dnums, (1,),
                    mode=lax.GatherScatterMode.PROMISE_IN_BOUNDS)


def _make_stats_call(N, T):
  def body(f_ref, p_ref, out_ref):
    f = f_ref[...]
    p = p_ref[...]
    r = lax.broadcasted_iota(jnp.int32, (2, T), 0)
    c = lax.broadcasted_iota(jnp.int32, (2, T), 1)
    w_fg = jnp.where(
        r == 0, 1.0,
        jnp.where(c == T - 1, 1.0, jnp.where(c == 0, -1.0, 0.0)))
    ones_t = jnp.ones((1, T), jnp.float32)
    dn = (((1,), (1,)), ((), ()))
    fg = lax.dot_general(w_fg, f, dn, preferred_element_type=jnp.float32)
    s2 = lax.dot_general(ones_t, f * f, dn,
                         preferred_element_type=jnp.float32)
    ps = lax.dot_general(ones_t, p, dn, preferred_element_type=jnp.float32)
    out_ref[...] = jnp.concatenate(
        [fg[0:1, :], s2, fg[1:2, :], ps], axis=0)

  return pl.pallas_call(
      body, out_shape=jax.ShapeDtypeStruct((4, N), jnp.float32))


def _make_edge_kernel(N, E):
  mesh = plsc.VectorSubcoreMesh(core_axis_name="c", subcore_axis_name="s")
  NC = mesh.num_cores
  NW = NC * mesh.num_subcores
  assert E % NW == 0
  EPW = E // NW
  CH = 4000
  while EPW % CH or CH % 80:
    CH //= 2
  NCH = EPW // CH
  U = 10
  NV = CH // 16
  NI = NV // U

  out_type = [
      jax.ShapeDtypeStruct((NW, 16), jnp.float32),
      jax.ShapeDtypeStruct((NW, 16), jnp.float32),
      jax.ShapeDtypeStruct((NW, 16), jnp.float32),
      jax.ShapeDtypeStruct((NW, N), jnp.float32),
  ]
  scratch = [
      pltpu.VMEM((N,), jnp.float32),
      pltpu.VMEM((N,), jnp.float32),
      pltpu.VMEM((N,), jnp.float32),
      pltpu.VMEM((N,), jnp.float32),
      pltpu.VMEM((CH,), jnp.int32),
      pltpu.VMEM((CH,), jnp.int32),
      pltpu.VMEM((CH,), jnp.int32),
      pltpu.VMEM((CH,), jnp.int32),
      pltpu.VMEM((CH,), jnp.float32),
      pltpu.VMEM((CH,), jnp.float32),
      pltpu.VMEM((CH,), jnp.float32),
      pltpu.VMEM((CH,), jnp.float32),
      pltpu.VMEM((16,), jnp.float32),
      pltpu.SemaphoreType.DMA,
      pltpu.SemaphoreType.DMA,
  ]

  @functools.partial(
      pl.kernel, out_type=out_type, mesh=mesh, scratch_types=scratch,
      compiler_params=pltpu.CompilerParams(needs_layout_passes=False))
  def edge_kernel(stats, esrc, edst, eln, edm,
                  o_vis, o_uns, o_p, o_diam,
                  F_v, G_v, P_v, ld_v, sb0, sb1, db0, db1, lb0, lb1,
                  mb0, mb1, acc_v, sem0, sem1):
    cid = lax.axis_index("c")
    sid = lax.axis_index("s")
    wid = sid * NC + cid
    base = wid * EPW

    iota = lax.iota(jnp.int32, 16)
    zeros = jnp.zeros((16,), jnp.float32)
    c0 = jnp.zeros((16,), jnp.int32)
    c1 = jnp.full((16,), 1, jnp.int32)
    c2 = jnp.full((16,), 2, jnp.int32)
    c3 = jnp.full((16,), 3, jnp.int32)
    nxt_idx = jnp.minimum(iota + 1, 15)
    last_lane = iota == 15

    def zinit(i, _):
      ld_v[pl.ds(i * 16, 16)] = zeros
      return 0

    lax.fori_loop(0, N // 16, zinit, 0)
    pltpu.sync_copy(stats.at[0], F_v)
    pltpu.sync_copy(stats.at[2], G_v)
    pltpu.sync_copy(stats.at[3], P_v)

    bufs = [(sb0, db0, lb0, mb0, sem0), (sb1, db1, lb1, mb1, sem1)]

    def start(k, j):
      off = base + k * CH
      sb, db, lb, mb, sem = bufs[j]
      return [
          pltpu.async_copy(esrc.at[pl.ds(off, CH)], sb, sem),
          pltpu.async_copy(edst.at[pl.ds(off, CH)], db, sem),
          pltpu.async_copy(eln.at[pl.ds(off, CH)], lb, sem),
          pltpu.async_copy(edm.at[pl.ds(off, CH)], mb, sem),
      ]

    def make_body(sb, db, lb, mb):
      def body(i, acc):
        av, cv, au, cu, ap = acc
        for u in range(U):
          g = i * U + u
          s16 = sb[pl.ds(g * 16, 16)]
          d16 = db[pl.ds(g * 16, 16)]
          l16 = lb[pl.ds(g * 16, 16)]
          m16 = mb[pl.ds(g * 16, 16)]
          Fs = plsc.load_gather(F_v, [s16])
          Fd = plsc.load_gather(F_v, [d16])
          Gs = plsc.load_gather(G_v, [s16])
          Gd = plsc.load_gather(G_v, [d16])
          Ps = plsc.load_gather(P_v, [s16])
          Pd = plsc.load_gather(P_v, [d16])
          inv2 = 1.0 / (m16 * m16)
          li2 = l16 * inv2
          tv = li2 * inv2 * (Fs - Fd) - cv
          sv = av + tv
          cv = (sv - av) - tv
          av = sv
          tu = li2 * (Gs - Gd) - cu
          su = au + tu
          cu = (su - au) - tu
          au = su
          ap = ap + (Ps - Pd)
          key = (d16 * 16 + iota).astype(jnp.uint32)
          sk, perm = plsc.sort_key_val(key, iota)
          sdst = lax.shift_right_logical(sk, jnp.uint32(4)).astype(jnp.int32)
          nxt = _vgather16(sdst, nxt_idx)
          keep = jnp.logical_or(sdst != nxt, last_lane)
          mperm = _vgather16(m16, perm)
          sval = lax.bitcast_convert_type(
              lax.bitcast_convert_type(mperm, jnp.int32) | jnp.int32(_SIGN),
              jnp.float32)
          plsc.store_scatter(ld_v, [sdst], sval, mask=keep)
        return (av, cv, au, cu, ap)

      return body

    pend = start(0, 0)
    acc = (zeros, zeros, zeros, zeros, zeros)
    for k in range(NCH):
      nxt = start(k + 1, (k + 1) % 2) if k + 1 < NCH else None
      for h in pend:
        h.wait()
      sb, db, lb, mb, _ = bufs[k % 2]
      acc = lax.fori_loop(0, NI, make_body(sb, db, lb, mb), acc)
      pend = nxt

    acc_v[...] = acc[0]
    pltpu.sync_copy(acc_v, o_vis.at[wid])
    acc_v[...] = acc[2]
    pltpu.sync_copy(acc_v, o_uns.at[wid])
    acc_v[...] = acc[4]
    pltpu.sync_copy(acc_v, o_p.at[wid])
    pltpu.sync_copy(ld_v, o_diam.at[wid])

  return edge_kernel, NW


def _make_final_call(N, T, E, NW):
  def body(stats, wd, ovis, ouns, op, rho_r, vis_r, tt_r, out):
    acc = jnp.zeros((1, N), jnp.int32)
    for w in range(NW):
      wi = lax.bitcast_convert_type(wd[w:w + 1, :], jnp.int32)
      acc = jnp.where(wi < 0, wi, acc)
    diam = lax.bitcast_convert_type(acc & jnp.int32(0x7FFFFFFF),
                                    jnp.float32)
    lane = lax.broadcasted_iota(jnp.int32, (1, N), 1)
    d1 = jnp.sum(jnp.where(lane == 1, diam, 0.0))
    diam = jnp.where(lane == 0, d1, diam)
    rho = rho_r[0, 0]
    vis = vis_r[0, 0]
    tt = tt_r[0, 0]
    d2 = diam * diam
    d4 = d2 * d2
    kin_row = 16.0 * rho / (_PI * _PI * d4)
    loss = jnp.sum(kin_row * stats[1:2, :]) * (1.0 / (N * T))
    loss = loss + jnp.sum(ovis[...]) * (128.0 * vis / _PI) * (1.0 / (E * T))
    loss = loss + jnp.sum(ouns[...]) * (4.0 * rho / (_PI * tt)) * (1.0 / E)
    loss = loss + jnp.sum(op[...]) * (1.0 / (E * T))
    out[...] = jnp.reshape(loss, (1, 1))

  return pl.pallas_call(
      body, out_shape=jax.ShapeDtypeStruct((1, 1), jnp.float32))


def kernel(flowrate, pressure, edge_attr, edge_index, rho, vis, total_time):
  N, T = flowrate.shape
  E = edge_index.shape[1]

  stats_call = _make_stats_call(N, T)
  edge_call, NW = _make_edge_kernel(N, E)
  final_call = _make_final_call(N, T, E, NW)

  stats = stats_call(flowrate, pressure)
  eidx = edge_index.astype(jnp.int32)
  ovis, ouns, op, wd = edge_call(stats, eidx[0], eidx[1],
                                 edge_attr[:, 0], edge_attr[:, 1])
  out = final_call(stats, wd, ovis, ouns, op,
                   rho.reshape(1, 1).astype(jnp.float32),
                   vis.reshape(1, 1).astype(jnp.float32),
                   total_time.reshape(1, 1).astype(jnp.float32))
  return out[0, 0]

# --- scband reference (transcript-rebuilt; emitter-appended) ---
"""Pipeline reference for scband-one-dairway-loss-163208757612 (READ-ONLY COPY).

The authoritative reference and input builder live on the scoring server;
editing this copy changes nothing except your own understanding.
"""

import jax, jax.numpy as jnp
import numpy as np

N = 10000
E = 640000
T = 100

def setup_inputs(seed: int = 0) -> dict:
    key = jax.random.key(seed)
    k1, k2, k3, k4 = jax.random.split(key, 4)
    flowrate = jax.random.normal(k1, (N, T), dtype=jnp.float32)
    pressure = jax.random.normal(k2, (N, T), dtype=jnp.float32)
    edge_attr = jax.random.uniform(k3, (E, 2), dtype=jnp.float32)
    edge_index = jax.random.randint(k4, (2, E), 0, N)
    rho = jnp.ones((1,), dtype=jnp.float32)
    vis = jnp.ones((1,), dtype=jnp.float32)
    total_time = jnp.ones((1,), dtype=jnp.float32)
    return {"flowrate": flowrate, "pressure": pressure, "edge_attr": edge_attr,
            "edge_index": edge_index, "rho": rho, "vis": vis, "total_time": total_time}

def reference(flowrate, pressure, edge_attr, edge_index, rho, vis, total_time):
    pi = 3.1415926
    src = edge_index[0]
    dst = edge_index[1]
    # --- kinematic_loss ---
    # EdgeToNodeLayer: scatter edge diameters onto destination nodes (overwrite)
    diam_n = jnp.zeros((flowrate.shape[0],), dtype=flowrate.dtype).at[dst].set(edge_attr[:, 1])
    diam_n = diam_n.at[0].set(diam_n[1])
    K = 1.0
    Kin = 16.0 * K * rho / (pi ** 2 * jnp.square(jnp.square(diam_n)))
    loss = jnp.mean(Kin[:, None] * jnp.square(flowrate))
    # --- viscous_loss ---
    # NodeToEdgeLayer with message a - b: gather src/dst node values per edge
    Q_e = flowrate[src] - flowrate[dst]
    length = edge_attr[:, 0]
    diam = edge_attr[:, 1]
    Vis = 128.0 * vis * length / (pi * jnp.square(jnp.square(diam)))
    loss = loss + jnp.mean(Vis[:, None] * Q_e)
    # --- unsteady_loss ---
    timestep = total_time / (flowrate.shape[1] - 1)
    Uns = 4.0 * rho * length / (pi * jnp.square(diam))
    delta_Q = Q_e[:, 1:] - Q_e[:, 0:-1]
    loss = loss + jnp.mean((Uns / timestep)[:, None] * delta_Q)
    # --- pressure_loss ---
    P_e = pressure[src] - pressure[dst]
    loss = loss + jnp.mean(P_e)
    return loss

if __name__ == "__main__":
    import jax
    _d = setup_inputs()
    print(jax.jit(kernel)(*tuple(_d.values())))

</pallas_src>

<mosaic_0001>
#map = affine_map<(d0, d1) -> (0, 0)>
#map1 = affine_map<(d0, d1) -> (0)>
module attributes {stable_mosaic.version = 14 : i64} {
  func.func @edge_kernel(%arg0: i32, %arg1: i32, %arg2: memref<4x10000xf32, #tpu.memory_space<hbm>>, %arg3: memref<640000xi32, #tpu.memory_space<hbm>>, %arg4: memref<640000xi32, #tpu.memory_space<hbm>>, %arg5: memref<640000xf32, #tpu.memory_space<hbm>>, %arg6: memref<640000xf32, #tpu.memory_space<hbm>>, %arg7: memref<32x16xf32, #tpu.memory_space<hbm>>, %arg8: memref<32x16xf32, #tpu.memory_space<hbm>>, %arg9: memref<32x16xf32, #tpu.memory_space<hbm>>, %arg10: memref<32x10000xf32, #tpu.memory_space<hbm>>, %arg11: memref<10000xf32, #tpu.memory_space<vmem>>, %arg12: memref<10000xf32, #tpu.memory_space<vmem>>, %arg13: memref<10000xf32, #tpu.memory_space<vmem>>, %arg14: memref<10000xf32, #tpu.memory_space<vmem>>, %arg15: memref<4000xi32, #tpu.memory_space<vmem>>, %arg16: memref<4000xi32, #tpu.memory_space<vmem>>, %arg17: memref<4000xi32, #tpu.memory_space<vmem>>, %arg18: memref<4000xi32, #tpu.memory_space<vmem>>, %arg19: memref<4000xf32, #tpu.memory_space<vmem>>, %arg20: memref<4000xf32, #tpu.memory_space<vmem>>, %arg21: memref<4000xf32, #tpu.memory_space<vmem>>, %arg22: memref<4000xf32, #tpu.memory_space<vmem>>, %arg23: memref<16xf32, #tpu.memory_space<vmem>>, %arg24: memref<!tpu.dma_semaphore, #tpu.memory_space<semaphore_mem>>, %arg25: memref<!tpu.dma_semaphore, #tpu.memory_space<semaphore_mem>>) attributes {dimension_semantics = [#tpu.dimension_semantics<core_parallel>, #tpu.dimension_semantics<subcore_parallel>], iteration_bounds = array<i64: 2, 16>, scalar_prefetch = 0 : i64, scratch_operands = 15 : i64, tpu.core_type = #tpu.core_type<sc_vector_subcore>, window_params = [{transform_indices = #map}, {transform_indices = #map1}, {transform_indices = #map1}, {transform_indices = #map1}, {transform_indices = #map1}, {transform_indices = #map}, {transform_indices = #map}, {transform_indices = #map}, {transform_indices = #map}]} {
    %mul3A = arith.constant 2 : i32
    %mul3A_0 = arith.muli %arg1, %mul3A : i32
    %add3A = arith.addi %mul3A_0, %arg0 : i32
    %mul3A_1 = arith.constant 20000 : i32
    %mul3A_2 = arith.muli %add3A, %mul3A_1 : i32
    %iota3A = tpu.iota {dimensions = array<i32: 0>} : vector<16xi32>
    %broadcast_in_dim3A = arith.constant 0.000000e+00 : f32
    %broadcast_in_dim3A_3 = vector.broadcast %broadcast_in_dim3A : f32 to vector<16xf32>
    %broadcast_in_dim3A_4 = arith.constant 0 : i32
    %broadcast_in_dim3A_5 = vector.broadcast %broadcast_in_dim3A_4 : i32 to vector<16xi32>
    %broadcast_in_dim3A_6 = arith.constant 1 : i32
    %broadcast_in_dim3A_7 = vector.broadcast %broadcast_in_dim3A_6 : i32 to vector<16xi32>
    %broadcast_in_dim3A_8 = arith.constant 2 : i32
    %broadcast_in_dim3A_9 = vector.broadcast %broadcast_in_dim3A_8 : i32 to vector<16xi32>
    %broadcast_in_dim3A_10 = arith.constant 3 : i32
    %broadcast_in_dim3A_11 = vector.broadcast %broadcast_in_dim3A_10 : i32 to vector<16xi32>
    %add3A_12 = arith.constant 1 : i32
    %add3A_13 = vector.broadcast %add3A_12 : i32 to vector<16xi32>
    %add3A_14 = arith.addi %iota3A, %add3A_13 : vector<16xi32>
    %min3A = arith.constant 15 : i32
    %min3A_15 = vector.broadcast %min3A : i32 to vector<16xi32>
    %min3A_16 = arith.minsi %add3A_14, %min3A_15 : vector<16xi32>
    %eq3A = arith.constant 15 : i32
    %eq3A_17 = vector.broadcast %eq3A : i32 to vector<16xi32>
    %eq3A_18 = arith.cmpi eq, %iota3A, %eq3A_17 : vector<16xi32>
    %scan3A = arith.constant 0 : i32
    %scan3A_19 = arith.constant 0 : i32
    %scan3A_20 = arith.constant 625 : i32
    %scan3A_21 = arith.addi %scan3A_19, %scan3A_20 : i32
    %scan3A_22 = arith.constant 1 : i32
    %scan3A_23 = scf.for %scan3A_150 = %scan3A_19 to %scan3A_21 step %scan3A_22 iter_args(%scan3A_151 = %scan3A) -> (i32)  : i32 {
      %mul3A_152 = arith.constant 16 : i32
      %mul3A_153 = arith.muli %scan3A_150, %mul3A_152 : i32
      %swap3A_154 = arith.index_cast %mul3A_153 : i32 to index
      %swap3A_155 = tpu.vector_load %arg14[%swap3A_154] {strides = array<i32>} : memref<10000xf32, #tpu.memory_space<vmem>>, vector<16xf32>,
      tpu.vector_store %arg14[%swap3A_154], %broadcast_in_dim3A_3 {strides = array<i32>} : memref<10000xf32, #tpu.memory_space<vmem>>, vector<16xf32>,
      %scan3A_156 = arith.constant 0 : i32
      scf.yield %scan3A_156 : i32
    }
    %scan3A_24 = arith.constant 625 : i32
    %run_scoped3A = arith.constant 0 : i32
    "tpu.region"() ({
      %run_scoped3A_150 = tpu.sem_alloc : memref<!tpu.dma_semaphore, #tpu.memory_space<semaphore_mem>>
      %dma_start3A_151 = arith.constant 0 : i32
      %dma_start3A_152 = tpu.memref_slice %arg2[%run_scoped3A, %dma_start3A_151] : memref<4x10000xf32, #tpu.memory_space<hbm>> -> memref<1x10000xf32, #tpu.memory_space<hbm>>
      %dma_start3A_153 = tpu.memref_squeeze %dma_start3A_152 : memref<1x10000xf32, #tpu.memory_space<hbm>> -> memref<10000xf32, #tpu.memory_space<hbm>>
      %dma_start3A_154 = arith.constant 0 : i32
      %dma_start3A_155 = tpu.memref_slice %arg2[%run_scoped3A, %dma_start3A_154] : memref<4x10000xf32, #tpu.memory_space<hbm>> -> memref<1x10000xf32, #tpu.memory_space<hbm>>
      %dma_start3A_156 = tpu.memref_squeeze %dma_start3A_155 : memref<1x10000xf32, #tpu.memory_space<hbm>> -> memref<10000xf32, #tpu.memory_space<hbm>>
      tpu.enqueue_dma source(%dma_start3A_156 : memref<10000xf32, #tpu.memory_space<hbm>>) target(%arg11 : memref<10000xf32, #tpu.memory_space<vmem>>) target_semaphore(%run_scoped3A_150 : memref<!tpu.dma_semaphore, #tpu.memory_space<semaphore_mem>>)
      %dma_wait3A_157 = arith.constant 0 : i32
      %dma_wait3A_158 = tpu.memref_slice %arg2[%run_scoped3A, %dma_wait3A_157] : memref<4x10000xf32, #tpu.memory_space<hbm>> -> memref<1x10000xf32, #tpu.memory_space<hbm>>
      %dma_wait3A_159 = tpu.memref_squeeze %dma_wait3A_158 : memref<1x10000xf32, #tpu.memory_space<hbm>> -> memref<10000xf32, #tpu.memory_space<hbm>>
      %dma_wait3A_160 = arith.constant 0 : i32
      %dma_wait3A_161 = tpu.memref_slice %arg2[%run_scoped3A, %dma_wait3A_160] : memref<4x10000xf32, #tpu.memory_space<hbm>> -> memref<1x10000xf32, #tpu.memory_space<hbm>>
      %dma_wait3A_162 = tpu.memref_squeeze %dma_wait3A_161 : memref<1x10000xf32, #tpu.memory_space<hbm>> -> memref<10000xf32, #tpu.memory_space<hbm>>
      tpu.wait_dma2 semaphore(%run_scoped3A_150 : memref<!tpu.dma_semaphore, #tpu.memory_space<semaphore_mem>>) src(%dma_wait3A_162 : memref<10000xf32, #tpu.memory_space<hbm>>) dst(%arg11 : memref<10000xf32, #tpu.memory_space<vmem>>)
      tpu.yield
    }) : () -> ()
    %run_scoped3A_25 = arith.constant 2 : i32
    "tpu.region"() ({
      %run_scoped3A_150 = tpu.sem_alloc : memref<!tpu.dma_semaphore, #tpu.memory_space<semaphore_mem>>
      %dma_start3A_151 = arith.constant 0 : i32
      %dma_start3A_152 = tpu.memref_slice %arg2[%run_scoped3A_25, %dma_start3A_151] : memref<4x10000xf32, #tpu.memory_space<hbm>> -> memref<1x10000xf32, #tpu.memory_space<hbm>>
      %dma_start3A_153 = tpu.memref_squeeze %dma_start3A_152 : memref<1x10000xf32, #tpu.memory_space<hbm>> -> memref<10000xf32, #tpu.memory_space<hbm>>
      %dma_start3A_154 = arith.constant 0 : i32
      %dma_start3A_155 = tpu.memref_slice %arg2[%run_scoped3A_25, %dma_start3A_154] : memref<4x10000xf32, #tpu.memory_space<hbm>> -> memref<1x10000xf32, #tpu.memory_space<hbm>>
      %dma_start3A_156 = tpu.memref_squeeze %dma_start3A_155 : memref<1x10000xf32, #tpu.memory_space<hbm>> -> memref<10000xf32, #tpu.memory_space<hbm>>
      tpu.enqueue_dma source(%dma_start3A_156 : memref<10000xf32, #tpu.memory_space<hbm>>) target(%arg12 : memref<10000xf32, #tpu.memory_space<vmem>>) target_semaphore(%run_scoped3A_150 : memref<!tpu.dma_semaphore, #tpu.memory_space<semaphore_mem>>)
      %dma_wait3A_157 = arith.constant 0 : i32
      %dma_wait3A_158 = tpu.memref_slice %arg2[%run_scoped3A_25, %dma_wait3A_157] : memref<4x10000xf32, #tpu.memory_space<hbm>> -> memref<1x10000xf32, #tpu.memory_space<hbm>>
      %dma_wait3A_159 = tpu.memref_squeeze %dma_wait3A_158 : memref<1x10000xf32, #tpu.memory_space<hbm>> -> memref<10000xf32, #tpu.memory_space<hbm>>
      %dma_wait3A_160 = arith.constant 0 : i32
      %dma_wait3A_161 = tpu.memref_slice %arg2[%run_scoped3A_25, %dma_wait3A_160] : memref<4x10000xf32, #tpu.memory_space<hbm>> -> memref<1x10000xf32, #tpu.memory_space<hbm>>
      %dma_wait3A_162 = tpu.memref_squeeze %dma_wait3A_161 : memref<1x10000xf32, #tpu.memory_space<hbm>> -> memref<10000xf32, #tpu.memory_space<hbm>>
      tpu.wait_dma2 semaphore(%run_scoped3A_150 : memref<!tpu.dma_semaphore, #tpu.memory_space<semaphore_mem>>) src(%dma_wait3A_162 : memref<10000xf32, #tpu.memory_space<hbm>>) dst(%arg12 : memref<10000xf32, #tpu.memory_space<vmem>>)
      tpu.yield
    }) : () -> ()
    %run_scoped3A_26 = arith.constant 3 : i32
    "tpu.region"() ({
      %run_scoped3A_150 = tpu.sem_alloc : memref<!tpu.dma_semaphore, #tpu.memory_space<semaphore_mem>>
      %dma_start3A_151 = arith.constant 0 : i32
      %dma_start3A_152 = tpu.memref_slice %arg2[%run_scoped3A_26, %dma_start3A_151] : memref<4x10000xf32, #tpu.memory_space<hbm>> -> memref<1x10000xf32, #tpu.memory_space<hbm>>
      %dma_start3A_153 = tpu.memref_squeeze %dma_start3A_152 : memref<1x10000xf32, #tpu.memory_space<hbm>> -> memref<10000xf32, #tpu.memory_space<hbm>>
      %dma_start3A_154 = arith.constant 0 : i32
      %dma_start3A_155 = tpu.memref_slice %arg2[%run_scoped3A_26, %dma_start3A_154] : memref<4x10000xf32, #tpu.memory_space<hbm>> -> memref<1x10000xf32, #tpu.memory_space<hbm>>
      %dma_start3A_156 = tpu.memref_squeeze %dma_start3A_155 : memref<1x10000xf32, #tpu.memory_space<hbm>> -> memref<10000xf32, #tpu.memory_space<hbm>>
      tpu.enqueue_dma source(%dma_start3A_156 : memref<10000xf32, #tpu.memory_space<hbm>>) target(%arg13 : memref<10000xf32, #tpu.memory_space<vmem>>) target_semaphore(%run_scoped3A_150 : memref<!tpu.dma_semaphore, #tpu.memory_space<semaphore_mem>>)
      %dma_wait3A_157 = arith.constant 0 : i32
      %dma_wait3A_158 = tpu.memref_slice %arg2[%run_scoped3A_26, %dma_wait3A_157] : memref<4x10000xf32, #tpu.memory_space<hbm>> -> memref<1x10000xf32, #tpu.memory_space<hbm>>
      %dma_wait3A_159 = tpu.memref_squeeze %dma_wait3A_158 : memref<1x10000xf32, #tpu.memory_space<hbm>> -> memref<10000xf32, #tpu.memory_space<hbm>>
      %dma_wait3A_160 = arith.constant 0 : i32
      %dma_wait3A_161 = tpu.memref_slice %arg2[%run_scoped3A_26, %dma_wait3A_160] : memref<4x10000xf32, #tpu.memory_space<hbm>> -> memref<1x10000xf32, #tpu.memory_space<hbm>>
      %dma_wait3A_162 = tpu.memref_squeeze %dma_wait3A_161 : memref<1x10000xf32, #tpu.memory_space<hbm>> -> memref<10000xf32, #tpu.memory_space<hbm>>
      tpu.wait_dma2 semaphore(%run_scoped3A_150 : memref<!tpu.dma_semaphore, #tpu.memory_space<semaphore_mem>>) src(%dma_wait3A_162 : memref<10000xf32, #tpu.memory_space<hbm>>) dst(%arg13 : memref<10000xf32, #tpu.memory_space<vmem>>)
      tpu.yield
    }) : () -> ()
    %add3A_27 = arith.constant 0 : i32
    %add3A_28 = arith.addi %mul3A_2, %add3A_27 : i32
    %dma_start3A = tpu.memref_slice %arg3[%add3A_28] : memref<640000xi32, #tpu.memory_space<hbm>> -> memref<4000xi32, #tpu.memory_space<hbm>>
    %dma_start3A_29 = tpu.memref_slice %arg3[%add3A_28] : memref<640000xi32, #tpu.memory_space<hbm>> -> memref<4000xi32, #tpu.memory_space<hbm>>
    tpu.enqueue_dma source(%dma_start3A_29 : memref<4000xi32, #tpu.memory_space<hbm>>) target(%arg15 : memref<4000xi32, #tpu.memory_space<vmem>>) target_semaphore(%arg24 : memref<!tpu.dma_semaphore, #tpu.memory_space<semaphore_mem>>)
    %dma_start3A_30 = tpu.memref_slice %arg4[%add3A_28] : memref<640000xi32, #tpu.memory_space<hbm>> -> memref<4000xi32, #tpu.memory_space<hbm>>
    %dma_start3A_31 = tpu.memref_slice %arg4[%add3A_28] : memref<640000xi32, #tpu.memory_space<hbm>> -> memref<4000xi32, #tpu.memory_space<hbm>>
    tpu.enqueue_dma source(%dma_start3A_31 : memref<4000xi32, #tpu.memory_space<hbm>>) target(%arg17 : memref<4000xi32, #tpu.memory_space<vmem>>) target_semaphore(%arg24 : memref<!tpu.dma_semaphore, #tpu.memory_space<semaphore_mem>>)
    %dma_start3A_32 = tpu.memref_slice %arg5[%add3A_28] : memref<640000xf32, #tpu.memory_space<hbm>> -> memref<4000xf32, #tpu.memory_space<hbm>>
    %dma_start3A_33 = tpu.memref_slice %arg5[%add3A_28] : memref<640000xf32, #tpu.memory_space<hbm>> -> memref<4000xf32, #tpu.memory_space<hbm>>
    tpu.enqueue_dma source(%dma_start3A_33 : memref<4000xf32, #tpu.memory_space<hbm>>) target(%arg19 : memref<4000xf32, #tpu.memory_space<vmem>>) target_semaphore(%arg24 : memref<!tpu.dma_semaphore, #tpu.memory_space<semaphore_mem>>)
    %dma_start3A_34 = tpu.memref_slice %arg6[%add3A_28] : memref<640000xf32, #tpu.memory_space<hbm>> -> memref<4000xf32, #tpu.memory_space<hbm>>
    %dma_start3A_35 = tpu.memref_slice %arg6[%add3A_28] : memref<640000xf32, #tpu.memory_space<hbm>> -> memref<4000xf32, #tpu.memory_space<hbm>>
    tpu.enqueue_dma source(%dma_start3A_35 : memref<4000xf32, #tpu.memory_space<hbm>>) target(%arg21 : memref<4000xf32, #tpu.memory_space<vmem>>) target_semaphore(%arg24 : memref<!tpu.dma_semaphore, #tpu.memory_space<semaphore_mem>>)
    %add3A_36 = arith.constant 4000 : i32
    %add3A_37 = arith.addi %mul3A_2, %add3A_36 : i32
    %dma_start3A_38 = tpu.memref_slice %arg3[%add3A_37] : memref<640000xi32, #tpu.memory_space<hbm>> -> memref<4000xi32, #tpu.memory_space<hbm>>
    %dma_start3A_39 = tpu.memref_slice %arg3[%add3A_37] : memref<640000xi32, #tpu.memory_space<hbm>> -> memref<4000xi32, #tpu.memory_space<hbm>>
    tpu.enqueue_dma source(%dma_start3A_39 : memref<4000xi32, #tpu.memory_space<hbm>>) target(%arg16 : memref<4000xi32, #tpu.memory_space<vmem>>) target_semaphore(%arg25 : memref<!tpu.dma_semaphore, #tpu.memory_space<semaphore_mem>>)
    %dma_start3A_40 = tpu.memref_slice %arg4[%add3A_37] : memref<640000xi32, #tpu.memory_space<hbm>> -> memref<4000xi32, #tpu.memory_space<hbm>>
    %dma_start3A_41 = tpu.memref_slice %arg4[%add3A_37] : memref<640000xi32, #tpu.memory_space<hbm>> -> memref<4000xi32, #tpu.memory_space<hbm>>
    tpu.enqueue_dma source(%dma_start3A_41 : memref<4000xi32, #tpu.memory_space<hbm>>) target(%arg18 : memref<4000xi32, #tpu.memory_space<vmem>>) target_semaphore(%arg25 : memref<!tpu.dma_semaphore, #tpu.memory_space<semaphore_mem>>)
    %dma_start3A_42 = tpu.memref_slice %arg5[%add3A_37] : memref<640000xf32, #tpu.memory_space<hbm>> -> memref<4000xf32, #tpu.memory_space<hbm>>
    %dma_start3A_43 = tpu.memref_slice %arg5[%add3A_37] : memref<640000xf32, #tpu.memory_space<hbm>> -> memref<4000xf32, #tpu.memory_space<hbm>>
    tpu.enqueue_dma source(%dma_start3A_43 : memref<4000xf32, #tpu.memory_space<hbm>>) target(%arg20 : memref<4000xf32, #tpu.memory_space<vmem>>) target_semaphore(%arg25 : memref<!tpu.dma_semaphore, #tpu.memory_space<semaphore_mem>>)
    %dma_start3A_44 = tpu.memref_slice %arg6[%add3A_37] : memref<640000xf32, #tpu.memory_space<hbm>> -> memref<4000xf32, #tpu.memory_space<hbm>>
    %dma_start3A_45 = tpu.memref_slice %arg6[%add3A_37] : memref<640000xf32, #tpu.memory_space<hbm>> -> memref<4000xf32, #tpu.memory_space<hbm>>
    tpu.enqueue_dma source(%dma_start3A_45 : memref<4000xf32, #tpu.memory_space<hbm>>) target(%arg22 : memref<4000xf32, #tpu.memory_space<vmem>>) target_semaphore(%arg25 : memref<!tpu.dma_semaphore, #tpu.memory_space<semaphore_mem>>)
    %dma_wait3A = tpu.memref_slice %arg3[%add3A_28] : memref<640000xi32, #tpu.memory_space<hbm>> -> memref<4000xi32, #tpu.memory_space<hbm>>
    %dma_wait3A_46 = tpu.memref_slice %arg3[%add3A_28] : memref<640000xi32, #tpu.memory_space<hbm>> -> memref<4000xi32, #tpu.memory_space<hbm>>
    tpu.wait_dma2 semaphore(%arg24 : memref<!tpu.dma_semaphore, #tpu.memory_space<semaphore_mem>>) src(%dma_wait3A_46 : memref<4000xi32, #tpu.memory_space<hbm>>) dst(%arg15 : memref<4000xi32, #tpu.memory_space<vmem>>)
    %dma_wait3A_47 = tpu.memref_slice %arg4[%add3A_28] : memref<640000xi32, #tpu.memory_space<hbm>> -> memref<4000xi32, #tpu.memory_space<hbm>>
    %dma_wait3A_48 = tpu.memref_slice %arg4[%add3A_28] : memref<640000xi32, #tpu.memory_space<hbm>> -> memref<4000xi32, #tpu.memory_space<hbm>>
    tpu.wait_dma2 semaphore(%arg24 : memref<!tpu.dma_semaphore, #tpu.memory_space<semaphore_mem>>) src(%dma_wait3A_48 : memref<4000xi32, #tpu.memory_space<hbm>>) dst(%arg17 : memref<4000xi32, #tpu.memory_space<vmem>>)
    %dma_wait3A_49 = tpu.memref_slice %arg5[%add3A_28] : memref<640000xf32, #tpu.memory_space<hbm>> -> memref<4000xf32, #tpu.memory_space<hbm>>
    %dma_wait3A_50 = tpu.memref_slice %arg5[%add3A_28] : memref<640000xf32, #tpu.memory_space<hbm>> -> memref<4000xf32, #tpu.memory_space<hbm>>
    tpu.wait_dma2 semaphore(%arg24 : memref<!tpu.dma_semaphore, #tpu.memory_space<semaphore_mem>>) src(%dma_wait3A_50 : memref<4000xf32, #tpu.memory_space<hbm>>) dst(%arg19 : memref<4000xf32, #tpu.memory_space<vmem>>)
    %dma_wait3A_51 = tpu.memref_slice %arg6[%add3A_28] : memref<640000xf32, #tpu.memory_space<hbm>> -> memref<4000xf32, #tpu.memory_space<hbm>>
    %dma_wait3A_52 = tpu.memref_slice %arg6[%add3A_28] : memref<640000xf32, #tpu.memory_space<hbm>> -> memref<4000xf32, #tpu.memory_space<hbm>>
    tpu.wait_dma2 semaphore(%arg24 : memref<!tpu.dma_semaphore, #tpu.memory_space<semaphore_mem>>) src(%dma_wait3A_52 : memref<4000xf32, #tpu.memory_space<hbm>>) dst(%arg21 : memref<4000xf32, #tpu.memory_space<vmem>>)
    %scan3A_53 = arith.constant 0 : i32
    %scan3A_54 = arith.constant 25 : i32
    %scan3A_55 = arith.addi %scan3A_53, %scan3A_54 : i32
    %scan3A_56 = arith.constant 1 : i32
    %scan3A_57:5 = scf.for %scan3A_150 = %scan3A_53 to %scan3A_55 step %scan3A_56 iter_args(%scan3A_151 = %broadcast_in_dim3A_3, %scan3A_152 = %broadcast_in_dim3A_3, %scan3A_153 = %broadcast_in_dim3A_3, %scan3A_154 = %broadcast_in_dim3A_3, %scan3A_155 = %broadcast_in_dim3A_3) -> (vector<16xf32>, vector<16xf32>, vector<16xf32>, vector<16xf32>, vector<16xf32>)  : i32 {
      %mul3A_156 = arith.constant 10 : i32
      %mul3A_157 = arith.muli %scan3A_150, %mul3A_156 : i32
      %add3A_158 = arith.constant 0 : i32
      %add3A_159 = arith.addi %mul3A_157, %add3A_158 : i32
      %mul3A_160 = arith.constant 16 : i32
      %mul3A_161 = arith.muli %add3A_159, %mul3A_160 : i32
      %get3A = arith.index_cast %mul3A_161 : i32 to index
      %get3A_162 = tpu.vector_load %arg15[%get3A] {strides = array<i32>} : memref<4000xi32, #tpu.memory_space<vmem>>, vector<16xi32>,
      %mul3A_163 = arith.constant 16 : i32
      %mul3A_164 = arith.muli %add3A_159, %mul3A_163 : i32
      %get3A_165 = arith.index_cast %mul3A_164 : i32 to index
      %get3A_166 = tpu.vector_load %arg17[%get3A_165] {strides = array<i32>} : memref<4000xi32, #tpu.memory_space<vmem>>, vector<16xi32>,
      %mul3A_167 = arith.constant 16 : i32
      %mul3A_168 = arith.muli %add3A_159, %mul3A_167 : i32
      %get3A_169 = arith.index_cast %mul3A_168 : i32 to index
      %get3A_170 = tpu.vector_load %arg19[%get3A_169] {strides = array<i32>} : memref<4000xf32, #tpu.memory_space<vmem>>, vector<16xf32>,
      %mul3A_171 = arith.constant 16 : i32
      %mul3A_172 = arith.muli %add3A_159, %mul3A_171 : i32
      %get3A_173 = arith.index_cast %mul3A_172 : i32 to index
      %get3A_174 = tpu.vector_load %arg21[%get3A_173] {strides = array<i32>} : memref<4000xf32, #tpu.memory_space<vmem>>, vector<16xf32>,
      %gather3A = tpu.vector_load_idx %arg11[%get3A_162] : memref<10000xf32, #tpu.memory_space<vmem>>[vector<16xi32>], vector<16xf32>,
      %gather3A_175 = tpu.vector_load_idx %arg11[%get3A_166] : memref<10000xf32, #tpu.memory_space<vmem>>[vector<16xi32>], vector<16xf32>,
      %gather3A_176 = tpu.vector_load_idx %arg12[%get3A_162] : memref<10000xf32, #tpu.memory_space<vmem>>[vector<16xi32>], vector<16xf32>,
      %gather3A_177 = tpu.vector_load_idx %arg12[%get3A_166] : memref<10000xf32, #tpu.memory_space<vmem>>[vector<16xi32>], vector<16xf32>,
      %gather3A_178 = tpu.vector_load_idx %arg13[%get3A_162] : memref<10000xf32, #tpu.memory_space<vmem>>[vector<16xi32>], vector<16xf32>,
      %gather3A_179 = tpu.vector_load_idx %arg13[%get3A_166] : memref<10000xf32, #tpu.memory_space<vmem>>[vector<16xi32>], vector<16xf32>,
      %mul3A_180 = arith.mulf %get3A_174, %get3A_174 : vector<16xf32>
      %div3A = arith.constant 1.000000e+00 : f32
      %div3A_181 = vector.broadcast %div3A : f32 to vector<16xf32>
      %div3A_182 = arith.divf %div3A_181, %mul3A_180 : vector<16xf32>
      %mul3A_183 = arith.mulf %get3A_170, %div3A_182 : vector<16xf32>
      %mul3A_184 = arith.mulf %mul3A_183, %div3A_182 : vector<16xf32>
      %sub3A = arith.subf %gather3A, %gather3A_175 : vector<16xf32>
      %mul3A_185 = arith.mulf %mul3A_184, %sub3A : vector<16xf32>
      %sub3A_186 = arith.subf %mul3A_185, %scan3A_152 : vector<16xf32>
      %add3A_187 = arith.addf %scan3A_151, %sub3A_186 : vector<16xf32>
      %sub3A_188 = arith.subf %add3A_187, %scan3A_151 : vector<16xf32>
      %sub3A_189 = arith.subf %sub3A_188, %sub3A_186 : vector<16xf32>
      %sub3A_190 = arith.subf %gather3A_176, %gather3A_177 : vector<16xf32>
      %mul3A_191 = arith.mulf %mul3A_183, %sub3A_190 : vector<16xf32>
      %sub3A_192 = arith.subf %mul3A_191, %scan3A_154 : vector<16xf32>
      %add3A_193 = arith.addf %scan3A_153, %sub3A_192 : vector<16xf32>
      %sub3A_194 = arith.subf %add3A_193, %scan3A_153 : vector<16xf32>
      %sub3A_195 = arith.subf %sub3A_194, %sub3A_192 : vector<16xf32>
      %sub3A_196 = arith.subf %gather3A_178, %gather3A_179 : vector<16xf32>
      %add3A_197 = arith.addf %scan3A_155, %sub3A_196 : vector<16xf32>
      %mul3A_198 = arith.constant 16 : i32
      %mul3A_199 = vector.broadcast %mul3A_198 : i32 to vector<16xi32>
      %mul3A_200 = arith.muli %get3A_166, %mul3A_199 : vector<16xi32>
      %add3A_201 = arith.addi %mul3A_200, %iota3A : vector<16xi32>
      %masked_sort3A = arith.constant dense<true> : vector<16xi1>
      %masked_sort3A_202, %masked_sort3A_203, %masked_sort3A_204 = tpu.sort %add3A_201, %iota3A masked %masked_sort3A : (vector<16xi32>, vector<16xi32>, vector<16xi1>) -> (vector<16xi1>, vector<16xi32>, vector<16xi32>)
      %shift_right_logical3A = arith.constant 4 : i32
      %shift_right_logical3A_205 = vector.broadcast %shift_right_logical3A : i32 to vector<16xi32>
      %shift_right_logical3A_206 = arith.shrui %masked_sort3A_203, %shift_right_logical3A_205 : vector<16xi32>
      %broadcast_in_dim3A_207 = vector.shape_cast %min3A_16 : vector<16xi32> to vector<16x1xi32>
      %gather3A_208 = vector.shape_cast %broadcast_in_dim3A_207 : vector<16x1xi32> to vector<16xi32>
      %gather3A_209 = tpu.dynamic_gather %shift_right_logical3A_206[%gather3A_208] in [0] : vector<16xi32>, vector<16xi32> -> vector<16xi32>
      %ne3A = arith.cmpi ne, %shift_right_logical3A_206, %gather3A_209 : vector<16xi32>
      %or3A = arith.ori %ne3A, %eq3A_18 : vector<16xi1>
      %broadcast_in_dim3A_210 = vector.shape_cast %masked_sort3A_204 : vector<16xi32> to vector<16x1xi32>
      %gather3A_211 = vector.shape_cast %broadcast_in_dim3A_210 : vector<16x1xi32> to vector<16xi32>
      %gather3A_212 = tpu.dynamic_gather %get3A_174[%gather3A_211] in [0] : vector<16xf32>, vector<16xi32> -> vector<16xf32>
      %bitcast_convert_type3A = tpu.bitcast %gather3A_212 : vector<16xf32> -> vector<16xi32>
      %or3A_213 = arith.constant -2147483648 : i32
      %or3A_214 = vector.broadcast %or3A_213 : i32 to vector<16xi32>
      %or3A_215 = arith.ori %bitcast_convert_type3A, %or3A_214 : vector<16xi32>
      %bitcast_convert_type3A_216 = tpu.bitcast %or3A_215 : vector<16xi32> -> vector<16xf32>
      tpu.vector_store_idx %arg14[%shift_right_logical3A_206], %bitcast_convert_type3A_216 masked %or3A : memref<10000xf32, #tpu.memory_space<vmem>>[vector<16xi32>], vector<16xf32>, vector<16xi1>
      %mul3A_217 = arith.constant 10 : i32
      %mul3A_218 = arith.muli %scan3A_150, %mul3A_217 : i32
      %add3A_219 = arith.constant 1 : i32
      %add3A_220 = arith.addi %mul3A_218, %add3A_219 : i32
      %mul3A_221 = arith.constant 16 : i32
      %mul3A_222 = arith.muli %add3A_220, %mul3A_221 : i32
      %get3A_223 = arith.index_cast %mul3A_222 : i32 to index
      %get3A_224 = tpu.vector_load %arg15[%get3A_223] {strides = array<i32>} : memref<4000xi32, #tpu.memory_space<vmem>>, vector<16xi32>,
      %mul3A_225 = arith.constant 16 : i32
      %mul3A_226 = arith.muli %add3A_220, %mul3A_225 : i32
      %get3A_227 = arith.index_cast %mul3A_226 : i32 to index
      %get3A_228 = tpu.vector_load %arg17[%get3A_227] {strides = array<i32>} : memref<4000xi32, #tpu.memory_space<vmem>>, vector<16xi32>,
      %mul3A_229 = arith.constant 16 : i32
      %mul3A_230 = arith.muli %add3A_220, %mul3A_229 : i32
      %get3A_231 = arith.index_cast %mul3A_230 : i32 to index
      %get3A_232 = tpu.vector_load %arg19[%get3A_231] {strides = array<i32>} : memref<4000xf32, #tpu.memory_space<vmem>>, vector<16xf32>,
      %mul3A_233 = arith.constant 16 : i32
      %mul3A_234 = arith.muli %add3A_220, %mul3A_233 : i32
      %get3A_235 = arith.index_cast %mul3A_234 : i32 to index
      %get3A_236 = tpu.vector_load %arg21[%get3A_235] {strides = array<i32>} : memref<4000xf32, #tpu.memory_space<vmem>>, vector<16xf32>,
      %gather3A_237 = tpu.vector_load_idx %arg11[%get3A_224] : memref<10000xf32, #tpu.memory_space<vmem>>[vector<16xi32>], vector<16xf32>,
      %gather3A_238 = tpu.vector_load_idx %arg11[%get3A_228] : memref<10000xf32, #tpu.memory_space<vmem>>[vector<16xi32>], vector<16xf32>,
      %gather3A_239 = tpu.vector_load_idx %arg12[%get3A_224] : memref<10000xf32, #tpu.memory_space<vmem>>[vector<16xi32>], vector<16xf32>,
      %gather3A_240 = tpu.vector_load_idx %arg12[%get3A_228] : memref<10000xf32, #tpu.memory_space<vmem>>[vector<16xi32>], vector<16xf32>,
      %gather3A_241 = tpu.vector_load_idx %arg13[%get3A_224] : memref<10000xf32, #tpu.memory_space<vmem>>[vector<16xi32>], vector<16xf32>,
      %gather3A_242 = tpu.vector_load_idx %arg13[%get3A_228] : memref<10000xf32, #tpu.memory_space<vmem>>[vector<16xi32>], vector<16xf32>,
      %mul3A_243 = arith.mulf %get3A_236, %get3A_236 : vector<16xf32>
      %div3A_244 = arith.constant 1.000000e+00 : f32
      %div3A_245 = vector.broadcast %div3A_244 : f32 to vector<16xf32>
      %div3A_246 = arith.divf %div3A_245, %mul3A_243 : vector<16xf32>
      %mul3A_247 = arith.mulf %get3A_232, %div3A_246 : vector<16xf32>
      %mul3A_248 = arith.mulf %mul3A_247, %div3A_246 : vector<16xf32>
      %sub3A_249 = arith.subf %gather3A_237, %gather3A_238 : vector<16xf32>
      %mul3A_250 = arith.mulf %mul3A_248, %sub3A_249 : vector<16xf32>
      %sub3A_251 = arith.subf %mul3A_250, %sub3A_189 : vector<16xf32>
      %add3A_252 = arith.addf %add3A_187, %sub3A_251 : vector<16xf32>
      %sub3A_253 = arith.subf %add3A_252, %add3A_187 : vector<16xf32>
      %sub3A_254 = arith.subf %sub3A_253, %sub3A_251 : vector<16xf32>
      %sub3A_255 = arith.subf %gather3A_239, %gather3A_240 : vector<16xf32>
      %mul3A_256 = arith.mulf %mul3A_247, %sub3A_255 : vector<16xf32>
      %sub3A_257 = arith.subf %mul3A_256, %sub3A_195 : vector<16xf32>
      %add3A_258 = arith.addf %add3A_193, %sub3A_257 : vector<16xf32>
      %sub3A_259 = arith.subf %add3A_258, %add3A_193 : vector<16xf32>
      %sub3A_260 = arith.subf %sub3A_259, %sub3A_257 : vector<16xf32>
      %sub3A_261 = arith.subf %gather3A_241, %gather3A_242 : vector<16xf32>
      %add3A_262 = arith.addf %add3A_197, %sub3A_261 : vector<16xf32>
      %mul3A_263 = arith.constant 16 : i32
      %mul3A_264 = vector.broadcast %mul3A_263 : i32 to vector<16xi32>
      %mul3A_265 = arith.muli %get3A_228, %mul3A_264 : vector<16xi32>
      %add3A_266 = arith.addi %mul3A_265, %iota3A : vector<16xi32>
      %masked_sort3A_267 = arith.constant dense<true> : vector<16xi1>
      %masked_sort3A_268, %masked_sort3A_269, %masked_sort3A_270 = tpu.sort %add3A_266, %iota3A masked %masked_sort3A_267 : (vector<16xi32>, vector<16xi32>, vector<16xi1>) -> (vector<16xi1>, vector<16xi32>, vector<16xi32>)
      %shift_right_logical3A_271 = arith.constant 4 : i32
      %shift_right_logical3A_272 = vector.broadcast %shift_right_logical3A_271 : i32 to vector<16xi32>
      %shift_right_logical3A_273 = arith.shrui %masked_sort3A_269, %shift_right_logical3A_272 : vector<16xi32>
      %broadcast_in_dim3A_274 = vector.shape_cast %min3A_16 : vector<16xi32> to vector<16x1xi32>
      %gather3A_275 = vector.shape_cast %broadcast_in_dim3A_274 : vector<16x1xi32> to vector<16xi32>
      %gather3A_276 = tpu.dynamic_gather %shift_right_logical3A_273[%gather3A_275] in [0] : vector<16xi32>, vector<16xi32> -> vector<16xi32>
      %ne3A_277 = arith.cmpi ne, %shift_right_logical3A_273, %gather3A_276 : vector<16xi32>
      %or3A_278 = arith.ori %ne3A_277, %eq3A_18 : vector<16xi1>
      %broadcast_in_dim3A_279 = vector.shape_cast %masked_sort3A_270 : vector<16xi32> to vector<16x1xi32>
      %gather3A_280 = vector.shape_cast %broadcast_in_dim3A_279 : vector<16x1xi32> to vector<16xi32>
      %gather3A_281 = tpu.dynamic_gather %get3A_236[%gather3A_280] in [0] : vector<16xf32>, vector<16xi32> -> vector<16xf32>
      %bitcast_convert_type3A_282 = tpu.bitcast %gather3A_281 : vector<16xf32> -> vector<16xi32>
      %or3A_283 = arith.constant -2147483648 : i32
      %or3A_284 = vector.broadcast %or3A_283 : i32 to vector<16xi32>
      %or3A_285 = arith.ori %bitcast_convert_type3A_282, %or3A_284 : vector<16xi32>
      %bitcast_convert_type3A_286 = tpu.bitcast %or3A_285 : vector<16xi32> -> vector<16xf32>
      tpu.vector_store_idx %arg14[%shift_right_logical3A_273], %bitcast_convert_type3A_286 masked %or3A_278 : memref<10000xf32, #tpu.memory_space<vmem>>[vector<16xi32>], vector<16xf32>, vector<16xi1>
      %mul3A_287 = arith.constant 10 : i32
      %mul3A_288 = arith.muli %scan3A_150, %mul3A_287 : i32
      %add3A_289 = arith.constant 2 : i32
      %add3A_290 = arith.addi %mul3A_288, %add3A_289 : i32
      %mul3A_291 = arith.constant 16 : i32
      %mul3A_292 = arith.muli %add3A_290, %mul3A_291 : i32
      %get3A_293 = arith.index_cast %mul3A_292 : i32 to index
      %get3A_294 = tpu.vector_load %arg15[%get3A_293] {strides = array<i32>} : memref<4000xi32, #tpu.memory_space<vmem>>, vector<16xi32>,
      %mul3A_295 = arith.constant 16 : i32
      %mul3A_296 = arith.muli %add3A_290, %mul3A_295 : i32
      %get3A_297 = arith.index_cast %mul3A_296 : i32 to index
      %get3A_298 = tpu.vector_load %arg17[%get3A_297] {strides = array<i32>} : memref<4000xi32, #tpu.memory_space<vmem>>, vector<16xi32>,
      %mul3A_299 = arith.constant 16 : i32
      %mul3A_300 = arith.muli %add3A_290, %mul3A_299 : i32
      %get3A_301 = arith.index_cast %mul3A_300 : i32 to index
      %get3A_302 = tpu.vector_load %arg19[%get3A_301] {strides = array<i32>} : memref<4000xf32, #tpu.memory_space<vmem>>, vector<16xf32>,
      %mul3A_303 = arith.constant 16 : i32
      %mul3A_304 = arith.muli %add3A_290, %mul3A_303 : i32
      %get3A_305 = arith.index_cast %mul3A_304 : i32 to index
      %get3A_306 = tpu.vector_load %arg21[%get3A_305] {strides = array<i32>} : memref<4000xf32, #tpu.memory_space<vmem>>, vector<16xf32>,
      %gather3A_307 = tpu.vector_load_idx %arg11[%get3A_294] : memref<10000xf32, #tpu.memory_space<vmem>>[vector<16xi32>], vector<16xf32>,
      %gather3A_308 = tpu.vector_load_idx %arg11[%get3A_298] : memref<10000xf32, #tpu.memory_space<vmem>>[vector<16xi32>], vector<16xf32>,
      %gather3A_309 = tpu.vector_load_idx %arg12[%get3A_294] : memref<10000xf32, #tpu.memory_space<vmem>>[vector<16xi32>], vector<16xf32>,
      %gather3A_310 = tpu.vector_load_idx %arg12[%get3A_298] : memref<10000xf32, #tpu.memory_space<vmem>>[vector<16xi32>], vector<16xf32>,
      %gather3A_311 = tpu.vector_load_idx %arg13[%get3A_294] : memref<10000xf32, #tpu.memory_space<vmem>>[vector<16xi32>], vector<16xf32>,
      %gather3A_312 = tpu.vector_load_idx %arg13[%get3A_298] : memref<10000xf32, #tpu.memory_space<vmem>>[vector<16xi32>], vector<16xf32>,
      %mul3A_313 = arith.mulf %get3A_306, %get3A_306 : vector<16xf32>
      %div3A_314 = arith.constant 1.000000e+00 : f32
      %div3A_315 = vector.broadcast %div3A_314 : f32 to vector<16xf32>
      %div3A_316 = arith.divf %div3A_315, %mul3A_313 : vector<16xf32>
      %mul3A_317 = arith.mulf %get3A_302, %div3A_316 : vector<16xf32>
      %mul3A_318 = arith.mulf %mul3A_317, %div3A_316 : vector<16xf32>
      %sub3A_319 = arith.subf %gather3A_307, %gather3A_308 : vector<16xf32>
      %mul3A_320 = arith.mulf %mul3A_318, %sub3A_319 : vector<16xf32>
      %sub3A_321 = arith.subf %mul3A_320, %sub3A_254 : vector<16xf32>
      %add3A_322 = arith.addf %add3A_252, %sub3A_321 : vector<16xf32>
      %sub3A_323 = arith.subf %add3A_322, %add3A_252 : vector<16xf32>
      %sub3A_324 = arith.subf %sub3A_323, %sub3A_321 : vector<16xf32>
      %sub3A_325 = arith.subf %gather3A_309, %gather3A_310 : vector<16xf32>
      %mul3A_326 = arith.mulf %mul3A_317, %sub3A_325 : vector<16xf32>
      %sub3A_327 = arith.subf %mul3A_326, %sub3A_260 : vector<16xf32>
      %add3A_328 = arith.addf %add3A_258, %sub3A_327 : vector<16xf32>
      %sub3A_329 = arith.subf %add3A_328, %add3A_258 : vector<16xf32>
      %sub3A_330 = arith.subf %sub3A_329, %sub3A_327 : vector<16xf32>
      %sub3A_331 = arith.subf %gather3A_311, %gather3A_312 : vector<16xf32>
      %add3A_332 = arith.addf %add3A_262, %sub3A_331 : vector<16xf32>
      %mul3A_333 = arith.constant 16 : i32
      %mul3A_334 = vector.broadcast %mul3A_333 : i32 to vector<16xi32>
      %mul3A_335 = arith.muli %get3A_298, %mul3A_334 : vector<16xi32>
      %add3A_336 = arith.addi %mul3A_335, %iota3A : vector<16xi32>
      %masked_sort3A_337 = arith.constant dense<true> : vector<16xi1>
      %masked_sort3A_338, %masked_sort3A_339, %masked_sort3A_340 = tpu.sort %add3A_336, %iota3A masked %masked_sort3A_337 : (vector<16xi32>, vector<16xi32>, vector<16xi1>) -> (vector<16xi1>, vector<16xi32>, vector<16xi32>)
      %shift_right_logical3A_341 = arith.constant 4 : i32
      %shift_right_logical3A_342 = vector.broadcast %shift_right_logical3A_341 : i32 to vector<16xi32>
      %shift_right_logical3A_343 = arith.shrui %masked_sort3A_339, %shift_right_logical3A_342 : vector<16xi32>
      %broadcast_in_dim3A_344 = vector.shape_cast %min3A_16 : vector<16xi32> to vector<16x1xi32>
      %gather3A_345 = vector.shape_cast %broadcast_in_dim3A_344 : vector<16x1xi32> to vector<16xi32>
      %gather3A_346 = tpu.dynamic_gather %shift_right_logical3A_343[%gather3A_345] in [0] : vector<16xi32>, vector<16xi32> -> vector<16xi32>
      %ne3A_347 = arith.cmpi ne, %shift_right_logical3A_343, %gather3A_346 : vector<16xi32>
      %or3A_348 = arith.ori %ne3A_347, %eq3A_18 : vector<16xi1>
      %broadcast_in_dim3A_349 = vector.shape_cast %masked_sort3A_340 : vector<16xi32> to vector<16x1xi32>
      %gather3A_350 = vector.shape_cast %broadcast_in_dim3A_349 : vector<16x1xi32> to vector<16xi32>
      %gather3A_351 = tpu.dynamic_gather %get3A_306[%gather3A_350] in [0] : vector<16xf32>, vector<16xi32> -> vector<16xf32>
      %bitcast_convert_type3A_352 = tpu.bitcast %gather3A_351 : vector<16xf32> -> vector<16xi32>
      %or3A_353 = arith.constant -2147483648 : i32
      %or3A_354 = vector.broadcast %or3A_353 : i32 to vector<16xi32>
      %or3A_355 = arith.ori %bitcast_convert_type3A_352, %or3A_354 : vector<16xi32>
      %bitcast_convert_type3A_356 = tpu.bitcast %or3A_355 : vector<16xi32> -> vector<16xf32>
      tpu.vector_store_idx %arg14[%shift_right_logical3A_343], %bitcast_convert_type3A_356 masked %or3A_348 : memref<10000xf32, #tpu.memory_space<vmem>>[vector<16xi32>], vector<16xf32>, vector<16xi1>
      %mul3A_357 = arith.constant 10 : i32
      %mul3A_358 = arith.muli %scan3A_150, %mul3A_357 : i32
      %add3A_359 = arith.constant 3 : i32
      %add3A_360 = arith.addi %mul3A_358, %add3A_359 : i32
      %mul3A_361 = arith.constant 16 : i32
      %mul3A_362 = arith.muli %add3A_360, %mul3A_361 : i32
      %get3A_363 = arith.index_cast %mul3A_362 : i32 to index
      %get3A_364 = tpu.vector_load %arg15[%get3A_363] {strides = array<i32>} : memref<4000xi32, #tpu.memory_space<vmem>>, vector<16xi32>,
      %mul3A_365 = arith.constant 16 : i32
      %mul3A_366 = arith.muli %add3A_360, %mul3A_365 : i32
      %get3A_367 = arith.index_cast %mul3A_366 : i32 to index
      %get3A_368 = tpu.vector_load %arg17[%get3A_367] {strides = array<i32>} : memref<4000xi32, #tpu.memory_space<vmem>>, vector<16xi32>,
      %mul3A_369 = arith.constant 16 : i32
      %mul3A_370 = arith.muli %add3A_360, %mul3A_369 : i32
      %get3A_371 = arith.index_cast %mul3A_370 : i32 to index
      %get3A_372 = tpu.vector_load %arg19[%get3A_371] {strides = array<i32>} : memref<4000xf32, #tpu.memory_space<vmem>>, vector<16xf32>,
      %mul3A_373 = arith.constant 16 : i32
      %mul3A_374 = arith.muli %add3A_360, %mul3A_373 : i32
      %get3A_375 = arith.index_cast %mul3A_374 : i32 to index
      %get3A_376 = tpu.vector_load %arg21[%get3A_375] {strides = array<i32>} : memref<4000xf32, #tpu.memory_space<vmem>>, vector<16xf32>,
      %gather3A_377 = tpu.vector_load_idx %arg11[%get3A_364] : memref<10000xf32, #tpu.memory_space<vmem>>[vector<16xi32>], vector<16xf32>,
      %gather3A_378 = tpu.vector_load_idx %arg11[%get3A_368] : memref<10000xf32, #tpu.memory_space<vmem>>[vector<16xi32>], vector<16xf32>,
      %gather3A_379 = tpu.vector_load_idx %arg12[%get3A_364] : memref<10000xf32, #tpu.memory_space<vmem>>[vector<16xi32>], vector<16xf32>,
      %gather3A_380 = tpu.vector_load_idx %arg12[%get3A_368] : memref<10000xf32, #tpu.memory_space<vmem>>[vector<16xi32>], vector<16xf32>,
      %gather3A_381 = tpu.vector_load_idx %arg13[%get3A_364] : memref<10000xf32, #tpu.memory_space<vmem>>[vector<16xi32>], vector<16xf32>,
      %gather3A_382 = tpu.vector_load_idx %arg13[%get3A_368] : memref<10000xf32, #tpu.memory_space<vmem>>[vector<16xi32>], vector<16xf32>,
      %mul3A_383 = arith.mulf %get3A_376, %get3A_376 : vector<16xf32>
      %div3A_384 = arith.constant 1.000000e+00 : f32
      %div3A_385 = vector.broadcast %div3A_384 : f32 to vector<16xf32>
      %div3A_386 = arith.divf %div3A_385, %mul3A_383 : vector<16xf32>
      %mul3A_387 = arith.mulf %get3A_372, %div3A_386 : vector<16xf32>
      %mul3A_388 = arith.mulf %mul3A_387, %div3A_386 : vector<16xf32>
      %sub3A_389 = arith.subf %gather3A_377, %gather3A_378 : vector<16xf32>
      %mul3A_390 = arith.mulf %mul3A_388, %sub3A_389 : vector<16xf32>
      %sub3A_391 = arith.subf %mul3A_390, %sub3A_324 : vector<16xf32>
      %add3A_392 = arith.addf %add3A_322, %sub3A_391 : vector<16xf32>
      %sub3A_393 = arith.subf %add3A_392, %add3A_322 : vector<16xf32>
      %sub3A_394 = arith.subf %sub3A_393, %sub3A_391 : vector<16xf32>
      %sub3A_395 = arith.subf %gather3A_379, %gather3A_380 : vector<16xf32>
      %mul3A_396 = arith.mulf %mul3A_387, %sub3A_395 : vector<16xf32>
      %sub3A_397 = arith.subf %mul3A_396, %sub3A_330 : vector<16xf32>
      %add3A_398 = arith.addf %add3A_328, %sub3A_397 : vector<16xf32>
      %sub3A_399 = arith.subf %add3A_398, %add3A_328 : vector<16xf32>
      %sub3A_400 = arith.subf %sub3A_399, %sub3A_397 : vector<16xf32>
      %sub3A_401 = arith.subf %gather3A_381, %gather3A_382 : vector<16xf32>
      %add3A_402 = arith.addf %add3A_332, %sub3A_401 : vector<16xf32>
      %mul3A_403 = arith.constant 16 : i32
      %mul3A_404 = vector.broadcast %mul3A_403 : i32 to vector<16xi32>
      %mul3A_405 = arith.muli %get3A_368, %mul3A_404 : vector<16xi32>
      %add3A_406 = arith.addi %mul3A_405, %iota3A : vector<16xi32>
      %masked_sort3A_407 = arith.constant dense<true> : vector<16xi1>
      %masked_sort3A_408, %masked_sort3A_409, %masked_sort3A_410 = tpu.sort %add3A_406, %iota3A masked %masked_sort3A_407 : (vector<16xi32>, vector<16xi32>, vector<16xi1>) -> (vector<16xi1>, vector<16xi32>, vector<16xi32>)
      %shift_right_logical3A_411 = arith.constant 4 : i32
      %shift_right_logical3A_412 = vector.broadcast %shift_right_logical3A_411 : i32 to vector<16xi32>
      %shift_right_logical3A_413 = arith.shrui %masked_sort3A_409, %shift_right_logical3A_412 : vector<16xi32>
      %broadcast_in_dim3A_414 = vector.shape_cast %min3A_16 : vector<16xi32> to vector<16x1xi32>
      %gather3A_415 = vector.shape_cast %broadcast_in_dim3A_414 : vector<16x1xi32> to vector<16xi32>
      %gather3A_416 = tpu.dynamic_gather %shift_right_logical3A_413[%gather3A_415] in [0] : vector<16xi32>, vector<16xi32> -> vector<16xi32>
      %ne3A_417 = arith.cmpi ne, %shift_right_logical3A_413, %gather3A_416 : vector<16xi32>
      %or3A_418 = arith.ori %ne3A_417, %eq3A_18 : vector<16xi1>
      %broadcast_in_dim3A_419 = vector.shape_cast %masked_sort3A_410 : vector<16xi32> to vector<16x1xi32>
      %gather3A_420 = vector.shape_cast %broadcast_in_dim3A_419 : vector<16x1xi32> to vector<16xi32>
      %gather3A_421 = tpu.dynamic_gather %get3A_376[%gather3A_420] in [0] : vector<16xf32>, vector<16xi32> -> vector<16xf32>
      %bitcast_convert_type3A_422 = tpu.bitcast %gather3A_421 : vector<16xf32> -> vector<16xi32>
      %or3A_423 = arith.constant -2147483648 : i32
      %or3A_424 = vector.broadcast %or3A_423 : i32 to vector<16xi32>
      %or3A_425 = arith.ori %bitcast_convert_type3A_422, %or3A_424 : vector<16xi32>
      %bitcast_convert_type3A_426 = tpu.bitcast %or3A_425 : vector<16xi32> -> vector<16xf32>
      tpu.vector_store_idx %arg14[%shift_right_logical3A_413], %bitcast_convert_type3A_426 masked %or3A_418 : memref<10000xf32, #tpu.memory_space<vmem>>[vector<16xi32>], vector<16xf32>, vector<16xi1>
      %mul3A_427 = arith.constant 10 : i32
      %mul3A_428 = arith.muli %scan3A_150, %mul3A_427 : i32
      %add3A_429 = arith.constant 4 : i32
      %add3A_430 = arith.addi %mul3A_428, %add3A_429 : i32
      %mul3A_431 = arith.constant 16 : i32
      %mul3A_432 = arith.muli %add3A_430, %mul3A_431 : i32
      %get3A_433 = arith.index_cast %mul3A_432 : i32 to index
      %get3A_434 = tpu.vector_load %arg15[%get3A_433] {strides = array<i32>} : memref<4000xi32, #tpu.memory_space<vmem>>, vector<16xi32>,
      %mul3A_435 = arith.constant 16 : i32
      %mul3A_436 = arith.muli %add3A_430, %mul3A_435 : i32
      %get3A_437 = arith.index_cast %mul3A_436 : i32 to index
      %get3A_438 = tpu.vector_load %arg17[%get3A_437] {strides = array<i32>} : memref<4000xi32, #tpu.memory_space<vmem>>, vector<16xi32>,
      %mul3A_439 = arith.constant 16 : i32
      %mul3A_440 = arith.muli %add3A_430, %mul3A_439 : i32
      %get3A_441 = arith.index_cast %mul3A_440 : i32 to index
      %get3A_442 = tpu.vector_load %arg19[%get3A_441] {strides = array<i32>} : memref<4000xf32, #tpu.memory_space<vmem>>, vector<16xf32>,
      %mul3A_443 = arith.constant 16 : i32
      %mul3A_444 = arith.muli %add3A_430, %mul3A_443 : i32
      %get3A_445 = arith.index_cast %mul3A_444 : i32 to index
      %get3A_446 = tpu.vector_load %arg21[%get3A_445] {strides = array<i32>} : memref<4000xf32, #tpu.memory_space<vmem>>, vector<16xf32>,
      %gather3A_447 = tpu.vector_load_idx %arg11[%get3A_434] : memref<10000xf32, #tpu.memory_space<vmem>>[vector<16xi32>], vector<16xf32>,
      %gather3A_448 = tpu.vector_load_idx %arg11[%get3A_438] : memref<10000xf32, #tpu.memory_space<vmem>>[vector<16xi32>], vector<16xf32>,
      %gather3A_449 = tpu.vector_load_idx %arg12[%get3A_434] : memref<10000xf32, #tpu.memory_space<vmem>>[vector<16xi32>], vector<16xf32>,
      %gather3A_450 = tpu.vector_load_idx %arg12[%get3A_438] : memref<10000xf32, #tpu.memory_space<vmem>>[vector<16xi32>], vector<16xf32>,
      %gather3A_451 = tpu.vector_load_idx %arg13[%get3A_434] : memref<10000xf32, #tpu.memory_space<vmem>>[vector<16xi32>], vector<16xf32>,
      %gather3A_452 = tpu.vector_load_idx %arg13[%get3A_438] : memref<10000xf32, #tpu.memory_space<vmem>>[vector<16xi32>], vector<16xf32>,
      %mul3A_453 = arith.mulf %get3A_446, %get3A_446 : vector<16xf32>
      %div3A_454 = arith.constant 1.000000e+00 : f32
      %div3A_455 = vector.broadcast %div3A_454 : f32 to vector<16xf32>
      %div3A_456 = arith.divf %div3A_455, %mul3A_453 : vector<16xf32>
      %mul3A_457 = arith.mulf %get3A_442, %div3A_456 : vector<16xf32>
      %mul3A_458 = arith.mulf %mul3A_457, %div3A_456 : vector<16xf32>
      %sub3A_459 = arith.subf %gather3A_447, %gather3A_448 : vector<16xf32>
      %mul3A_460 = arith.mulf %mul3A_458, %sub3A_459 : vector<16xf32>
      %sub3A_461 = arith.subf %mul3A_460, %sub3A_394 : vector<16xf32>
      %add3A_462 = arith.addf %add3A_392, %sub3A_461 : vector<16xf32>
      %sub3A_463 = arith.subf %add3A_462, %add3A_392 : vector<16xf32>
      %sub3A_464 = arith.subf %sub3A_463, %sub3A_461 : vector<16xf32>
      %sub3A_465 = arith.subf %gather3A_449, %gather3A_450 : vector<16xf32>
      %mul3A_466 = arith.mulf %mul3A_457, %sub3A_465 : vector<16xf32>
      %sub3A_467 = arith.subf %mul3A_466, %sub3A_400 : vector<16xf32>
      %add3A_468 = arith.addf %add3A_398, %sub3A_467 : vector<16xf32>
      %sub3A_469 = arith.subf %add3A_468, %add3A_398 : vector<16xf32>
      %sub3A_470 = arith.subf %sub3A_469, %sub3A_467 : vector<16xf32>
      %sub3A_471 = arith.subf %gather3A_451, %gather3A_452 : vector<16xf32>
      %add3A_472 = arith.addf %add3A_402, %sub3A_471 : vector<16xf32>
      %mul3A_473 = arith.constant 16 : i32
      %mul3A_474 = vector.broadcast %mul3A_473 : i32 to vector<16xi32>
      %mul3A_475 = arith.muli %get3A_438, %mul3A_474 : vector<16xi32>
      %add3A_476 = arith.addi %mul3A_475, %iota3A : vector<16xi32>
      %masked_sort3A_477 = arith.constant dense<true> : vector<16xi1>
      %masked_sort3A_478, %masked_sort3A_479, %masked_sort3A_480 = tpu.sort %add3A_476, %iota3A masked %masked_sort3A_477 : (vector<16xi32>, vector<16xi32>, vector<16xi1>) -> (vector<16xi1>, vector<16xi32>, vector<16xi32>)
      %shift_right_logical3A_481 = arith.constant 4 : i32
      %shift_right_logical3A_482 = vector.broadcast %shift_right_logical3A_481 : i32 to vector<16xi32>
      %shift_right_logical3A_483 = arith.shrui %masked_sort3A_479, %shift_right_logical3A_482 : vector<16xi32>
      %broadcast_in_dim3A_484 = vector.shape_cast %min3A_16 : vector<16xi32> to vector<16x1xi32>
      %gather3A_485 = vector.shape_cast %broadcast_in_dim3A_484 : vector<16x1xi32> to vector<16xi32>
      %gather3A_486 = tpu.dynamic_gather %shift_right_logical3A_483[%gather3A_485] in [0] : vector<16xi32>, vector<16xi32> -> vector<16xi32>
      %ne3A_487 = arith.cmpi ne, %shift_right_logical3A_483, %gather3A_486 : vector<16xi32>
      %or3A_488 = arith.ori %ne3A_487, %eq3A_18 : vector<16xi1>
      %broadcast_in_dim3A_489 = vector.shape_cast %masked_sort3A_480 : vector<16xi32> to vector<16x1xi32>
      %gather3A_490 = vector.shape_cast %broadcast_in_dim3A_489 : vector<16x1xi32> to vector<16xi32>
      %gather3A_491 = tpu.dynamic_gather %get3A_446[%gather3A_490] in [0] : vector<16xf32>, vector<16xi32> -> vector<16xf32>
      %bitcast_convert_type3A_492 = tpu.bitcast %gather3A_491 : vector<16xf32> -> vector<16xi32>
      %or3A_493 = arith.constant -2147483648 : i32
      %or3A_494 = vector.broadcast %or3A_493 : i32 to vector<16xi32>
      %or3A_495 = arith.ori %bitcast_convert_type3A_492, %or3A_494 : vector<16xi32>
      %bitcast_convert_type3A_496 = tpu.bitcast %or3A_495 : vector<16xi32> -> vector<16xf32>
      tpu.vector_store_idx %arg14[%shift_right_logical3A_483], %bitcast_convert_type3A_496 masked %or3A_488 : memref<10000xf32, #tpu.memory_space<vmem>>[vector<16xi32>], vector<16xf32>, vector<16xi1>
      %mul3A_497 = arith.constant 10 : i32
      %mul3A_498 = arith.muli %scan3A_150, %mul3A_497 : i32
      %add3A_499 = arith.constant 5 : i32
      %add3A_500 = arith.addi %mul3A_498, %add3A_499 : i32
      %mul3A_501 = arith.constant 16 : i32
      %mul3A_502 = arith.muli %add3A_500, %mul3A_501 : i32
      %get3A_503 = arith.index_cast %mul3A_502 : i32 to index
      %get3A_504 = tpu.vector_load %arg15[%get3A_503] {strides = array<i32>} : memref<4000xi32, #tpu.memory_space<vmem>>, vector<16xi32>,
      %mul3A_505 = arith.constant 16 : i32
      %mul3A_506 = arith.muli %add3A_500, %mul3A_505 : i32
      %get3A_507 = arith.index_cast %mul3A_506 : i32 to index
      %get3A_508 = tpu.vector_load %arg17[%get3A_507] {strides = array<i32>} : memref<4000xi32, #tpu.memory_space<vmem>>, vector<16xi32>,
      %mul3A_509 = arith.constant 16 : i32
      %mul3A_510 = arith.muli %add3A_500, %mul3A_509 : i32
      %get3A_511 = arith.index_cast %mul3A_510 : i32 to index
      %get3A_512 = tpu.vector_load %arg19[%get3A_511] {strides = array<i32>} : memref<4000xf32, #tpu.memory_space<vmem>>, vector<16xf32>,
      %mul3A_513 = arith.constant 16 : i32
      %mul3A_514 = arith.muli %add3A_500, %mul3A_513 : i32
      %get3A_515 = arith.index_cast %mul3A_514 : i32 to index
      %get3A_516 = tpu.vector_load %arg21[%get3A_515] {strides = array<i32>} : memref<4000xf32, #tpu.memory_space<vmem>>, vector<16xf32>,
      %gather3A_517 = tpu.vector_load_idx %arg11[%get3A_504] : memref<10000xf32, #tpu.memory_space<vmem>>[vector<16xi32>], vector<16xf32>,
      %gather3A_518 = tpu.vector_load_idx %arg11[%get3A_508] : memref<10000xf32, #tpu.memory_space<vmem>>[vector<16xi32>], vector<16xf32>,
      %gather3A_519 = tpu.vector_load_idx %arg12[%get3A_504] : memref<10000xf32, #tpu.memory_space<vmem>>[vector<16xi32>], vector<16xf32>,
      %gather3A_520 = tpu.vector_load_idx %arg12[%get3A_508] : memref<10000xf32, #tpu.memory_space<vmem>>[vector<16xi32>], vector<16xf32>,
      %gather3A_521 = tpu.vector_load_idx %arg13[%get3A_504] : memref<10000xf32, #tpu.memory_space<vmem>>[vector<16xi32>], vector<16xf32>,
      %gather3A_522 = tpu.vector_load_idx %arg13[%get3A_508] : memref<10000xf32, #tpu.memory_space<vmem>>[vector<16xi32>], vector<16xf32>,
      %mul3A_523 = arith.mulf %get3A_516, %get3A_516 : vector<16xf32>
      %div3A_524 = arith.constant 1.000000e+00 : f32
      %div3A_525 = vector.broadcast %div3A_524 : f32 to vector<16xf32>
      %div3A_526 = arith.divf %div3A_525, %mul3A_523 : vector<16xf32>
      %mul3A_527 = arith.mulf %get3A_512, %div3A_526 : vector<16xf32>
      %mul3A_528 = arith.mulf %mul3A_527, %div3A_526 : vector<16xf32>
      %sub3A_529 = arith.subf %gather3A_517, %gather3A_518 : vector<16xf32>
      %mul3A_530 = arith.mulf %mul3A_528, %sub3A_529 : vector<16xf32>
      %sub3A_531 = arith.subf %mul3A_530, %sub3A_464 : vector<16xf32>
      %add3A_532 = arith.addf %add3A_462, %sub3A_531 : vector<16xf32>
      %sub3A_533 = arith.subf %add3A_532, %add3A_462 : vector<16xf32>
      %sub3A_534 = arith.subf %sub3A_533, %sub3A_531 : vector<16xf32>
      %sub3A_535 = arith.subf %gather3A_519, %gather3A_520 : vector<16xf32>
      %mul3A_536 = arith.mulf %mul3A_527, %sub3A_535 : vector<16xf32>
      %sub3A_537 = arith.subf %mul3A_536, %sub3A_470 : vector<16xf32>
      %add3A_538 = arith.addf %add3A_468, %sub3A_537 : vector<16xf32>
      %sub3A_539 = arith.subf %add3A_538, %add3A_468 : vector<16xf32>
      %sub3A_540 = arith.subf %sub3A_539, %sub3A_537 : vector<16xf32>
      %sub3A_541 = arith.subf %gather3A_521, %gather3A_522 : vector<16xf32>
      %add3A_542 = arith.addf %add3A_472, %sub3A_541 : vector<16xf32>
      %mul3A_543 = arith.constant 16 : i32
      %mul3A_544 = vector.broadcast %mul3A_543 : i32 to vector<16xi32>
      %mul3A_545 = arith.muli %get3A_508, %mul3A_544 : vector<16xi32>
      %add3A_546 = arith.addi %mul3A_545, %iota3A : vector<16xi32>
      %masked_sort3A_547 = arith.constant dense<true> : vector<16xi1>
      %masked_sort3A_548, %masked_sort3A_549, %masked_sort3A_550 = tpu.sort %add3A_546, %iota3A masked %masked_sort3A_547 : (vector<16xi32>, vector<16xi32>, vector<16xi1>) -> (vector<16xi1>, vector<16xi32>, vector<16xi32>)
      %shift_right_logical3A_551 = arith.constant 4 : i32
      %shift_right_logical3A_552 = vector.broadcast %shift_right_logical3A_551 : i32 to vector<16xi32>
      %shift_right_logical3A_553 = arith.shrui %masked_sort3A_549, %shift_right_logical3A_552 : vector<16xi32>
      %broadcast_in_dim3A_554 = vector.shape_cast %min3A_16 : vector<16xi32> to vector<16x1xi32>
      %gather3A_555 = vector.shape_cast %broadcast_in_dim3A_554 : vector<16x1xi32> to vector<16xi32>
      %gather3A_556 = tpu.dynamic_gather %shift_right_logical3A_553[%gather3A_555] in [0] : vector<16xi32>, vector<16xi32> -> vector<16xi32>
      %ne3A_557 = arith.cmpi ne, %shift_right_logical3A_553, %gather3A_556 : vector<16xi32>
      %or3A_558 = arith.ori %ne3A_557, %eq3A_18 : vector<16xi1>
      %broadcast_in_dim3A_559 = vector.shape_cast %masked_sort3A_550 : vector<16xi32> to vector<16x1xi32>
      %gather3A_560 = vector.shape_cast %broadcast_in_dim3A_559 : vector<16x1xi32> to vector<16xi32>
      %gather3A_561 = tpu.dynamic_gather %get3A_516[%gather3A_560] in [0] : vector<16xf32>, vector<16xi32> -> vector<16xf32>
      %bitcast_convert_type3A_562 = tpu.bitcast %gather3A_561 : vector<16xf32> -> vector<16xi32>
      %or3A_563 = arith.constant -2147483648 : i32
      %or3A_564 = vector.broadcast %or3A_563 : i32 to vector<16xi32>
      %or3A_565 = arith.ori %bitcast_convert_type3A_562, %or3A_564 : vector<16xi32>
      %bitcast_convert_type3A_566 = tpu.bitcast %or3A_565 : vector<16xi32> -> vector<16xf32>
      tpu.vector_store_idx %arg14[%shift_right_logical3A_553], %bitcast_convert_type3A_566 masked %or3A_558 : memref<10000xf32, #tpu.memory_space<vmem>>[vector<16xi32>], vector<16xf32>, vector<16xi1>
      %mul3A_567 = arith.constant 10 : i32
      %mul3A_568 = arith.muli %scan3A_150, %mul3A_567 : i32
      %add3A_569 = arith.constant 6 : i32
      %add3A_570 = arith.addi %mul3A_568, %add3A_569 : i32
      %mul3A_571 = arith.constant 16 : i32
      %mul3A_572 = arith.muli %add3A_570, %mul3A_571 : i32
      %get3A_573 = arith.index_cast %mul3A_572 : i32 to index
      %get3A_574 = tpu.vector_load %arg15[%get3A_573] {strides = array<i32>} : memref<4000xi32, #tpu.memory_space<vmem>>, vector<16xi32>,
      %mul3A_575 = arith.constant 16 : i32
      %mul3A_576 = arith.muli %add3A_570, %mul3A_575 : i32
      %get3A_577 = arith.index_cast %mul3A_576 : i32 to index
      %get3A_578 = tpu.vector_load %arg17[%get3A_577] {strides = array<i32>} : memref<4000xi32, #tpu.memory_space<vmem>>, vector<16xi32>,
      %mul3A_579 = arith.constant 16 : i32
      %mul3A_580 = arith.muli %add3A_570, %mul3A_579 : i32
      %get3A_581 = arith.index_cast %mul3A_580 : i32 to index
      %get3A_582 = tpu.vector_load %arg19[%get3A_581] {strides = array<i32>} : memref<4000xf32, #tpu.memory_space<vmem>>, vector<16xf32>,
      %mul3A_583 = arith.constant 16 : i32
      %mul3A_584 = arith.muli %add3A_570, %mul3A_583 : i32
      %get3A_585 = arith.index_cast %mul3A_584 : i32 to index
      %get3A_586 = tpu.vector_load %arg21[%get3A_585] {strides = array<i32>} : memref<4000xf32, #tpu.memory_space<vmem>>, vector<16xf32>,
      %gather3A_587 = tpu.vector_load_idx %arg11[%get3A_574] : memref<10000xf32, #tpu.memory_space<vmem>>[vector<16xi32>], vector<16xf32>,
      %gather3A_588 = tpu.vector_load_idx %arg11[%get3A_578] : memref<10000xf32, #tpu.memory_space<vmem>>[vector<16xi32>], vector<16xf32>,
      %gather3A_589 = tpu.vector_load_idx %arg12[%get3A_574] : memref<10000xf32, #tpu.memory_space<vmem>>[vector<16xi32>], vector<16xf32>,
      %gather3A_590 = tpu.vector_load_idx %arg12[%get3A_578] : memref<10000xf32, #tpu.memory_space<vmem>>[vector<16xi32>], vector<16xf32>,
      %gather3A_591 = tpu.vector_load_idx %arg13[%get3A_574] : memref<10000xf32, #tpu.memory_space<vmem>>[vector<16xi32>], vector<16xf32>,
      %gather3A_592 = tpu.vector_load_idx %arg13[%get3A_578] : memref<10000xf32, #tpu.memory_space<vmem>>[vector<16xi32>], vector<16xf32>,
      %mul3A_593 = arith.mulf %get3A_586, %get3A_586 : vector<16xf32>
      %div3A_594 = arith.constant 1.000000e+00 : f32
      %div3A_595 = vector.broadcast %div3A_594 : f32 to vector<16xf32>
      %div3A_596 = arith.divf %div3A_595, %mul3A_593 : vector<16xf32>
      %mul3A_597 = arith.mulf %get3A_582, %div3A_596 : vector<16xf32>
      %mul3A_598 = arith.mulf %mul3A_597, %div3A_596 : vector<16xf32>
      %sub3A_599 = arith.subf %gather3A_587, %gather3A_588 : vector<16xf32>
      %mul3A_600 = arith.mulf %mul3A_598, %sub3A_599 : vector<16xf32>
      %sub3A_601 = arith.subf %mul3A_600, %sub3A_534 : vector<16xf32>
      %add3A_602 = arith.addf %add3A_532, %sub3A_601 : vector<16xf32>
      %sub3A_603 = arith.subf %add3A_602, %add3A_532 : vector<16xf32>
      %sub3A_604 = arith.subf %sub3A_603, %sub3A_601 : vector<16xf32>
      %sub3A_605 = arith.subf %gather3A_589, %gather3A_590 : vector<16xf32>
      %mul3A_606 = arith.mulf %mul3A_597, %sub3A_605 : vector<16xf32>
      %sub3A_607 = arith.subf %mul3A_606, %sub3A_540 : vector<16xf32>
      %add3A_608 = arith.addf %add3A_538, %sub3A_607 : vector<16xf32>
      %sub3A_609 = arith.subf %add3A_608, %add3A_538 : vector<16xf32>
      %sub3A_610 = arith.subf %sub3A_609, %sub3A_607 : vector<16xf32>
      %sub3A_611 = arith.subf %gather3A_591, %gather3A_592 : vector<16xf32>
      %add3A_612 = arith.addf %add3A_542, %sub3A_611 : vector<16xf32>
      %mul3A_613 = arith.constant 16 : i32
      %mul3A_614 = vector.broadcast %mul3A_613 : i32 to vector<16xi32>
      %mul3A_615 = arith.muli %get3A_578, %mul3A_614 : vector<16xi32>
      %add3A_616 = arith.addi %mul3A_615, %iota3A : vector<16xi32>
      %masked_sort3A_617 = arith.constant dense<true> : vector<16xi1>
      %masked_sort3A_618, %masked_sort3A_619, %masked_sort3A_620 = tpu.sort %add3A_616, %iota3A masked %masked_sort3A_617 : (vector<16xi32>, vector<16xi32>, vector<16xi1>) -> (vector<16xi1>, vector<16xi32>, vector<16xi32>)
      %shift_right_logical3A_621 = arith.constant 4 : i32
      %shift_right_logical3A_622 = vector.broadcast %shift_right_logical3A_621 : i32 to vector<16xi32>
      %shift_right_logical3A_623 = arith.shrui %masked_sort3A_619, %shift_right_logical3A_622 : vector<16xi32>
      %broadcast_in_dim3A_624 = vector.shape_cast %min3A_16 : vector<16xi32> to vector<16x1xi32>
      %gather3A_625 = vector.shape_cast %broadcast_in_dim3A_624 : vector<16x1xi32> to vector<16xi32>
      %gather3A_626 = tpu.dynamic_gather %shift_right_logical3A_623[%gather3A_625] in [0] : vector<16xi32>, vector<16xi32> -> vector<16xi32>
      %ne3A_627 = arith.cmpi ne, %shift_right_logical3A_623, %gather3A_626 : vector<16xi32>
      %or3A_628 = arith.ori %ne3A_627, %eq3A_18 : vector<16xi1>
      %broadcast_in_dim3A_629 = vector.shape_cast %masked_sort3A_620 : vector<16xi32> to vector<16x1xi32>
      %gather3A_630 = vector.shape_cast %broadcast_in_dim3A_629 : vector<16x1xi32> to vector<16xi32>
      %gather3A_631 = tpu.dynamic_gather %get3A_586[%gather3A_630] in [0] : vector<16xf32>, vector<16xi32> -> vector<16xf32>
      %bitcast_convert_type3A_632 = tpu.bitcast %gather3A_631 : vector<16xf32> -> vector<16xi32>
      %or3A_633 = arith.constant -2147483648 : i32
      %or3A_634 = vector.broadcast %or3A_633 : i32 to vector<16xi32>
      %or3A_635 = arith.ori %bitcast_convert_type3A_632, %or3A_634 : vector<16xi32>
      %bitcast_convert_type3A_636 = tpu.bitcast %or3A_635 : vector<16xi32> -> vector<16xf32>
      tpu.vector_store_idx %arg14[%shift_right_logical3A_623], %bitcast_convert_type3A_636 masked %or3A_628 : memref<10000xf32, #tpu.memory_space<vmem>>[vector<16xi32>], vector<16xf32>, vector<16xi1>
      %mul3A_637 = arith.constant 10 : i32
      %mul3A_638 = arith.muli %scan3A_150, %mul3A_637 : i32
      %add3A_639 = arith.constant 7 : i32
      %add3A_640 = arith.addi %mul3A_638, %add3A_639 : i32
      %mul3A_641 = arith.constant 16 : i32
      %mul3A_642 = arith.muli %add3A_640, %mul3A_641 : i32
      %get3A_643 = arith.index_cast %mul3A_642 : i32 to index
      %get3A_644 = tpu.vector_load %arg15[%get3A_643] {strides = array<i32>} : memref<4000xi32, #tpu.memory_space<vmem>>, vector<16xi32>,
      %mul3A_645 = arith.constant 16 : i32
      %mul3A_646 = arith.muli %add3A_640, %mul3A_645 : i32
      %get3A_647 = arith.index_cast %mul3A_646 : i32 to index
      %get3A_648 = tpu.vector_load %arg17[%get3A_647] {strides = array<i32>} : memref<4000xi32, #tpu.memory_space<vmem>>, vector<16xi32>,
      %mul3A_649 = arith.constant 16 : i32
      %mul3A_650 = arith.muli %add3A_640, %mul3A_649 : i32
      %get3A_651 = arith.index_cast %mul3A_650 : i32 to index
      %get3A_652 = tpu.vector_load %arg19[%get3A_651] {strides = array<i32>} : memref<4000xf32, #tpu.memory_space<vmem>>, vector<16xf32>,
      %mul3A_653 = arith.constant 16 : i32
      %mul3A_654 = arith.muli %add3A_640, %mul3A_653 : i32
      %get3A_655 = arith.index_cast %mul3A_654 : i32 to index
      %get3A_656 = tpu.vector_load %arg21[%get3A_655] {strides = array<i32>} : memref<4000xf32, #tpu.memory_space<vmem>>, vector<16xf32>,
      %gather3A_657 = tpu.vector_load_idx %arg11[%get3A_644] : memref<10000xf32, #tpu.memory_space<vmem>>[vector<16xi32>], vector<16xf32>,
      %gather3A_658 = tpu.vector_load_idx %arg11[%get3A_648] : memref<10000xf32, #tpu.memory_space<vmem>>[vector<16xi32>], vector<16xf32>,
      %gather3A_659 = tpu.vector_load_idx %arg12[%get3A_644] : memref<10000xf32, #tpu.memory_space<vmem>>[vector<16xi32>], vector<16xf32>,
      %gather3A_660 = tpu.vector_load_idx %arg12[%get3A_648] : memref<10000xf32, #tpu.memory_space<vmem>>[vector<16xi32>], vector<16xf32>,
      %gather3A_661 = tpu.vector_load_idx %arg13[%get3A_644] : memref<10000xf32, #tpu.memory_space<vmem>>[vector<16xi32>], vector<16xf32>,
      %gather3A_662 = tpu.vector_load_idx %arg13[%get3A_648] : memref<10000xf32, #tpu.memory_space<vmem>>[vector<16xi32>], vector<16xf32>,
      %mul3A_663 = arith.mulf %get3A_656, %get3A_656 : vector<16xf32>
      %div3A_664 = arith.constant 1.000000e+00 : f32
      %div3A_665 = vector.broadcast %div3A_664 : f32 to vector<16xf32>
      %div3A_666 = arith.divf %div3A_665, %mul3A_663 : vector<16xf32>
      %mul3A_667 = arith.mulf %get3A_652, %div3A_666 : vector<16xf32>
      %mul3A_668 = arith.mulf %mul3A_667, %div3A_666 : vector<16xf32>
      %sub3A_669 = arith.subf %gather3A_657, %gather3A_658 : vector<16xf32>
      %mul3A_670 = arith.mulf %mul3A_668, %sub3A_669 : vector<16xf32>
      %sub3A_671 = arith.subf %mul3A_670, %sub3A_604 : vector<16xf32>
      %add3A_672 = arith.addf %add3A_602, %sub3A_671 : vector<16xf32>
      %sub3A_673 = arith.subf %add3A_672, %add3A_602 : vector<16xf32>
      %sub3A_674 = arith.subf %sub3A_673, %sub3A_671 : vector<16xf32>
      %sub3A_675 = arith.subf %gather3A_659, %gather3A_660 : vector<16xf32>
      %mul3A_676 = arith.mulf %mul3A_667, %sub3A_675 : vector<16xf32>
      %sub3A_677 = arith.subf %mul3A_676, %sub3A_610 : vector<16xf32>
      %add3A_678 = arith.addf %add3A_608, %sub3A_677 : vector<16xf32>
      %sub3A_679 = arith.subf %add3A_678, %add3A_608 : vector<16xf32>
      %sub3A_680 = arith.subf %sub3A_679, %sub3A_677 : vector<16xf32>
      %sub3A_681 = arith.subf %gather3A_661, %gather3A_662 : vector<16xf32>
      %add3A_682 = arith.addf %add3A_612, %sub3A_681 : vector<16xf32>
      %mul3A_683 = arith.constant 16 : i32
      %mul3A_684 = vector.broadcast %mul3A_683 : i32 to vector<16xi32>
      %mul3A_685 = arith.muli %get3A_648, %mul3A_684 : vector<16xi32>
      %add3A_686 = arith.addi %mul3A_685, %iota3A : vector<16xi32>
      %masked_sort3A_687 = arith.constant dense<true> : vector<16xi1>
      %masked_sort3A_688, %masked_sort3A_689, %masked_sort3A_690 = tpu.sort %add3A_686, %iota3A masked %masked_sort3A_687 : (vector<16xi32>, vector<16xi32>, vector<16xi1>) -> (vector<16xi1>, vector<16xi32>, vector<16xi32>)
      %shift_right_logical3A_691 = arith.constant 4 : i32
      %shift_right_logical3A_692 = vector.broadcast %shift_right_logical3A_691 : i32 to vector<16xi32>
      %shift_right_logical3A_693 = arith.shrui %masked_sort3A_689, %shift_right_logical3A_692 : vector<16xi32>
      %broadcast_in_dim3A_694 = vector.shape_cast %min3A_16 : vector<16xi32> to vector<16x1xi32>
      %gather3A_695 = vector.shape_cast %broadcast_in_dim3A_694 : vector<16x1xi32> to vector<16xi32>
      %gather3A_696 = tpu.dynamic_gather %shift_right_logical3A_693[%gather3A_695] in [0] : vector<16xi32>, vector<16xi32> -> vector<16xi32>
      %ne3A_697 = arith.cmpi ne, %shift_right_logical3A_693, %gather3A_696 : vector<16xi32>
      %or3A_698 = arith.ori %ne3A_697, %eq3A_18 : vector<16xi1>
      %broadcast_in_dim3A_699 = vector.shape_cast %masked_sort3A_690 : vector<16xi32> to vector<16x1xi32>
      %gather3A_700 = vector.shape_cast %broadcast_in_dim3A_699 : vector<16x1xi32> to vector<16xi32>
      %gather3A_701 = tpu.dynamic_gather %get3A_656[%gather3A_700] in [0] : vector<16xf32>, vector<16xi32> -> vector<16xf32>
      %bitcast_convert_type3A_702 = tpu.bitcast %gather3A_701 : vector<16xf32> -> vector<16xi32>
      %or3A_703 = arith.constant -2147483648 : i32
      %or3A_704 = vector.broadcast %or3A_703 : i32 to vector<16xi32>
      %or3A_705 = arith.ori %bitcast_convert_type3A_702, %or3A_704 : vector<16xi32>
      %bitcast_convert_type3A_706 = tpu.bitcast %or3A_705 : vector<16xi32> -> vector<16xf32>
      tpu.vector_store_idx %arg14[%shift_right_logical3A_693], %bitcast_convert_type3A_706 masked %or3A_698 : memref<10000xf32, #tpu.memory_space<vmem>>[vector<16xi32>], vector<16xf32>, vector<16xi1>
      %mul3A_707 = arith.constant 10 : i32
      %mul3A_708 = arith.muli %scan3A_150, %mul3A_707 : i32
      %add3A_709 = arith.constant 8 : i32
      %add3A_710 = arith.addi %mul3A_708, %add3A_709 : i32
      %mul3A_711 = arith.constant 16 : i32
      %mul3A_712 = arith.muli %add3A_710, %mul3A_711 : i32
      %get3A_713 = arith.index_cast %mul3A_712 : i32 to index
      %get3A_714 = tpu.vector_load %arg15[%get3A_713] {strides = array<i32>} : memref<4000xi32, #tpu.memory_space<vmem>>, vector<16xi32>,
      %mul3A_715 = arith.constant 16 : i32
      %mul3A_716 = arith.muli %add3A_710, %mul3A_715 : i32
      %get3A_717 = arith.index_cast %mul3A_716 : i32 to index
      %get3A_718 = tpu.vector_load %arg17[%get3A_717] {strides = array<i32>} : memref<4000xi32, #tpu.memory_space<vmem>>, vector<16xi32>,
      %mul3A_719 = arith.constant 16 : i32
      %mul3A_720 = arith.muli %add3A_710, %mul3A_719 : i32
      %get3A_721 = arith.index_cast %mul3A_720 : i32 to index
      %get3A_722 = tpu.vector_load %arg19[%get3A_721] {strides = array<i32>} : memref<4000xf32, #tpu.memory_space<vmem>>, vector<16xf32>,
      %mul3A_723 = arith.constant 16 : i32
      %mul3A_724 = arith.muli %add3A_710, %mul3A_723 : i32
      %get3A_725 = arith.index_cast %mul3A_724 : i32 to index
      %get3A_726 = tpu.vector_load %arg21[%get3A_725] {strides = array<i32>} : memref<4000xf32, #tpu.memory_space<vmem>>, vector<16xf32>,
      %gather3A_727 = tpu.vector_load_idx %arg11[%get3A_714] : memref<10000xf32, #tpu.memory_space<vmem>>[vector<16xi32>], vector<16xf32>,
      %gather3A_728 = tpu.vector_load_idx %arg11[%get3A_718] : memref<10000xf32, #tpu.memory_space<vmem>>[vector<16xi32>], vector<16xf32>,
      %gather3A_729 = tpu.vector_load_idx %arg12[%get3A_714] : memref<10000xf32, #tpu.memory_space<vmem>>[vector<16xi32>], vector<16xf32>,
      %gather3A_730 = tpu.vector_load_idx %arg12[%get3A_718] : memref<10000xf32, #tpu.memory_space<vmem>>[vector<16xi32>], vector<16xf32>,
      %gather3A_731 = tpu.vector_load_idx %arg13[%get3A_714] : memref<10000xf32, #tpu.memory_space<vmem>>[vector<16xi32>], vector<16xf32>,
      %gather3A_732 = tpu.vector_load_idx %arg13[%get3A_718] : memref<10000xf32, #tpu.memory_space<vmem>>[vector<16xi32>], vector<16xf32>,
      %mul3A_733 = arith.mulf %get3A_726, %get3A_726 : vector<16xf32>
      %div3A_734 = arith.constant 1.000000e+00 : f32
      %div3A_735 = vector.broadcast %div3A_734 : f32 to vector<16xf32>
      %div3A_736 = arith.divf %div3A_735, %mul3A_733 : vector<16xf32>
      %mul3A_737 = arith.mulf %get3A_722, %div3A_736 : vector<16xf32>
      %mul3A_738 = arith.mulf %mul3A_737, %div3A_736 : vector<16xf32>
      %sub3A_739 = arith.subf %gather3A_727, %gather3A_728 : vector<16xf32>
      %mul3A_740 = arith.mulf %mul3A_738, %sub3A_739 : vector<16xf32>
      %sub3A_741 = arith.subf %mul3A_740, %sub3A_674 : vector<16xf32>
      %add3A_742 = arith.addf %add3A_672, %sub3A_741 : vector<16xf32>
      %sub3A_743 = arith.subf %add3A_742, %add3A_672 : vector<16xf32>
      %sub3A_744 = arith.subf %sub3A_743, %sub3A_741 : vector<16xf32>
      %sub3A_745 = arith.subf %gather3A_729, %gather3A_730 : vector<16xf32>
      %mul3A_746 = arith.mulf %mul3A_737, %sub3A_745 : vector<16xf32>
      %sub3A_747 = arith.subf %mul3A_746, %sub3A_680 : vector<16xf32>
      %add3A_748 = arith.addf %add3A_678, %sub3A_747 : vector<16xf32>
      %sub3A_749 = arith.subf %add3A_748, %add3A_678 : vector<16xf32>
      %sub3A_750 = arith.subf %sub3A_749, %sub3A_747 : vector<16xf32>
      %sub3A_751 = arith.subf %gather3A_731, %gather3A_732 : vector<16xf32>
      %add3A_752 = arith.addf %add3A_682, %sub3A_751 : vector<16xf32>
      %mul3A_753 = arith.constant 16 : i32
      %mul3A_754 = vector.broadcast %mul3A_753 : i32 to vector<16xi32>
      %mul3A_755 = arith.muli %get3A_718, %mul3A_754 : vector<16xi32>
      %add3A_756 = arith.addi %mul3A_755, %iota3A : vector<16xi32>
      %masked_sort3A_757 = arith.constant dense<true> : vector<16xi1>
      %masked_sort3A_758, %masked_sort3A_759, %masked_sort3A_760 = tpu.sort %add3A_756, %iota3A masked %masked_sort3A_757 : (vector<16xi32>, vector<16xi32>, vector<16xi1>) -> (vector<16xi1>, vector<16xi32>, vector<16xi32>)
      %shift_right_logical3A_761 = arith.constant 4 : i32
      %shift_right_logical3A_762 = vector.broadcast %shift_right_logical3A_761 : i32 to vector<16xi32>
      %shift_right_logical3A_763 = arith.shrui %masked_sort3A_759, %shift_right_logical3A_762 : vector<16xi32>
      %broadcast_in_dim3A_764 = vector.shape_cast %min3A_16 : vector<16xi32> to vector<16x1xi32>
      %gather3A_765 = vector.shape_cast %broadcast_in_dim3A_764 : vector<16x1xi32> to vector<16xi32>
      %gather3A_766 = tpu.dynamic_gather %shift_right_logical3A_763[%gather3A_765] in [0] : vector<16xi32>, vector<16xi32> -> vector<16xi32>
      %ne3A_767 = arith.cmpi ne, %shift_right_logical3A_763, %gather3A_766 : vector<16xi32>
      %or3A_768 = arith.ori %ne3A_767, %eq3A_18 : vector<16xi1>
      %broadcast_in_dim3A_769 = vector.shape_cast %masked_sort3A_760 : vector<16xi32> to vector<16x1xi32>
      %gather3A_770 = vector.shape_cast %broadcast_in_dim3A_769 : vector<16x1xi32> to vector<16xi32>
      %gather3A_771 = tpu.dynamic_gather %get3A_726[%gather3A_770] in [0] : vector<16xf32>, vector<16xi32> -> vector<16xf32>
      %bitcast_convert_type3A_772 = tpu.bitcast %gather3A_771 : vector<16xf32> -> vector<16xi32>
      %or3A_773 = arith.constant -2147483648 : i32
      %or3A_774 = vector.broadcast %or3A_773 : i32 to vector<16xi32>
      %or3A_775 = arith.ori %bitcast_convert_type3A_772, %or3A_774 : vector<16xi32>
      %bitcast_convert_type3A_776 = tpu.bitcast %or3A_775 : vector<16xi32> -> vector<16xf32>
      tpu.vector_store_idx %arg14[%shift_right_logical3A_763], %bitcast_convert_type3A_776 masked %or3A_768 : memref<10000xf32, #tpu.memory_space<vmem>>[vector<16xi32>], vector<16xf32>, vector<16xi1>
      %mul3A_777 = arith.constant 10 : i32
      %mul3A_778 = arith.muli %scan3A_150, %mul3A_777 : i32
      %add3A_779 = arith.constant 9 : i32
      %add3A_780 = arith.addi %mul3A_778, %add3A_779 : i32
      %mul3A_781 = arith.constant 16 : i32
      %mul3A_782 = arith.muli %add3A_780, %mul3A_781 : i32
      %get3A_783 = arith.index_cast %mul3A_782 : i32 to index
      %get3A_784 = tpu.vector_load %arg15[%get3A_783] {strides = array<i32>} : memref<4000xi32, #tpu.memory_space<vmem>>, vector<16xi32>,
      %mul3A_785 = arith.constant 16 : i32
      %mul3A_786 = arith.muli %add3A_780, %mul3A_785 : i32
      %get3A_787 = arith.index_cast %mul3A_786 : i32 to index
      %get3A_788 = tpu.vector_load %arg17[%get3A_787] {strides = array<i32>} : memref<4000xi32, #tpu.memory_space<vmem>>, vector<16xi32>,
      %mul3A_789 = arith.constant 16 : i32
      %mul3A_790 = arith.muli %add3A_780, %mul3A_789 : i32
      %get3A_791 = arith.index_cast %mul3A_790 : i32 to index
      %get3A_792 = tpu.vector_load %arg19[%get3A_791] {strides = array<i32>} : memref<4000xf32, #tpu.memory_space<vmem>>, vector<16xf32>,
      %mul3A_793 = arith.constant 16 : i32
      %mul3A_794 = arith.muli %add3A_780, %mul3A_793 : i32
      %get3A_795 = arith.index_cast %mul3A_794 : i32 to index
      %get3A_796 = tpu.vector_load %arg21[%get3A_795] {strides = array<i32>} : memref<4000xf32, #tpu.memory_space<vmem>>, vector<16xf32>,
      %gather3A_797 = tpu.vector_load_idx %arg11[%get3A_784] : memref<10000xf32, #tpu.memory_space<vmem>>[vector<16xi32>], vector<16xf32>,
      %gather3A_798 = tpu.vector_load_idx %arg11[%get3A_788] : memref<10000xf32, #tpu.memory_space<vmem>>[vector<16xi32>], vector<16xf32>,
      %gather3A_799 = tpu.vector_load_idx %arg12[%get3A_784] : memref<10000xf32, #tpu.memory_space<vmem>>[vector<16xi32>], vector<16xf32>,
      %gather3A_800 = tpu.vector_load_idx %arg12[%get3A_788] : memref<10000xf32, #tpu.memory_space<vmem>>[vector<16xi32>], vector<16xf32>,
      %gather3A_801 = tpu.vector_load_idx %arg13[%get3A_784] : memref<10000xf32, #tpu.memory_space<vmem>>[vector<16xi32>], vector<16xf32>,
      %gather3A_802 = tpu.vector_load_idx %arg13[%get3A_788] : memref<10000xf32, #tpu.memory_space<vmem>>[vector<16xi32>], vector<16xf32>,
      %mul3A_803 = arith.mulf %get3A_796, %get3A_796 : vector<16xf32>
      %div3A_804 = arith.constant 1.000000e+00 : f32
      %div3A_805 = vector.broadcast %div3A_804 : f32 to vector<16xf32>
      %div3A_806 = arith.divf %div3A_805, %mul3A_803 : vector<16xf32>
      %mul3A_807 = arith.mulf %get3A_792, %div3A_806 : vector<16xf32>
      %mul3A_808 = arith.mulf %mul3A_807, %div3A_806 : vector<16xf32>
      %sub3A_809 = arith.subf %gather3A_797, %gather3A_798 : vector<16xf32>
      %mul3A_810 = arith.mulf %mul3A_808, %sub3A_809 : vector<16xf32>
      %sub3A_811 = arith.subf %mul3A_810, %sub3A_744 : vector<16xf32>
      %add3A_812 = arith.addf %add3A_742, %sub3A_811 : vector<16xf32>
      %sub3A_813 = arith.subf %add3A_812, %add3A_742 : vector<16xf32>
      %sub3A_814 = arith.subf %sub3A_813, %sub3A_811 : vector<16xf32>
      %sub3A_815 = arith.subf %gather3A_799, %gather3A_800 : vector<16xf32>
      %mul3A_816 = arith.mulf %mul3A_807, %sub3A_815 : vector<16xf32>
      %sub3A_817 = arith.subf %mul3A_816, %sub3A_750 : vector<16xf32>
      %add3A_818 = arith.addf %add3A_748, %sub3A_817 : vector<16xf32>
      %sub3A_819 = arith.subf %add3A_818, %add3A_748 : vector<16xf32>
      %sub3A_820 = arith.subf %sub3A_819, %sub3A_817 : vector<16xf32>
      %sub3A_821 = arith.subf %gather3A_801, %gather3A_802 : vector<16xf32>
      %add3A_822 = arith.addf %add3A_752, %sub3A_821 : vector<16xf32>
      %mul3A_823 = arith.constant 16 : i32
      %mul3A_824 = vector.broadcast %mul3A_823 : i32 to vector<16xi32>
      %mul3A_825 = arith.muli %get3A_788, %mul3A_824 : vector<16xi32>
      %add3A_826 = arith.addi %mul3A_825, %iota3A : vector<16xi32>
      %masked_sort3A_827 = arith.constant dense<true> : vector<16xi1>
      %masked_sort3A_828, %masked_sort3A_829, %masked_sort3A_830 = tpu.sort %add3A_826, %iota3A masked %masked_sort3A_827 : (vector<16xi32>, vector<16xi32>, vector<16xi1>) -> (vector<16xi1>, vector<16xi32>, vector<16xi32>)
      %shift_right_logical3A_831 = arith.constant 4 : i32
      %shift_right_logical3A_832 = vector.broadcast %shift_right_logical3A_831 : i32 to vector<16xi32>
      %shift_right_logical3A_833 = arith.shrui %masked_sort3A_829, %shift_right_logical3A_832 : vector<16xi32>
      %broadcast_in_dim3A_834 = vector.shape_cast %min3A_16 : vector<16xi32> to vector<16x1xi32>
      %gather3A_835 = vector.shape_cast %broadcast_in_dim3A_834 : vector<16x1xi32> to vector<16xi32>
      %gather3A_836 = tpu.dynamic_gather %shift_right_logical3A_833[%gather3A_835] in [0] : vector<16xi32>, vector<16xi32> -> vector<16xi32>
      %ne3A_837 = arith.cmpi ne, %shift_right_logical3A_833, %gather3A_836 : vector<16xi32>
      %or3A_838 = arith.ori %ne3A_837, %eq3A_18 : vector<16xi1>
      %broadcast_in_dim3A_839 = vector.shape_cast %masked_sort3A_830 : vector<16xi32> to vector<16x1xi32>
      %gather3A_840 = vector.shape_cast %broadcast_in_dim3A_839 : vector<16x1xi32> to vector<16xi32>
      %gather3A_841 = tpu.dynamic_gather %get3A_796[%gather3A_840] in [0] : vector<16xf32>, vector<16xi32> -> vector<16xf32>
      %bitcast_convert_type3A_842 = tpu.bitcast %gather3A_841 : vector<16xf32> -> vector<16xi32>
      %or3A_843 = arith.constant -2147483648 : i32
      %or3A_844 = vector.broadcast %or3A_843 : i32 to vector<16xi32>
      %or3A_845 = arith.ori %bitcast_convert_type3A_842, %or3A_844 : vector<16xi32>
      %bitcast_convert_type3A_846 = tpu.bitcast %or3A_845 : vector<16xi32> -> vector<16xf32>
      tpu.vector_store_idx %arg14[%shift_right_logical3A_833], %bitcast_convert_type3A_846 masked %or3A_838 : memref<10000xf32, #tpu.memory_space<vmem>>[vector<16xi32>], vector<16xf32>, vector<16xi1>
      scf.yield %add3A_812, %sub3A_814, %add3A_818, %sub3A_820, %add3A_822 : vector<16xf32>, vector<16xf32>, vector<16xf32>, vector<16xf32>, vector<16xf32>
    }
    %scan3A_58 = arith.constant 25 : i32
    %add3A_59 = arith.constant 8000 : i32
    %add3A_60 = arith.addi %mul3A_2, %add3A_59 : i32
    %dma_start3A_61 = tpu.memref_slice %arg3[%add3A_60] : memref<640000xi32, #tpu.memory_space<hbm>> -> memref<4000xi32, #tpu.memory_space<hbm>>
    %dma_start3A_62 = tpu.memref_slice %arg3[%add3A_60] : memref<640000xi32, #tpu.memory_space<hbm>> -> memref<4000xi32, #tpu.memory_space<hbm>>
    tpu.enqueue_dma source(%dma_start3A_62 : memref<4000xi32, #tpu.memory_space<hbm>>) target(%arg15 : memref<4000xi32, #tpu.memory_space<vmem>>) target_semaphore(%arg24 : memref<!tpu.dma_semaphore, #tpu.memory_space<semaphore_mem>>)
    %dma_start3A_63 = tpu.memref_slice %arg4[%add3A_60] : memref<640000xi32, #tpu.memory_space<hbm>> -> memref<4000xi32, #tpu.memory_space<hbm>>
    %dma_start3A_64 = tpu.memref_slice %arg4[%add3A_60] : memref<640000xi32, #tpu.memory_space<hbm>> -> memref<4000xi32, #tpu.memory_space<hbm>>
    tpu.enqueue_dma source(%dma_start3A_64 : memref<4000xi32, #tpu.memory_space<hbm>>) target(%arg17 : memref<4000xi32, #tpu.memory_space<vmem>>) target_semaphore(%arg24 : memref<!tpu.dma_semaphore, #tpu.memory_space<semaphore_mem>>)
    %dma_start3A_65 = tpu.memref_slice %arg5[%add3A_60] : memref<640000xf32, #tpu.memory_space<hbm>> -> memref<4000xf32, #tpu.memory_space<hbm>>
    %dma_start3A_66 = tpu.memref_slice %arg5[%add3A_60] : memref<640000xf32, #tpu.memory_space<hbm>> -> memref<4000xf32, #tpu.memory_space<hbm>>
    tpu.enqueue_dma source(%dma_start3A_66 : memref<4000xf32, #tpu.memory_space<hbm>>) target(%arg19 : memref<4000xf32, #tpu.memory_space<vmem>>) target_semaphore(%arg24 : memref<!tpu.dma_semaphore, #tpu.memory_space<semaphore_mem>>)
    %dma_start3A_67 = tpu.memref_slice %arg6[%add3A_60] : memref<640000xf32, #tpu.memory_space<hbm>> -> memref<4000xf32, #tpu.memory_space<hbm>>
    %dma_start3A_68 = tpu.memref_slice %arg6[%add3A_60] : memref<640000xf32, #tpu.memory_space<hbm>> -> memref<4000xf32, #tpu.memory_space<hbm>>
    tpu.enqueue_dma source(%dma_start3A_68 : memref<4000xf32, #tpu.memory_space<hbm>>) target(%arg21 : memref<4000xf32, #tpu.memory_space<vmem>>) target_semaphore(%arg24 : memref<!tpu.dma_semaphore, #tpu.memory_space<semaphore_mem>>)
    %dma_wait3A_69 = tpu.memref_slice %arg3[%add3A_37] : memref<640000xi32, #tpu.memory_space<hbm>> -> memref<4000xi32, #tpu.memory_space<hbm>>
    %dma_wait3A_70 = tpu.memref_slice %arg3[%add3A_37] : memref<640000xi32, #tpu.memory_space<hbm>> -> memref<4000xi32, #tpu.memory_space<hbm>>
    tpu.wait_dma2 semaphore(%arg25 : memref<!tpu.dma_semaphore, #tpu.memory_space<semaphore_mem>>) src(%dma_wait3A_70 : memref<4000xi32, #tpu.memory_space<hbm>>) dst(%arg16 : memref<4000xi32, #tpu.memory_space<vmem>>)
    %dma_wait3A_71 = tpu.memref_slice %arg4[%add3A_37] : memref<640000xi32, #tpu.memory_space<hbm>> -> memref<4000xi32, #tpu.memory_space<hbm>>
    %dma_wait3A_72 = tpu.memref_slice %arg4[%add3A_37] : memref<640000xi32, #tpu.memory_space<hbm>> -> memref<4000xi32, #tpu.memory_space<hbm>>
    tpu.wait_dma2 semaphore(%arg25 : memref<!tpu.dma_semaphore, #tpu.memory_space<semaphore_mem>>) src(%dma_wait3A_72 : memref<4000xi32, #tpu.memory_space<hbm>>) dst(%arg18 : memref<4000xi32, #tpu.memory_space<vmem>>)
    %dma_wait3A_73 = tpu.memref_slice %arg5[%add3A_37] : memref<640000xf32, #tpu.memory_space<hbm>> -> memref<4000xf32, #tpu.memory_space<hbm>>
    %dma_wait3A_74 = tpu.memref_slice %arg5[%add3A_37] : memref<640000xf32, #tpu.memory_space<hbm>> -> memref<4000xf32, #tpu.memory_space<hbm>>
    tpu.wait_dma2 semaphore(%arg25 : memref<!tpu.dma_semaphore, #tpu.memory_space<semaphore_mem>>) src(%dma_wait3A_74 : memref<4000xf32, #tpu.memory_space<hbm>>) dst(%arg20 : memref<4000xf32, #tpu.memory_space<vmem>>)
    %dma_wait3A_75 = tpu.memref_slice %arg6[%add3A_37] : memref<640000xf32, #tpu.memory_space<hbm>> -> memref<4000xf32, #tpu.memory_space<hbm>>
    %dma_wait3A_76 = tpu.memref_slice %arg6[%add3A_37] : memref<640000xf32, #tpu.memory_space<hbm>> -> memref<4000xf32, #tpu.memory_space<hbm>>
    tpu.wait_dma2 semaphore(%arg25 : memref<!tpu.dma_semaphore, #tpu.memory_space<semaphore_mem>>) src(%dma_wait3A_76 : memref<4000xf32, #tpu.memory_space<hbm>>) dst(%arg22 : memref<4000xf32, #tpu.memory_space<vmem>>)
    %scan3A_77 = arith.constant 0 : i32
    %scan3A_78 = arith.constant 25 : i32
    %scan3A_79 = arith.addi %scan3A_77, %scan3A_78 : i32
    %scan3A_80 = arith.constant 1 : i32
    %scan3A_81:5 = scf.for %scan3A_150 = %scan3A_77 to %scan3A_79 step %scan3A_80 iter_args(%scan3A_151 = %scan3A_57#0, %scan3A_152 = %scan3A_57#1, %scan3A_153 = %scan3A_57#2, %scan3A_154 = %scan3A_57#3, %scan3A_155 = %scan3A_57#4) -> (vector<16xf32>, vector<16xf32>, vector<16xf32>, vector<16xf32>, vector<16xf32>)  : i32 {
      %mul3A_156 = arith.constant 10 : i32
      %mul3A_157 = arith.muli %scan3A_150, %mul3A_156 : i32
      %add3A_158 = arith.constant 0 : i32
      %add3A_159 = arith.addi %mul3A_157, %add3A_158 : i32
      %mul3A_160 = arith.constant 16 : i32
      %mul3A_161 = arith.muli %add3A_159, %mul3A_160 : i32
      %get3A = arith.index_cast %mul3A_161 : i32 to index
      %get3A_162 = tpu.vector_load %arg16[%get3A] {strides = array<i32>} : memref<4000xi32, #tpu.memory_space<vmem>>, vector<16xi32>,
      %mul3A_163 = arith.constant 16 : i32
      %mul3A_164 = arith.muli %add3A_159, %mul3A_163 : i32
      %get3A_165 = arith.index_cast %mul3A_164 : i32 to index
      %get3A_166 = tpu.vector_load %arg18[%get3A_165] {strides = array<i32>} : memref<4000xi32, #tpu.memory_space<vmem>>, vector<16xi32>,
      %mul3A_167 = arith.constant 16 : i32
      %mul3A_168 = arith.muli %add3A_159, %mul3A_167 : i32
      %get3A_169 = arith.index_cast %mul3A_168 : i32 to index
      %get3A_170 = tpu.vector_load %arg20[%get3A_169] {strides = array<i32>} : memref<4000xf32, #tpu.memory_space<vmem>>, vector<16xf32>,
      %mul3A_171 = arith.constant 16 : i32
      %mul3A_172 = arith.muli %add3A_159, %mul3A_171 : i32
      %get3A_173 = arith.index_cast %mul3A_172 : i32 to index
      %get3A_174 = tpu.vector_load %arg22[%get3A_173] {strides = array<i32>} : memref<4000xf32, #tpu.memory_space<vmem>>, vector<16xf32>,
      %gather3A = tpu.vector_load_idx %arg11[%get3A_162] : memref<10000xf32, #tpu.memory_space<vmem>>[vector<16xi32>], vector<16xf32>,
      %gather3A_175 = tpu.vector_load_idx %arg11[%get3A_166] : memref<10000xf32, #tpu.memory_space<vmem>>[vector<16xi32>], vector<16xf32>,
      %gather3A_176 = tpu.vector_load_idx %arg12[%get3A_162] : memref<10000xf32, #tpu.memory_space<vmem>>[vector<16xi32>], vector<16xf32>,
      %gather3A_177 = tpu.vector_load_idx %arg12[%get3A_166] : memref<10000xf32, #tpu.memory_space<vmem>>[vector<16xi32>], vector<16xf32>,
      %gather3A_178 = tpu.vector_load_idx %arg13[%get3A_162] : memref<10000xf32, #tpu.memory_space<vmem>>[vector<16xi32>], vector<16xf32>,
      %gather3A_179 = tpu.vector_load_idx %arg13[%get3A_166] : memref<10000xf32, #tpu.memory_space<vmem>>[vector<16xi32>], vector<16xf32>,
      %mul3A_180 = arith.mulf %get3A_174, %get3A_174 : vector<16xf32>
      %div3A = arith.constant 1.000000e+00 : f32
      %div3A_181 = vector.broadcast %div3A : f32 to vector<16xf32>
      %div3A_182 = arith.divf %div3A_181, %mul3A_180 : vector<16xf32>
      %mul3A_183 = arith.mulf %get3A_170, %div3A_182 : vector<16xf32>
      %mul3A_184 = arith.mulf %mul3A_183, %div3A_182 : vector<16xf32>
      %sub3A = arith.subf %gather3A, %gather3A_175 : vector<16xf32>
      %mul3A_185 = arith.mulf %mul3A_184, %sub3A : vector<16xf32>
      %sub3A_186 = arith.subf %mul3A_185, %scan3A_152 : vector<16xf32>
      %add3A_187 = arith.addf %scan3A_151, %sub3A_186 : vector<16xf32>
      %sub3A_188 = arith.subf %add3A_187, %scan3A_151 : vector<16xf32>
      %sub3A_189 = arith.subf %sub3A_188, %sub3A_186 : vector<16xf32>
      %sub3A_190 = arith.subf %gather3A_176, %gather3A_177 : vector<16xf32>
      %mul3A_191 = arith.mulf %mul3A_183, %sub3A_190 : vector<16xf32>
      %sub3A_192 = arith.subf %mul3A_191, %scan3A_154 : vector<16xf32>
      %add3A_193 = arith.addf %scan3A_153, %sub3A_192 : vector<16xf32>
      %sub3A_194 = arith.subf %add3A_193, %scan3A_153 : vector<16xf32>
      %sub3A_195 = arith.subf %sub3A_194, %sub3A_192 : vector<16xf32>
      %sub3A_196 = arith.subf %gather3A_178, %gather3A_179 : vector<16xf32>
      %add3A_197 = arith.addf %scan3A_155, %sub3A_196 : vector<16xf32>
      %mul3A_198 = arith.constant 16 : i32
      %mul3A_199 = vector.broadcast %mul3A_198 : i32 to vector<16xi32>
      %mul3A_200 = arith.muli %get3A_166, %mul3A_199 : vector<16xi32>
      %add3A_201 = arith.addi %mul3A_200, %iota3A : vector<16xi32>
      %masked_sort3A = arith.constant dense<true> : vector<16xi1>
      %masked_sort3A_202, %masked_sort3A_203, %masked_sort3A_204 = tpu.sort %add3A_201, %iota3A masked %masked_sort3A : (vector<16xi32>, vector<16xi32>, vector<16xi1>) -> (vector<16xi1>, vector<16xi32>, vector<16xi32>)
      %shift_right_logical3A = arith.constant 4 : i32
      %shift_right_logical3A_205 = vector.broadcast %shift_right_logical3A : i32 to vector<16xi32>
      %shift_right_logical3A_206 = arith.shrui %masked_sort3A_203, %shift_right_logical3A_205 : vector<16xi32>
      %broadcast_in_dim3A_207 = vector.shape_cast %min3A_16 : vector<16xi32> to vector<16x1xi32>
      %gather3A_208 = vector.shape_cast %broadcast_in_dim3A_207 : vector<16x1xi32> to vector<16xi32>
      %gather3A_209 = tpu.dynamic_gather %shift_right_logical3A_206[%gather3A_208] in [0] : vector<16xi32>, vector<16xi32> -> vector<16xi32>
      %ne3A = arith.cmpi ne, %shift_right_logical3A_206, %gather3A_209 : vector<16xi32>
      %or3A = arith.ori %ne3A, %eq3A_18 : vector<16xi1>
      %broadcast_in_dim3A_210 = vector.shape_cast %masked_sort3A_204 : vector<16xi32> to vector<16x1xi32>
      %gather3A_211 = vector.shape_cast %broadcast_in_dim3A_210 : vector<16x1xi32> to vector<16xi32>
      %gather3A_212 = tpu.dynamic_gather %get3A_174[%gather3A_211] in [0] : vector<16xf32>, vector<16xi32> -> vector<16xf32>
      %bitcast_convert_type3A = tpu.bitcast %gather3A_212 : vector<16xf32> -> vector<16xi32>
      %or3A_213 = arith.constant -2147483648 : i32
      %or3A_214 = vector.broadcast %or3A_213 : i32 to vector<16xi32>
      %or3A_215 = arith.ori %bitcast_convert_type3A, %or3A_214 : vector<16xi32>
      %bitcast_convert_type3A_216 = tpu.bitcast %or3A_215 : vector<16xi32> -> vector<16xf32>
      tpu.vector_store_idx %arg14[%shift_right_logical3A_206], %bitcast_convert_type3A_216 masked %or3A : memref<10000xf32, #tpu.memory_space<vmem>>[vector<16xi32>], vector<16xf32>, vector<16xi1>
      %mul3A_217 = arith.constant 10 : i32
      %mul3A_218 = arith.muli %scan3A_150, %mul3A_217 : i32
      %add3A_219 = arith.constant 1 : i32
      %add3A_220 = arith.addi %mul3A_218, %add3A_219 : i32
      %mul3A_221 = arith.constant 16 : i32
      %mul3A_222 = arith.muli %add3A_220, %mul3A_221 : i32
      %get3A_223 = arith.index_cast %mul3A_222 : i32 to index
      %get3A_224 = tpu.vector_load %arg16[%get3A_223] {strides = array<i32>} : memref<4000xi32, #tpu.memory_space<vmem>>, vector<16xi32>,
      %mul3A_225 = arith.constant 16 : i32
      %mul3A_226 = arith.muli %add3A_220, %mul3A_225 : i32
      %get3A_227 = arith.index_cast %mul3A_226 : i32 to index
      %get3A_228 = tpu.vector_load %arg18[%get3A_227] {strides = array<i32>} : memref<4000xi32, #tpu.memory_space<vmem>>, vector<16xi32>,
      %mul3A_229 = arith.constant 16 : i32
      %mul3A_230 = arith.muli %add3A_220, %mul3A_229 : i32
      %get3A_231 = arith.index_cast %mul3A_230 : i32 to index
      %get3A_232 = tpu.vector_load %arg20[%get3A_231] {strides = array<i32>} : memref<4000xf32, #tpu.memory_space<vmem>>, vector<16xf32>,
      %mul3A_233 = arith.constant 16 : i32
      %mul3A_234 = arith.muli %add3A_220, %mul3A_233 : i32
      %get3A_235 = arith.index_cast %mul3A_234 : i32 to index
      %get3A_236 = tpu.vector_load %arg22[%get3A_235] {strides = array<i32>} : memref<4000xf32, #tpu.memory_space<vmem>>, vector<16xf32>,
      %gather3A_237 = tpu.vector_load_idx %arg11[%get3A_224] : memref<10000xf32, #tpu.memory_space<vmem>>[vector<16xi32>], vector<16xf32>,
      %gather3A_238 = tpu.vector_load_idx %arg11[%get3A_228] : memref<10000xf32, #tpu.memory_space<vmem>>[vector<16xi32>], vector<16xf32>,
      %gather3A_239 = tpu.vector_load_idx %arg12[%get3A_224] : memref<10000xf32, #tpu.memory_space<vmem>>[vector<16xi32>], vector<16xf32>,
      %gather3A_240 = tpu.vector_load_idx %arg12[%get3A_228] : memref<10000xf32, #tpu.memory_space<vmem>>[vector<16xi32>], vector<16xf32>,
      %gather3A_241 = tpu.vector_load_idx %arg13[%get3A_224] : memref<10000xf32, #tpu.memory_space<vmem>>[vector<16xi32>], vector<16xf32>,
      %gather3A_242 = tpu.vector_load_idx %arg13[%get3A_228] : memref<10000xf32, #tpu.memory_space<vmem>>[vector<16xi32>], vector<16xf32>,
      %mul3A_243 = arith.mulf %get3A_236, %get3A_236 : vector<16xf32>
      %div3A_244 = arith.constant 1.000000e+00 : f32
      %div3A_245 = vector.broadcast %div3A_244 : f32 to vector<16xf32>
      %div3A_246 = arith.divf %div3A_245, %mul3A_243 : vector<16xf32>
      %mul3A_247 = arith.mulf %get3A_232, %div3A_246 : vector<16xf32>
      %mul3A_248 = arith.mulf %mul3A_247, %div3A_246 : vector<16xf32>
      %sub3A_249 = arith.subf %gather3A_237, %gather3A_238 : vector<16xf32>
      %mul3A_250 = arith.mulf %mul3A_248, %sub3A_249 : vector<16xf32>
      %sub3A_251 = arith.subf %mul3A_250, %sub3A_189 : vector<16xf32>
      %add3A_252 = arith.addf %add3A_187, %sub3A_251 : vector<16xf32>
      %sub3A_253 = arith.subf %add3A_252, %add3A_187 : vector<16xf32>
      %sub3A_254 = arith.subf %sub3A_253, %sub3A_251 : vector<16xf32>
      %sub3A_255 = arith.subf %gather3A_239, %gather3A_240 : vector<16xf32>
      %mul3A_256 = arith.mulf %mul3A_247, %sub3A_255 : vector<16xf32>
      %sub3A_257 = arith.subf %mul3A_256, %sub3A_195 : vector<16xf32>
      %add3A_258 = arith.addf %add3A_193, %sub3A_257 : vector<16xf32>
      %sub3A_259 = arith.subf %add3A_258, %add3A_193 : vector<16xf32>
      %sub3A_260 = arith.subf %sub3A_259, %sub3A_257 : vector<16xf32>
      %sub3A_261 = arith.subf %gather3A_241, %gather3A_242 : vector<16xf32>
      %add3A_262 = arith.addf %add3A_197, %sub3A_261 : vector<16xf32>
      %mul3A_263 = arith.constant 16 : i32
      %mul3A_264 = vector.broadcast %mul3A_263 : i32 to vector<16xi32>
      %mul3A_265 = arith.muli %get3A_228, %mul3A_264 : vector<16xi32>
      %add3A_266 = arith.addi %mul3A_265, %iota3A : vector<16xi32>
      %masked_sort3A_267 = arith.constant dense<true> : vector<16xi1>
      %masked_sort3A_268, %masked_sort3A_269, %masked_sort3A_270 = tpu.sort %add3A_266, %iota3A masked %masked_sort3A_267 : (vector<16xi32>, vector<16xi32>, vector<16xi1>) -> (vector<16xi1>, vector<16xi32>, vector<16xi32>)
      %shift_right_logical3A_271 = arith.constant 4 : i32
      %shift_right_logical3A_272 = vector.broadcast %shift_right_logical3A_271 : i32 to vector<16xi32>
      %shift_right_logical3A_273 = arith.shrui %masked_sort3A_269, %shift_right_logical3A_272 : vector<16xi32>
      %broadcast_in_dim3A_274 = vector.shape_cast %min3A_16 : vector<16xi32> to vector<16x1xi32>
      %gather3A_275 = vector.shape_cast %broadcast_in_dim3A_274 : vector<16x1xi32> to vector<16xi32>
      %gather3A_276 = tpu.dynamic_gather %shift_right_logical3A_273[%gather3A_275] in [0] : vector<16xi32>, vector<16xi32> -> vector<16xi32>
      %ne3A_277 = arith.cmpi ne, %shift_right_logical3A_273, %gather3A_276 : vector<16xi32>
      %or3A_278 = arith.ori %ne3A_277, %eq3A_18 : vector<16xi1>
      %broadcast_in_dim3A_279 = vector.shape_cast %masked_sort3A_270 : vector<16xi32> to vector<16x1xi32>
      %gather3A_280 = vector.shape_cast %broadcast_in_dim3A_279 : vector<16x1xi32> to vector<16xi32>
      %gather3A_281 = tpu.dynamic_gather %get3A_236[%gather3A_280] in [0] : vector<16xf32>, vector<16xi32> -> vector<16xf32>
      %bitcast_convert_type3A_282 = tpu.bitcast %gather3A_281 : vector<16xf32> -> vector<16xi32>
      %or3A_283 = arith.constant -2147483648 : i32
      %or3A_284 = vector.broadcast %or3A_283 : i32 to vector<16xi32>
      %or3A_285 = arith.ori %bitcast_convert_type3A_282, %or3A_284 : vector<16xi32>
      %bitcast_convert_type3A_286 = tpu.bitcast %or3A_285 : vector<16xi32> -> vector<16xf32>
      tpu.vector_store_idx %arg14[%shift_right_logical3A_273], %bitcast_convert_type3A_286 masked %or3A_278 : memref<10000xf32, #tpu.memory_space<vmem>>[vector<16xi32>], vector<16xf32>, vector<16xi1>
      %mul3A_287 = arith.constant 10 : i32
      %mul3A_288 = arith.muli %scan3A_150, %mul3A_287 : i32
      %add3A_289 = arith.constant 2 : i32
      %add3A_290 = arith.addi %mul3A_288, %add3A_289 : i32
      %mul3A_291 = arith.constant 16 : i32
      %mul3A_292 = arith.muli %add3A_290, %mul3A_291 : i32
      %get3A_293 = arith.index_cast %mul3A_292 : i32 to index
      %get3A_294 = tpu.vector_load %arg16[%get3A_293] {strides = array<i32>} : memref<4000xi32, #tpu.memory_space<vmem>>, vector<16xi32>,
      %mul3A_295 = arith.constant 16 : i32
      %mul3A_296 = arith.muli %add3A_290, %mul3A_295 : i32
      %get3A_297 = arith.index_cast %mul3A_296 : i32 to index
      %get3A_298 = tpu.vector_load %arg18[%get3A_297] {strides = array<i32>} : memref<4000xi32, #tpu.memory_space<vmem>>, vector<16xi32>,
      %mul3A_299 = arith.constant 16 : i32
      %mul3A_300 = arith.muli %add3A_290, %mul3A_299 : i32
      %get3A_301 = arith.index_cast %mul3A_300 : i32 to index
      %get3A_302 = tpu.vector_load %arg20[%get3A_301] {strides = array<i32>} : memref<4000xf32, #tpu.memory_space<vmem>>, vector<16xf32>,
      %mul3A_303 = arith.constant 16 : i32
      %mul3A_304 = arith.muli %add3A_290, %mul3A_303 : i32
      %get3A_305 = arith.index_cast %mul3A_304 : i32 to index
      %get3A_306 = tpu.vector_load %arg22[%get3A_305] {strides = array<i32>} : memref<4000xf32, #tpu.memory_space<vmem>>, vector<16xf32>,
      %gather3A_307 = tpu.vector_load_idx %arg11[%get3A_294] : memref<10000xf32, #tpu.memory_space<vmem>>[vector<16xi32>], vector<16xf32>,
      %gather3A_308 = tpu.vector_load_idx %arg11[%get3A_298] : memref<10000xf32, #tpu.memory_space<vmem>>[vector<16xi32>], vector<16xf32>,
      %gather3A_309 = tpu.vector_load_idx %arg12[%get3A_294] : memref<10000xf32, #tpu.memory_space<vmem>>[vector<16xi32>], vector<16xf32>,
      %gather3A_310 = tpu.vector_load_idx %arg12[%get3A_298] : memref<10000xf32, #tpu.memory_space<vmem>>[vector<16xi32>], vector<16xf32>,
      %gather3A_311 = tpu.vector_load_idx %arg13[%get3A_294] : memref<10000xf32, #tpu.memory_space<vmem>>[vector<16xi32>], vector<16xf32>,
      %gather3A_312 = tpu.vector_load_idx %arg13[%get3A_298] : memref<10000xf32, #tpu.memory_space<vmem>>[vector<16xi32>], vector<16xf32>,
      %mul3A_313 = arith.mulf %get3A_306, %get3A_306 : vector<16xf32>
      %div3A_314 = arith.constant 1.000000e+00 : f32
      %div3A_315 = vector.broadcast %div3A_314 : f32 to vector<16xf32>
      %div3A_316 = arith.divf %div3A_315, %mul3A_313 : vector<16xf32>
      %mul3A_317 = arith.mulf %get3A_302, %div3A_316 : vector<16xf32>
      %mul3A_318 = arith.mulf %mul3A_317, %div3A_316 : vector<16xf32>
      %sub3A_319 = arith.subf %gather3A_307, %gather3A_308 : vector<16xf32>
      %mul3A_320 = arith.mulf %mul3A_318, %sub3A_319 : vector<16xf32>
      %sub3A_321 = arith.subf %mul3A_320, %sub3A_254 : vector<16xf32>
      %add3A_322 = arith.addf %add3A_252, %sub3A_321 : vector<16xf32>
      %sub3A_323 = arith.subf %add3A_322, %add3A_252 : vector<16xf32>
      %sub3A_324 = arith.subf %sub3A_323, %sub3A_321 : vector<16xf32>
      %sub3A_325 = arith.subf %gather3A_309, %gather3A_310 : vector<16xf32>
      %mul3A_326 = arith.mulf %mul3A_317, %sub3A_325 : vector<16xf32>
      %sub3A_327 = arith.subf %mul3A_326, %sub3A_260 : vector<16xf32>
      %add3A_328 = arith.addf %add3A_258, %sub3A_327 : vector<16xf32>
      %sub3A_329 = arith.subf %add3A_328, %add3A_258 : vector<16xf32>
      %sub3A_330 = arith.subf %sub3A_329, %sub3A_327 : vector<16xf32>
      %sub3A_331 = arith.subf %gather3A_311, %gather3A_312 : vector<16xf32>
      %add3A_332 = arith.addf %add3A_262, %sub3A_331 : vector<16xf32>
      %mul3A_333 = arith.constant 16 : i32
      %mul3A_334 = vector.broadcast %mul3A_333 : i32 to vector<16xi32>
      %mul3A_335 = arith.muli %get3A_298, %mul3A_334 : vector<16xi32>
      %add3A_336 = arith.addi %mul3A_335, %iota3A : vector<16xi32>
      %masked_sort3A_337 = arith.constant dense<true> : vector<16xi1>
      %masked_sort3A_338, %masked_sort3A_339, %masked_sort3A_340 = tpu.sort %add3A_336, %iota3A masked %masked_sort3A_337 : (vector<16xi32>, vector<16xi32>, vector<16xi1>) -> (vector<16xi1>, vector<16xi32>, vector<16xi32>)
      %shift_right_logical3A_341 = arith.constant 4 : i32
      %shift_right_logical3A_342 = vector.broadcast %shift_right_logical3A_341 : i32 to vector<16xi32>
      %shift_right_logical3A_343 = arith.shrui %masked_sort3A_339, %shift_right_logical3A_342 : vector<16xi32>
      %broadcast_in_dim3A_344 = vector.shape_cast %min3A_16 : vector<16xi32> to vector<16x1xi32>
      %gather3A_345 = vector.shape_cast %broadcast_in_dim3A_344 : vector<16x1xi32> to vector<16xi32>
      %gather3A_346 = tpu.dynamic_gather %shift_right_logical3A_343[%gather3A_345] in [0] : vector<16xi32>, vector<16xi32> -> vector<16xi32>
      %ne3A_347 = arith.cmpi ne, %shift_right_logical3A_343, %gather3A_346 : vector<16xi32>
      %or3A_348 = arith.ori %ne3A_347, %eq3A_18 : vector<16xi1>
      %broadcast_in_dim3A_349 = vector.shape_cast %masked_sort3A_340 : vector<16xi32> to vector<16x1xi32>
      %gather3A_350 = vector.shape_cast %broadcast_in_dim3A_349 : vector<16x1xi32> to vector<16xi32>
      %gather3A_351 = tpu.dynamic_gather %get3A_306[%gather3A_350] in [0] : vector<16xf32>, vector<16xi32> -> vector<16xf32>
      %bitcast_convert_type3A_352 = tpu.bitcast %gather3A_351 : vector<16xf32> -> vector<16xi32>
      %or3A_353 = arith.constant -2147483648 : i32
      %or3A_354 = vector.broadcast %or3A_353 : i32 to vector<16xi32>
      %or3A_355 = arith.ori %bitcast_convert_type3A_352, %or3A_354 : vector<16xi32>
      %bitcast_convert_type3A_356 = tpu.bitcast %or3A_355 : vector<16xi32> -> vector<16xf32>
      tpu.vector_store_idx %arg14[%shift_right_logical3A_343], %bitcast_convert_type3A_356 masked %or3A_348 : memref<10000xf32, #tpu.memory_space<vmem>>[vector<16xi32>], vector<16xf32>, vector<16xi1>
      %mul3A_357 = arith.constant 10 : i32
      %mul3A_358 = arith.muli %scan3A_150, %mul3A_357 : i32
      %add3A_359 = arith.constant 3 : i32
      %add3A_360 = arith.addi %mul3A_358, %add3A_359 : i32
      %mul3A_361 = arith.constant 16 : i32
      %mul3A_362 = arith.muli %add3A_360, %mul3A_361 : i32
      %get3A_363 = arith.index_cast %mul3A_362 : i32 to index
      %get3A_364 = tpu.vector_load %arg16[%get3A_363] {strides = array<i32>} : memref<4000xi32, #tpu.memory_space<vmem>>, vector<16xi32>,
      %mul3A_365 = arith.constant 16 : i32
      %mul3A_366 = arith.muli %add3A_360, %mul3A_365 : i32
      %get3A_367 = arith.index_cast %mul3A_366 : i32 to index
      %get3A_368 = tpu.vector_load %arg18[%get3A_367] {strides = array<i32>} : memref<4000xi32, #tpu.memory_space<vmem>>, vector<16xi32>,
      %mul3A_369 = arith.constant 16 : i32
      %mul3A_370 = arith.muli %add3A_360, %mul3A_369 : i32
      %get3A_371 = arith.index_cast %mul3A_370 : i32 to index
      %get3A_372 = tpu.vector_load %arg20[%get3A_371] {strides = array<i32>} : memref<4000xf32, #tpu.memory_space<vmem>>, vector<16xf32>,
      %mul3A_373 = arith.constant 16 : i32
      %mul3A_374 = arith.muli %add3A_360, %mul3A_373 : i32
      %get3A_375 = arith.index_cast %mul3A_374 : i32 to index
      %get3A_376 = tpu.vector_load %arg22[%get3A_375] {strides = array<i32>} : memref<4000xf32, #tpu.memory_space<vmem>>, vector<16xf32>,
      %gather3A_377 = tpu.vector_load_idx %arg11[%get3A_364] : memref<10000xf32, #tpu.memory_space<vmem>>[vector<16xi32>], vector<16xf32>,
      %gather3A_378 = tpu.vector_load_idx %arg11[%get3A_368] : memref<10000xf32, #tpu.memory_space<vmem>>[vector<16xi32>], vector<16xf32>,
      %gather3A_379 = tpu.vector_load_idx %arg12[%get3A_364] : memref<10000xf32, #tpu.memory_space<vmem>>[vector<16xi32>], vector<16xf32>,
      %gather3A_380 = tpu.vector_load_idx %arg12[%get3A_368] : memref<10000xf32, #tpu.memory_space<vmem>>[vector<16xi32>], vector<16xf32>,
      %gather3A_381 = tpu.vector_load_idx %arg13[%get3A_364] : memref<10000xf32, #tpu.memory_space<vmem>>[vector<16xi32>], vector<16xf32>,
      %gather3A_382 = tpu.vector_load_idx %arg13[%get3A_368] : memref<10000xf32, #tpu.memory_space<vmem>>[vector<16xi32>], vector<16xf32>,
      %mul3A_383 = arith.mulf %get3A_376, %get3A_376 : vector<16xf32>
      %div3A_384 = arith.constant 1.000000e+00 : f32
      %div3A_385 = vector.broadcast %div3A_384 : f32 to vector<16xf32>
      %div3A_386 = arith.divf %div3A_385, %mul3A_383 : vector<16xf32>
      %mul3A_387 = arith.mulf %get3A_372, %div3A_386 : vector<16xf32>
      %mul3A_388 = arith.mulf %mul3A_387, %div3A_386 : vector<16xf32>
      %sub3A_389 = arith.subf %gather3A_377, %gather3A_378 : vector<16xf32>
      %mul3A_390 = arith.mulf %mul3A_388, %sub3A_389 : vector<16xf32>
      %sub3A_391 = arith.subf %mul3A_390, %sub3A_324 : vector<16xf32>
      %add3A_392 = arith.addf %add3A_322, %sub3A_391 : vector<16xf32>
      %sub3A_393 = arith.subf %add3A_392, %add3A_322 : vector<16xf32>
      %sub3A_394 = arith.subf %sub3A_393, %sub3A_391 : vector<16xf32>
      %sub3A_395 = arith.subf %gather3A_379, %gather3A_380 : vector<16xf32>
      %mul3A_396 = arith.mulf %mul3A_387, %sub3A_395 : vector<16xf32>
      %sub3A_397 = arith.subf %mul3A_396, %sub3A_330 : vector<16xf32>
      %add3A_398 = arith.addf %add3A_328, %sub3A_397 : vector<16xf32>
      %sub3A_399 = arith.subf %add3A_398, %add3A_328 : vector<16xf32>
      %sub3A_400 = arith.subf %sub3A_399, %sub3A_397 : vector<16xf32>
      %sub3A_401 = arith.subf %gather3A_381, %gather3A_382 : vector<16xf32>
      %add3A_402 = arith.addf %add3A_332, %sub3A_401 : vector<16xf32>
      %mul3A_403 = arith.constant 16 : i32
      %mul3A_404 = vector.broadcast %mul3A_403 : i32 to vector<16xi32>
      %mul3A_405 = arith.muli %get3A_368, %mul3A_404 : vector<16xi32>
      %add3A_406 = arith.addi %mul3A_405, %iota3A : vector<16xi32>
      %masked_sort3A_407 = arith.constant dense<true> : vector<16xi1>
      %masked_sort3A_408, %masked_sort3A_409, %masked_sort3A_410 = tpu.sort %add3A_406, %iota3A masked %masked_sort3A_407 : (vector<16xi32>, vector<16xi32>, vector<16xi1>) -> (vector<16xi1>, vector<16xi32>, vector<16xi32>)
      %shift_right_logical3A_411 = arith.constant 4 : i32
      %shift_right_logical3A_412 = vector.broadcast %shift_right_logical3A_411 : i32 to vector<16xi32>
      %shift_right_logical3A_413 = arith.shrui %masked_sort3A_409, %shift_right_logical3A_412 : vector<16xi32>
      %broadcast_in_dim3A_414 = vector.shape_cast %min3A_16 : vector<16xi32> to vector<16x1xi32>
      %gather3A_415 = vector.shape_cast %broadcast_in_dim3A_414 : vector<16x1xi32> to vector<16xi32>
      %gather3A_416 = tpu.dynamic_gather %shift_right_logical3A_413[%gather3A_415] in [0] : vector<16xi32>, vector<16xi32> -> vector<16xi32>
      %ne3A_417 = arith.cmpi ne, %shift_right_logical3A_413, %gather3A_416 : vector<16xi32>
      %or3A_418 = arith.ori %ne3A_417, %eq3A_18 : vector<16xi1>
      %broadcast_in_dim3A_419 = vector.shape_cast %masked_sort3A_410 : vector<16xi32> to vector<16x1xi32>
      %gather3A_420 = vector.shape_cast %broadcast_in_dim3A_419 : vector<16x1xi32> to vector<16xi32>
      %gather3A_421 = tpu.dynamic_gather %get3A_376[%gather3A_420] in [0] : vector<16xf32>, vector<16xi32> -> vector<16xf32>
      %bitcast_convert_type3A_422 = tpu.bitcast %gather3A_421 : vector<16xf32> -> vector<16xi32>
      %or3A_423 = arith.constant -2147483648 : i32
      %or3A_424 = vector.broadcast %or3A_423 : i32 to vector<16xi32>
      %or3A_425 = arith.ori %bitcast_convert_type3A_422, %or3A_424 : vector<16xi32>
      %bitcast_convert_type3A_426 = tpu.bitcast %or3A_425 : vector<16xi32> -> vector<16xf32>
      tpu.vector_store_idx %arg14[%shift_right_logical3A_413], %bitcast_convert_type3A_426 masked %or3A_418 : memref<10000xf32, #tpu.memory_space<vmem>>[vector<16xi32>], vector<16xf32>, vector<16xi1>
      %mul3A_427 = arith.constant 10 : i32
      %mul3A_428 = arith.muli %scan3A_150, %mul3A_427 : i32
      %add3A_429 = arith.constant 4 : i32
      %add3A_430 = arith.addi %mul3A_428, %add3A_429 : i32
      %mul3A_431 = arith.constant 16 : i32
      %mul3A_432 = arith.muli %add3A_430, %mul3A_431 : i32
      %get3A_433 = arith.index_cast %mul3A_432 : i32 to index
      %get3A_434 = tpu.vector_load %arg16[%get3A_433] {strides = array<i32>} : memref<4000xi32, #tpu.memory_space<vmem>>, vector<16xi32>,
      %mul3A_435 = arith.constant 16 : i32
      %mul3A_436 = arith.muli %add3A_430, %mul3A_435 : i32
      %get3A_437 = arith.index_cast %mul3A_436 : i32 to index
      %get3A_438 = tpu.vector_load %arg18[%get3A_437] {strides = array<i32>} : memref<4000xi32, #tpu.memory_space<vmem>>, vector<16xi32>,
      %mul3A_439 = arith.constant 16 : i32
      %mul3A_440 = arith.muli %add3A_430, %mul3A_439 : i32
      %get3A_441 = arith.index_cast %mul3A_440 : i32 to index
      %get3A_442 = tpu.vector_load %arg20[%get3A_441] {strides = array<i32>} : memref<4000xf32, #tpu.memory_space<vmem>>, vector<16xf32>,
      %mul3A_443 = arith.constant 16 : i32
      %mul3A_444 = arith.muli %add3A_430, %mul3A_443 : i32
      %get3A_445 = arith.index_cast %mul3A_444 : i32 to index
      %get3A_446 = tpu.vector_load %arg22[%get3A_445] {strides = array<i32>} : memref<4000xf32, #tpu.memory_space<vmem>>, vector<16xf32>,
      %gather3A_447 = tpu.vector_load_idx %arg11[%get3A_434] : memref<10000xf32, #tpu.memory_space<vmem>>[vector<16xi32>], vector<16xf32>,
      %gather3A_448 = tpu.vector_load_idx %arg11[%get3A_438] : memref<10000xf32, #tpu.memory_space<vmem>>[vector<16xi32>], vector<16xf32>,
      %gather3A_449 = tpu.vector_load_idx %arg12[%get3A_434] : memref<10000xf32, #tpu.memory_space<vmem>>[vector<16xi32>], vector<16xf32>,
      %gather3A_450 = tpu.vector_load_idx %arg12[%get3A_438] : memref<10000xf32, #tpu.memory_space<vmem>>[vector<16xi32>], vector<16xf32>,
      %gather3A_451 = tpu.vector_load_idx %arg13[%get3A_434] : memref<10000xf32, #tpu.memory_space<vmem>>[vector<16xi32>], vector<16xf32>,
      %gather3A_452 = tpu.vector_load_idx %arg13[%get3A_438] : memref<10000xf32, #tpu.memory_space<vmem>>[vector<16xi32>], vector<16xf32>,
      %mul3A_453 = arith.mulf %get3A_446, %get3A_446 : vector<16xf32>
      %div3A_454 = arith.constant 1.000000e+00 : f32
      %div3A_455 = vector.broadcast %div3A_454 : f32 to vector<16xf32>
      %div3A_456 = arith.divf %div3A_455, %mul3A_453 : vector<16xf32>
      %mul3A_457 = arith.mulf %get3A_442, %div3A_456 : vector<16xf32>
      %mul3A_458 = arith.mulf %mul3A_457, %div3A_456 : vector<16xf32>
      %sub3A_459 = arith.subf %gather3A_447, %gather3A_448 : vector<16xf32>
      %mul3A_460 = arith.mulf %mul3A_458, %sub3A_459 : vector<16xf32>
      %sub3A_461 = arith.subf %mul3A_460, %sub3A_394 : vector<16xf32>
      %add3A_462 = arith.addf %add3A_392, %sub3A_461 : vector<16xf32>
      %sub3A_463 = arith.subf %add3A_462, %add3A_392 : vector<16xf32>
      %sub3A_464 = arith.subf %sub3A_463, %sub3A_461 : vector<16xf32>
      %sub3A_465 = arith.subf %gather3A_449, %gather3A_450 : vector<16xf32>
      %mul3A_466 = arith.mulf %mul3A_457, %sub3A_465 : vector<16xf32>
      %sub3A_467 = arith.subf %mul3A_466, %sub3A_400 : vector<16xf32>
      %add3A_468 = arith.addf %add3A_398, %sub3A_467 : vector<16xf32>
      %sub3A_469 = arith.subf %add3A_468, %add3A_398 : vector<16xf32>
      %sub3A_470 = arith.subf %sub3A_469, %sub3A_467 : vector<16xf32>
      %sub3A_471 = arith.subf %gather3A_451, %gather3A_452 : vector<16xf32>
      %add3A_472 = arith.addf %add3A_402, %sub3A_471 : vector<16xf32>
      %mul3A_473 = arith.constant 16 : i32
      %mul3A_474 = vector.broadcast %mul3A_473 : i32 to vector<16xi32>
      %mul3A_475 = arith.muli %get3A_438, %mul3A_474 : vector<16xi32>
      %add3A_476 = arith.addi %mul3A_475, %iota3A : vector<16xi32>
      %masked_sort3A_477 = arith.constant dense<true> : vector<16xi1>
      %masked_sort3A_478, %masked_sort3A_479, %masked_sort3A_480 = tpu.sort %add3A_476, %iota3A masked %masked_sort3A_477 : (vector<16xi32>, vector<16xi32>, vector<16xi1>) -> (vector<16xi1>, vector<16xi32>, vector<16xi32>)
      %shift_right_logical3A_481 = arith.constant 4 : i32
      %shift_right_logical3A_482 = vector.broadcast %shift_right_logical3A_481 : i32 to vector<16xi32>
      %shift_right_logical3A_483 = arith.shrui %masked_sort3A_479, %shift_right_logical3A_482 : vector<16xi32>
      %broadcast_in_dim3A_484 = vector.shape_cast %min3A_16 : vector<16xi32> to vector<16x1xi32>
      %gather3A_485 = vector.shape_cast %broadcast_in_dim3A_484 : vector<16x1xi32> to vector<16xi32>
      %gather3A_486 = tpu.dynamic_gather %shift_right_logical3A_483[%gather3A_485] in [0] : vector<16xi32>, vector<16xi32> -> vector<16xi32>
      %ne3A_487 = arith.cmpi ne, %shift_right_logical3A_483, %gather3A_486 : vector<16xi32>
      %or3A_488 = arith.ori %ne3A_487, %eq3A_18 : vector<16xi1>
      %broadcast_in_dim3A_489 = vector.shape_cast %masked_sort3A_480 : vector<16xi32> to vector<16x1xi32>
      %gather3A_490 = vector.shape_cast %broadcast_in_dim3A_489 : vector<16x1xi32> to vector<16xi32>
      %gather3A_491 = tpu.dynamic_gather %get3A_446[%gather3A_490] in [0] : vector<16xf32>, vector<16xi32> -> vector<16xf32>
      %bitcast_convert_type3A_492 = tpu.bitcast %gather3A_491 : vector<16xf32> -> vector<16xi32>
      %or3A_493 = arith.constant -2147483648 : i32
      %or3A_494 = vector.broadcast %or3A_493 : i32 to vector<16xi32>
      %or3A_495 = arith.ori %bitcast_convert_type3A_492, %or3A_494 : vector<16xi32>
      %bitcast_convert_type3A_496 = tpu.bitcast %or3A_495 : vector<16xi32> -> vector<16xf32>
      tpu.vector_store_idx %arg14[%shift_right_logical3A_483], %bitcast_convert_type3A_496 masked %or3A_488 : memref<10000xf32, #tpu.memory_space<vmem>>[vector<16xi32>], vector<16xf32>, vector<16xi1>
      %mul3A_497 = arith.constant 10 : i32
      %mul3A_498 = arith.muli %scan3A_150, %mul3A_497 : i32
      %add3A_499 = arith.constant 5 : i32
      %add3A_500 = arith.addi %mul3A_498, %add3A_499 : i32
      %mul3A_501 = arith.constant 16 : i32
      %mul3A_502 = arith.muli %add3A_500, %mul3A_501 : i32
      %get3A_503 = arith.index_cast %mul3A_502 : i32 to index
      %get3A_504 = tpu.vector_load %arg16[%get3A_503] {strides = array<i32>} : memref<4000xi32, #tpu.memory_space<vmem>>, vector<16xi32>,
      %mul3A_505 = arith.constant 16 : i32
      %mul3A_506 = arith.muli %add3A_500, %mul3A_505 : i32
      %get3A_507 = arith.index_cast %mul3A_506 : i32 to index
      %get3A_508 = tpu.vector_load %arg18[%get3A_507] {strides = array<i32>} : memref<4000xi32, #tpu.memory_space<vmem>>, vector<16xi32>,
      %mul3A_509 = arith.constant 16 : i32
      %mul3A_510 = arith.muli %add3A_500, %mul3A_509 : i32
      %get3A_511 = arith.index_cast %mul3A_510 : i32 to index
      %get3A_512 = tpu.vector_load %arg20[%get3A_511] {strides = array<i32>} : memref<4000xf32, #tpu.memory_space<vmem>>, vector<16xf32>,
      %mul3A_513 = arith.constant 16 : i32
      %mul3A_514 = arith.muli %add3A_500, %mul3A_513 : i32
      %get3A_515 = arith.index_cast %mul3A_514 : i32 to index
      %get3A_516 = tpu.vector_load %arg22[%get3A_515] {strides = array<i32>} : memref<4000xf32, #tpu.memory_space<vmem>>, vector<16xf32>,
      %gather3A_517 = tpu.vector_load_idx %arg11[%get3A_504] : memref<10000xf32, #tpu.memory_space<vmem>>[vector<16xi32>], vector<16xf32>,
      %gather3A_518 = tpu.vector_load_idx %arg11[%get3A_508] : memref<10000xf32, #tpu.memory_space<vmem>>[vector<16xi32>], vector<16xf32>,
      %gather3A_519 = tpu.vector_load_idx %arg12[%get3A_504] : memref<10000xf32, #tpu.memory_space<vmem>>[vector<16xi32>], vector<16xf32>,
      %gather3A_520 = tpu.vector_load_idx %arg12[%get3A_508] : memref<10000xf32, #tpu.memory_space<vmem>>[vector<16xi32>], vector<16xf32>,
      %gather3A_521 = tpu.vector_load_idx %arg13[%get3A_504] : memref<10000xf32, #tpu.memory_space<vmem>>[vector<16xi32>], vector<16xf32>,
      %gather3A_522 = tpu.vector_load_idx %arg13[%get3A_508] : memref<10000xf32, #tpu.memory_space<vmem>>[vector<16xi32>], vector<16xf32>,
      %mul3A_523 = arith.mulf %get3A_516, %get3A_516 : vector<16xf32>
      %div3A_524 = arith.constant 1.000000e+00 : f32
      %div3A_525 = vector.broadcast %div3A_524 : f32 to vector<16xf32>
      %div3A_526 = arith.divf %div3A_525, %mul3A_523 : vector<16xf32>
      %mul3A_527 = arith.mulf %get3A_512, %div3A_526 : vector<16xf32>
      %mul3A_528 = arith.mulf %mul3A_527, %div3A_526 : vector<16xf32>
      %sub3A_529 = arith.subf %gather3A_517, %gather3A_518 : vector<16xf32>
      %mul3A_530 = arith.mulf %mul3A_528, %sub3A_529 : vector<16xf32>
      %sub3A_531 = arith.subf %mul3A_530, %sub3A_464 : vector<16xf32>
      %add3A_532 = arith.addf %add3A_462, %sub3A_531 : vector<16xf32>
      %sub3A_533 = arith.subf %add3A_532, %add3A_462 : vector<16xf32>
      %sub3A_534 = arith.subf %sub3A_533, %sub3A_531 : vector<16xf32>
      %sub3A_535 = arith.subf %gather3A_519, %gather3A_520 : vector<16xf32>
      %mul3A_536 = arith.mulf %mul3A_527, %sub3A_535 : vector<16xf32>
      %sub3A_537 = arith.subf %mul3A_536, %sub3A_470 : vector<16xf32>
      %add3A_538 = arith.addf %add3A_468, %sub3A_537 : vector<16xf32>
      %sub3A_539 = arith.subf %add3A_538, %add3A_468 : vector<16xf32>
      %sub3A_540 = arith.subf %sub3A_539, %sub3A_537 : vector<16xf32>
      %sub3A_541 = arith.subf %gather3A_521, %gather3A_522 : vector<16xf32>
      %add3A_542 = arith.addf %add3A_472, %sub3A_541 : vector<16xf32>
      %mul3A_543 = arith.constant 16 : i32
      %mul3A_544 = vector.broadcast %mul3A_543 : i32 to vector<16xi32>
      %mul3A_545 = arith.muli %get3A_508, %mul3A_544 : vector<16xi32>
      %add3A_546 = arith.addi %mul3A_545, %iota3A : vector<16xi32>
      %masked_sort3A_547 = arith.constant dense<true> : vector<16xi1>
      %masked_sort3A_548, %masked_sort3A_549, %masked_sort3A_550 = tpu.sort %add3A_546, %iota3A masked %masked_sort3A_547 : (vector<16xi32>, vector<16xi32>, vector<16xi1>) -> (vector<16xi1>, vector<16xi32>, vector<16xi32>)
      %shift_right_logical3A_551 = arith.constant 4 : i32
      %shift_right_logical3A_552 = vector.broadcast %shift_right_logical3A_551 : i32 to vector<16xi32>
      %shift_right_logical3A_553 = arith.shrui %masked_sort3A_549, %shift_right_logical3A_552 : vector<16xi32>
      %broadcast_in_dim3A_554 = vector.shape_cast %min3A_16 : vector<16xi32> to vector<16x1xi32>
      %gather3A_555 = vector.shape_cast %broadcast_in_dim3A_554 : vector<16x1xi32> to vector<16xi32>
      %gather3A_556 = tpu.dynamic_gather %shift_right_logical3A_553[%gather3A_555] in [0] : vector<16xi32>, vector<16xi32> -> vector<16xi32>
      %ne3A_557 = arith.cmpi ne, %shift_right_logical3A_553, %gather3A_556 : vector<16xi32>
      %or3A_558 = arith.ori %ne3A_557, %eq3A_18 : vector<16xi1>
      %broadcast_in_dim3A_559 = vector.shape_cast %masked_sort3A_550 : vector<16xi32> to vector<16x1xi32>
      %gather3A_560 = vector.shape_cast %broadcast_in_dim3A_559 : vector<16x1xi32> to vector<16xi32>
      %gather3A_561 = tpu.dynamic_gather %get3A_516[%gather3A_560] in [0] : vector<16xf32>, vector<16xi32> -> vector<16xf32>
      %bitcast_convert_type3A_562 = tpu.bitcast %gather3A_561 : vector<16xf32> -> vector<16xi32>
      %or3A_563 = arith.constant -2147483648 : i32
      %or3A_564 = vector.broadcast %or3A_563 : i32 to vector<16xi32>
      %or3A_565 = arith.ori %bitcast_convert_type3A_562, %or3A_564 : vector<16xi32>
      %bitcast_convert_type3A_566 = tpu.bitcast %or3A_565 : vector<16xi32> -> vector<16xf32>
      tpu.vector_store_idx %arg14[%shift_right_logical3A_553], %bitcast_convert_type3A_566 masked %or3A_558 : memref<10000xf32, #tpu.memory_space<vmem>>[vector<16xi32>], vector<16xf32>, vector<16xi1>
      %mul3A_567 = arith.constant 10 : i32
      %mul3A_568 = arith.muli %scan3A_150, %mul3A_567 : i32
      %add3A_569 = arith.constant 6 : i32
      %add3A_570 = arith.addi %mul3A_568, %add3A_569 : i32
      %mul3A_571 = arith.constant 16 : i32
      %mul3A_572 = arith.muli %add3A_570, %mul3A_571 : i32
      %get3A_573 = arith.index_cast %mul3A_572 : i32 to index
      %get3A_574 = tpu.vector_load %arg16[%get3A_573] {strides = array<i32>} : memref<4000xi32, #tpu.memory_space<vmem>>, vector<16xi32>,
      %mul3A_575 = arith.constant 16 : i32
      %mul3A_576 = arith.muli %add3A_570, %mul3A_575 : i32
      %get3A_577 = arith.index_cast %mul3A_576 : i32 to index
      %get3A_578 = tpu.vector_load %arg18[%get3A_577] {strides = array<i32>} : memref<4000xi32, #tpu.memory_space<vmem>>, vector<16xi32>,
      %mul3A_579 = arith.constant 16 : i32
      %mul3A_580 = arith.muli %add3A_570, %mul3A_579 : i32
      %get3A_581 = arith.index_cast %mul3A_580 : i32 to index
      %get3A_582 = tpu.vector_load %arg20[%get3A_581] {strides = array<i32>} : memref<4000xf32, #tpu.memory_space<vmem>>, vector<16xf32>,
      %mul3A_583 = arith.constant 16 : i32
      %mul3A_584 = arith.muli %add3A_570, %mul3A_583 : i32
      %get3A_585 = arith.index_cast %mul3A_584 : i32 to index
      %get3A_586 = tpu.vector_load %arg22[%get3A_585] {strides = array<i32>} : memref<4000xf32, #tpu.memory_space<vmem>>, vector<16xf32>,
      %gather3A_587 = tpu.vector_load_idx %arg11[%get3A_574] : memref<10000xf32, #tpu.memory_space<vmem>>[vector<16xi32>], vector<16xf32>,
      %gather3A_588 = tpu.vector_load_idx %arg11[%get3A_578] : memref<10000xf32, #tpu.memory_space<vmem>>[vector<16xi32>], vector<16xf32>,
      %gather3A_589 = tpu.vector_load_idx %arg12[%get3A_574] : memref<10000xf32, #tpu.memory_space<vmem>>[vector<16xi32>], vector<16xf32>,
      %gather3A_590 = tpu.vector_load_idx %arg12[%get3A_578] : memref<10000xf32, #tpu.memory_space<vmem>>[vector<16xi32>], vector<16xf32>,
      %gather3A_591 = tpu.vector_load_idx %arg13[%get3A_574] : memref<10000xf32, #tpu.memory_space<vmem>>[vector<16xi32>], vector<16xf32>,
      %gather3A_592 = tpu.vector_load_idx %arg13[%get3A_578] : memref<10000xf32, #tpu.memory_space<vmem>>[vector<16xi32>], vector<16xf32>,
      %mul3A_593 = arith.mulf %get3A_586, %get3A_586 : vector<16xf32>
      %div3A_594 = arith.constant 1.000000e+00 : f32
      %div3A_595 = vector.broadcast %div3A_594 : f32 to vector<16xf32>
      %div3A_596 = arith.divf %div3A_595, %mul3A_593 : vector<16xf32>
      %mul3A_597 = arith.mulf %get3A_582, %div3A_596 : vector<16xf32>
      %mul3A_598 = arith.mulf %mul3A_597, %div3A_596 : vector<16xf32>
      %sub3A_599 = arith.subf %gather3A_587, %gather3A_588 : vector<16xf32>
      %mul3A_600 = arith.mulf %mul3A_598, %sub3A_599 : vector<16xf32>
      %sub3A_601 = arith.subf %mul3A_600, %sub3A_534 : vector<16xf32>
      %add3A_602 = arith.addf %add3A_532, %sub3A_601 : vector<16xf32>
      %sub3A_603 = arith.subf %add3A_602, %add3A_532 : vector<16xf32>
      %sub3A_604 = arith.subf %sub3A_603, %sub3A_601 : vector<16xf32>
      %sub3A_605 = arith.subf %gather3A_589, %gather3A_590 : vector<16xf32>
      %mul3A_606 = arith.mulf %mul3A_597, %sub3A_605 : vector<16xf32>
      %sub3A_607 = arith.subf %mul3A_606, %sub3A_540 : vector<16xf32>
      %add3A_608 = arith.addf %add3A_538, %sub3A_607 : vector<16xf32>
      %sub3A_609 = arith.subf %add3A_608, %add3A_538 : vector<16xf32>
      %sub3A_610 = arith.subf %sub3A_609, %sub3A_607 : vector<16xf32>
      %sub3A_611 = arith.subf %gather3A_591, %gather3A_592 : vector<16xf32>
      %add3A_612 = arith.addf %add3A_542, %sub3A_611 : vector<16xf32>
      %mul3A_613 = arith.constant 16 : i32
      %mul3A_614 = vector.broadcast %mul3A_613 : i32 to vector<16xi32>
      %mul3A_615 = arith.muli %get3A_578, %mul3A_614 : vector<16xi32>
      %add3A_616 = arith.addi %mul3A_615, %iota3A : vector<16xi32>
      %masked_sort3A_617 = arith.constant dense<true> : vector<16xi1>
      %masked_sort3A_618, %masked_sort3A_619, %masked_sort3A_620 = tpu.sort %add3A_616, %iota3A masked %masked_sort3A_617 : (vector<16xi32>, vector<16xi32>, vector<16xi1>) -> (vector<16xi1>, vector<16xi32>, vector<16xi32>)
      %shift_right_logical3A_621 = arith.constant 4 : i32
      %shift_right_logical3A_622 = vector.broadcast %shift_right_logical3A_621 : i32 to vector<16xi32>
      %shift_right_logical3A_623 = arith.shrui %masked_sort3A_619, %shift_right_logical3A_622 : vector<16xi32>
      %broadcast_in_dim3A_624 = vector.shape_cast %min3A_16 : vector<16xi32> to vector<16x1xi32>
      %gather3A_625 = vector.shape_cast %broadcast_in_dim3A_624 : vector<16x1xi32> to vector<16xi32>
      %gather3A_626 = tpu.dynamic_gather %shift_right_logical3A_623[%gather3A_625] in [0] : vector<16xi32>, vector<16xi32> -> vector<16xi32>
      %ne3A_627 = arith.cmpi ne, %shift_right_logical3A_623, %gather3A_626 : vector<16xi32>
      %or3A_628 = arith.ori %ne3A_627, %eq3A_18 : vector<16xi1>
      %broadcast_in_dim3A_629 = vector.shape_cast %masked_sort3A_620 : vector<16xi32> to vector<16x1xi32>
      %gather3A_630 = vector.shape_cast %broadcast_in_dim3A_629 : vector<16x1xi32> to vector<16xi32>
      %gather3A_631 = tpu.dynamic_gather %get3A_586[%gather3A_630] in [0] : vector<16xf32>, vector<16xi32> -> vector<16xf32>
      %bitcast_convert_type3A_632 = tpu.bitcast %gather3A_631 : vector<16xf32> -> vector<16xi32>
      %or3A_633 = arith.constant -2147483648 : i32
      %or3A_634 = vector.broadcast %or3A_633 : i32 to vector<16xi32>
      %or3A_635 = arith.ori %bitcast_convert_type3A_632, %or3A_634 : vector<16xi32>
      %bitcast_convert_type3A_636 = tpu.bitcast %or3A_635 : vector<16xi32> -> vector<16xf32>
      tpu.vector_store_idx %arg14[%shift_right_logical3A_623], %bitcast_convert_type3A_636 masked %or3A_628 : memref<10000xf32, #tpu.memory_space<vmem>>[vector<16xi32>], vector<16xf32>, vector<16xi1>
      %mul3A_637 = arith.constant 10 : i32
      %mul3A_638 = arith.muli %scan3A_150, %mul3A_637 : i32
      %add3A_639 = arith.constant 7 : i32
      %add3A_640 = arith.addi %mul3A_638, %add3A_639 : i32
      %mul3A_641 = arith.constant 16 : i32
      %mul3A_642 = arith.muli %add3A_640, %mul3A_641 : i32
      %get3A_643 = arith.index_cast %mul3A_642 : i32 to index
      %get3A_644 = tpu.vector_load %arg16[%get3A_643] {strides = array<i32>} : memref<4000xi32, #tpu.memory_space<vmem>>, vector<16xi32>,
      %mul3A_645 = arith.constant 16 : i32
      %mul3A_646 = arith.muli %add3A_640, %mul3A_645 : i32
      %get3A_647 = arith.index_cast %mul3A_646 : i32 to index
      %get3A_648 = tpu.vector_load %arg18[%get3A_647] {strides = array<i32>} : memref<4000xi32, #tpu.memory_space<vmem>>, vector<16xi32>,
      %mul3A_649 = arith.constant 16 : i32
      %mul3A_650 = arith.muli %add3A_640, %mul3A_649 : i32
      %get3A_651 = arith.index_cast %mul3A_650 : i32 to index
      %get3A_652 = tpu.vector_load %arg20[%get3A_651] {strides = array<i32>} : memref<4000xf32, #tpu.memory_space<vmem>>, vector<16xf32>,
      %mul3A_653 = arith.constant 16 : i32
      %mul3A_654 = arith.muli %add3A_640, %mul3A_653 : i32
      %get3A_655 = arith.index_cast %mul3A_654 : i32 to index
      %get3A_656 = tpu.vector_load %arg22[%get3A_655] {strides = array<i32>} : memref<4000xf32, #tpu.memory_space<vmem>>, vector<16xf32>,
      %gather3A_657 = tpu.vector_load_idx %arg11[%get3A_644] : memref<10000xf32, #tpu.memory_space<vmem>>[vector<16xi32>], vector<16xf32>,
      %gather3A_658 = tpu.vector_load_idx %arg11[%get3A_648] : memref<10000xf32, #tpu.memory_space<vmem>>[vector<16xi32>], vector<16xf32>,
      %gather3A_659 = tpu.vector_load_idx %arg12[%get3A_644] : memref<10000xf32, #tpu.memory_space<vmem>>[vector<16xi32>], vector<16xf32>,
      %gather3A_660 = tpu.vector_load_idx %arg12[%get3A_648] : memref<10000xf32, #tpu.memory_space<vmem>>[vector<16xi32>], vector<16xf32>,
      %gather3A_661 = tpu.vector_load_idx %arg13[%get3A_644] : memref<10000xf32, #tpu.memory_space<vmem>>[vector<16xi32>], vector<16xf32>,
      %gather3A_662 = tpu.vector_load_idx %arg13[%get3A_648] : memref<10000xf32, #tpu.memory_space<vmem>>[vector<16xi32>], vector<16xf32>,
      %mul3A_663 = arith.mulf %get3A_656, %get3A_656 : vector<16xf32>
      %div3A_664 = arith.constant 1.000000e+00 : f32
      %div3A_665 = vector.broadcast %div3A_664 : f32 to vector<16xf32>
      %div3A_666 = arith.divf %div3A_665, %mul3A_663 : vector<16xf32>
      %mul3A_667 = arith.mulf %get3A_652, %div3A_666 : vector<16xf32>
      %mul3A_668 = arith.mulf %mul3A_667, %div3A_666 : vector<16xf32>
      %sub3A_669 = arith.subf %gather3A_657, %gather3A_658 : vector<16xf32>
      %mul3A_670 = arith.mulf %mul3A_668, %sub3A_669 : vector<16xf32>
      %sub3A_671 = arith.subf %mul3A_670, %sub3A_604 : vector<16xf32>
      %add3A_672 = arith.addf %add3A_602, %sub3A_671 : vector<16xf32>
      %sub3A_673 = arith.subf %add3A_672, %add3A_602 : vector<16xf32>
      %sub3A_674 = arith.subf %sub3A_673, %sub3A_671 : vector<16xf32>
      %sub3A_675 = arith.subf %gather3A_659, %gather3A_660 : vector<16xf32>
      %mul3A_676 = arith.mulf %mul3A_667, %sub3A_675 : vector<16xf32>
      %sub3A_677 = arith.subf %mul3A_676, %sub3A_610 : vector<16xf32>
      %add3A_678 = arith.addf %add3A_608, %sub3A_677 : vector<16xf32>
      %sub3A_679 = arith.subf %add3A_678, %add3A_608 : vector<16xf32>
      %sub3A_680 = arith.subf %sub3A_679, %sub3A_677 : vector<16xf32>
      %sub3A_681 = arith.subf %gather3A_661, %gather3A_662 : vector<16xf32>
      %add3A_682 = arith.addf %add3A_612, %sub3A_681 : vector<16xf32>
      %mul3A_683 = arith.constant 16 : i32
      %mul3A_684 = vector.broadcast %mul3A_683 : i32 to vector<16xi32>
      %mul3A_685 = arith.muli %get3A_648, %mul3A_684 : vector<16xi32>
      %add3A_686 = arith.addi %mul3A_685, %iota3A : vector<16xi32>
      %masked_sort3A_687 = arith.constant dense<true> : vector<16xi1>
      %masked_sort3A_688, %masked_sort3A_689, %masked_sort3A_690 = tpu.sort %add3A_686, %iota3A masked %masked_sort3A_687 : (vector<16xi32>, vector<16xi32>, vector<16xi1>) -> (vector<16xi1>, vector<16xi32>, vector<16xi32>)
      %shift_right_logical3A_691 = arith.constant 4 : i32
      %shift_right_logical3A_692 = vector.broadcast %shift_right_logical3A_691 : i32 to vector<16xi32>
      %shift_right_logical3A_693 = arith.shrui %masked_sort3A_689, %shift_right_logical3A_692 : vector<16xi32>
      %broadcast_in_dim3A_694 = vector.shape_cast %min3A_16 : vector<16xi32> to vector<16x1xi32>
      %gather3A_695 = vector.shape_cast %broadcast_in_dim3A_694 : vector<16x1xi32> to vector<16xi32>
      %gather3A_696 = tpu.dynamic_gather %shift_right_logical3A_693[%gather3A_695] in [0] : vector<16xi32>, vector<16xi32> -> vector<16xi32>
      %ne3A_697 = arith.cmpi ne, %shift_right_logical3A_693, %gather3A_696 : vector<16xi32>
      %or3A_698 = arith.ori %ne3A_697, %eq3A_18 : vector<16xi1>
      %broadcast_in_dim3A_699 = vector.shape_cast %masked_sort3A_690 : vector<16xi32> to vector<16x1xi32>
      %gather3A_700 = vector.shape_cast %broadcast_in_dim3A_699 : vector<16x1xi32> to vector<16xi32>
      %gather3A_701 = tpu.dynamic_gather %get3A_656[%gather3A_700] in [0] : vector<16xf32>, vector<16xi32> -> vector<16xf32>
      %bitcast_convert_type3A_702 = tpu.bitcast %gather3A_701 : vector<16xf32> -> vector<16xi32>
      %or3A_703 = arith.constant -2147483648 : i32
      %or3A_704 = vector.broadcast %or3A_703 : i32 to vector<16xi32>
      %or3A_705 = arith.ori %bitcast_convert_type3A_702, %or3A_704 : vector<16xi32>
      %bitcast_convert_type3A_706 = tpu.bitcast %or3A_705 : vector<16xi32> -> vector<16xf32>
      tpu.vector_store_idx %arg14[%shift_right_logical3A_693], %bitcast_convert_type3A_706 masked %or3A_698 : memref<10000xf32, #tpu.memory_space<vmem>>[vector<16xi32>], vector<16xf32>, vector<16xi1>
      %mul3A_707 = arith.constant 10 : i32
      %mul3A_708 = arith.muli %scan3A_150, %mul3A_707 : i32
      %add3A_709 = arith.constant 8 : i32
      %add3A_710 = arith.addi %mul3A_708, %add3A_709 : i32
      %mul3A_711 = arith.constant 16 : i32
      %mul3A_712 = arith.muli %add3A_710, %mul3A_711 : i32
      %get3A_713 = arith.index_cast %mul3A_712 : i32 to index
      %get3A_714 = tpu.vector_load %arg16[%get3A_713] {strides = array<i32>} : memref<4000xi32, #tpu.memory_space<vmem>>, vector<16xi32>,
      %mul3A_715 = arith.constant 16 : i32
      %mul3A_716 = arith.muli %add3A_710, %mul3A_715 : i32
      %get3A_717 = arith.index_cast %mul3A_716 : i32 to index
      %get3A_718 = tpu.vector_load %arg18[%get3A_717] {strides = array<i32>} : memref<4000xi32, #tpu.memory_space<vmem>>, vector<16xi32>,
      %mul3A_719 = arith.constant 16 : i32
      %mul3A_720 = arith.muli %add3A_710, %mul3A_719 : i32
      %get3A_721 = arith.index_cast %mul3A_720 : i32 to index
      %get3A_722 = tpu.vector_load %arg20[%get3A_721] {strides = array<i32>} : memref<4000xf32, #tpu.memory_space<vmem>>, vector<16xf32>,
      %mul3A_723 = arith.constant 16 : i32
      %mul3A_724 = arith.muli %add3A_710, %mul3A_723 : i32
      %get3A_725 = arith.index_cast %mul3A_724 : i32 to index
      %get3A_726 = tpu.vector_load %arg22[%get3A_725] {strides = array<i32>} : memref<4000xf32, #tpu.memory_space<vmem>>, vector<16xf32>,
      %gather3A_727 = tpu.vector_load_idx %arg11[%get3A_714] : memref<10000xf32, #tpu.memory_space<vmem>>[vector<16xi32>], vector<16xf32>,
      %gather3A_728 = tpu.vector_load_idx %arg11[%get3A_718] : memref<10000xf32, #tpu.memory_space<vmem>>[vector<16xi32>], vector<16xf32>,
      %gather3A_729 = tpu.vector_load_idx %arg12[%get3A_714] : memref<10000xf32, #tpu.memory_space<vmem>>[vector<16xi32>], vector<16xf32>,
      %gather3A_730 = tpu.vector_load_idx %arg12[%get3A_718] : memref<10000xf32, #tpu.memory_space<vmem>>[vector<16xi32>], vector<16xf32>,
      %gather3A_731 = tpu.vector_load_idx %arg13[%get3A_714] : memref<10000xf32, #tpu.memory_space<vmem>>[vector<16xi32>], vector<16xf32>,
      %gather3A_732 = tpu.vector_load_idx %arg13[%get3A_718] : memref<10000xf32, #tpu.memory_space<vmem>>[vector<16xi32>], vector<16xf32>,
      %mul3A_733 = arith.mulf %get3A_726, %get3A_726 : vector<16xf32>
      %div3A_734 = arith.constant 1.000000e+00 : f32
      %div3A_735 = vector.broadcast %div3A_734 : f32 to vector<16xf32>
      %div3A_736 = arith.divf %div3A_735, %mul3A_733 : vector<16xf32>
      %mul3A_737 = arith.mulf %get3A_722, %div3A_736 : vector<16xf32>
      %mul3A_738 = arith.mulf %mul3A_737, %div3A_736 : vector<16xf32>
      %sub3A_739 = arith.subf %gather3A_727, %gather3A_728 : vector<16xf32>
      %mul3A_740 = arith.mulf %mul3A_738, %sub3A_739 : vector<16xf32>
      %sub3A_741 = arith.subf %mul3A_740, %sub3A_674 : vector<16xf32>
      %add3A_742 = arith.addf %add3A_672, %sub3A_741 : vector<16xf32>
      %sub3A_743 = arith.subf %add3A_742, %add3A_672 : vector<16xf32>
      %sub3A_744 = arith.subf %sub3A_743, %sub3A_741 : vector<16xf32>
      %sub3A_745 = arith.subf %gather3A_729, %gather3A_730 : vector<16xf32>
      %mul3A_746 = arith.mulf %mul3A_737, %sub3A_745 : vector<16xf32>
      %sub3A_747 = arith.subf %mul3A_746, %sub3A_680 : vector<16xf32>
      %add3A_748 = arith.addf %add3A_678, %sub3A_747 : vector<16xf32>
      %sub3A_749 = arith.subf %add3A_748, %add3A_678 : vector<16xf32>
      %sub3A_750 = arith.subf %sub3A_749, %sub3A_747 : vector<16xf32>
      %sub3A_751 = arith.subf %gather3A_731, %gather3A_732 : vector<16xf32>
      %add3A_752 = arith.addf %add3A_682, %sub3A_751 : vector<16xf32>
      %mul3A_753 = arith.constant 16 : i32
      %mul3A_754 = vector.broadcast %mul3A_753 : i32 to vector<16xi32>
      %mul3A_755 = arith.muli %get3A_718, %mul3A_754 : vector<16xi32>
      %add3A_756 = arith.addi %mul3A_755, %iota3A : vector<16xi32>
      %masked_sort3A_757 = arith.constant dense<true> : vector<16xi1>
      %masked_sort3A_758, %masked_sort3A_759, %masked_sort3A_760 = tpu.sort %add3A_756, %iota3A masked %masked_sort3A_757 : (vector<16xi32>, vector<16xi32>, vector<16xi1>) -> (vector<16xi1>, vector<16xi32>, vector<16xi32>)
      %shift_right_logical3A_761 = arith.constant 4 : i32
      %shift_right_logical3A_762 = vector.broadcast %shift_right_logical3A_761 : i32 to vector<16xi32>
      %shift_right_logical3A_763 = arith.shrui %masked_sort3A_759, %shift_right_logical3A_762 : vector<16xi32>
      %broadcast_in_dim3A_764 = vector.shape_cast %min3A_16 : vector<16xi32> to vector<16x1xi32>
      %gather3A_765 = vector.shape_cast %broadcast_in_dim3A_764 : vector<16x1xi32> to vector<16xi32>
      %gather3A_766 = tpu.dynamic_gather %shift_right_logical3A_763[%gather3A_765] in [0] : vector<16xi32>, vector<16xi32> -> vector<16xi32>
      %ne3A_767 = arith.cmpi ne, %shift_right_logical3A_763, %gather3A_766 : vector<16xi32>
      %or3A_768 = arith.ori %ne3A_767, %eq3A_18 : vector<16xi1>
      %broadcast_in_dim3A_769 = vector.shape_cast %masked_sort3A_760 : vector<16xi32> to vector<16x1xi32>
      %gather3A_770 = vector.shape_cast %broadcast_in_dim3A_769 : vector<16x1xi32> to vector<16xi32>
      %gather3A_771 = tpu.dynamic_gather %get3A_726[%gather3A_770] in [0] : vector<16xf32>, vector<16xi32> -> vector<16xf32>
      %bitcast_convert_type3A_772 = tpu.bitcast %gather3A_771 : vector<16xf32> -> vector<16xi32>
      %or3A_773 = arith.constant -2147483648 : i32
      %or3A_774 = vector.broadcast %or3A_773 : i32 to vector<16xi32>
      %or3A_775 = arith.ori %bitcast_convert_type3A_772, %or3A_774 : vector<16xi32>
      %bitcast_convert_type3A_776 = tpu.bitcast %or3A_775 : vector<16xi32> -> vector<16xf32>
      tpu.vector_store_idx %arg14[%shift_right_logical3A_763], %bitcast_convert_type3A_776 masked %or3A_768 : memref<10000xf32, #tpu.memory_space<vmem>>[vector<16xi32>], vector<16xf32>, vector<16xi1>
      %mul3A_777 = arith.constant 10 : i32
      %mul3A_778 = arith.muli %scan3A_150, %mul3A_777 : i32
      %add3A_779 = arith.constant 9 : i32
      %add3A_780 = arith.addi %mul3A_778, %add3A_779 : i32
      %mul3A_781 = arith.constant 16 : i32
      %mul3A_782 = arith.muli %add3A_780, %mul3A_781 : i32
      %get3A_783 = arith.index_cast %mul3A_782 : i32 to index
      %get3A_784 = tpu.vector_load %arg16[%get3A_783] {strides = array<i32>} : memref<4000xi32, #tpu.memory_space<vmem>>, vector<16xi32>,
      %mul3A_785 = arith.constant 16 : i32
      %mul3A_786 = arith.muli %add3A_780, %mul3A_785 : i32
      %get3A_787 = arith.index_cast %mul3A_786 : i32 to index
      %get3A_788 = tpu.vector_load %arg18[%get3A_787] {strides = array<i32>} : memref<4000xi32, #tpu.memory_space<vmem>>, vector<16xi32>,
      %mul3A_789 = arith.constant 16 : i32
      %mul3A_790 = arith.muli %add3A_780, %mul3A_789 : i32
      %get3A_791 = arith.index_cast %mul3A_790 : i32 to index
      %get3A_792 = tpu.vector_load %arg20[%get3A_791] {strides = array<i32>} : memref<4000xf32, #tpu.memory_space<vmem>>, vector<16xf32>,
      %mul3A_793 = arith.constant 16 : i32
      %mul3A_794 = arith.muli %add3A_780, %mul3A_793 : i32
      %get3A_795 = arith.index_cast %mul3A_794 : i32 to index
      %get3A_796 = tpu.vector_load %arg22[%get3A_795] {strides = array<i32>} : memref<4000xf32, #tpu.memory_space<vmem>>, vector<16xf32>,
      %gather3A_797 = tpu.vector_load_idx %arg11[%get3A_784] : memref<10000xf32, #tpu.memory_space<vmem>>[vector<16xi32>], vector<16xf32>,
      %gather3A_798 = tpu.vector_load_idx %arg11[%get3A_788] : memref<10000xf32, #tpu.memory_space<vmem>>[vector<16xi32>], vector<16xf32>,
      %gather3A_799 = tpu.vector_load_idx %arg12[%get3A_784] : memref<10000xf32, #tpu.memory_space<vmem>>[vector<16xi32>], vector<16xf32>,
      %gather3A_800 = tpu.vector_load_idx %arg12[%get3A_788] : memref<10000xf32, #tpu.memory_space<vmem>>[vector<16xi32>], vector<16xf32>,
      %gather3A_801 = tpu.vector_load_idx %arg13[%get3A_784] : memref<10000xf32, #tpu.memory_space<vmem>>[vector<16xi32>], vector<16xf32>,
      %gather3A_802 = tpu.vector_load_idx %arg13[%get3A_788] : memref<10000xf32, #tpu.memory_space<vmem>>[vector<16xi32>], vector<16xf32>,
      %mul3A_803 = arith.mulf %get3A_796, %get3A_796 : vector<16xf32>
      %div3A_804 = arith.constant 1.000000e+00 : f32
      %div3A_805 = vector.broadcast %div3A_804 : f32 to vector<16xf32>
      %div3A_806 = arith.divf %div3A_805, %mul3A_803 : vector<16xf32>
      %mul3A_807 = arith.mulf %get3A_792, %div3A_806 : vector<16xf32>
      %mul3A_808 = arith.mulf %mul3A_807, %div3A_806 : vector<16xf32>
      %sub3A_809 = arith.subf %gather3A_797, %gather3A_798 : vector<16xf32>
      %mul3A_810 = arith.mulf %mul3A_808, %sub3A_809 : vector<16xf32>
      %sub3A_811 = arith.subf %mul3A_810, %sub3A_744 : vector<16xf32>
      %add3A_812 = arith.addf %add3A_742, %sub3A_811 : vector<16xf32>
      %sub3A_813 = arith.subf %add3A_812, %add3A_742 : vector<16xf32>
      %sub3A_814 = arith.subf %sub3A_813, %sub3A_811 : vector<16xf32>
      %sub3A_815 = arith.subf %gather3A_799, %gather3A_800 : vector<16xf32>
      %mul3A_816 = arith.mulf %mul3A_807, %sub3A_815 : vector<16xf32>
      %sub3A_817 = arith.subf %mul3A_816, %sub3A_750 : vector<16xf32>
      %add3A_818 = arith.addf %add3A_748, %sub3A_817 : vector<16xf32>
      %sub3A_819 = arith.subf %add3A_818, %add3A_748 : vector<16xf32>
      %sub3A_820 = arith.subf %sub3A_819, %sub3A_817 : vector<16xf32>
      %sub3A_821 = arith.subf %gather3A_801, %gather3A_802 : vector<16xf32>
      %add3A_822 = arith.addf %add3A_752, %sub3A_821 : vector<16xf32>
      %mul3A_823 = arith.constant 16 : i32
      %mul3A_824 = vector.broadcast %mul3A_823 : i32 to vector<16xi32>
      %mul3A_825 = arith.muli %get3A_788, %mul3A_824 : vector<16xi32>
      %add3A_826 = arith.addi %mul3A_825, %iota3A : vector<16xi32>
      %masked_sort3A_827 = arith.constant dense<true> : vector<16xi1>
      %masked_sort3A_828, %masked_sort3A_829, %masked_sort3A_830 = tpu.sort %add3A_826, %iota3A masked %masked_sort3A_827 : (vector<16xi32>, vector<16xi32>, vector<16xi1>) -> (vector<16xi1>, vector<16xi32>, vector<16xi32>)
      %shift_right_logical3A_831 = arith.constant 4 : i32
      %shift_right_logical3A_832 = vector.broadcast %shift_right_logical3A_831 : i32 to vector<16xi32>
      %shift_right_logical3A_833 = arith.shrui %masked_sort3A_829, %shift_right_logical3A_832 : vector<16xi32>
      %broadcast_in_dim3A_834 = vector.shape_cast %min3A_16 : vector<16xi32> to vector<16x1xi32>
      %gather3A_835 = vector.shape_cast %broadcast_in_dim3A_834 : vector<16x1xi32> to vector<16xi32>
      %gather3A_836 = tpu.dynamic_gather %shift_right_logical3A_833[%gather3A_835] in [0] : vector<16xi32>, vector<16xi32> -> vector<16xi32>
      %ne3A_837 = arith.cmpi ne, %shift_right_logical3A_833, %gather3A_836 : vector<16xi32>
      %or3A_838 = arith.ori %ne3A_837, %eq3A_18 : vector<16xi1>
      %broadcast_in_dim3A_839 = vector.shape_cast %masked_sort3A_830 : vector<16xi32> to vector<16x1xi32>
      %gather3A_840 = vector.shape_cast %broadcast_in_dim3A_839 : vector<16x1xi32> to vector<16xi32>
      %gather3A_841 = tpu.dynamic_gather %get3A_796[%gather3A_840] in [0] : vector<16xf32>, vector<16xi32> -> vector<16xf32>
      %bitcast_convert_type3A_842 = tpu.bitcast %gather3A_841 : vector<16xf32> -> vector<16xi32>
      %or3A_843 = arith.constant -2147483648 : i32
      %or3A_844 = vector.broadcast %or3A_843 : i32 to vector<16xi32>
      %or3A_845 = arith.ori %bitcast_convert_type3A_842, %or3A_844 : vector<16xi32>
      %bitcast_convert_type3A_846 = tpu.bitcast %or3A_845 : vector<16xi32> -> vector<16xf32>
      tpu.vector_store_idx %arg14[%shift_right_logical3A_833], %bitcast_convert_type3A_846 masked %or3A_838 : memref<10000xf32, #tpu.memory_space<vmem>>[vector<16xi32>], vector<16xf32>, vector<16xi1>
      scf.yield %add3A_812, %sub3A_814, %add3A_818, %sub3A_820, %add3A_822 : vector<16xf32>, vector<16xf32>, vector<16xf32>, vector<16xf32>, vector<16xf32>
    }
    %scan3A_82 = arith.constant 25 : i32
    %add3A_83 = arith.constant 12000 : i32
    %add3A_84 = arith.addi %mul3A_2, %add3A_83 : i32
    %dma_start3A_85 = tpu.memref_slice %arg3[%add3A_84] : memref<640000xi32, #tpu.memory_space<hbm>> -> memref<4000xi32, #tpu.memory_space<hbm>>
    %dma_start3A_86 = tpu.memref_slice %arg3[%add3A_84] : memref<640000xi32, #tpu.memory_space<hbm>> -> memref<4000xi32, #tpu.memory_space<hbm>>
    tpu.enqueue_dma source(%dma_start3A_86 : memref<4000xi32, #tpu.memory_space<hbm>>) target(%arg16 : memref<4000xi32, #tpu.memory_space<vmem>>) target_semaphore(%arg25 : memref<!tpu.dma_semaphore, #tpu.memory_space<semaphore_mem>>)
    %dma_start3A_87 = tpu.memref_slice %arg4[%add3A_84] : memref<640000xi32, #tpu.memory_space<hbm>> -> memref<4000xi32, #tpu.memory_space<hbm>>
    %dma_start3A_88 = tpu.memref_slice %arg4[%add3A_84] : memref<640000xi32, #tpu.memory_space<hbm>> -> memref<4000xi32, #tpu.memory_space<hbm>>
    tpu.enqueue_dma source(%dma_start3A_88 : memref<4000xi32, #tpu.memory_space<hbm>>) target(%arg18 : memref<4000xi32, #tpu.memory_space<vmem>>) target_semaphore(%arg25 : memref<!tpu.dma_semaphore, #tpu.memory_space<semaphore_mem>>)
    %dma_start3A_89 = tpu.memref_slice %arg5[%add3A_84] : memref<640000xf32, #tpu.memory_space<hbm>> -> memref<4000xf32, #tpu.memory_space<hbm>>
    %dma_start3A_90 = tpu.memref_slice %arg5[%add3A_84] : memref<640000xf32, #tpu.memory_space<hbm>> -> memref<4000xf32, #tpu.memory_space<hbm>>
    tpu.enqueue_dma source(%dma_start3A_90 : memref<4000xf32, #tpu.memory_space<hbm>>) target(%arg20 : memref<4000xf32, #tpu.memory_space<vmem>>) target_semaphore(%arg25 : memref<!tpu.dma_semaphore, #tpu.memory_space<semaphore_mem>>)
    %dma_start3A_91 = tpu.memref_slice %arg6[%add3A_84] : memref<640000xf32, #tpu.memory_space<hbm>> -> memref<4000xf32, #tpu.memory_space<hbm>>
    %dma_start3A_92 = tpu.memref_slice %arg6[%add3A_84] : memref<640000xf32, #tpu.memory_space<hbm>> -> memref<4000xf32, #tpu.memory_space<hbm>>
    tpu.enqueue_dma source(%dma_start3A_92 : memref<4000xf32, #tpu.memory_space<hbm>>) target(%arg22 : memref<4000xf32, #tpu.memory_space<vmem>>) target_semaphore(%arg25 : memref<!tpu.dma_semaphore, #tpu.memory_space<semaphore_mem>>)
    %dma_wait3A_93 = tpu.memref_slice %arg3[%add3A_60] : memref<640000xi32, #tpu.memory_space<hbm>> -> memref<4000xi32, #tpu.memory_space<hbm>>
    %dma_wait3A_94 = tpu.memref_slice %arg3[%add3A_60] : memref<640000xi32, #tpu.memory_space<hbm>> -> memref<4000xi32, #tpu.memory_space<hbm>>
    tpu.wait_dma2 semaphore(%arg24 : memref<!tpu.dma_semaphore, #tpu.memory_space<semaphore_mem>>) src(%dma_wait3A_94 : memref<4000xi32, #tpu.memory_space<hbm>>) dst(%arg15 : memref<4000xi32, #tpu.memory_space<vmem>>)
    %dma_wait3A_95 = tpu.memref_slice %arg4[%add3A_60] : memref<640000xi32, #tpu.memory_space<hbm>> -> memref<4000xi32, #tpu.memory_space<hbm>>
    %dma_wait3A_96 = tpu.memref_slice %arg4[%add3A_60] : memref<640000xi32, #tpu.memory_space<hbm>> -> memref<4000xi32, #tpu.memory_space<hbm>>
    tpu.wait_dma2 semaphore(%arg24 : memref<!tpu.dma_semaphore, #tpu.memory_space<semaphore_mem>>) src(%dma_wait3A_96 : memref<4000xi32, #tpu.memory_space<hbm>>) dst(%arg17 : memref<4000xi32, #tpu.memory_space<vmem>>)
    %dma_wait3A_97 = tpu.memref_slice %arg5[%add3A_60] : memref<640000xf32, #tpu.memory_space<hbm>> -> memref<4000xf32, #tpu.memory_space<hbm>>
    %dma_wait3A_98 = tpu.memref_slice %arg5[%add3A_60] : memref<640000xf32, #tpu.memory_space<hbm>> -> memref<4000xf32, #tpu.memory_space<hbm>>
    tpu.wait_dma2 semaphore(%arg24 : memref<!tpu.dma_semaphore, #tpu.memory_space<semaphore_mem>>) src(%dma_wait3A_98 : memref<4000xf32, #tpu.memory_space<hbm>>) dst(%arg19 : memref<4000xf32, #tpu.memory_space<vmem>>)
    %dma_wait3A_99 = tpu.memref_slice %arg6[%add3A_60] : memref<640000xf32, #tpu.memory_space<hbm>> -> memref<4000xf32, #tpu.memory_space<hbm>>
    %dma_wait3A_100 = tpu.memref_slice %arg6[%add3A_60] : memref<640000xf32, #tpu.memory_space<hbm>> -> memref<4000xf32, #tpu.memory_space<hbm>>
    tpu.wait_dma2 semaphore(%arg24 : memref<!tpu.dma_semaphore, #tpu.memory_space<semaphore_mem>>) src(%dma_wait3A_100 : memref<4000xf32, #tpu.memory_space<hbm>>) dst(%arg21 : memref<4000xf32, #tpu.memory_space<vmem>>)
    %scan3A_101 = arith.constant 0 : i32
    %scan3A_102 = arith.constant 25 : i32
    %scan3A_103 = arith.addi %scan3A_101, %scan3A_102 : i32
    %scan3A_104 = arith.constant 1 : i32
    %scan3A_105:5 = scf.for %scan3A_150 = %scan3A_101 to %scan3A_103 step %scan3A_104 iter_args(%scan3A_151 = %scan3A_81#0, %scan3A_152 = %scan3A_81#1, %scan3A_153 = %scan3A_81#2, %scan3A_154 = %scan3A_81#3, %scan3A_155 = %scan3A_81#4) -> (vector<16xf32>, vector<16xf32>, vector<16xf32>, vector<16xf32>, vector<16xf32>)  : i32 {
      %mul3A_156 = arith.constant 10 : i32
      %mul3A_157 = arith.muli %scan3A_150, %mul3A_156 : i32
      %add3A_158 = arith.constant 0 : i32
      %add3A_159 = arith.addi %mul3A_157, %add3A_158 : i32
      %mul3A_160 = arith.constant 16 : i32
      %mul3A_161 = arith.muli %add3A_159, %mul3A_160 : i32
      %get3A = arith.index_cast %mul3A_161 : i32 to index
      %get3A_162 = tpu.vector_load %arg15[%get3A] {strides = array<i32>} : memref<4000xi32, #tpu.memory_space<vmem>>, vector<16xi32>,
      %mul3A_163 = arith.constant 16 : i32
      %mul3A_164 = arith.muli %add3A_159, %mul3A_163 : i32
      %get3A_165 = arith.index_cast %mul3A_164 : i32 to index
      %get3A_166 = tpu.vector_load %arg17[%get3A_165] {strides = array<i32>} : memref<4000xi32, #tpu.memory_space<vmem>>, vector<16xi32>,
      %mul3A_167 = arith.constant 16 : i32
      %mul3A_168 = arith.muli %add3A_159, %mul3A_167 : i32
      %get3A_169 = arith.index_cast %mul3A_168 : i32 to index
      %get3A_170 = tpu.vector_load %arg19[%get3A_169] {strides = array<i32>} : memref<4000xf32, #tpu.memory_space<vmem>>, vector<16xf32>,
      %mul3A_171 = arith.constant 16 : i32
      %mul3A_172 = arith.muli %add3A_159, %mul3A_171 : i32
      %get3A_173 = arith.index_cast %mul3A_172 : i32 to index
      %get3A_174 = tpu.vector_load %arg21[%get3A_173] {strides = array<i32>} : memref<4000xf32, #tpu.memory_space<vmem>>, vector<16xf32>,
      %gather3A = tpu.vector_load_idx %arg11[%get3A_162] : memref<10000xf32, #tpu.memory_space<vmem>>[vector<16xi32>], vector<16xf32>,
      %gather3A_175 = tpu.vector_load_idx %arg11[%get3A_166] : memref<10000xf32, #tpu.memory_space<vmem>>[vector<16xi32>], vector<16xf32>,
      %gather3A_176 = tpu.vector_load_idx %arg12[%get3A_162] : memref<10000xf32, #tpu.memory_space<vmem>>[vector<16xi32>], vector<16xf32>,
      %gather3A_177 = tpu.vector_load_idx %arg12[%get3A_166] : memref<10000xf32, #tpu.memory_space<vmem>>[vector<16xi32>], vector<16xf32>,
      %gather3A_178 = tpu.vector_load_idx %arg13[%get3A_162] : memref<10000xf32, #tpu.memory_space<vmem>>[vector<16xi32>], vector<16xf32>,
      %gather3A_179 = tpu.vector_load_idx %arg13[%get3A_166] : memref<10000xf32, #tpu.memory_space<vmem>>[vector<16xi32>], vector<16xf32>,
      %mul3A_180 = arith.mulf %get3A_174, %get3A_174 : vector<16xf32>
      %div3A = arith.constant 1.000000e+00 : f32
      %div3A_181 = vector.broadcast %div3A : f32 to vector<16xf32>
      %div3A_182 = arith.divf %div3A_181, %mul3A_180 : vector<16xf32>
      %mul3A_183 = arith.mulf %get3A_170, %div3A_182 : vector<16xf32>
      %mul3A_184 = arith.mulf %mul3A_183, %div3A_182 : vector<16xf32>
      %sub3A = arith.subf %gather3A, %gather3A_175 : vector<16xf32>
      %mul3A_185 = arith.mulf %mul3A_184, %sub3A : vector<16xf32>
      %sub3A_186 = arith.subf %mul3A_185, %scan3A_152 : vector<16xf32>
      %add3A_187 = arith.addf %scan3A_151, %sub3A_186 : vector<16xf32>
      %sub3A_188 = arith.subf %add3A_187, %scan3A_151 : vector<16xf32>
      %sub3A_189 = arith.subf %sub3A_188, %sub3A_186 : vector<16xf32>
      %sub3A_190 = arith.subf %gather3A_176, %gather3A_177 : vector<16xf32>
      %mul3A_191 = arith.mulf %mul3A_183, %sub3A_190 : vector<16xf32>
      %sub3A_192 = arith.subf %mul3A_191, %scan3A_154 : vector<16xf32>
      %add3A_193 = arith.addf %scan3A_153, %sub3A_192 : vector<16xf32>
      %sub3A_194 = arith.subf %add3A_193, %scan3A_153 : vector<16xf32>
      %sub3A_195 = arith.subf %sub3A_194, %sub3A_192 : vector<16xf32>
      %sub3A_196 = arith.subf %gather3A_178, %gather3A_179 : vector<16xf32>
      %add3A_197 = arith.addf %scan3A_155, %sub3A_196 : vector<16xf32>
      %mul3A_198 = arith.constant 16 : i32
      %mul3A_199 = vector.broadcast %mul3A_198 : i32 to vector<16xi32>
      %mul3A_200 = arith.muli %get3A_166, %mul3A_199 : vector<16xi32>
      %add3A_201 = arith.addi %mul3A_200, %iota3A : vector<16xi32>
      %masked_sort3A = arith.constant dense<true> : vector<16xi1>
      %masked_sort3A_202, %masked_sort3A_203, %masked_sort3A_204 = tpu.sort %add3A_201, %iota3A masked %masked_sort3A : (vector<16xi32>, vector<16xi32>, vector<16xi1>) -> (vector<16xi1>, vector<16xi32>, vector<16xi32>)
      %shift_right_logical3A = arith.constant 4 : i32
      %shift_right_logical3A_205 = vector.broadcast %shift_right_logical3A : i32 to vector<16xi32>
      %shift_right_logical3A_206 = arith.shrui %masked_sort3A_203, %shift_right_logical3A_205 : vector<16xi32>
      %broadcast_in_dim3A_207 = vector.shape_cast %min3A_16 : vector<16xi32> to vector<16x1xi32>
      %gather3A_208 = vector.shape_cast %broadcast_in_dim3A_207 : vector<16x1xi32> to vector<16xi32>
      %gather3A_209 = tpu.dynamic_gather %shift_right_logical3A_206[%gather3A_208] in [0] : vector<16xi32>, vector<16xi32> -> vector<16xi32>
      %ne3A = arith.cmpi ne, %shift_right_logical3A_206, %gather3A_209 : vector<16xi32>
      %or3A = arith.ori %ne3A, %eq3A_18 : vector<16xi1>
      %broadcast_in_dim3A_210 = vector.shape_cast %masked_sort3A_204 : vector<16xi32> to vector<16x1xi32>
      %gather3A_211 = vector.shape_cast %broadcast_in_dim3A_210 : vector<16x1xi32> to vector<16xi32>
      %gather3A_212 = tpu.dynamic_gather %get3A_174[%gather3A_211] in [0] : vector<16xf32>, vector<16xi32> -> vector<16xf32>
      %bitcast_convert_type3A = tpu.bitcast %gather3A_212 : vector<16xf32> -> vector<16xi32>
      %or3A_213 = arith.constant -2147483648 : i32
      %or3A_214 = vector.broadcast %or3A_213 : i32 to vector<16xi32>
      %or3A_215 = arith.ori %bitcast_convert_type3A, %or3A_214 : vector<16xi32>
      %bitcast_convert_type3A_216 = tpu.bitcast %or3A_215 : vector<16xi32> -> vector<16xf32>
      tpu.vector_store_idx %arg14[%shift_right_logical3A_206], %bitcast_convert_type3A_216 masked %or3A : memref<10000xf32, #tpu.memory_space<vmem>>[vector<16xi32>], vector<16xf32>, vector<16xi1>
      %mul3A_217 = arith.constant 10 : i32
      %mul3A_218 = arith.muli %scan3A_150, %mul3A_217 : i32
      %add3A_219 = arith.constant 1 : i32
      %add3A_220 = arith.addi %mul3A_218, %add3A_219 : i32
      %mul3A_221 = arith.constant 16 : i32
      %mul3A_222 = arith.muli %add3A_220, %mul3A_221 : i32
      %get3A_223 = arith.index_cast %mul3A_222 : i32 to index
      %get3A_224 = tpu.vector_load %arg15[%get3A_223] {strides = array<i32>} : memref<4000xi32, #tpu.memory_space<vmem>>, vector<16xi32>,
      %mul3A_225 = arith.constant 16 : i32
      %mul3A_226 = arith.muli %add3A_220, %mul3A_225 : i32
      %get3A_227 = arith.index_cast %mul3A_226 : i32 to index
      %get3A_228 = tpu.vector_load %arg17[%get3A_227] {strides = array<i32>} : memref<4000xi32, #tpu.memory_space<vmem>>, vector<16xi32>,
      %mul3A_229 = arith.constant 16 : i32
      %mul3A_230 = arith.muli %add3A_220, %mul3A_229 : i32
      %get3A_231 = arith.index_cast %mul3A_230 : i32 to index
      %get3A_232 = tpu.vector_load %arg19[%get3A_231] {strides = array<i32>} : memref<4000xf32, #tpu.memory_space<vmem>>, vector<16xf32>,
      %mul3A_233 = arith.constant 16 : i32
      %mul3A_234 = arith.muli %add3A_220, %mul3A_233 : i32
      %get3A_235 = arith.index_cast %mul3A_234 : i32 to index
      %get3A_236 = tpu.vector_load %arg21[%get3A_235] {strides = array<i32>} : memref<4000xf32, #tpu.memory_space<vmem>>, vector<16xf32>,
      %gather3A_237 = tpu.vector_load_idx %arg11[%get3A_224] : memref<10000xf32, #tpu.memory_space<vmem>>[vector<16xi32>], vector<16xf32>,
      %gather3A_238 = tpu.vector_load_idx %arg11[%get3A_228] : memref<10000xf32, #tpu.memory_space<vmem>>[vector<16xi32>], vector<16xf32>,
      %gather3A_239 = tpu.vector_load_idx %arg12[%get3A_224] : memref<10000xf32, #tpu.memory_space<vmem>>[vector<16xi32>], vector<16xf32>,
      %gather3A_240 = tpu.vector_load_idx %arg12[%get3A_228] : memref<10000xf32, #tpu.memory_space<vmem>>[vector<16xi32>], vector<16xf32>,
      %gather3A_241 = tpu.vector_load_idx %arg13[%get3A_224] : memref<10000xf32, #tpu.memory_space<vmem>>[vector<16xi32>], vector<16xf32>,
      %gather3A_242 = tpu.vector_load_idx %arg13[%get3A_228] : memref<10000xf32, #tpu.memory_space<vmem>>[vector<16xi32>], vector<16xf32>,
      %mul3A_243 = arith.mulf %get3A_236, %get3A_236 : vector<16xf32>
      %div3A_244 = arith.constant 1.000000e+00 : f32
      %div3A_245 = vector.broadcast %div3A_244 : f32 to vector<16xf32>
      %div3A_246 = arith.divf %div3A_245, %mul3A_243 : vector<16xf32>
      %mul3A_247 = arith.mulf %get3A_232, %div3A_246 : vector<16xf32>
      %mul3A_248 = arith.mulf %mul3A_247, %div3A_246 : vector<16xf32>
      %sub3A_249 = arith.subf %gather3A_237, %gather3A_238 : vector<16xf32>
      %mul3A_250 = arith.mulf %mul3A_248, %sub3A_249 : vector<16xf32>
      %sub3A_251 = arith.subf %mul3A_250, %sub3A_189 : vector<16xf32>
      %add3A_252 = arith.addf %add3A_187, %sub3A_251 : vector<16xf32>
      %sub3A_253 = arith.subf %add3A_252, %add3A_187 : vector<16xf32>
      %sub3A_254 = arith.subf %sub3A_253, %sub3A_251 : vector<16xf32>
      %sub3A_255 = arith.subf %gather3A_239, %gather3A_240 : vector<16xf32>
      %mul3A_256 = arith.mulf %mul3A_247, %sub3A_255 : vector<16xf32>
      %sub3A_257 = arith.subf %mul3A_256, %sub3A_195 : vector<16xf32>
      %add3A_258 = arith.addf %add3A_193, %sub3A_257 : vector<16xf32>
      %sub3A_259 = arith.subf %add3A_258, %add3A_193 : vector<16xf32>
      %sub3A_260 = arith.subf %sub3A_259, %sub3A_257 : vector<16xf32>
      %sub3A_261 = arith.subf %gather3A_241, %gather3A_242 : vector<16xf32>
      %add3A_262 = arith.addf %add3A_197, %sub3A_261 : vector<16xf32>
      %mul3A_263 = arith.constant 16 : i32
      %mul3A_264 = vector.broadcast %mul3A_263 : i32 to vector<16xi32>
      %mul3A_265 = arith.muli %get3A_228, %mul3A_264 : vector<16xi32>
      %add3A_266 = arith.addi %mul3A_265, %iota3A : vector<16xi32>
      %masked_sort3A_267 = arith.constant dense<true> : vector<16xi1>
      %masked_sort3A_268, %masked_sort3A_269, %masked_sort3A_270 = tpu.sort %add3A_266, %iota3A masked %masked_sort3A_267 : (vector<16xi32>, vector<16xi32>, vector<16xi1>) -> (vector<16xi1>, vector<16xi32>, vector<16xi32>)
      %shift_right_logical3A_271 = arith.constant 4 : i32
      %shift_right_logical3A_272 = vector.broadcast %shift_right_logical3A_271 : i32 to vector<16xi32>
      %shift_right_logical3A_273 = arith.shrui %masked_sort3A_269, %shift_right_logical3A_272 : vector<16xi32>
      %broadcast_in_dim3A_274 = vector.shape_cast %min3A_16 : vector<16xi32> to vector<16x1xi32>
      %gather3A_275 = vector.shape_cast %broadcast_in_dim3A_274 : vector<16x1xi32> to vector<16xi32>
      %gather3A_276 = tpu.dynamic_gather %shift_right_logical3A_273[%gather3A_275] in [0] : vector<16xi32>, vector<16xi32> -> vector<16xi32>
      %ne3A_277 = arith.cmpi ne, %shift_right_logical3A_273, %gather3A_276 : vector<16xi32>
      %or3A_278 = arith.ori %ne3A_277, %eq3A_18 : vector<16xi1>
      %broadcast_in_dim3A_279 = vector.shape_cast %masked_sort3A_270 : vector<16xi32> to vector<16x1xi32>
      %gather3A_280 = vector.shape_cast %broadcast_in_dim3A_279 : vector<16x1xi32> to vector<16xi32>
      %gather3A_281 = tpu.dynamic_gather %get3A_236[%gather3A_280] in [0] : vector<16xf32>, vector<16xi32> -> vector<16xf32>
      %bitcast_convert_type3A_282 = tpu.bitcast %gather3A_281 : vector<16xf32> -> vector<16xi32>
      %or3A_283 = arith.constant -2147483648 : i32
      %or3A_284 = vector.broadcast %or3A_283 : i32 to vector<16xi32>
      %or3A_285 = arith.ori %bitcast_convert_type3A_282, %or3A_284 : vector<16xi32>
      %bitcast_convert_type3A_286 = tpu.bitcast %or3A_285 : vector<16xi32> -> vector<16xf32>
      tpu.vector_store_idx %arg14[%shift_right_logical3A_273], %bitcast_convert_type3A_286 masked %or3A_278 : memref<10000xf32, #tpu.memory_space<vmem>>[vector<16xi32>], vector<16xf32>, vector<16xi1>
      %mul3A_287 = arith.constant 10 : i32
      %mul3A_288 = arith.muli %scan3A_150, %mul3A_287 : i32
      %add3A_289 = arith.constant 2 : i32
      %add3A_290 = arith.addi %mul3A_288, %add3A_289 : i32
      %mul3A_291 = arith.constant 16 : i32
      %mul3A_292 = arith.muli %add3A_290, %mul3A_291 : i32
      %get3A_293 = arith.index_cast %mul3A_292 : i32 to index
      %get3A_294 = tpu.vector_load %arg15[%get3A_293] {strides = array<i32>} : memref<4000xi32, #tpu.memory_space<vmem>>, vector<16xi32>,
      %mul3A_295 = arith.constant 16 : i32
      %mul3A_296 = arith.muli %add3A_290, %mul3A_295 : i32
      %get3A_297 = arith.index_cast %mul3A_296 : i32 to index
      %get3A_298 = tpu.vector_load %arg17[%get3A_297] {strides = array<i32>} : memref<4000xi32, #tpu.memory_space<vmem>>, vector<16xi32>,
      %mul3A_299 = arith.constant 16 : i32
      %mul3A_300 = arith.muli %add3A_290, %mul3A_299 : i32
      %get3A_301 = arith.index_cast %mul3A_300 : i32 to index
      %get3A_302 = tpu.vector_load %arg19[%get3A_301] {strides = array<i32>} : memref<4000xf32, #tpu.memory_space<vmem>>, vector<16xf32>,
      %mul3A_303 = arith.constant 16 : i32
      %mul3A_304 = arith.muli %add3A_290, %mul3A_303 : i32
      %get3A_305 = arith.index_cast %mul3A_304 : i32 to index
      %get3A_306 = tpu.vector_load %arg21[%get3A_305] {strides = array<i32>} : memref<4000xf32, #tpu.memory_space<vmem>>, vector<16xf32>,
      %gather3A_307 = tpu.vector_load_idx %arg11[%get3A_294] : memref<10000xf32, #tpu.memory_space<vmem>>[vector<16xi32>], vector<16xf32>,
      %gather3A_308 = tpu.vector_load_idx %arg11[%get3A_298] : memref<10000xf32, #tpu.memory_space<vmem>>[vector<16xi32>], vector<16xf32>,
      %gather3A_309 = tpu.vector_load_idx %arg12[%get3A_294] : memref<10000xf32, #tpu.memory_space<vmem>>[vector<16xi32>], vector<16xf32>,
      %gather3A_310 = tpu.vector_load_idx %arg12[%get3A_298] : memref<10000xf32, #tpu.memory_space<vmem>>[vector<16xi32>], vector<16xf32>,
      %gather3A_311 = tpu.vector_load_idx %arg13[%get3A_294] : memref<10000xf32, #tpu.memory_space<vmem>>[vector<16xi32>], vector<16xf32>,
      %gather3A_312 = tpu.vector_load_idx %arg13[%get3A_298] : memref<10000xf32, #tpu.memory_space<vmem>>[vector<16xi32>], vector<16xf32>,
      %mul3A_313 = arith.mulf %get3A_306, %get3A_306 : vector<16xf32>
      %div3A_314 = arith.constant 1.000000e+00 : f32
      %div3A_315 = vector.broadcast %div3A_314 : f32 to vector<16xf32>
      %div3A_316 = arith.divf %div3A_315, %mul3A_313 : vector<16xf32>
      %mul3A_317 = arith.mulf %get3A_302, %div3A_316 : vector<16xf32>
      %mul3A_318 = arith.mulf %mul3A_317, %div3A_316 : vector<16xf32>
      %sub3A_319 = arith.subf %gather3A_307, %gather3A_308 : vector<16xf32>
      %mul3A_320 = arith.mulf %mul3A_318, %sub3A_319 : vector<16xf32>
      %sub3A_321 = arith.subf %mul3A_320, %sub3A_254 : vector<16xf32>
      %add3A_322 = arith.addf %add3A_252, %sub3A_321 : vector<16xf32>
      %sub3A_323 = arith.subf %add3A_322, %add3A_252 : vector<16xf32>
      %sub3A_324 = arith.subf %sub3A_323, %sub3A_321 : vector<16xf32>
      %sub3A_325 = arith.subf %gather3A_309, %gather3A_310 : vector<16xf32>
      %mul3A_326 = arith.mulf %mul3A_317, %sub3A_325 : vector<16xf32>
      %sub3A_327 = arith.subf %mul3A_326, %sub3A_260 : vector<16xf32>
      %add3A_328 = arith.addf %add3A_258, %sub3A_327 : vector<16xf32>
      %sub3A_329 = arith.subf %add3A_328, %add3A_258 : vector<16xf32>
      %sub3A_330 = arith.subf %sub3A_329, %sub3A_327 : vector<16xf32>
      %sub3A_331 = arith.subf %gather3A_311, %gather3A_312 : vector<16xf32>
      %add3A_332 = arith.addf %add3A_262, %sub3A_331 : vector<16xf32>
      %mul3A_333 = arith.constant 16 : i32
      %mul3A_334 = vector.broadcast %mul3A_333 : i32 to vector<16xi32>
      %mul3A_335 = arith.muli %get3A_298, %mul3A_334 : vector<16xi32>
      %add3A_336 = arith.addi %mul3A_335, %iota3A : vector<16xi32>
      %masked_sort3A_337 = arith.constant dense<true> : vector<16xi1>
      %masked_sort3A_338, %masked_sort3A_339, %masked_sort3A_340 = tpu.sort %add3A_336, %iota3A masked %masked_sort3A_337 : (vector<16xi32>, vector<16xi32>, vector<16xi1>) -> (vector<16xi1>, vector<16xi32>, vector<16xi32>)
      %shift_right_logical3A_341 = arith.constant 4 : i32
      %shift_right_logical3A_342 = vector.broadcast %shift_right_logical3A_341 : i32 to vector<16xi32>
      %shift_right_logical3A_343 = arith.shrui %masked_sort3A_339, %shift_right_logical3A_342 : vector<16xi32>
      %broadcast_in_dim3A_344 = vector.shape_cast %min3A_16 : vector<16xi32> to vector<16x1xi32>
      %gather3A_345 = vector.shape_cast %broadcast_in_dim3A_344 : vector<16x1xi32> to vector<16xi32>
      %gather3A_346 = tpu.dynamic_gather %shift_right_logical3A_343[%gather3A_345] in [0] : vector<16xi32>, vector<16xi32> -> vector<16xi32>
      %ne3A_347 = arith.cmpi ne, %shift_right_logical3A_343, %gather3A_346 : vector<16xi32>
      %or3A_348 = arith.ori %ne3A_347, %eq3A_18 : vector<16xi1>
      %broadcast_in_dim3A_349 = vector.shape_cast %masked_sort3A_340 : vector<16xi32> to vector<16x1xi32>
      %gather3A_350 = vector.shape_cast %broadcast_in_dim3A_349 : vector<16x1xi32> to vector<16xi32>
      %gather3A_351 = tpu.dynamic_gather %get3A_306[%gather3A_350] in [0] : vector<16xf32>, vector<16xi32> -> vector<16xf32>
      %bitcast_convert_type3A_352 = tpu.bitcast %gather3A_351 : vector<16xf32> -> vector<16xi32>
      %or3A_353 = arith.constant -2147483648 : i32
      %or3A_354 = vector.broadcast %or3A_353 : i32 to vector<16xi32>
      %or3A_355 = arith.ori %bitcast_convert_type3A_352, %or3A_354 : vector<16xi32>
      %bitcast_convert_type3A_356 = tpu.bitcast %or3A_355 : vector<16xi32> -> vector<16xf32>
      tpu.vector_store_idx %arg14[%shift_right_logical3A_343], %bitcast_convert_type3A_356 masked %or3A_348 : memref<10000xf32, #tpu.memory_space<vmem>>[vector<16xi32>], vector<16xf32>, vector<16xi1>
      %mul3A_357 = arith.constant 10 : i32
      %mul3A_358 = arith.muli %scan3A_150, %mul3A_357 : i32
      %add3A_359 = arith.constant 3 : i32
      %add3A_360 = arith.addi %mul3A_358, %add3A_359 : i32
      %mul3A_361 = arith.constant 16 : i32
      %mul3A_362 = arith.muli %add3A_360, %mul3A_361 : i32
      %get3A_363 = arith.index_cast %mul3A_362 : i32 to index
      %get3A_364 = tpu.vector_load %arg15[%get3A_363] {strides = array<i32>} : memref<4000xi32, #tpu.memory_space<vmem>>, vector<16xi32>,
      %mul3A_365 = arith.constant 16 : i32
      %mul3A_366 = arith.muli %add3A_360, %mul3A_365 : i32
      %get3A_367 = arith.index_cast %mul3A_366 : i32 to index
      %get3A_368 = tpu.vector_load %arg17[%get3A_367] {strides = array<i32>} : memref<4000xi32, #tpu.memory_space<vmem>>, vector<16xi32>,
      %mul3A_369 = arith.constant 16 : i32
      %mul3A_370 = arith.muli %add3A_360, %mul3A_369 : i32
      %get3A_371 = arith.index_cast %mul3A_370 : i32 to index
      %get3A_372 = tpu.vector_load %arg19[%get3A_371] {strides = array<i32>} : memref<4000xf32, #tpu.memory_space<vmem>>, vector<16xf32>,
      %mul3A_373 = arith.constant 16 : i32
      %mul3A_374 = arith.muli %add3A_360, %mul3A_373 : i32
      %get3A_375 = arith.index_cast %mul3A_374 : i32 to index
      %get3A_376 = tpu.vector_load %arg21[%get3A_375] {strides = array<i32>} : memref<4000xf32, #tpu.memory_space<vmem>>, vector<16xf32>,
      %gather3A_377 = tpu.vector_load_idx %arg11[%get3A_364] : memref<10000xf32, #tpu.memory_space<vmem>>[vector<16xi32>], vector<16xf32>,
      %gather3A_378 = tpu.vector_load_idx %arg11[%get3A_368] : memref<10000xf32, #tpu.memory_space<vmem>>[vector<16xi32>], vector<16xf32>,
      %gather3A_379 = tpu.vector_load_idx %arg12[%get3A_364] : memref<10000xf32, #tpu.memory_space<vmem>>[vector<16xi32>], vector<16xf32>,
      %gather3A_380 = tpu.vector_load_idx %arg12[%get3A_368] : memref<10000xf32, #tpu.memory_space<vmem>>[vector<16xi32>], vector<16xf32>,
      %gather3A_381 = tpu.vector_load_idx %arg13[%get3A_364] : memref<10000xf32, #tpu.memory_space<vmem>>[vector<16xi32>], vector<16xf32>,
      %gather3A_382 = tpu.vector_load_idx %arg13[%get3A_368] : memref<10000xf32, #tpu.memory_space<vmem>>[vector<16xi32>], vector<16xf32>,
      %mul3A_383 = arith.mulf %get3A_376, %get3A_376 : vector<16xf32>
      %div3A_384 = arith.constant 1.000000e+00 : f32
      %div3A_385 = vector.broadcast %div3A_384 : f32 to vector<16xf32>
      %div3A_386 = arith.divf %div3A_385, %mul3A_383 : vector<16xf32>
      %mul3A_387 = arith.mulf %get3A_372, %div3A_386 : vector<16xf32>
      %mul3A_388 = arith.mulf %mul3A_387, %div3A_386 : vector<16xf32>
      %sub3A_389 = arith.subf %gather3A_377, %gather3A_378 : vector<16xf32>
      %mul3A_390 = arith.mulf %mul3A_388, %sub3A_389 : vector<16xf32>
      %sub3A_391 = arith.subf %mul3A_390, %sub3A_324 : vector<16xf32>
      %add3A_392 = arith.addf %add3A_322, %sub3A_391 : vector<16xf32>
      %sub3A_393 = arith.subf %add3A_392, %add3A_322 : vector<16xf32>
      %sub3A_394 = arith.subf %sub3A_393, %sub3A_391 : vector<16xf32>
      %sub3A_395 = arith.subf %gather3A_379, %gather3A_380 : vector<16xf32>
      %mul3A_396 = arith.mulf %mul3A_387, %sub3A_395 : vector<16xf32>
      %sub3A_397 = arith.subf %mul3A_396, %sub3A_330 : vector<16xf32>
      %add3A_398 = arith.addf %add3A_328, %sub3A_397 : vector<16xf32>
      %sub3A_399 = arith.subf %add3A_398, %add3A_328 : vector<16xf32>
      %sub3A_400 = arith.subf %sub3A_399, %sub3A_397 : vector<16xf32>
      %sub3A_401 = arith.subf %gather3A_381, %gather3A_382 : vector<16xf32>
      %add3A_402 = arith.addf %add3A_332, %sub3A_401 : vector<16xf32>
      %mul3A_403 = arith.constant 16 : i32
      %mul3A_404 = vector.broadcast %mul3A_403 : i32 to vector<16xi32>
      %mul3A_405 = arith.muli %get3A_368, %mul3A_404 : vector<16xi32>
      %add3A_406 = arith.addi %mul3A_405, %iota3A : vector<16xi32>
      %masked_sort3A_407 = arith.constant dense<true> : vector<16xi1>
      %masked_sort3A_408, %masked_sort3A_409, %masked_sort3A_410 = tpu.sort %add3A_406, %iota3A masked %masked_sort3A_407 : (vector<16xi32>, vector<16xi32>, vector<16xi1>) -> (vector<16xi1>, vector<16xi32>, vector<16xi32>)
      %shift_right_logical3A_411 = arith.constant 4 : i32
      %shift_right_logical3A_412 = vector.broadcast %shift_right_logical3A_411 : i32 to vector<16xi32>
      %shift_right_logical3A_413 = arith.shrui %masked_sort3A_409, %shift_right_logical3A_412 : vector<16xi32>
      %broadcast_in_dim3A_414 = vector.shape_cast %min3A_16 : vector<16xi32> to vector<16x1xi32>
      %gather3A_415 = vector.shape_cast %broadcast_in_dim3A_414 : vector<16x1xi32> to vector<16xi32>
      %gather3A_416 = tpu.dynamic_gather %shift_right_logical3A_413[%gather3A_415] in [0] : vector<16xi32>, vector<16xi32> -> vector<16xi32>
      %ne3A_417 = arith.cmpi ne, %shift_right_logical3A_413, %gather3A_416 : vector<16xi32>
      %or3A_418 = arith.ori %ne3A_417, %eq3A_18 : vector<16xi1>
      %broadcast_in_dim3A_419 = vector.shape_cast %masked_sort3A_410 : vector<16xi32> to vector<16x1xi32>
      %gather3A_420 = vector.shape_cast %broadcast_in_dim3A_419 : vector<16x1xi32> to vector<16xi32>
      %gather3A_421 = tpu.dynamic_gather %get3A_376[%gather3A_420] in [0] : vector<16xf32>, vector<16xi32> -> vector<16xf32>
      %bitcast_convert_type3A_422 = tpu.bitcast %gather3A_421 : vector<16xf32> -> vector<16xi32>
      %or3A_423 = arith.constant -2147483648 : i32
      %or3A_424 = vector.broadcast %or3A_423 : i32 to vector<16xi32>
      %or3A_425 = arith.ori %bitcast_convert_type3A_422, %or3A_424 : vector<16xi32>
      %bitcast_convert_type3A_426 = tpu.bitcast %or3A_425 : vector<16xi32> -> vector<16xf32>
      tpu.vector_store_idx %arg14[%shift_right_logical3A_413], %bitcast_convert_type3A_426 masked %or3A_418 : memref<10000xf32, #tpu.memory_space<vmem>>[vector<16xi32>], vector<16xf32>, vector<16xi1>
      %mul3A_427 = arith.constant 10 : i32
      %mul3A_428 = arith.muli %scan3A_150, %mul3A_427 : i32
      %add3A_429 = arith.constant 4 : i32
      %add3A_430 = arith.addi %mul3A_428, %add3A_429 : i32
      %mul3A_431 = arith.constant 16 : i32
      %mul3A_432 = arith.muli %add3A_430, %mul3A_431 : i32
      %get3A_433 = arith.index_cast %mul3A_432 : i32 to index
      %get3A_434 = tpu.vector_load %arg15[%get3A_433] {strides = array<i32>} : memref<4000xi32, #tpu.memory_space<vmem>>, vector<16xi32>,
      %mul3A_435 = arith.constant 16 : i32
      %mul3A_436 = arith.muli %add3A_430, %mul3A_435 : i32
      %get3A_437 = arith.index_cast %mul3A_436 : i32 to index
      %get3A_438 = tpu.vector_load %arg17[%get3A_437] {strides = array<i32>} : memref<4000xi32, #tpu.memory_space<vmem>>, vector<16xi32>,
      %mul3A_439 = arith.constant 16 : i32
      %mul3A_440 = arith.muli %add3A_430, %mul3A_439 : i32
      %get3A_441 = arith.index_cast %mul3A_440 : i32 to index
      %get3A_442 = tpu.vector_load %arg19[%get3A_441] {strides = array<i32>} : memref<4000xf32, #tpu.memory_space<vmem>>, vector<16xf32>,
      %mul3A_443 = arith.constant 16 : i32
      %mul3A_444 = arith.muli %add3A_430, %mul3A_443 : i32
      %get3A_445 = arith.index_cast %mul3A_444 : i32 to index
      %get3A_446 = tpu.vector_load %arg21[%get3A_445] {strides = array<i32>} : memref<4000xf32, #tpu.memory_space<vmem>>, vector<16xf32>,
      %gather3A_447 = tpu.vector_load_idx %arg11[%get3A_434] : memref<10000xf32, #tpu.memory_space<vmem>>[vector<16xi32>], vector<16xf32>,
      %gather3A_448 = tpu.vector_load_idx %arg11[%get3A_438] : memref<10000xf32, #tpu.memory_space<vmem>>[vector<16xi32>], vector<16xf32>,
      %gather3A_449 = tpu.vector_load_idx %arg12[%get3A_434] : memref<10000xf32, #tpu.memory_space<vmem>>[vector<16xi32>], vector<16xf32>,
      %gather3A_450 = tpu.vector_load_idx %arg12[%get3A_438] : memref<10000xf32, #tpu.memory_space<vmem>>[vector<16xi32>], vector<16xf32>,
      %gather3A_451 = tpu.vector_load_idx %arg13[%get3A_434] : memref<10000xf32, #tpu.memory_space<vmem>>[vector<16xi32>], vector<16xf32>,
      %gather3A_452 = tpu.vector_load_idx %arg13[%get3A_438] : memref<10000xf32, #tpu.memory_space<vmem>>[vector<16xi32>], vector<16xf32>,
      %mul3A_453 = arith.mulf %get3A_446, %get3A_446 : vector<16xf32>
      %div3A_454 = arith.constant 1.000000e+00 : f32
      %div3A_455 = vector.broadcast %div3A_454 : f32 to vector<16xf32>
      %div3A_456 = arith.divf %div3A_455, %mul3A_453 : vector<16xf32>
      %mul3A_457 = arith.mulf %get3A_442, %div3A_456 : vector<16xf32>
      %mul3A_458 = arith.mulf %mul3A_457, %div3A_456 : vector<16xf32>
      %sub3A_459 = arith.subf %gather3A_447, %gather3A_448 : vector<16xf32>
      %mul3A_460 = arith.mulf %mul3A_458, %sub3A_459 : vector<16xf32>
      %sub3A_461 = arith.subf %mul3A_460, %sub3A_394 : vector<16xf32>
      %add3A_462 = arith.addf %add3A_392, %sub3A_461 : vector<16xf32>
      %sub3A_463 = arith.subf %add3A_462, %add3A_392 : vector<16xf32>
      %sub3A_464 = arith.subf %sub3A_463, %sub3A_461 : vector<16xf32>
      %sub3A_465 = arith.subf %gather3A_449, %gather3A_450 : vector<16xf32>
      %mul3A_466 = arith.mulf %mul3A_457, %sub3A_465 : vector<16xf32>
      %sub3A_467 = arith.subf %mul3A_466, %sub3A_400 : vector<16xf32>
      %add3A_468 = arith.addf %add3A_398, %sub3A_467 : vector<16xf32>
      %sub3A_469 = arith.subf %add3A_468, %add3A_398 : vector<16xf32>
      %sub3A_470 = arith.subf %sub3A_469, %sub3A_467 : vector<16xf32>
      %sub3A_471 = arith.subf %gather3A_451, %gather3A_452 : vector<16xf32>
      %add3A_472 = arith.addf %add3A_402, %sub3A_471 : vector<16xf32>
      %mul3A_473 = arith.constant 16 : i32
      %mul3A_474 = vector.broadcast %mul3A_473 : i32 to vector<16xi32>
      %mul3A_475 = arith.muli %get3A_438, %mul3A_474 : vector<16xi32>
      %add3A_476 = arith.addi %mul3A_475, %iota3A : vector<16xi32>
      %masked_sort3A_477 = arith.constant dense<true> : vector<16xi1>
      %masked_sort3A_478, %masked_sort3A_479, %masked_sort3A_480 = tpu.sort %add3A_476, %iota3A masked %masked_sort3A_477 : (vector<16xi32>, vector<16xi32>, vector<16xi1>) -> (vector<16xi1>, vector<16xi32>, vector<16xi32>)
      %shift_right_logical3A_481 = arith.constant 4 : i32
      %shift_right_logical3A_482 = vector.broadcast %shift_right_logical3A_481 : i32 to vector<16xi32>
      %shift_right_logical3A_483 = arith.shrui %masked_sort3A_479, %shift_right_logical3A_482 : vector<16xi32>
      %broadcast_in_dim3A_484 = vector.shape_cast %min3A_16 : vector<16xi32> to vector<16x1xi32>
      %gather3A_485 = vector.shape_cast %broadcast_in_dim3A_484 : vector<16x1xi32> to vector<16xi32>
      %gather3A_486 = tpu.dynamic_gather %shift_right_logical3A_483[%gather3A_485] in [0] : vector<16xi32>, vector<16xi32> -> vector<16xi32>
      %ne3A_487 = arith.cmpi ne, %shift_right_logical3A_483, %gather3A_486 : vector<16xi32>
      %or3A_488 = arith.ori %ne3A_487, %eq3A_18 : vector<16xi1>
      %broadcast_in_dim3A_489 = vector.shape_cast %masked_sort3A_480 : vector<16xi32> to vector<16x1xi32>
      %gather3A_490 = vector.shape_cast %broadcast_in_dim3A_489 : vector<16x1xi32> to vector<16xi32>
      %gather3A_491 = tpu.dynamic_gather %get3A_446[%gather3A_490] in [0] : vector<16xf32>, vector<16xi32> -> vector<16xf32>
      %bitcast_convert_type3A_492 = tpu.bitcast %gather3A_491 : vector<16xf32> -> vector<16xi32>
      %or3A_493 = arith.constant -2147483648 : i32
      %or3A_494 = vector.broadcast %or3A_493 : i32 to vector<16xi32>
      %or3A_495 = arith.ori %bitcast_convert_type3A_492, %or3A_494 : vector<16xi32>
      %bitcast_convert_type3A_496 = tpu.bitcast %or3A_495 : vector<16xi32> -> vector<16xf32>
      tpu.vector_store_idx %arg14[%shift_right_logical3A_483], %bitcast_convert_type3A_496 masked %or3A_488 : memref<10000xf32, #tpu.memory_space<vmem>>[vector<16xi32>], vector<16xf32>, vector<16xi1>
      %mul3A_497 = arith.constant 10 : i32
      %mul3A_498 = arith.muli %scan3A_150, %mul3A_497 : i32
      %add3A_499 = arith.constant 5 : i32
      %add3A_500 = arith.addi %mul3A_498, %add3A_499 : i32
      %mul3A_501 = arith.constant 16 : i32
      %mul3A_502 = arith.muli %add3A_500, %mul3A_501 : i32
      %get3A_503 = arith.index_cast %mul3A_502 : i32 to index
      %get3A_504 = tpu.vector_load %arg15[%get3A_503] {strides = array<i32>} : memref<4000xi32, #tpu.memory_space<vmem>>, vector<16xi32>,
      %mul3A_505 = arith.constant 16 : i32
      %mul3A_506 = arith.muli %add3A_500, %mul3A_505 : i32
      %get3A_507 = arith.index_cast %mul3A_506 : i32 to index
      %get3A_508 = tpu.vector_load %arg17[%get3A_507] {strides = array<i32>} : memref<4000xi32, #tpu.memory_space<vmem>>, vector<16xi32>,
      %mul3A_509 = arith.constant 16 : i32
      %mul3A_510 = arith.muli %add3A_500, %mul3A_509 : i32
      %get3A_511 = arith.index_cast %mul3A_510 : i32 to index
      %get3A_512 = tpu.vector_load %arg19[%get3A_511] {strides = array<i32>} : memref<4000xf32, #tpu.memory_space<vmem>>, vector<16xf32>,
      %mul3A_513 = arith.constant 16 : i32
      %mul3A_514 = arith.muli %add3A_500, %mul3A_513 : i32
      %get3A_515 = arith.index_cast %mul3A_514 : i32 to index
      %get3A_516 = tpu.vector_load %arg21[%get3A_515] {strides = array<i32>} : memref<4000xf32, #tpu.memory_space<vmem>>, vector<16xf32>,
      %gather3A_517 = tpu.vector_load_idx %arg11[%get3A_504] : memref<10000xf32, #tpu.memory_space<vmem>>[vector<16xi32>], vector<16xf32>,
      %gather3A_518 = tpu.vector_load_idx %arg11[%get3A_508] : memref<10000xf32, #tpu.memory_space<vmem>>[vector<16xi32>], vector<16xf32>,
      %gather3A_519 = tpu.vector_load_idx %arg12[%get3A_504] : memref<10000xf32, #tpu.memory_space<vmem>>[vector<16xi32>], vector<16xf32>,
      %gather3A_520 = tpu.vector_load_idx %arg12[%get3A_508] : memref<10000xf32, #tpu.memory_space<vmem>>[vector<16xi32>], vector<16xf32>,
      %gather3A_521 = tpu.vector_load_idx %arg13[%get3A_504] : memref<10000xf32, #tpu.memory_space<vmem>>[vector<16xi32>], vector<16xf32>,
      %gather3A_522 = tpu.vector_load_idx %arg13[%get3A_508] : memref<10000xf32, #tpu.memory_space<vmem>>[vector<16xi32>], vector<16xf32>,
      %mul3A_523 = arith.mulf %get3A_516, %get3A_516 : vector<16xf32>
      %div3A_524 = arith.constant 1.000000e+00 : f32
      %div3A_525 = vector.broadcast %div3A_524 : f32 to vector<16xf32>
      %div3A_526 = arith.divf %div3A_525, %mul3A_523 : vector<16xf32>
      %mul3A_527 = arith.mulf %get3A_512, %div3A_526 : vector<16xf32>
      %mul3A_528 = arith.mulf %mul3A_527, %div3A_526 : vector<16xf32>
      %sub3A_529 = arith.subf %gather3A_517, %gather3A_518 : vector<16xf32>
      %mul3A_530 = arith.mulf %mul3A_528, %sub3A_529 : vector<16xf32>
      %sub3A_531 = arith.subf %mul3A_530, %sub3A_464 : vector<16xf32>
      %add3A_532 = arith.addf %add3A_462, %sub3A_531 : vector<16xf32>
      %sub3A_533 = arith.subf %add3A_532, %add3A_462 : vector<16xf32>
      %sub3A_534 = arith.subf %sub3A_533, %sub3A_531 : vector<16xf32>
      %sub3A_535 = arith.subf %gather3A_519, %gather3A_520 : vector<16xf32>
      %mul3A_536 = arith.mulf %mul3A_527, %sub3A_535 : vector<16xf32>
      %sub3A_537 = arith.subf %mul3A_536, %sub3A_470 : vector<16xf32>
      %add3A_538 = arith.addf %add3A_468, %sub3A_537 : vector<16xf32>
      %sub3A_539 = arith.subf %add3A_538, %add3A_468 : vector<16xf32>
      %sub3A_540 = arith.subf %sub3A_539, %sub3A_537 : vector<16xf32>
      %sub3A_541 = arith.subf %gather3A_521, %gather3A_522 : vector<16xf32>
      %add3A_542 = arith.addf %add3A_472, %sub3A_541 : vector<16xf32>
      %mul3A_543 = arith.constant 16 : i32
      %mul3A_544 = vector.broadcast %mul3A_543 : i32 to vector<16xi32>
      %mul3A_545 = arith.muli %get3A_508, %mul3A_544 : vector<16xi32>
      %add3A_546 = arith.addi %mul3A_545, %iota3A : vector<16xi32>
      %masked_sort3A_547 = arith.constant dense<true> : vector<16xi1>
      %masked_sort3A_548, %masked_sort3A_549, %masked_sort3A_550 = tpu.sort %add3A_546, %iota3A masked %masked_sort3A_547 : (vector<16xi32>, vector<16xi32>, vector<16xi1>) -> (vector<16xi1>, vector<16xi32>, vector<16xi32>)
      %shift_right_logical3A_551 = arith.constant 4 : i32
      %shift_right_logical3A_552 = vector.broadcast %shift_right_logical3A_551 : i32 to vector<16xi32>
      %shift_right_logical3A_553 = arith.shrui %masked_sort3A_549, %shift_right_logical3A_552 : vector<16xi32>
      %broadcast_in_dim3A_554 = vector.shape_cast %min3A_16 : vector<16xi32> to vector<16x1xi32>
      %gather3A_555 = vector.shape_cast %broadcast_in_dim3A_554 : vector<16x1xi32> to vector<16xi32>
      %gather3A_556 = tpu.dynamic_gather %shift_right_logical3A_553[%gather3A_555] in [0] : vector<16xi32>, vector<16xi32> -> vector<16xi32>
      %ne3A_557 = arith.cmpi ne, %shift_right_logical3A_553, %gather3A_556 : vector<16xi32>
      %or3A_558 = arith.ori %ne3A_557, %eq3A_18 : vector<16xi1>
      %broadcast_in_dim3A_559 = vector.shape_cast %masked_sort3A_550 : vector<16xi32> to vector<16x1xi32>
      %gather3A_560 = vector.shape_cast %broadcast_in_dim3A_559 : vector<16x1xi32> to vector<16xi32>
      %gather3A_561 = tpu.dynamic_gather %get3A_516[%gather3A_560] in [0] : vector<16xf32>, vector<16xi32> -> vector<16xf32>
      %bitcast_convert_type3A_562 = tpu.bitcast %gather3A_561 : vector<16xf32> -> vector<16xi32>
      %or3A_563 = arith.constant -2147483648 : i32
      %or3A_564 = vector.broadcast %or3A_563 : i32 to vector<16xi32>
      %or3A_565 = arith.ori %bitcast_convert_type3A_562, %or3A_564 : vector<16xi32>
      %bitcast_convert_type3A_566 = tpu.bitcast %or3A_565 : vector<16xi32> -> vector<16xf32>
      tpu.vector_store_idx %arg14[%shift_right_logical3A_553], %bitcast_convert_type3A_566 masked %or3A_558 : memref<10000xf32, #tpu.memory_space<vmem>>[vector<16xi32>], vector<16xf32>, vector<16xi1>
      %mul3A_567 = arith.constant 10 : i32
      %mul3A_568 = arith.muli %scan3A_150, %mul3A_567 : i32
      %add3A_569 = arith.constant 6 : i32
      %add3A_570 = arith.addi %mul3A_568, %add3A_569 : i32
      %mul3A_571 = arith.constant 16 : i32
      %mul3A_572 = arith.muli %add3A_570, %mul3A_571 : i32
      %get3A_573 = arith.index_cast %mul3A_572 : i32 to index
      %get3A_574 = tpu.vector_load %arg15[%get3A_573] {strides = array<i32>} : memref<4000xi32, #tpu.memory_space<vmem>>, vector<16xi32>,
      %mul3A_575 = arith.constant 16 : i32
      %mul3A_576 = arith.muli %add3A_570, %mul3A_575 : i32
      %get3A_577 = arith.index_cast %mul3A_576 : i32 to index
      %get3A_578 = tpu.vector_load %arg17[%get3A_577] {strides = array<i32>} : memref<4000xi32, #tpu.memory_space<vmem>>, vector<16xi32>,
      %mul3A_579 = arith.constant 16 : i32
      %mul3A_580 = arith.muli %add3A_570, %mul3A_579 : i32
      %get3A_581 = arith.index_cast %mul3A_580 : i32 to index
      %get3A_582 = tpu.vector_load %arg19[%get3A_581] {strides = array<i32>} : memref<4000xf32, #tpu.memory_space<vmem>>, vector<16xf32>,
      %mul3A_583 = arith.constant 16 : i32
      %mul3A_584 = arith.muli %add3A_570, %mul3A_583 : i32
      %get3A_585 = arith.index_cast %mul3A_584 : i32 to index
      %get3A_586 = tpu.vector_load %arg21[%get3A_585] {strides = array<i32>} : memref<4000xf32, #tpu.memory_space<vmem>>, vector<16xf32>,
      %gather3A_587 = tpu.vector_load_idx %arg11[%get3A_574] : memref<10000xf32, #tpu.memory_space<vmem>>[vector<16xi32>], vector<16xf32>,
      %gather3A_588 = tpu.vector_load_idx %arg11[%get3A_578] : memref<10000xf32, #tpu.memory_space<vmem>>[vector<16xi32>], vector<16xf32>,
      %gather3A_589 = tpu.vector_load_idx %arg12[%get3A_574] : memref<10000xf32, #tpu.memory_space<vmem>>[vector<16xi32>], vector<16xf32>,
      %gather3A_590 = tpu.vector_load_idx %arg12[%get3A_578] : memref<10000xf32, #tpu.memory_space<vmem>>[vector<16xi32>], vector<16xf32>,
      %gather3A_591 = tpu.vector_load_idx %arg13[%get3A_574] : memref<10000xf32, #tpu.memory_space<vmem>>[vector<16xi32>], vector<16xf32>,
      %gather3A_592 = tpu.vector_load_idx %arg13[%get3A_578] : memref<10000xf32, #tpu.memory_space<vmem>>[vector<16xi32>], vector<16xf32>,
      %mul3A_593 = arith.mulf %get3A_586, %get3A_586 : vector<16xf32>
      %div3A_594 = arith.constant 1.000000e+00 : f32
      %div3A_595 = vector.broadcast %div3A_594 : f32 to vector<16xf32>
      %div3A_596 = arith.divf %div3A_595, %mul3A_593 : vector<16xf32>
      %mul3A_597 = arith.mulf %get3A_582, %div3A_596 : vector<16xf32>
      %mul3A_598 = arith.mulf %mul3A_597, %div3A_596 : vector<16xf32>
      %sub3A_599 = arith.subf %gather3A_587, %gather3A_588 : vector<16xf32>
      %mul3A_600 = arith.mulf %mul3A_598, %sub3A_599 : vector<16xf32>
      %sub3A_601 = arith.subf %mul3A_600, %sub3A_534 : vector<16xf32>
      %add3A_602 = arith.addf %add3A_532, %sub3A_601 : vector<16xf32>
      %sub3A_603 = arith.subf %add3A_602, %add3A_532 : vector<16xf32>
      %sub3A_604 = arith.subf %sub3A_603, %sub3A_601 : vector<16xf32>
      %sub3A_605 = arith.subf %gather3A_589, %gather3A_590 : vector<16xf32>
      %mul3A_606 = arith.mulf %mul3A_597, %sub3A_605 : vector<16xf32>
      %sub3A_607 = arith.subf %mul3A_606, %sub3A_540 : vector<16xf32>
      %add3A_608 = arith.addf %add3A_538, %sub3A_607 : vector<16xf32>
      %sub3A_609 = arith.subf %add3A_608, %add3A_538 : vector<16xf32>
      %sub3A_610 = arith.subf %sub3A_609, %sub3A_607 : vector<16xf32>
      %sub3A_611 = arith.subf %gather3A_591, %gather3A_592 : vector<16xf32>
      %add3A_612 = arith.addf %add3A_542, %sub3A_611 : vector<16xf32>
      %mul3A_613 = arith.constant 16 : i32
      %mul3A_614 = vector.broadcast %mul3A_613 : i32 to vector<16xi32>
      %mul3A_615 = arith.muli %get3A_578, %mul3A_614 : vector<16xi32>
      %add3A_616 = arith.addi %mul3A_615, %iota3A : vector<16xi32>
      %masked_sort3A_617 = arith.constant dense<true> : vector<16xi1>
      %masked_sort3A_618, %masked_sort3A_619, %masked_sort3A_620 = tpu.sort %add3A_616, %iota3A masked %masked_sort3A_617 : (vector<16xi32>, vector<16xi32>, vector<16xi1>) -> (vector<16xi1>, vector<16xi32>, vector<16xi32>)
      %shift_right_logical3A_621 = arith.constant 4 : i32
      %shift_right_logical3A_622 = vector.broadcast %shift_right_logical3A_621 : i32 to vector<16xi32>
      %shift_right_logical3A_623 = arith.shrui %masked_sort3A_619, %shift_right_logical3A_622 : vector<16xi32>
      %broadcast_in_dim3A_624 = vector.shape_cast %min3A_16 : vector<16xi32> to vector<16x1xi32>
      %gather3A_625 = vector.shape_cast %broadcast_in_dim3A_624 : vector<16x1xi32> to vector<16xi32>
      %gather3A_626 = tpu.dynamic_gather %shift_right_logical3A_623[%gather3A_625] in [0] : vector<16xi32>, vector<16xi32> -> vector<16xi32>
      %ne3A_627 = arith.cmpi ne, %shift_right_logical3A_623, %gather3A_626 : vector<16xi32>
      %or3A_628 = arith.ori %ne3A_627, %eq3A_18 : vector<16xi1>
      %broadcast_in_dim3A_629 = vector.shape_cast %masked_sort3A_620 : vector<16xi32> to vector<16x1xi32>
      %gather3A_630 = vector.shape_cast %broadcast_in_dim3A_629 : vector<16x1xi32> to vector<16xi32>
      %gather3A_631 = tpu.dynamic_gather %get3A_586[%gather3A_630] in [0] : vector<16xf32>, vector<16xi32> -> vector<16xf32>
      %bitcast_convert_type3A_632 = tpu.bitcast %gather3A_631 : vector<16xf32> -> vector<16xi32>
      %or3A_633 = arith.constant -2147483648 : i32
      %or3A_634 = vector.broadcast %or3A_633 : i32 to vector<16xi32>
      %or3A_635 = arith.ori %bitcast_convert_type3A_632, %or3A_634 : vector<16xi32>
      %bitcast_convert_type3A_636 = tpu.bitcast %or3A_635 : vector<16xi32> -> vector<16xf32>
      tpu.vector_store_idx %arg14[%shift_right_logical3A_623], %bitcast_convert_type3A_636 masked %or3A_628 : memref<10000xf32, #tpu.memory_space<vmem>>[vector<16xi32>], vector<16xf32>, vector<16xi1>
      %mul3A_637 = arith.constant 10 : i32
      %mul3A_638 = arith.muli %scan3A_150, %mul3A_637 : i32
      %add3A_639 = arith.constant 7 : i32
      %add3A_640 = arith.addi %mul3A_638, %add3A_639 : i32
      %mul3A_641 = arith.constant 16 : i32
      %mul3A_642 = arith.muli %add3A_640, %mul3A_641 : i32
      %get3A_643 = arith.index_cast %mul3A_642 : i32 to index
      %get3A_644 = tpu.vector_load %arg15[%get3A_643] {strides = array<i32>} : memref<4000xi32, #tpu.memory_space<vmem>>, vector<16xi32>,
      %mul3A_645 = arith.constant 16 : i32
      %mul3A_646 = arith.muli %add3A_640, %mul3A_645 : i32
      %get3A_647 = arith.index_cast %mul3A_646 : i32 to index
      %get3A_648 = tpu.vector_load %arg17[%get3A_647] {strides = array<i32>} : memref<4000xi32, #tpu.memory_space<vmem>>, vector<16xi32>,
      %mul3A_649 = arith.constant 16 : i32
      %mul3A_650 = arith.muli %add3A_640, %mul3A_649 : i32
      %get3A_651 = arith.index_cast %mul3A_650 : i32 to index
      %get3A_652 = tpu.vector_load %arg19[%get3A_651] {strides = array<i32>} : memref<4000xf32, #tpu.memory_space<vmem>>, vector<16xf32>,
      %mul3A_653 = arith.constant 16 : i32
      %mul3A_654 = arith.muli %add3A_640, %mul3A_653 : i32
      %get3A_655 = arith.index_cast %mul3A_654 : i32 to index
      %get3A_656 = tpu.vector_load %arg21[%get3A_655] {strides = array<i32>} : memref<4000xf32, #tpu.memory_space<vmem>>, vector<16xf32>,
      %gather3A_657 = tpu.vector_load_idx %arg11[%get3A_644] : memref<10000xf32, #tpu.memory_space<vmem>>[vector<16xi32>], vector<16xf32>,
      %gather3A_658 = tpu.vector_load_idx %arg11[%get3A_648] : memref<10000xf32, #tpu.memory_space<vmem>>[vector<16xi32>], vector<16xf32>,
      %gather3A_659 = tpu.vector_load_idx %arg12[%get3A_644] : memref<10000xf32, #tpu.memory_space<vmem>>[vector<16xi32>], vector<16xf32>,
      %gather3A_660 = tpu.vector_load_idx %arg12[%get3A_648] : memref<10000xf32, #tpu.memory_space<vmem>>[vector<16xi32>], vector<16xf32>,
      %gather3A_661 = tpu.vector_load_idx %arg13[%get3A_644] : memref<10000xf32, #tpu.memory_space<vmem>>[vector<16xi32>], vector<16xf32>,
      %gather3A_662 = tpu.vector_load_idx %arg13[%get3A_648] : memref<10000xf32, #tpu.memory_space<vmem>>[vector<16xi32>], vector<16xf32>,
      %mul3A_663 = arith.mulf %get3A_656, %get3A_656 : vector<16xf32>
      %div3A_664 = arith.constant 1.000000e+00 : f32
      %div3A_665 = vector.broadcast %div3A_664 : f32 to vector<16xf32>
      %div3A_666 = arith.divf %div3A_665, %mul3A_663 : vector<16xf32>
      %mul3A_667 = arith.mulf %get3A_652, %div3A_666 : vector<16xf32>
      %mul3A_668 = arith.mulf %mul3A_667, %div3A_666 : vector<16xf32>
      %sub3A_669 = arith.subf %gather3A_657, %gather3A_658 : vector<16xf32>
      %mul3A_670 = arith.mulf %mul3A_668, %sub3A_669 : vector<16xf32>
      %sub3A_671 = arith.subf %mul3A_670, %sub3A_604 : vector<16xf32>
      %add3A_672 = arith.addf %add3A_602, %sub3A_671 : vector<16xf32>
      %sub3A_673 = arith.subf %add3A_672, %add3A_602 : vector<16xf32>
      %sub3A_674 = arith.subf %sub3A_673, %sub3A_671 : vector<16xf32>
      %sub3A_675 = arith.subf %gather3A_659, %gather3A_660 : vector<16xf32>
      %mul3A_676 = arith.mulf %mul3A_667, %sub3A_675 : vector<16xf32>
      %sub3A_677 = arith.subf %mul3A_676, %sub3A_610 : vector<16xf32>
      %add3A_678 = arith.addf %add3A_608, %sub3A_677 : vector<16xf32>
      %sub3A_679 = arith.subf %add3A_678, %add3A_608 : vector<16xf32>
      %sub3A_680 = arith.subf %sub3A_679, %sub3A_677 : vector<16xf32>
      %sub3A_681 = arith.subf %gather3A_661, %gather3A_662 : vector<16xf32>
      %add3A_682 = arith.addf %add3A_612, %sub3A_681 : vector<16xf32>
      %mul3A_683 = arith.constant 16 : i32
      %mul3A_684 = vector.broadcast %mul3A_683 : i32 to vector<16xi32>
      %mul3A_685 = arith.muli %get3A_648, %mul3A_684 : vector<16xi32>
      %add3A_686 = arith.addi %mul3A_685, %iota3A : vector<16xi32>
      %masked_sort3A_687 = arith.constant dense<true> : vector<16xi1>
      %masked_sort3A_688, %masked_sort3A_689, %masked_sort3A_690 = tpu.sort %add3A_686, %iota3A masked %masked_sort3A_687 : (vector<16xi32>, vector<16xi32>, vector<16xi1>) -> (vector<16xi1>, vector<16xi32>, vector<16xi32>)
      %shift_right_logical3A_691 = arith.constant 4 : i32
      %shift_right_logical3A_692 = vector.broadcast %shift_right_logical3A_691 : i32 to vector<16xi32>
      %shift_right_logical3A_693 = arith.shrui %masked_sort3A_689, %shift_right_logical3A_692 : vector<16xi32>
      %broadcast_in_dim3A_694 = vector.shape_cast %min3A_16 : vector<16xi32> to vector<16x1xi32>
      %gather3A_695 = vector.shape_cast %broadcast_in_dim3A_694 : vector<16x1xi32> to vector<16xi32>
      %gather3A_696 = tpu.dynamic_gather %shift_right_logical3A_693[%gather3A_695] in [0] : vector<16xi32>, vector<16xi32> -> vector<16xi32>
      %ne3A_697 = arith.cmpi ne, %shift_right_logical3A_693, %gather3A_696 : vector<16xi32>
      %or3A_698 = arith.ori %ne3A_697, %eq3A_18 : vector<16xi1>
      %broadcast_in_dim3A_699 = vector.shape_cast %masked_sort3A_690 : vector<16xi32> to vector<16x1xi32>
      %gather3A_700 = vector.shape_cast %broadcast_in_dim3A_699 : vector<16x1xi32> to vector<16xi32>
      %gather3A_701 = tpu.dynamic_gather %get3A_656[%gather3A_700] in [0] : vector<16xf32>, vector<16xi32> -> vector<16xf32>
      %bitcast_convert_type3A_702 = tpu.bitcast %gather3A_701 : vector<16xf32> -> vector<16xi32>
      %or3A_703 = arith.constant -2147483648 : i32
      %or3A_704 = vector.broadcast %or3A_703 : i32 to vector<16xi32>
      %or3A_705 = arith.ori %bitcast_convert_type3A_702, %or3A_704 : vector<16xi32>
      %bitcast_convert_type3A_706 = tpu.bitcast %or3A_705 : vector<16xi32> -> vector<16xf32>
      tpu.vector_store_idx %arg14[%shift_right_logical3A_693], %bitcast_convert_type3A_706 masked %or3A_698 : memref<10000xf32, #tpu.memory_space<vmem>>[vector<16xi32>], vector<16xf32>, vector<16xi1>
      %mul3A_707 = arith.constant 10 : i32
      %mul3A_708 = arith.muli %scan3A_150, %mul3A_707 : i32
      %add3A_709 = arith.constant 8 : i32
      %add3A_710 = arith.addi %mul3A_708, %add3A_709 : i32
      %mul3A_711 = arith.constant 16 : i32
      %mul3A_712 = arith.muli %add3A_710, %mul3A_711 : i32
      %get3A_713 = arith.index_cast %mul3A_712 : i32 to index
      %get3A_714 = tpu.vector_load %arg15[%get3A_713] {strides = array<i32>} : memref<4000xi32, #tpu.memory_space<vmem>>, vector<16xi32>,
      %mul3A_715 = arith.constant 16 : i32
      %mul3A_716 = arith.muli %add3A_710, %mul3A_715 : i32
      %get3A_717 = arith.index_cast %mul3A_716 : i32 to index
      %get3A_718 = tpu.vector_load %arg17[%get3A_717] {strides = array<i32>} : memref<4000xi32, #tpu.memory_space<vmem>>, vector<16xi32>,
      %mul3A_719 = arith.constant 16 : i32
      %mul3A_720 = arith.muli %add3A_710, %mul3A_719 : i32
      %get3A_721 = arith.index_cast %mul3A_720 : i32 to index
      %get3A_722 = tpu.vector_load %arg19[%get3A_721] {strides = array<i32>} : memref<4000xf32, #tpu.memory_space<vmem>>, vector<16xf32>,
      %mul3A_723 = arith.constant 16 : i32
      %mul3A_724 = arith.muli %add3A_710, %mul3A_723 : i32
      %get3A_725 = arith.index_cast %mul3A_724 : i32 to index
      %get3A_726 = tpu.vector_load %arg21[%get3A_725] {strides = array<i32>} : memref<4000xf32, #tpu.memory_space<vmem>>, vector<16xf32>,
      %gather3A_727 = tpu.vector_load_idx %arg11[%get3A_714] : memref<10000xf32, #tpu.memory_space<vmem>>[vector<16xi32>], vector<16xf32>,
      %gather3A_728 = tpu.vector_load_idx %arg11[%get3A_718] : memref<10000xf32, #tpu.memory_space<vmem>>[vector<16xi32>], vector<16xf32>,
      %gather3A_729 = tpu.vector_load_idx %arg12[%get3A_714] : memref<10000xf32, #tpu.memory_space<vmem>>[vector<16xi32>], vector<16xf32>,
      %gather3A_730 = tpu.vector_load_idx %arg12[%get3A_718] : memref<10000xf32, #tpu.memory_space<vmem>>[vector<16xi32>], vector<16xf32>,
      %gather3A_731 = tpu.vector_load_idx %arg13[%get3A_714] : memref<10000xf32, #tpu.memory_space<vmem>>[vector<16xi32>], vector<16xf32>,
      %gather3A_732 = tpu.vector_load_idx %arg13[%get3A_718] : memref<10000xf32, #tpu.memory_space<vmem>>[vector<16xi32>], vector<16xf32>,
      %mul3A_733 = arith.mulf %get3A_726, %get3A_726 : vector<16xf32>
      %div3A_734 = arith.constant 1.000000e+00 : f32
      %div3A_735 = vector.broadcast %div3A_734 : f32 to vector<16xf32>
      %div3A_736 = arith.divf %div3A_735, %mul3A_733 : vector<16xf32>
      %mul3A_737 = arith.mulf %get3A_722, %div3A_736 : vector<16xf32>
      %mul3A_738 = arith.mulf %mul3A_737, %div3A_736 : vector<16xf32>
      %sub3A_739 = arith.subf %gather3A_727, %gather3A_728 : vector<16xf32>
      %mul3A_740 = arith.mulf %mul3A_738, %sub3A_739 : vector<16xf32>
      %sub3A_741 = arith.subf %mul3A_740, %sub3A_674 : vector<16xf32>
      %add3A_742 = arith.addf %add3A_672, %sub3A_741 : vector<16xf32>
      %sub3A_743 = arith.subf %add3A_742, %add3A_672 : vector<16xf32>
      %sub3A_744 = arith.subf %sub3A_743, %sub3A_741 : vector<16xf32>
      %sub3A_745 = arith.subf %gather3A_729, %gather3A_730 : vector<16xf32>
      %mul3A_746 = arith.mulf %mul3A_737, %sub3A_745 : vector<16xf32>
      %sub3A_747 = arith.subf %mul3A_746, %sub3A_680 : vector<16xf32>
      %add3A_748 = arith.addf %add3A_678, %sub3A_747 : vector<16xf32>
      %sub3A_749 = arith.subf %add3A_748, %add3A_678 : vector<16xf32>
      %sub3A_750 = arith.subf %sub3A_749, %sub3A_747 : vector<16xf32>
      %sub3A_751 = arith.subf %gather3A_731, %gather3A_732 : vector<16xf32>
      %add3A_752 = arith.addf %add3A_682, %sub3A_751 : vector<16xf32>
      %mul3A_753 = arith.constant 16 : i32
      %mul3A_754 = vector.broadcast %mul3A_753 : i32 to vector<16xi32>
      %mul3A_755 = arith.muli %get3A_718, %mul3A_754 : vector<16xi32>
      %add3A_756 = arith.addi %mul3A_755, %iota3A : vector<16xi32>
      %masked_sort3A_757 = arith.constant dense<true> : vector<16xi1>
      %masked_sort3A_758, %masked_sort3A_759, %masked_sort3A_760 = tpu.sort %add3A_756, %iota3A masked %masked_sort3A_757 : (vector<16xi32>, vector<16xi32>, vector<16xi1>) -> (vector<16xi1>, vector<16xi32>, vector<16xi32>)
      %shift_right_logical3A_761 = arith.constant 4 : i32
      %shift_right_logical3A_762 = vector.broadcast %shift_right_logical3A_761 : i32 to vector<16xi32>
      %shift_right_logical3A_763 = arith.shrui %masked_sort3A_759, %shift_right_logical3A_762 : vector<16xi32>
      %broadcast_in_dim3A_764 = vector.shape_cast %min3A_16 : vector<16xi32> to vector<16x1xi32>
      %gather3A_765 = vector.shape_cast %broadcast_in_dim3A_764 : vector<16x1xi32> to vector<16xi32>
      %gather3A_766 = tpu.dynamic_gather %shift_right_logical3A_763[%gather3A_765] in [0] : vector<16xi32>, vector<16xi32> -> vector<16xi32>
      %ne3A_767 = arith.cmpi ne, %shift_right_logical3A_763, %gather3A_766 : vector<16xi32>
      %or3A_768 = arith.ori %ne3A_767, %eq3A_18 : vector<16xi1>
      %broadcast_in_dim3A_769 = vector.shape_cast %masked_sort3A_760 : vector<16xi32> to vector<16x1xi32>
      %gather3A_770 = vector.shape_cast %broadcast_in_dim3A_769 : vector<16x1xi32> to vector<16xi32>
      %gather3A_771 = tpu.dynamic_gather %get3A_726[%gather3A_770] in [0] : vector<16xf32>, vector<16xi32> -> vector<16xf32>
      %bitcast_convert_type3A_772 = tpu.bitcast %gather3A_771 : vector<16xf32> -> vector<16xi32>
      %or3A_773 = arith.constant -2147483648 : i32
      %or3A_774 = vector.broadcast %or3A_773 : i32 to vector<16xi32>
      %or3A_775 = arith.ori %bitcast_convert_type3A_772, %or3A_774 : vector<16xi32>
      %bitcast_convert_type3A_776 = tpu.bitcast %or3A_775 : vector<16xi32> -> vector<16xf32>
      tpu.vector_store_idx %arg14[%shift_right_logical3A_763], %bitcast_convert_type3A_776 masked %or3A_768 : memref<10000xf32, #tpu.memory_space<vmem>>[vector<16xi32>], vector<16xf32>, vector<16xi1>
      %mul3A_777 = arith.constant 10 : i32
      %mul3A_778 = arith.muli %scan3A_150, %mul3A_777 : i32
      %add3A_779 = arith.constant 9 : i32
      %add3A_780 = arith.addi %mul3A_778, %add3A_779 : i32
      %mul3A_781 = arith.constant 16 : i32
      %mul3A_782 = arith.muli %add3A_780, %mul3A_781 : i32
      %get3A_783 = arith.index_cast %mul3A_782 : i32 to index
      %get3A_784 = tpu.vector_load %arg15[%get3A_783] {strides = array<i32>} : memref<4000xi32, #tpu.memory_space<vmem>>, vector<16xi32>,
      %mul3A_785 = arith.constant 16 : i32
      %mul3A_786 = arith.muli %add3A_780, %mul3A_785 : i32
      %get3A_787 = arith.index_cast %mul3A_786 : i32 to index
      %get3A_788 = tpu.vector_load %arg17[%get3A_787] {strides = array<i32>} : memref<4000xi32, #tpu.memory_space<vmem>>, vector<16xi32>,
      %mul3A_789 = arith.constant 16 : i32
      %mul3A_790 = arith.muli %add3A_780, %mul3A_789 : i32
      %get3A_791 = arith.index_cast %mul3A_790 : i32 to index
      %get3A_792 = tpu.vector_load %arg19[%get3A_791] {strides = array<i32>} : memref<4000xf32, #tpu.memory_space<vmem>>, vector<16xf32>,
      %mul3A_793 = arith.constant 16 : i32
      %mul3A_794 = arith.muli %add3A_780, %mul3A_793 : i32
      %get3A_795 = arith.index_cast %mul3A_794 : i32 to index
      %get3A_796 = tpu.vector_load %arg21[%get3A_795] {strides = array<i32>} : memref<4000xf32, #tpu.memory_space<vmem>>, vector<16xf32>,
      %gather3A_797 = tpu.vector_load_idx %arg11[%get3A_784] : memref<10000xf32, #tpu.memory_space<vmem>>[vector<16xi32>], vector<16xf32>,
      %gather3A_798 = tpu.vector_load_idx %arg11[%get3A_788] : memref<10000xf32, #tpu.memory_space<vmem>>[vector<16xi32>], vector<16xf32>,
      %gather3A_799 = tpu.vector_load_idx %arg12[%get3A_784] : memref<10000xf32, #tpu.memory_space<vmem>>[vector<16xi32>], vector<16xf32>,
      %gather3A_800 = tpu.vector_load_idx %arg12[%get3A_788] : memref<10000xf32, #tpu.memory_space<vmem>>[vector<16xi32>], vector<16xf32>,
      %gather3A_801 = tpu.vector_load_idx %arg13[%get3A_784] : memref<10000xf32, #tpu.memory_space<vmem>>[vector<16xi32>], vector<16xf32>,
      %gather3A_802 = tpu.vector_load_idx %arg13[%get3A_788] : memref<10000xf32, #tpu.memory_space<vmem>>[vector<16xi32>], vector<16xf32>,
      %mul3A_803 = arith.mulf %get3A_796, %get3A_796 : vector<16xf32>
      %div3A_804 = arith.constant 1.000000e+00 : f32
      %div3A_805 = vector.broadcast %div3A_804 : f32 to vector<16xf32>
      %div3A_806 = arith.divf %div3A_805, %mul3A_803 : vector<16xf32>
      %mul3A_807 = arith.mulf %get3A_792, %div3A_806 : vector<16xf32>
      %mul3A_808 = arith.mulf %mul3A_807, %div3A_806 : vector<16xf32>
      %sub3A_809 = arith.subf %gather3A_797, %gather3A_798 : vector<16xf32>
      %mul3A_810 = arith.mulf %mul3A_808, %sub3A_809 : vector<16xf32>
      %sub3A_811 = arith.subf %mul3A_810, %sub3A_744 : vector<16xf32>
      %add3A_812 = arith.addf %add3A_742, %sub3A_811 : vector<16xf32>
      %sub3A_813 = arith.subf %add3A_812, %add3A_742 : vector<16xf32>
      %sub3A_814 = arith.subf %sub3A_813, %sub3A_811 : vector<16xf32>
      %sub3A_815 = arith.subf %gather3A_799, %gather3A_800 : vector<16xf32>
      %mul3A_816 = arith.mulf %mul3A_807, %sub3A_815 : vector<16xf32>
      %sub3A_817 = arith.subf %mul3A_816, %sub3A_750 : vector<16xf32>
      %add3A_818 = arith.addf %add3A_748, %sub3A_817 : vector<16xf32>
      %sub3A_819 = arith.subf %add3A_818, %add3A_748 : vector<16xf32>
      %sub3A_820 = arith.subf %sub3A_819, %sub3A_817 : vector<16xf32>
      %sub3A_821 = arith.subf %gather3A_801, %gather3A_802 : vector<16xf32>
      %add3A_822 = arith.addf %add3A_752, %sub3A_821 : vector<16xf32>
      %mul3A_823 = arith.constant 16 : i32
      %mul3A_824 = vector.broadcast %mul3A_823 : i32 to vector<16xi32>
      %mul3A_825 = arith.muli %get3A_788, %mul3A_824 : vector<16xi32>
      %add3A_826 = arith.addi %mul3A_825, %iota3A : vector<16xi32>
      %masked_sort3A_827 = arith.constant dense<true> : vector<16xi1>
      %masked_sort3A_828, %masked_sort3A_829, %masked_sort3A_830 = tpu.sort %add3A_826, %iota3A masked %masked_sort3A_827 : (vector<16xi32>, vector<16xi32>, vector<16xi1>) -> (vector<16xi1>, vector<16xi32>, vector<16xi32>)
      %shift_right_logical3A_831 = arith.constant 4 : i32
      %shift_right_logical3A_832 = vector.broadcast %shift_right_logical3A_831 : i32 to vector<16xi32>
      %shift_right_logical3A_833 = arith.shrui %masked_sort3A_829, %shift_right_logical3A_832 : vector<16xi32>
      %broadcast_in_dim3A_834 = vector.shape_cast %min3A_16 : vector<16xi32> to vector<16x1xi32>
      %gather3A_835 = vector.shape_cast %broadcast_in_dim3A_834 : vector<16x1xi32> to vector<16xi32>
      %gather3A_836 = tpu.dynamic_gather %shift_right_logical3A_833[%gather3A_835] in [0] : vector<16xi32>, vector<16xi32> -> vector<16xi32>
      %ne3A_837 = arith.cmpi ne, %shift_right_logical3A_833, %gather3A_836 : vector<16xi32>
      %or3A_838 = arith.ori %ne3A_837, %eq3A_18 : vector<16xi1>
      %broadcast_in_dim3A_839 = vector.shape_cast %masked_sort3A_830 : vector<16xi32> to vector<16x1xi32>
      %gather3A_840 = vector.shape_cast %broadcast_in_dim3A_839 : vector<16x1xi32> to vector<16xi32>
      %gather3A_841 = tpu.dynamic_gather %get3A_796[%gather3A_840] in [0] : vector<16xf32>, vector<16xi32> -> vector<16xf32>
      %bitcast_convert_type3A_842 = tpu.bitcast %gather3A_841 : vector<16xf32> -> vector<16xi32>
      %or3A_843 = arith.constant -2147483648 : i32
      %or3A_844 = vector.broadcast %or3A_843 : i32 to vector<16xi32>
      %or3A_845 = arith.ori %bitcast_convert_type3A_842, %or3A_844 : vector<16xi32>
      %bitcast_convert_type3A_846 = tpu.bitcast %or3A_845 : vector<16xi32> -> vector<16xf32>
      tpu.vector_store_idx %arg14[%shift_right_logical3A_833], %bitcast_convert_type3A_846 masked %or3A_838 : memref<10000xf32, #tpu.memory_space<vmem>>[vector<16xi32>], vector<16xf32>, vector<16xi1>
      scf.yield %add3A_812, %sub3A_814, %add3A_818, %sub3A_820, %add3A_822 : vector<16xf32>, vector<16xf32>, vector<16xf32>, vector<16xf32>, vector<16xf32>
    }
    %scan3A_106 = arith.constant 25 : i32
    %add3A_107 = arith.constant 16000 : i32
    %add3A_108 = arith.addi %mul3A_2, %add3A_107 : i32
    %dma_start3A_109 = tpu.memref_slice %arg3[%add3A_108] : memref<640000xi32, #tpu.memory_space<hbm>> -> memref<4000xi32, #tpu.memory_space<hbm>>
    %dma_start3A_110 = tpu.memref_slice %arg3[%add3A_108] : memref<640000xi32, #tpu.memory_space<hbm>> -> memref<4000xi32, #tpu.memory_space<hbm>>
    tpu.enqueue_dma source(%dma_start3A_110 : memref<4000xi32, #tpu.memory_space<hbm>>) target(%arg15 : memref<4000xi32, #tpu.memory_space<vmem>>) target_semaphore(%arg24 : memref<!tpu.dma_semaphore, #tpu.memory_space<semaphore_mem>>)
    %dma_start3A_111 = tpu.memref_slice %arg4[%add3A_108] : memref<640000xi32, #tpu.memory_space<hbm>> -> memref<4000xi32, #tpu.memory_space<hbm>>
    %dma_start3A_112 = tpu.memref_slice %arg4[%add3A_108] : memref<640000xi32, #tpu.memory_space<hbm>> -> memref<4000xi32, #tpu.memory_space<hbm>>
    tpu.enqueue_dma source(%dma_start3A_112 : memref<4000xi32, #tpu.memory_space<hbm>>) target(%arg17 : memref<4000xi32, #tpu.memory_space<vmem>>) target_semaphore(%arg24 : memref<!tpu.dma_semaphore, #tpu.memory_space<semaphore_mem>>)
    %dma_start3A_113 = tpu.memref_slice %arg5[%add3A_108] : memref<640000xf32, #tpu.memory_space<hbm>> -> memref<4000xf32, #tpu.memory_space<hbm>>
    %dma_start3A_114 = tpu.memref_slice %arg5[%add3A_108] : memref<640000xf32, #tpu.memory_space<hbm>> -> memref<4000xf32, #tpu.memory_space<hbm>>
    tpu.enqueue_dma source(%dma_start3A_114 : memref<4000xf32, #tpu.memory_space<hbm>>) target(%arg19 : memref<4000xf32, #tpu.memory_space<vmem>>) target_semaphore(%arg24 : memref<!tpu.dma_semaphore, #tpu.memory_space<semaphore_mem>>)
    %dma_start3A_115 = tpu.memref_slice %arg6[%add3A_108] : memref<640000xf32, #tpu.memory_space<hbm>> -> memref<4000xf32, #tpu.memory_space<hbm>>
    %dma_start3A_116 = tpu.memref_slice %arg6[%add3A_108] : memref<640000xf32, #tpu.memory_space<hbm>> -> memref<4000xf32, #tpu.memory_space<hbm>>
    tpu.enqueue_dma source(%dma_start3A_116 : memref<4000xf32, #tpu.memory_space<hbm>>) target(%arg21 : memref<4000xf32, #tpu.memory_space<vmem>>) target_semaphore(%arg24 : memref<!tpu.dma_semaphore, #tpu.memory_space<semaphore_mem>>)
    %dma_wait3A_117 = tpu.memref_slice %arg3[%add3A_84] : memref<640000xi32, #tpu.memory_space<hbm>> -> memref<4000xi32, #tpu.memory_space<hbm>>
    %dma_wait3A_118 = tpu.memref_slice %arg3[%add3A_84] : memref<640000xi32, #tpu.memory_space<hbm>> -> memref<4000xi32, #tpu.memory_space<hbm>>
    tpu.wait_dma2 semaphore(%arg25 : memref<!tpu.dma_semaphore, #tpu.memory_space<semaphore_mem>>) src(%dma_wait3A_118 : memref<4000xi32, #tpu.memory_space<hbm>>) dst(%arg16 : memref<4000xi32, #tpu.memory_space<vmem>>)
    %dma_wait3A_119 = tpu.memref_slice %arg4[%add3A_84] : memref<640000xi32, #tpu.memory_space<hbm>> -> memref<4000xi32, #tpu.memory_space<hbm>>
    %dma_wait3A_120 = tpu.memref_slice %arg4[%add3A_84] : memref<640000xi32, #tpu.memory_space<hbm>> -> memref<4000xi32, #tpu.memory_space<hbm>>
    tpu.wait_dma2 semaphore(%arg25 : memref<!tpu.dma_semaphore, #tpu.memory_space<semaphore_mem>>) src(%dma_wait3A_120 : memref<4000xi32, #tpu.memory_space<hbm>>) dst(%arg18 : memref<4000xi32, #tpu.memory_space<vmem>>)
    %dma_wait3A_121 = tpu.memref_slice %arg5[%add3A_84] : memref<640000xf32, #tpu.memory_space<hbm>> -> memref<4000xf32, #tpu.memory_space<hbm>>
    %dma_wait3A_122 = tpu.memref_slice %arg5[%add3A_84] : memref<640000xf32, #tpu.memory_space<hbm>> -> memref<4000xf32, #tpu.memory_space<hbm>>
    tpu.wait_dma2 semaphore(%arg25 : memref<!tpu.dma_semaphore, #tpu.memory_space<semaphore_mem>>) src(%dma_wait3A_122 : memref<4000xf32, #tpu.memory_space<hbm>>) dst(%arg20 : memref<4000xf32, #tpu.memory_space<vmem>>)
    %dma_wait3A_123 = tpu.memref_slice %arg6[%add3A_84] : memref<640000xf32, #tpu.memory_space<hbm>> -> memref<4000xf32, #tpu.memory_space<hbm>>
    %dma_wait3A_124 = tpu.memref_slice %arg6[%add3A_84] : memref<640000xf32, #tpu.memory_space<hbm>> -> memref<4000xf32, #tpu.memory_space<hbm>>
    tpu.wait_dma2 semaphore(%arg25 : memref<!tpu.dma_semaphore, #tpu.memory_space<semaphore_mem>>) src(%dma_wait3A_124 : memref<4000xf32, #tpu.memory_space<hbm>>) dst(%arg22 : memref<4000xf32, #tpu.memory_space<vmem>>)
    %scan3A_125 = arith.constant 0 : i32
    %scan3A_126 = arith.constant 25 : i32
    %scan3A_127 = arith.addi %scan3A_125, %scan3A_126 : i32
    %scan3A_128 = arith.constant 1 : i32
    %scan3A_129:5 = scf.for %scan3A_150 = %scan3A_125 to %scan3A_127 step %scan3A_128 iter_args(%scan3A_151 = %scan3A_105#0, %scan3A_152 = %scan3A_105#1, %scan3A_153 = %scan3A_105#2, %scan3A_154 = %scan3A_105#3, %scan3A_155 = %scan3A_105#4) -> (vector<16xf32>, vector<16xf32>, vector<16xf32>, vector<16xf32>, vector<16xf32>)  : i32 {
      %mul3A_156 = arith.constant 10 : i32
      %mul3A_157 = arith.muli %scan3A_150, %mul3A_156 : i32
      %add3A_158 = arith.constant 0 : i32
      %add3A_159 = arith.addi %mul3A_157, %add3A_158 : i32
      %mul3A_160 = arith.constant 16 : i32
      %mul3A_161 = arith.muli %add3A_159, %mul3A_160 : i32
      %get3A = arith.index_cast %mul3A_161 : i32 to index
      %get3A_162 = tpu.vector_load %arg16[%get3A] {strides = array<i32>} : memref<4000xi32, #tpu.memory_space<vmem>>, vector<16xi32>,
      %mul3A_163 = arith.constant 16 : i32
      %mul3A_164 = arith.muli %add3A_159, %mul3A_163 : i32
      %get3A_165 = arith.index_cast %mul3A_164 : i32 to index
      %get3A_166 = tpu.vector_load %arg18[%get3A_165] {strides = array<i32>} : memref<4000xi32, #tpu.memory_space<vmem>>, vector<16xi32>,
      %mul3A_167 = arith.constant 16 : i32
      %mul3A_168 = arith.muli %add3A_159, %mul3A_167 : i32
      %get3A_169 = arith.index_cast %mul3A_168 : i32 to index
      %get3A_170 = tpu.vector_load %arg20[%get3A_169] {strides = array<i32>} : memref<4000xf32, #tpu.memory_space<vmem>>, vector<16xf32>,
      %mul3A_171 = arith.constant 16 : i32
      %mul3A_172 = arith.muli %add3A_159, %mul3A_171 : i32
      %get3A_173 = arith.index_cast %mul3A_172 : i32 to index
      %get3A_174 = tpu.vector_load %arg22[%get3A_173] {strides = array<i32>} : memref<4000xf32, #tpu.memory_space<vmem>>, vector<16xf32>,
      %gather3A = tpu.vector_load_idx %arg11[%get3A_162] : memref<10000xf32, #tpu.memory_space<vmem>>[vector<16xi32>], vector<16xf32>,
      %gather3A_175 = tpu.vector_load_idx %arg11[%get3A_166] : memref<10000xf32, #tpu.memory_space<vmem>>[vector<16xi32>], vector<16xf32>,
      %gather3A_176 = tpu.vector_load_idx %arg12[%get3A_162] : memref<10000xf32, #tpu.memory_space<vmem>>[vector<16xi32>], vector<16xf32>,
      %gather3A_177 = tpu.vector_load_idx %arg12[%get3A_166] : memref<10000xf32, #tpu.memory_space<vmem>>[vector<16xi32>], vector<16xf32>,
      %gather3A_178 = tpu.vector_load_idx %arg13[%get3A_162] : memref<10000xf32, #tpu.memory_space<vmem>>[vector<16xi32>], vector<16xf32>,
      %gather3A_179 = tpu.vector_load_idx %arg13[%get3A_166] : memref<10000xf32, #tpu.memory_space<vmem>>[vector<16xi32>], vector<16xf32>,
      %mul3A_180 = arith.mulf %get3A_174, %get3A_174 : vector<16xf32>
      %div3A = arith.constant 1.000000e+00 : f32
      %div3A_181 = vector.broadcast %div3A : f32 to vector<16xf32>
      %div3A_182 = arith.divf %div3A_181, %mul3A_180 : vector<16xf32>
      %mul3A_183 = arith.mulf %get3A_170, %div3A_182 : vector<16xf32>
      %mul3A_184 = arith.mulf %mul3A_183, %div3A_182 : vector<16xf32>
      %sub3A = arith.subf %gather3A, %gather3A_175 : vector<16xf32>
      %mul3A_185 = arith.mulf %mul3A_184, %sub3A : vector<16xf32>
      %sub3A_186 = arith.subf %mul3A_185, %scan3A_152 : vector<16xf32>
      %add3A_187 = arith.addf %scan3A_151, %sub3A_186 : vector<16xf32>
      %sub3A_188 = arith.subf %add3A_187, %scan3A_151 : vector<16xf32>
      %sub3A_189 = arith.subf %sub3A_188, %sub3A_186 : vector<16xf32>
      %sub3A_190 = arith.subf %gather3A_176, %gather3A_177 : vector<16xf32>
      %mul3A_191 = arith.mulf %mul3A_183, %sub3A_190 : vector<16xf32>
      %sub3A_192 = arith.subf %mul3A_191, %scan3A_154 : vector<16xf32>
      %add3A_193 = arith.addf %scan3A_153, %sub3A_192 : vector<16xf32>
      %sub3A_194 = arith.subf %add3A_193, %scan3A_153 : vector<16xf32>
      %sub3A_195 = arith.subf %sub3A_194, %sub3A_192 : vector<16xf32>
      %sub3A_196 = arith.subf %gather3A_178, %gather3A_179 : vector<16xf32>
      %add3A_197 = arith.addf %scan3A_155, %sub3A_196 : vector<16xf32>
      %mul3A_198 = arith.constant 16 : i32
      %mul3A_199 = vector.broadcast %mul3A_198 : i32 to vector<16xi32>
      %mul3A_200 = arith.muli %get3A_166, %mul3A_199 : vector<16xi32>
      %add3A_201 = arith.addi %mul3A_200, %iota3A : vector<16xi32>
      %masked_sort3A = arith.constant dense<true> : vector<16xi1>
      %masked_sort3A_202, %masked_sort3A_203, %masked_sort3A_204 = tpu.sort %add3A_201, %iota3A masked %masked_sort3A : (vector<16xi32>, vector<16xi32>, vector<16xi1>) -> (vector<16xi1>, vector<16xi32>, vector<16xi32>)
      %shift_right_logical3A = arith.constant 4 : i32
      %shift_right_logical3A_205 = vector.broadcast %shift_right_logical3A : i32 to vector<16xi32>
      %shift_right_logical3A_206 = arith.shrui %masked_sort3A_203, %shift_right_logical3A_205 : vector<16xi32>
      %broadcast_in_dim3A_207 = vector.shape_cast %min3A_16 : vector<16xi32> to vector<16x1xi32>
      %gather3A_208 = vector.shape_cast %broadcast_in_dim3A_207 : vector<16x1xi32> to vector<16xi32>
      %gather3A_209 = tpu.dynamic_gather %shift_right_logical3A_206[%gather3A_208] in [0] : vector<16xi32>, vector<16xi32> -> vector<16xi32>
      %ne3A = arith.cmpi ne, %shift_right_logical3A_206, %gather3A_209 : vector<16xi32>
      %or3A = arith.ori %ne3A, %eq3A_18 : vector<16xi1>
      %broadcast_in_dim3A_210 = vector.shape_cast %masked_sort3A_204 : vector<16xi32> to vector<16x1xi32>
      %gather3A_211 = vector.shape_cast %broadcast_in_dim3A_210 : vector<16x1xi32> to vector<16xi32>
      %gather3A_212 = tpu.dynamic_gather %get3A_174[%gather3A_211] in [0] : vector<16xf32>, vector<16xi32> -> vector<16xf32>
      %bitcast_convert_type3A = tpu.bitcast %gather3A_212 : vector<16xf32> -> vector<16xi32>
      %or3A_213 = arith.constant -2147483648 : i32
      %or3A_214 = vector.broadcast %or3A_213 : i32 to vector<16xi32>
      %or3A_215 = arith.ori %bitcast_convert_type3A, %or3A_214 : vector<16xi32>
      %bitcast_convert_type3A_216 = tpu.bitcast %or3A_215 : vector<16xi32> -> vector<16xf32>
      tpu.vector_store_idx %arg14[%shift_right_logical3A_206], %bitcast_convert_type3A_216 masked %or3A : memref<10000xf32, #tpu.memory_space<vmem>>[vector<16xi32>], vector<16xf32>, vector<16xi1>
      %mul3A_217 = arith.constant 10 : i32
      %mul3A_218 = arith.muli %scan3A_150, %mul3A_217 : i32
      %add3A_219 = arith.constant 1 : i32
      %add3A_220 = arith.addi %mul3A_218, %add3A_219 : i32
      %mul3A_221 = arith.constant 16 : i32
      %mul3A_222 = arith.muli %add3A_220, %mul3A_221 : i32
      %get3A_223 = arith.index_cast %mul3A_222 : i32 to index
      %get3A_224 = tpu.vector_load %arg16[%get3A_223] {strides = array<i32>} : memref<4000xi32, #tpu.memory_space<vmem>>, vector<16xi32>,
      %mul3A_225 = arith.constant 16 : i32
      %mul3A_226 = arith.muli %add3A_220, %mul3A_225 : i32
      %get3A_227 = arith.index_cast %mul3A_226 : i32 to index
      %get3A_228 = tpu.vector_load %arg18[%get3A_227] {strides = array<i32>} : memref<4000xi32, #tpu.memory_space<vmem>>, vector<16xi32>,
      %mul3A_229 = arith.constant 16 : i32
      %mul3A_230 = arith.muli %add3A_220, %mul3A_229 : i32
      %get3A_231 = arith.index_cast %mul3A_230 : i32 to index
      %get3A_232 = tpu.vector_load %arg20[%get3A_231] {strides = array<i32>} : memref<4000xf32, #tpu.memory_space<vmem>>, vector<16xf32>,
      %mul3A_233 = arith.constant 16 : i32
      %mul3A_234 = arith.muli %add3A_220, %mul3A_233 : i32
      %get3A_235 = arith.index_cast %mul3A_234 : i32 to index
      %get3A_236 = tpu.vector_load %arg22[%get3A_235] {strides = array<i32>} : memref<4000xf32, #tpu.memory_space<vmem>>, vector<16xf32>,
      %gather3A_237 = tpu.vector_load_idx %arg11[%get3A_224] : memref<10000xf32, #tpu.memory_space<vmem>>[vector<16xi32>], vector<16xf32>,
      %gather3A_238 = tpu.vector_load_idx %arg11[%get3A_228] : memref<10000xf32, #tpu.memory_space<vmem>>[vector<16xi32>], vector<16xf32>,
      %gather3A_239 = tpu.vector_load_idx %arg12[%get3A_224] : memref<10000xf32, #tpu.memory_space<vmem>>[vector<16xi32>], vector<16xf32>,
      %gather3A_240 = tpu.vector_load_idx %arg12[%get3A_228] : memref<10000xf32, #tpu.memory_space<vmem>>[vector<16xi32>], vector<16xf32>,
      %gather3A_241 = tpu.vector_load_idx %arg13[%get3A_224] : memref<10000xf32, #tpu.memory_space<vmem>>[vector<16xi32>], vector<16xf32>,
      %gather3A_242 = tpu.vector_load_idx %arg13[%get3A_228] : memref<10000xf32, #tpu.memory_space<vmem>>[vector<16xi32>], vector<16xf32>,
      %mul3A_243 = arith.mulf %get3A_236, %get3A_236 : vector<16xf32>
      %div3A_244 = arith.constant 1.000000e+00 : f32
      %div3A_245 = vector.broadcast %div3A_244 : f32 to vector<16xf32>
      %div3A_246 = arith.divf %div3A_245, %mul3A_243 : vector<16xf32>
      %mul3A_247 = arith.mulf %get3A_232, %div3A_246 : vector<16xf32>
      %mul3A_248 = arith.mulf %mul3A_247, %div3A_246 : vector<16xf32>
      %sub3A_249 = arith.subf %gather3A_237, %gather3A_238 : vector<16xf32>
      %mul3A_250 = arith.mulf %mul3A_248, %sub3A_249 : vector<16xf32>
      %sub3A_251 = arith.subf %mul3A_250, %sub3A_189 : vector<16xf32>
      %add3A_252 = arith.addf %add3A_187, %sub3A_251 : vector<16xf32>
      %sub3A_253 = arith.subf %add3A_252, %add3A_187 : vector<16xf32>
      %sub3A_254 = arith.subf %sub3A_253, %sub3A_251 : vector<16xf32>
      %sub3A_255 = arith.subf %gather3A_239, %gather3A_240 : vector<16xf32>
      %mul3A_256 = arith.mulf %mul3A_247, %sub3A_255 : vector<16xf32>
      %sub3A_257 = arith.subf %mul3A_256, %sub3A_195 : vector<16xf32>
      %add3A_258 = arith.addf %add3A_193, %sub3A_257 : vector<16xf32>
      %sub3A_259 = arith.subf %add3A_258, %add3A_193 : vector<16xf32>
      %sub3A_260 = arith.subf %sub3A_259, %sub3A_257 : vector<16xf32>
      %sub3A_261 = arith.subf %gather3A_241, %gather3A_242 : vector<16xf32>
      %add3A_262 = arith.addf %add3A_197, %sub3A_261 : vector<16xf32>
      %mul3A_263 = arith.constant 16 : i32
      %mul3A_264 = vector.broadcast %mul3A_263 : i32 to vector<16xi32>
      %mul3A_265 = arith.muli %get3A_228, %mul3A_264 : vector<16xi32>
      %add3A_266 = arith.addi %mul3A_265, %iota3A : vector<16xi32>
      %masked_sort3A_267 = arith.constant dense<true> : vector<16xi1>
      %masked_sort3A_268, %masked_sort3A_269, %masked_sort3A_270 = tpu.sort %add3A_266, %iota3A masked %masked_sort3A_267 : (vector<16xi32>, vector<16xi32>, vector<16xi1>) -> (vector<16xi1>, vector<16xi32>, vector<16xi32>)
      %shift_right_logical3A_271 = arith.constant 4 : i32
      %shift_right_logical3A_272 = vector.broadcast %shift_right_logical3A_271 : i32 to vector<16xi32>
      %shift_right_logical3A_273 = arith.shrui %masked_sort3A_269, %shift_right_logical3A_272 : vector<16xi32>
      %broadcast_in_dim3A_274 = vector.shape_cast %min3A_16 : vector<16xi32> to vector<16x1xi32>
      %gather3A_275 = vector.shape_cast %broadcast_in_dim3A_274 : vector<16x1xi32> to vector<16xi32>
      %gather3A_276 = tpu.dynamic_gather %shift_right_logical3A_273[%gather3A_275] in [0] : vector<16xi32>, vector<16xi32> -> vector<16xi32>
      %ne3A_277 = arith.cmpi ne, %shift_right_logical3A_273, %gather3A_276 : vector<16xi32>
      %or3A_278 = arith.ori %ne3A_277, %eq3A_18 : vector<16xi1>
      %broadcast_in_dim3A_279 = vector.shape_cast %masked_sort3A_270 : vector<16xi32> to vector<16x1xi32>
      %gather3A_280 = vector.shape_cast %broadcast_in_dim3A_279 : vector<16x1xi32> to vector<16xi32>
      %gather3A_281 = tpu.dynamic_gather %get3A_236[%gather3A_280] in [0] : vector<16xf32>, vector<16xi32> -> vector<16xf32>
      %bitcast_convert_type3A_282 = tpu.bitcast %gather3A_281 : vector<16xf32> -> vector<16xi32>
      %or3A_283 = arith.constant -2147483648 : i32
      %or3A_284 = vector.broadcast %or3A_283 : i32 to vector<16xi32>
      %or3A_285 = arith.ori %bitcast_convert_type3A_282, %or3A_284 : vector<16xi32>
      %bitcast_convert_type3A_286 = tpu.bitcast %or3A_285 : vector<16xi32> -> vector<16xf32>
      tpu.vector_store_idx %arg14[%shift_right_logical3A_273], %bitcast_convert_type3A_286 masked %or3A_278 : memref<10000xf32, #tpu.memory_space<vmem>>[vector<16xi32>], vector<16xf32>, vector<16xi1>
      %mul3A_287 = arith.constant 10 : i32
      %mul3A_288 = arith.muli %scan3A_150, %mul3A_287 : i32
      %add3A_289 = arith.constant 2 : i32
      %add3A_290 = arith.addi %mul3A_288, %add3A_289 : i32
      %mul3A_291 = arith.constant 16 : i32
      %mul3A_292 = arith.muli %add3A_290, %mul3A_291 : i32
      %get3A_293 = arith.index_cast %mul3A_292 : i32 to index
      %get3A_294 = tpu.vector_load %arg16[%get3A_293] {strides = array<i32>} : memref<4000xi32, #tpu.memory_space<vmem>>, vector<16xi32>,
      %mul3A_295 = arith.constant 16 : i32
      %mul3A_296 = arith.muli %add3A_290, %mul3A_295 : i32
      %get3A_297 = arith.index_cast %mul3A_296 : i32 to index
      %get3A_298 = tpu.vector_load %arg18[%get3A_297] {strides = array<i32>} : memref<4000xi32, #tpu.memory_space<vmem>>, vector<16xi32>,
      %mul3A_299 = arith.constant 16 : i32
      %mul3A_300 = arith.muli %add3A_290, %mul3A_299 : i32
      %get3A_301 = arith.index_cast %mul3A_300 : i32 to index
      %get3A_302 = tpu.vector_load %arg20[%get3A_301] {strides = array<i32>} : memref<4000xf32, #tpu.memory_space<vmem>>, vector<16xf32>,
      %mul3A_303 = arith.constant 16 : i32
      %mul3A_304 = arith.muli %add3A_290, %mul3A_303 : i32
      %get3A_305 = arith.index_cast %mul3A_304 : i32 to index
      %get3A_306 = tpu.vector_load %arg22[%get3A_305] {strides = array<i32>} : memref<4000xf32, #tpu.memory_space<vmem>>, vector<16xf32>,
      %gather3A_307 = tpu.vector_load_idx %arg11[%get3A_294] : memref<10000xf32, #tpu.memory_space<vmem>>[vector<16xi32>], vector<16xf32>,
      %gather3A_308 = tpu.vector_load_idx %arg11[%get3A_298] : memref<10000xf32, #tpu.memory_space<vmem>>[vector<16xi32>], vector<16xf32>,
      %gather3A_309 = tpu.vector_load_idx %arg12[%get3A_294] : memref<10000xf32, #tpu.memory_space<vmem>>[vector<16xi32>], vector<16xf32>,
      %gather3A_310 = tpu.vector_load_idx %arg12[%get3A_298] : memref<10000xf32, #tpu.memory_space<vmem>>[vector<16xi32>], vector<16xf32>,
      %gather3A_311 = tpu.vector_load_idx %arg13[%get3A_294] : memref<10000xf32, #tpu.memory_space<vmem>>[vector<16xi32>], vector<16xf32>,
      %gather3A_312 = tpu.vector_load_idx %arg13[%get3A_298] : memref<10000xf32, #tpu.memory_space<vmem>>[vector<16xi32>], vector<16xf32>,
      %mul3A_313 = arith.mulf %get3A_306, %get3A_306 : vector<16xf32>
      %div3A_314 = arith.constant 1.000000e+00 : f32
      %div3A_315 = vector.broadcast %div3A_314 : f32 to vector<16xf32>
      %div3A_316 = arith.divf %div3A_315, %mul3A_313 : vector<16xf32>
      %mul3A_317 = arith.mulf %get3A_302, %div3A_316 : vector<16xf32>
      %mul3A_318 = arith.mulf %mul3A_317, %div3A_316 : vector<16xf32>
      %sub3A_319 = arith.subf %gather3A_307, %gather3A_308 : vector<16xf32>
      %mul3A_320 = arith.mulf %mul3A_318, %sub3A_319 : vector<16xf32>
      %sub3A_321 = arith.subf %mul3A_320, %sub3A_254 : vector<16xf32>
      %add3A_322 = arith.addf %add3A_252, %sub3A_321 : vector<16xf32>
      %sub3A_323 = arith.subf %add3A_322, %add3A_252 : vector<16xf32>
      %sub3A_324 = arith.subf %sub3A_323, %sub3A_321 : vector<16xf32>
      %sub3A_325 = arith.subf %gather3A_309, %gather3A_310 : vector<16xf32>
      %mul3A_326 = arith.mulf %mul3A_317, %sub3A_325 : vector<16xf32>
      %sub3A_327 = arith.subf %mul3A_326, %sub3A_260 : vector<16xf32>
      %add3A_328 = arith.addf %add3A_258, %sub3A_327 : vector<16xf32>
      %sub3A_329 = arith.subf %add3A_328, %add3A_258 : vector<16xf32>
      %sub3A_330 = arith.subf %sub3A_329, %sub3A_327 : vector<16xf32>
      %sub3A_331 = arith.subf %gather3A_311, %gather3A_312 : vector<16xf32>
      %add3A_332 = arith.addf %add3A_262, %sub3A_331 : vector<16xf32>
      %mul3A_333 = arith.constant 16 : i32
      %mul3A_334 = vector.broadcast %mul3A_333 : i32 to vector<16xi32>
      %mul3A_335 = arith.muli %get3A_298, %mul3A_334 : vector<16xi32>
      %add3A_336 = arith.addi %mul3A_335, %iota3A : vector<16xi32>
      %masked_sort3A_337 = arith.constant dense<true> : vector<16xi1>
      %masked_sort3A_338, %masked_sort3A_339, %masked_sort3A_340 = tpu.sort %add3A_336, %iota3A masked %masked_sort3A_337 : (vector<16xi32>, vector<16xi32>, vector<16xi1>) -> (vector<16xi1>, vector<16xi32>, vector<16xi32>)
      %shift_right_logical3A_341 = arith.constant 4 : i32
      %shift_right_logical3A_342 = vector.broadcast %shift_right_logical3A_341 : i32 to vector<16xi32>
      %shift_right_logical3A_343 = arith.shrui %masked_sort3A_339, %shift_right_logical3A_342 : vector<16xi32>
      %broadcast_in_dim3A_344 = vector.shape_cast %min3A_16 : vector<16xi32> to vector<16x1xi32>
      %gather3A_345 = vector.shape_cast %broadcast_in_dim3A_344 : vector<16x1xi32> to vector<16xi32>
      %gather3A_346 = tpu.dynamic_gather %shift_right_logical3A_343[%gather3A_345] in [0] : vector<16xi32>, vector<16xi32> -> vector<16xi32>
      %ne3A_347 = arith.cmpi ne, %shift_right_logical3A_343, %gather3A_346 : vector<16xi32>
      %or3A_348 = arith.ori %ne3A_347, %eq3A_18 : vector<16xi1>
      %broadcast_in_dim3A_349 = vector.shape_cast %masked_sort3A_340 : vector<16xi32> to vector<16x1xi32>
      %gather3A_350 = vector.shape_cast %broadcast_in_dim3A_349 : vector<16x1xi32> to vector<16xi32>
      %gather3A_351 = tpu.dynamic_gather %get3A_306[%gather3A_350] in [0] : vector<16xf32>, vector<16xi32> -> vector<16xf32>
      %bitcast_convert_type3A_352 = tpu.bitcast %gather3A_351 : vector<16xf32> -> vector<16xi32>
      %or3A_353 = arith.constant -2147483648 : i32
      %or3A_354 = vector.broadcast %or3A_353 : i32 to vector<16xi32>
      %or3A_355 = arith.ori %bitcast_convert_type3A_352, %or3A_354 : vector<16xi32>
      %bitcast_convert_type3A_356 = tpu.bitcast %or3A_355 : vector<16xi32> -> vector<16xf32>
      tpu.vector_store_idx %arg14[%shift_right_logical3A_343], %bitcast_convert_type3A_356 masked %or3A_348 : memref<10000xf32, #tpu.memory_space<vmem>>[vector<16xi32>], vector<16xf32>, vector<16xi1>
      %mul3A_357 = arith.constant 10 : i32
      %mul3A_358 = arith.muli %scan3A_150, %mul3A_357 : i32
      %add3A_359 = arith.constant 3 : i32
      %add3A_360 = arith.addi %mul3A_358, %add3A_359 : i32
      %mul3A_361 = arith.constant 16 : i32
      %mul3A_362 = arith.muli %add3A_360, %mul3A_361 : i32
      %get3A_363 = arith.index_cast %mul3A_362 : i32 to index
      %get3A_364 = tpu.vector_load %arg16[%get3A_363] {strides = array<i32>} : memref<4000xi32, #tpu.memory_space<vmem>>, vector<16xi32>,
      %mul3A_365 = arith.constant 16 : i32
      %mul3A_366 = arith.muli %add3A_360, %mul3A_365 : i32
      %get3A_367 = arith.index_cast %mul3A_366 : i32 to index
      %get3A_368 = tpu.vector_load %arg18[%get3A_367] {strides = array<i32>} : memref<4000xi32, #tpu.memory_space<vmem>>, vector<16xi32>,
      %mul3A_369 = arith.constant 16 : i32
      %mul3A_370 = arith.muli %add3A_360, %mul3A_369 : i32
      %get3A_371 = arith.index_cast %mul3A_370 : i32 to index
      %get3A_372 = tpu.vector_load %arg20[%get3A_371] {strides = array<i32>} : memref<4000xf32, #tpu.memory_space<vmem>>, vector<16xf32>,
      %mul3A_373 = arith.constant 16 : i32
      %mul3A_374 = arith.muli %add3A_360, %mul3A_373 : i32
      %get3A_375 = arith.index_cast %mul3A_374 : i32 to index
      %get3A_376 = tpu.vector_load %arg22[%get3A_375] {strides = array<i32>} : memref<4000xf32, #tpu.memory_space<vmem>>, vector<16xf32>,
      %gather3A_377 = tpu.vector_load_idx %arg11[%get3A_364] : memref<10000xf32, #tpu.memory_space<vmem>>[vector<16xi32>], vector<16xf32>,
      %gather3A_378 = tpu.vector_load_idx %arg11[%get3A_368] : memref<10000xf32, #tpu.memory_space<vmem>>[vector<16xi32>], vector<16xf32>,
      %gather3A_379 = tpu.vector_load_idx %arg12[%get3A_364] : memref<10000xf32, #tpu.memory_space<vmem>>[vector<16xi32>], vector<16xf32>,
      %gather3A_380 = tpu.vector_load_idx %arg12[%get3A_368] : memref<10000xf32, #tpu.memory_space<vmem>>[vector<16xi32>], vector<16xf32>,
      %gather3A_381 = tpu.vector_load_idx %arg13[%get3A_364] : memref<10000xf32, #tpu.memory_space<vmem>>[vector<16xi32>], vector<16xf32>,
      %gather3A_382 = tpu.vector_load_idx %arg13[%get3A_368] : memref<10000xf32, #tpu.memory_space<vmem>>[vector<16xi32>], vector<16xf32>,
      %mul3A_383 = arith.mulf %get3A_376, %get3A_376 : vector<16xf32>
      %div3A_384 = arith.constant 1.000000e+00 : f32
      %div3A_385 = vector.broadcast %div3A_384 : f32 to vector<16xf32>
      %div3A_386 = arith.divf %div3A_385, %mul3A_383 : vector<16xf32>
      %mul3A_387 = arith.mulf %get3A_372, %div3A_386 : vector<16xf32>
      %mul3A_388 = arith.mulf %mul3A_387, %div3A_386 : vector<16xf32>
      %sub3A_389 = arith.subf %gather3A_377, %gather3A_378 : vector<16xf32>
      %mul3A_390 = arith.mulf %mul3A_388, %sub3A_389 : vector<16xf32>
      %sub3A_391 = arith.subf %mul3A_390, %sub3A_324 : vector<16xf32>
      %add3A_392 = arith.addf %add3A_322, %sub3A_391 : vector<16xf32>
      %sub3A_393 = arith.subf %add3A_392, %add3A_322 : vector<16xf32>
      %sub3A_394 = arith.subf %sub3A_393, %sub3A_391 : vector<16xf32>
      %sub3A_395 = arith.subf %gather3A_379, %gather3A_380 : vector<16xf32>
      %mul3A_396 = arith.mulf %mul3A_387, %sub3A_395 : vector<16xf32>
      %sub3A_397 = arith.subf %mul3A_396, %sub3A_330 : vector<16xf32>
      %add3A_398 = arith.addf %add3A_328, %sub3A_397 : vector<16xf32>
      %sub3A_399 = arith.subf %add3A_398, %add3A_328 : vector<16xf32>
      %sub3A_400 = arith.subf %sub3A_399, %sub3A_397 : vector<16xf32>
      %sub3A_401 = arith.subf %gather3A_381, %gather3A_382 : vector<16xf32>
      %add3A_402 = arith.addf %add3A_332, %sub3A_401 : vector<16xf32>
      %mul3A_403 = arith.constant 16 : i32
      %mul3A_404 = vector.broadcast %mul3A_403 : i32 to vector<16xi32>
      %mul3A_405 = arith.muli %get3A_368, %mul3A_404 : vector<16xi32>
      %add3A_406 = arith.addi %mul3A_405, %iota3A : vector<16xi32>
      %masked_sort3A_407 = arith.constant dense<true> : vector<16xi1>
      %masked_sort3A_408, %masked_sort3A_409, %masked_sort3A_410 = tpu.sort %add3A_406, %iota3A masked %masked_sort3A_407 : (vector<16xi32>, vector<16xi32>, vector<16xi1>) -> (vector<16xi1>, vector<16xi32>, vector<16xi32>)
      %shift_right_logical3A_411 = arith.constant 4 : i32
      %shift_right_logical3A_412 = vector.broadcast %shift_right_logical3A_411 : i32 to vector<16xi32>
      %shift_right_logical3A_413 = arith.shrui %masked_sort3A_409, %shift_right_logical3A_412 : vector<16xi32>
      %broadcast_in_dim3A_414 = vector.shape_cast %min3A_16 : vector<16xi32> to vector<16x1xi32>
      %gather3A_415 = vector.shape_cast %broadcast_in_dim3A_414 : vector<16x1xi32> to vector<16xi32>
      %gather3A_416 = tpu.dynamic_gather %shift_right_logical3A_413[%gather3A_415] in [0] : vector<16xi32>, vector<16xi32> -> vector<16xi32>
      %ne3A_417 = arith.cmpi ne, %shift_right_logical3A_413, %gather3A_416 : vector<16xi32>
      %or3A_418 = arith.ori %ne3A_417, %eq3A_18 : vector<16xi1>
      %broadcast_in_dim3A_419 = vector.shape_cast %masked_sort3A_410 : vector<16xi32> to vector<16x1xi32>
      %gather3A_420 = vector.shape_cast %broadcast_in_dim3A_419 : vector<16x1xi32> to vector<16xi32>
      %gather3A_421 = tpu.dynamic_gather %get3A_376[%gather3A_420] in [0] : vector<16xf32>, vector<16xi32> -> vector<16xf32>
      %bitcast_convert_type3A_422 = tpu.bitcast %gather3A_421 : vector<16xf32> -> vector<16xi32>
      %or3A_423 = arith.constant -2147483648 : i32
      %or3A_424 = vector.broadcast %or3A_423 : i32 to vector<16xi32>
      %or3A_425 = arith.ori %bitcast_convert_type3A_422, %or3A_424 : vector<16xi32>
      %bitcast_convert_type3A_426 = tpu.bitcast %or3A_425 : vector<16xi32> -> vector<16xf32>
      tpu.vector_store_idx %arg14[%shift_right_logical3A_413], %bitcast_convert_type3A_426 masked %or3A_418 : memref<10000xf32, #tpu.memory_space<vmem>>[vector<16xi32>], vector<16xf32>, vector<16xi1>
      %mul3A_427 = arith.constant 10 : i32
      %mul3A_428 = arith.muli %scan3A_150, %mul3A_427 : i32
      %add3A_429 = arith.constant 4 : i32
      %add3A_430 = arith.addi %mul3A_428, %add3A_429 : i32
      %mul3A_431 = arith.constant 16 : i32
      %mul3A_432 = arith.muli %add3A_430, %mul3A_431 : i32
      %get3A_433 = arith.index_cast %mul3A_432 : i32 to index
      %get3A_434 = tpu.vector_load %arg16[%get3A_433] {strides = array<i32>} : memref<4000xi32, #tpu.memory_space<vmem>>, vector<16xi32>,
      %mul3A_435 = arith.constant 16 : i32
      %mul3A_436 = arith.muli %add3A_430, %mul3A_435 : i32
      %get3A_437 = arith.index_cast %mul3A_436 : i32 to index
      %get3A_438 = tpu.vector_load %arg18[%get3A_437] {strides = array<i32>} : memref<4000xi32, #tpu.memory_space<vmem>>, vector<16xi32>,
      %mul3A_439 = arith.constant 16 : i32
      %mul3A_440 = arith.muli %add3A_430, %mul3A_439 : i32
      %get3A_441 = arith.index_cast %mul3A_440 : i32 to index
      %get3A_442 = tpu.vector_load %arg20[%get3A_441] {strides = array<i32>} : memref<4000xf32, #tpu.memory_space<vmem>>, vector<16xf32>,
      %mul3A_443 = arith.constant 16 : i32
      %mul3A_444 = arith.muli %add3A_430, %mul3A_443 : i32
      %get3A_445 = arith.index_cast %mul3A_444 : i32 to index
      %get3A_446 = tpu.vector_load %arg22[%get3A_445] {strides = array<i32>} : memref<4000xf32, #tpu.memory_space<vmem>>, vector<16xf32>,
      %gather3A_447 = tpu.vector_load_idx %arg11[%get3A_434] : memref<10000xf32, #tpu.memory_space<vmem>>[vector<16xi32>], vector<16xf32>,
      %gather3A_448 = tpu.vector_load_idx %arg11[%get3A_438] : memref<10000xf32, #tpu.memory_space<vmem>>[vector<16xi32>], vector<16xf32>,
      %gather3A_449 = tpu.vector_load_idx %arg12[%get3A_434] : memref<10000xf32, #tpu.memory_space<vmem>>[vector<16xi32>], vector<16xf32>,
      %gather3A_450 = tpu.vector_load_idx %arg12[%get3A_438] : memref<10000xf32, #tpu.memory_space<vmem>>[vector<16xi32>], vector<16xf32>,
      %gather3A_451 = tpu.vector_load_idx %arg13[%get3A_434] : memref<10000xf32, #tpu.memory_space<vmem>>[vector<16xi32>], vector<16xf32>,
      %gather3A_452 = tpu.vector_load_idx %arg13[%get3A_438] : memref<10000xf32, #tpu.memory_space<vmem>>[vector<16xi32>], vector<16xf32>,
      %mul3A_453 = arith.mulf %get3A_446, %get3A_446 : vector<16xf32>
      %div3A_454 = arith.constant 1.000000e+00 : f32
      %div3A_455 = vector.broadcast %div3A_454 : f32 to vector<16xf32>
      %div3A_456 = arith.divf %div3A_455, %mul3A_453 : vector<16xf32>
      %mul3A_457 = arith.mulf %get3A_442, %div3A_456 : vector<16xf32>
      %mul3A_458 = arith.mulf %mul3A_457, %div3A_456 : vector<16xf32>
      %sub3A_459 = arith.subf %gather3A_447, %gather3A_448 : vector<16xf32>
      %mul3A_460 = arith.mulf %mul3A_458, %sub3A_459 : vector<16xf32>
      %sub3A_461 = arith.subf %mul3A_460, %sub3A_394 : vector<16xf32>
      %add3A_462 = arith.addf %add3A_392, %sub3A_461 : vector<16xf32>
      %sub3A_463 = arith.subf %add3A_462, %add3A_392 : vector<16xf32>
      %sub3A_464 = arith.subf %sub3A_463, %sub3A_461 : vector<16xf32>
      %sub3A_465 = arith.subf %gather3A_449, %gather3A_450 : vector<16xf32>
      %mul3A_466 = arith.mulf %mul3A_457, %sub3A_465 : vector<16xf32>
      %sub3A_467 = arith.subf %mul3A_466, %sub3A_400 : vector<16xf32>
      %add3A_468 = arith.addf %add3A_398, %sub3A_467 : vector<16xf32>
      %sub3A_469 = arith.subf %add3A_468, %add3A_398 : vector<16xf32>
      %sub3A_470 = arith.subf %sub3A_469, %sub3A_467 : vector<16xf32>
      %sub3A_471 = arith.subf %gather3A_451, %gather3A_452 : vector<16xf32>
      %add3A_472 = arith.addf %add3A_402, %sub3A_471 : vector<16xf32>
      %mul3A_473 = arith.constant 16 : i32
      %mul3A_474 = vector.broadcast %mul3A_473 : i32 to vector<16xi32>
      %mul3A_475 = arith.muli %get3A_438, %mul3A_474 : vector<16xi32>
      %add3A_476 = arith.addi %mul3A_475, %iota3A : vector<16xi32>
      %masked_sort3A_477 = arith.constant dense<true> : vector<16xi1>
      %masked_sort3A_478, %masked_sort3A_479, %masked_sort3A_480 = tpu.sort %add3A_476, %iota3A masked %masked_sort3A_477 : (vector<16xi32>, vector<16xi32>, vector<16xi1>) -> (vector<16xi1>, vector<16xi32>, vector<16xi32>)
      %shift_right_logical3A_481 = arith.constant 4 : i32
      %shift_right_logical3A_482 = vector.broadcast %shift_right_logical3A_481 : i32 to vector<16xi32>
      %shift_right_logical3A_483 = arith.shrui %masked_sort3A_479, %shift_right_logical3A_482 : vector<16xi32>
      %broadcast_in_dim3A_484 = vector.shape_cast %min3A_16 : vector<16xi32> to vector<16x1xi32>
      %gather3A_485 = vector.shape_cast %broadcast_in_dim3A_484 : vector<16x1xi32> to vector<16xi32>
      %gather3A_486 = tpu.dynamic_gather %shift_right_logical3A_483[%gather3A_485] in [0] : vector<16xi32>, vector<16xi32> -> vector<16xi32>
      %ne3A_487 = arith.cmpi ne, %shift_right_logical3A_483, %gather3A_486 : vector<16xi32>
      %or3A_488 = arith.ori %ne3A_487, %eq3A_18 : vector<16xi1>
      %broadcast_in_dim3A_489 = vector.shape_cast %masked_sort3A_480 : vector<16xi32> to vector<16x1xi32>
      %gather3A_490 = vector.shape_cast %broadcast_in_dim3A_489 : vector<16x1xi32> to vector<16xi32>
      %gather3A_491 = tpu.dynamic_gather %get3A_446[%gather3A_490] in [0] : vector<16xf32>, vector<16xi32> -> vector<16xf32>
      %bitcast_convert_type3A_492 = tpu.bitcast %gather3A_491 : vector<16xf32> -> vector<16xi32>
      %or3A_493 = arith.constant -2147483648 : i32
      %or3A_494 = vector.broadcast %or3A_493 : i32 to vector<16xi32>
      %or3A_495 = arith.ori %bitcast_convert_type3A_492, %or3A_494 : vector<16xi32>
      %bitcast_convert_type3A_496 = tpu.bitcast %or3A_495 : vector<16xi32> -> vector<16xf32>
      tpu.vector_store_idx %arg14[%shift_right_logical3A_483], %bitcast_convert_type3A_496 masked %or3A_488 : memref<10000xf32, #tpu.memory_space<vmem>>[vector<16xi32>], vector<16xf32>, vector<16xi1>
      %mul3A_497 = arith.constant 10 : i32
      %mul3A_498 = arith.muli %scan3A_150, %mul3A_497 : i32
      %add3A_499 = arith.constant 5 : i32
      %add3A_500 = arith.addi %mul3A_498, %add3A_499 : i32
      %mul3A_501 = arith.constant 16 : i32
      %mul3A_502 = arith.muli %add3A_500, %mul3A_501 : i32
      %get3A_503 = arith.index_cast %mul3A_502 : i32 to index
      %get3A_504 = tpu.vector_load %arg16[%get3A_503] {strides = array<i32>} : memref<4000xi32, #tpu.memory_space<vmem>>, vector<16xi32>,
      %mul3A_505 = arith.constant 16 : i32
      %mul3A_506 = arith.muli %add3A_500, %mul3A_505 : i32
      %get3A_507 = arith.index_cast %mul3A_506 : i32 to index
      %get3A_508 = tpu.vector_load %arg18[%get3A_507] {strides = array<i32>} : memref<4000xi32, #tpu.memory_space<vmem>>, vector<16xi32>,
      %mul3A_509 = arith.constant 16 : i32
      %mul3A_510 = arith.muli %add3A_500, %mul3A_509 : i32
      %get3A_511 = arith.index_cast %mul3A_510 : i32 to index
      %get3A_512 = tpu.vector_load %arg20[%get3A_511] {strides = array<i32>} : memref<4000xf32, #tpu.memory_space<vmem>>, vector<16xf32>,
      %mul3A_513 = arith.constant 16 : i32
      %mul3A_514 = arith.muli %add3A_500, %mul3A_513 : i32
      %get3A_515 = arith.index_cast %mul3A_514 : i32 to index
      %get3A_516 = tpu.vector_load %arg22[%get3A_515] {strides = array<i32>} : memref<4000xf32, #tpu.memory_space<vmem>>, vector<16xf32>,
      %gather3A_517 = tpu.vector_load_idx %arg11[%get3A_504] : memref<10000xf32, #tpu.memory_space<vmem>>[vector<16xi32>], vector<16xf32>,
      %gather3A_518 = tpu.vector_load_idx %arg11[%get3A_508] : memref<10000xf32, #tpu.memory_space<vmem>>[vector<16xi32>], vector<16xf32>,
      %gather3A_519 = tpu.vector_load_idx %arg12[%get3A_504] : memref<10000xf32, #tpu.memory_space<vmem>>[vector<16xi32>], vector<16xf32>,
      %gather3A_520 = tpu.vector_load_idx %arg12[%get3A_508] : memref<10000xf32, #tpu.memory_space<vmem>>[vector<16xi32>], vector<16xf32>,
      %gather3A_521 = tpu.vector_load_idx %arg13[%get3A_504] : memref<10000xf32, #tpu.memory_space<vmem>>[vector<16xi32>], vector<16xf32>,
      %gather3A_522 = tpu.vector_load_idx %arg13[%get3A_508] : memref<10000xf32, #tpu.memory_space<vmem>>[vector<16xi32>], vector<16xf32>,
      %mul3A_523 = arith.mulf %get3A_516, %get3A_516 : vector<16xf32>
      %div3A_524 = arith.constant 1.000000e+00 : f32
      %div3A_525 = vector.broadcast %div3A_524 : f32 to vector<16xf32>
      %div3A_526 = arith.divf %div3A_525, %mul3A_523 : vector<16xf32>
      %mul3A_527 = arith.mulf %get3A_512, %div3A_526 : vector<16xf32>
      %mul3A_528 = arith.mulf %mul3A_527, %div3A_526 : vector<16xf32>
      %sub3A_529 = arith.subf %gather3A_517, %gather3A_518 : vector<16xf32>
      %mul3A_530 = arith.mulf %mul3A_528, %sub3A_529 : vector<16xf32>
      %sub3A_531 = arith.subf %mul3A_530, %sub3A_464 : vector<16xf32>
      %add3A_532 = arith.addf %add3A_462, %sub3A_531 : vector<16xf32>
      %sub3A_533 = arith.subf %add3A_532, %add3A_462 : vector<16xf32>
      %sub3A_534 = arith.subf %sub3A_533, %sub3A_531 : vector<16xf32>
      %sub3A_535 = arith.subf %gather3A_519, %gather3A_520 : vector<16xf32>
      %mul3A_536 = arith.mulf %mul3A_527, %sub3A_535 : vector<16xf32>
      %sub3A_537 = arith.subf %mul3A_536, %sub3A_470 : vector<16xf32>
      %add3A_538 = arith.addf %add3A_468, %sub3A_537 : vector<16xf32>
      %sub3A_539 = arith.subf %add3A_538, %add3A_468 : vector<16xf32>
      %sub3A_540 = arith.subf %sub3A_539, %sub3A_537 : vector<16xf32>
      %sub3A_541 = arith.subf %gather3A_521, %gather3A_522 : vector<16xf32>
      %add3A_542 = arith.addf %add3A_472, %sub3A_541 : vector<16xf32>
      %mul3A_543 = arith.constant 16 : i32
      %mul3A_544 = vector.broadcast %mul3A_543 : i32 to vector<16xi32>
      %mul3A_545 = arith.muli %get3A_508, %mul3A_544 : vector<16xi32>
      %add3A_546 = arith.addi %mul3A_545, %iota3A : vector<16xi32>
      %masked_sort3A_547 = arith.constant dense<true> : vector<16xi1>
      %masked_sort3A_548, %masked_sort3A_549, %masked_sort3A_550 = tpu.sort %add3A_546, %iota3A masked %masked_sort3A_547 : (vector<16xi32>, vector<16xi32>, vector<16xi1>) -> (vector<16xi1>, vector<16xi32>, vector<16xi32>)
      %shift_right_logical3A_551 = arith.constant 4 : i32
      %shift_right_logical3A_552 = vector.broadcast %shift_right_logical3A_551 : i32 to vector<16xi32>
      %shift_right_logical3A_553 = arith.shrui %masked_sort3A_549, %shift_right_logical3A_552 : vector<16xi32>
      %broadcast_in_dim3A_554 = vector.shape_cast %min3A_16 : vector<16xi32> to vector<16x1xi32>
      %gather3A_555 = vector.shape_cast %broadcast_in_dim3A_554 : vector<16x1xi32> to vector<16xi32>
      %gather3A_556 = tpu.dynamic_gather %shift_right_logical3A_553[%gather3A_555] in [0] : vector<16xi32>, vector<16xi32> -> vector<16xi32>
      %ne3A_557 = arith.cmpi ne, %shift_right_logical3A_553, %gather3A_556 : vector<16xi32>
      %or3A_558 = arith.ori %ne3A_557, %eq3A_18 : vector<16xi1>
      %broadcast_in_dim3A_559 = vector.shape_cast %masked_sort3A_550 : vector<16xi32> to vector<16x1xi32>
      %gather3A_560 = vector.shape_cast %broadcast_in_dim3A_559 : vector<16x1xi32> to vector<16xi32>
      %gather3A_561 = tpu.dynamic_gather %get3A_516[%gather3A_560] in [0] : vector<16xf32>, vector<16xi32> -> vector<16xf32>
      %bitcast_convert_type3A_562 = tpu.bitcast %gather3A_561 : vector<16xf32> -> vector<16xi32>
      %or3A_563 = arith.constant -2147483648 : i32
      %or3A_564 = vector.broadcast %or3A_563 : i32 to vector<16xi32>
      %or3A_565 = arith.ori %bitcast_convert_type3A_562, %or3A_564 : vector<16xi32>
      %bitcast_convert_type3A_566 = tpu.bitcast %or3A_565 : vector<16xi32> -> vector<16xf32>
      tpu.vector_store_idx %arg14[%shift_right_logical3A_553], %bitcast_convert_type3A_566 masked %or3A_558 : memref<10000xf32, #tpu.memory_space<vmem>>[vector<16xi32>], vector<16xf32>, vector<16xi1>
      %mul3A_567 = arith.constant 10 : i32
      %mul3A_568 = arith.muli %scan3A_150, %mul3A_567 : i32
      %add3A_569 = arith.constant 6 : i32
      %add3A_570 = arith.addi %mul3A_568, %add3A_569 : i32
      %mul3A_571 = arith.constant 16 : i32
      %mul3A_572 = arith.muli %add3A_570, %mul3A_571 : i32
      %get3A_573 = arith.index_cast %mul3A_572 : i32 to index
      %get3A_574 = tpu.vector_load %arg16[%get3A_573] {strides = array<i32>} : memref<4000xi32, #tpu.memory_space<vmem>>, vector<16xi32>,
      %mul3A_575 = arith.constant 16 : i32
      %mul3A_576 = arith.muli %add3A_570, %mul3A_575 : i32
      %get3A_577 = arith.index_cast %mul3A_576 : i32 to index
      %get3A_578 = tpu.vector_load %arg18[%get3A_577] {strides = array<i32>} : memref<4000xi32, #tpu.memory_space<vmem>>, vector<16xi32>,
      %mul3A_579 = arith.constant 16 : i32
      %mul3A_580 = arith.muli %add3A_570, %mul3A_579 : i32
      %get3A_581 = arith.index_cast %mul3A_580 : i32 to index
      %get3A_582 = tpu.vector_load %arg20[%get3A_581] {strides = array<i32>} : memref<4000xf32, #tpu.memory_space<vmem>>, vector<16xf32>,
      %mul3A_583 = arith.constant 16 : i32
      %mul3A_584 = arith.muli %add3A_570, %mul3A_583 : i32
      %get3A_585 = arith.index_cast %mul3A_584 : i32 to index
      %get3A_586 = tpu.vector_load %arg22[%get3A_585] {strides = array<i32>} : memref<4000xf32, #tpu.memory_space<vmem>>, vector<16xf32>,
      %gather3A_587 = tpu.vector_load_idx %arg11[%get3A_574] : memref<10000xf32, #tpu.memory_space<vmem>>[vector<16xi32>], vector<16xf32>,
      %gather3A_588 = tpu.vector_load_idx %arg11[%get3A_578] : memref<10000xf32, #tpu.memory_space<vmem>>[vector<16xi32>], vector<16xf32>,
      %gather3A_589 = tpu.vector_load_idx %arg12[%get3A_574] : memref<10000xf32, #tpu.memory_space<vmem>>[vector<16xi32>], vector<16xf32>,
      %gather3A_590 = tpu.vector_load_idx %arg12[%get3A_578] : memref<10000xf32, #tpu.memory_space<vmem>>[vector<16xi32>], vector<16xf32>,
      %gather3A_591 = tpu.vector_load_idx %arg13[%get3A_574] : memref<10000xf32, #tpu.memory_space<vmem>>[vector<16xi32>], vector<16xf32>,
      %gather3A_592 = tpu.vector_load_idx %arg13[%get3A_578] : memref<10000xf32, #tpu.memory_space<vmem>>[vector<16xi32>], vector<16xf32>,
      %mul3A_593 = arith.mulf %get3A_586, %get3A_586 : vector<16xf32>
      %div3A_594 = arith.constant 1.000000e+00 : f32
      %div3A_595 = vector.broadcast %div3A_594 : f32 to vector<16xf32>
      %div3A_596 = arith.divf %div3A_595, %mul3A_593 : vector<16xf32>
      %mul3A_597 = arith.mulf %get3A_582, %div3A_596 : vector<16xf32>
      %mul3A_598 = arith.mulf %mul3A_597, %div3A_596 : vector<16xf32>
      %sub3A_599 = arith.subf %gather3A_587, %gather3A_588 : vector<16xf32>
      %mul3A_600 = arith.mulf %mul3A_598, %sub3A_599 : vector<16xf32>
      %sub3A_601 = arith.subf %mul3A_600, %sub3A_534 : vector<16xf32>
      %add3A_602 = arith.addf %add3A_532, %sub3A_601 : vector<16xf32>
      %sub3A_603 = arith.subf %add3A_602, %add3A_532 : vector<16xf32>
      %sub3A_604 = arith.subf %sub3A_603, %sub3A_601 : vector<16xf32>
      %sub3A_605 = arith.subf %gather3A_589, %gather3A_590 : vector<16xf32>
      %mul3A_606 = arith.mulf %mul3A_597, %sub3A_605 : vector<16xf32>
      %sub3A_607 = arith.subf %mul3A_606, %sub3A_540 : vector<16xf32>
      %add3A_608 = arith.addf %add3A_538, %sub3A_607 : vector<16xf32>
      %sub3A_609 = arith.subf %add3A_608, %add3A_538 : vector<16xf32>
      %sub3A_610 = arith.subf %sub3A_609, %sub3A_607 : vector<16xf32>
      %sub3A_611 = arith.subf %gather3A_591, %gather3A_592 : vector<16xf32>
      %add3A_612 = arith.addf %add3A_542, %sub3A_611 : vector<16xf32>
      %mul3A_613 = arith.constant 16 : i32
      %mul3A_614 = vector.broadcast %mul3A_613 : i32 to vector<16xi32>
      %mul3A_615 = arith.muli %get3A_578, %mul3A_614 : vector<16xi32>
      %add3A_616 = arith.addi %mul3A_615, %iota3A : vector<16xi32>
      %masked_sort3A_617 = arith.constant dense<true> : vector<16xi1>
      %masked_sort3A_618, %masked_sort3A_619, %masked_sort3A_620 = tpu.sort %add3A_616, %iota3A masked %masked_sort3A_617 : (vector<16xi32>, vector<16xi32>, vector<16xi1>) -> (vector<16xi1>, vector<16xi32>, vector<16xi32>)
      %shift_right_logical3A_621 = arith.constant 4 : i32
      %shift_right_logical3A_622 = vector.broadcast %shift_right_logical3A_621 : i32 to vector<16xi32>
      %shift_right_logical3A_623 = arith.shrui %masked_sort3A_619, %shift_right_logical3A_622 : vector<16xi32>
      %broadcast_in_dim3A_624 = vector.shape_cast %min3A_16 : vector<16xi32> to vector<16x1xi32>
      %gather3A_625 = vector.shape_cast %broadcast_in_dim3A_624 : vector<16x1xi32> to vector<16xi32>
      %gather3A_626 = tpu.dynamic_gather %shift_right_logical3A_623[%gather3A_625] in [0] : vector<16xi32>, vector<16xi32> -> vector<16xi32>
      %ne3A_627 = arith.cmpi ne, %shift_right_logical3A_623, %gather3A_626 : vector<16xi32>
      %or3A_628 = arith.ori %ne3A_627, %eq3A_18 : vector<16xi1>
      %broadcast_in_dim3A_629 = vector.shape_cast %masked_sort3A_620 : vector<16xi32> to vector<16x1xi32>
      %gather3A_630 = vector.shape_cast %broadcast_in_dim3A_629 : vector<16x1xi32> to vector<16xi32>
      %gather3A_631 = tpu.dynamic_gather %get3A_586[%gather3A_630] in [0] : vector<16xf32>, vector<16xi32> -> vector<16xf32>
      %bitcast_convert_type3A_632 = tpu.bitcast %gather3A_631 : vector<16xf32> -> vector<16xi32>
      %or3A_633 = arith.constant -2147483648 : i32
      %or3A_634 = vector.broadcast %or3A_633 : i32 to vector<16xi32>
      %or3A_635 = arith.ori %bitcast_convert_type3A_632, %or3A_634 : vector<16xi32>
      %bitcast_convert_type3A_636 = tpu.bitcast %or3A_635 : vector<16xi32> -> vector<16xf32>
      tpu.vector_store_idx %arg14[%shift_right_logical3A_623], %bitcast_convert_type3A_636 masked %or3A_628 : memref<10000xf32, #tpu.memory_space<vmem>>[vector<16xi32>], vector<16xf32>, vector<16xi1>
      %mul3A_637 = arith.constant 10 : i32
      %mul3A_638 = arith.muli %scan3A_150, %mul3A_637 : i32
      %add3A_639 = arith.constant 7 : i32
      %add3A_640 = arith.addi %mul3A_638, %add3A_639 : i32
      %mul3A_641 = arith.constant 16 : i32
      %mul3A_642 = arith.muli %add3A_640, %mul3A_641 : i32
      %get3A_643 = arith.index_cast %mul3A_642 : i32 to index
      %get3A_644 = tpu.vector_load %arg16[%get3A_643] {strides = array<i32>} : memref<4000xi32, #tpu.memory_space<vmem>>, vector<16xi32>,
      %mul3A_645 = arith.constant 16 : i32
      %mul3A_646 = arith.muli %add3A_640, %mul3A_645 : i32
      %get3A_647 = arith.index_cast %mul3A_646 : i32 to index
      %get3A_648 = tpu.vector_load %arg18[%get3A_647] {strides = array<i32>} : memref<4000xi32, #tpu.memory_space<vmem>>, vector<16xi32>,
      %mul3A_649 = arith.constant 16 : i32
      %mul3A_650 = arith.muli %add3A_640, %mul3A_649 : i32
      %get3A_651 = arith.index_cast %mul3A_650 : i32 to index
      %get3A_652 = tpu.vector_load %arg20[%get3A_651] {strides = array<i32>} : memref<4000xf32, #tpu.memory_space<vmem>>, vector<16xf32>,
      %mul3A_653 = arith.constant 16 : i32
      %mul3A_654 = arith.muli %add3A_640, %mul3A_653 : i32
      %get3A_655 = arith.index_cast %mul3A_654 : i32 to index
      %get3A_656 = tpu.vector_load %arg22[%get3A_655] {strides = array<i32>} : memref<4000xf32, #tpu.memory_space<vmem>>, vector<16xf32>,
      %gather3A_657 = tpu.vector_load_idx %arg11[%get3A_644] : memref<10000xf32, #tpu.memory_space<vmem>>[vector<16xi32>], vector<16xf32>,
      %gather3A_658 = tpu.vector_load_idx %arg11[%get3A_648] : memref<10000xf32, #tpu.memory_space<vmem>>[vector<16xi32>], vector<16xf32>,
      %gather3A_659 = tpu.vector_load_idx %arg12[%get3A_644] : memref<10000xf32, #tpu.memory_space<vmem>>[vector<16xi32>], vector<16xf32>,
      %gather3A_660 = tpu.vector_load_idx %arg12[%get3A_648] : memref<10000xf32, #tpu.memory_space<vmem>>[vector<16xi32>], vector<16xf32>,
      %gather3A_661 = tpu.vector_load_idx %arg13[%get3A_644] : memref<10000xf32, #tpu.memory_space<vmem>>[vector<16xi32>], vector<16xf32>,
      %gather3A_662 = tpu.vector_load_idx %arg13[%get3A_648] : memref<10000xf32, #tpu.memory_space<vmem>>[vector<16xi32>], vector<16xf32>,
      %mul3A_663 = arith.mulf %get3A_656, %get3A_656 : vector<16xf32>
      %div3A_664 = arith.constant 1.000000e+00 : f32
      %div3A_665 = vector.broadcast %div3A_664 : f32 to vector<16xf32>
      %div3A_666 = arith.divf %div3A_665, %mul3A_663 : vector<16xf32>
      %mul3A_667 = arith.mulf %get3A_652, %div3A_666 : vector<16xf32>
      %mul3A_668 = arith.mulf %mul3A_667, %div3A_666 : vector<16xf32>
      %sub3A_669 = arith.subf %gather3A_657, %gather3A_658 : vector<16xf32>
      %mul3A_670 = arith.mulf %mul3A_668, %sub3A_669 : vector<16xf32>
      %sub3A_671 = arith.subf %mul3A_670, %sub3A_604 : vector<16xf32>
      %add3A_672 = arith.addf %add3A_602, %sub3A_671 : vector<16xf32>
      %sub3A_673 = arith.subf %add3A_672, %add3A_602 : vector<16xf32>
      %sub3A_674 = arith.subf %sub3A_673, %sub3A_671 : vector<16xf32>
      %sub3A_675 = arith.subf %gather3A_659, %gather3A_660 : vector<16xf32>
      %mul3A_676 = arith.mulf %mul3A_667, %sub3A_675 : vector<16xf32>
      %sub3A_677 = arith.subf %mul3A_676, %sub3A_610 : vector<16xf32>
      %add3A_678 = arith.addf %add3A_608, %sub3A_677 : vector<16xf32>
      %sub3A_679 = arith.subf %add3A_678, %add3A_608 : vector<16xf32>
      %sub3A_680 = arith.subf %sub3A_679, %sub3A_677 : vector<16xf32>
      %sub3A_681 = arith.subf %gather3A_661, %gather3A_662 : vector<16xf32>
      %add3A_682 = arith.addf %add3A_612, %sub3A_681 : vector<16xf32>
      %mul3A_683 = arith.constant 16 : i32
      %mul3A_684 = vector.broadcast %mul3A_683 : i32 to vector<16xi32>
      %mul3A_685 = arith.muli %get3A_648, %mul3A_684 : vector<16xi32>
      %add3A_686 = arith.addi %mul3A_685, %iota3A : vector<16xi32>
      %masked_sort3A_687 = arith.constant dense<true> : vector<16xi1>
      %masked_sort3A_688, %masked_sort3A_689, %masked_sort3A_690 = tpu.sort %add3A_686, %iota3A masked %masked_sort3A_687 : (vector<16xi32>, vector<16xi32>, vector<16xi1>) -> (vector<16xi1>, vector<16xi32>, vector<16xi32>)
      %shift_right_logical3A_691 = arith.constant 4 : i32
      %shift_right_logical3A_692 = vector.broadcast %shift_right_logical3A_691 : i32 to vector<16xi32>
      %shift_right_logical3A_693 = arith.shrui %masked_sort3A_689, %shift_right_logical3A_692 : vector<16xi32>
      %broadcast_in_dim3A_694 = vector.shape_cast %min3A_16 : vector<16xi32> to vector<16x1xi32>
      %gather3A_695 = vector.shape_cast %broadcast_in_dim3A_694 : vector<16x1xi32> to vector<16xi32>
      %gather3A_696 = tpu.dynamic_gather %shift_right_logical3A_693[%gather3A_695] in [0] : vector<16xi32>, vector<16xi32> -> vector<16xi32>
      %ne3A_697 = arith.cmpi ne, %shift_right_logical3A_693, %gather3A_696 : vector<16xi32>
      %or3A_698 = arith.ori %ne3A_697, %eq3A_18 : vector<16xi1>
      %broadcast_in_dim3A_699 = vector.shape_cast %masked_sort3A_690 : vector<16xi32> to vector<16x1xi32>
      %gather3A_700 = vector.shape_cast %broadcast_in_dim3A_699 : vector<16x1xi32> to vector<16xi32>
      %gather3A_701 = tpu.dynamic_gather %get3A_656[%gather3A_700] in [0] : vector<16xf32>, vector<16xi32> -> vector<16xf32>
      %bitcast_convert_type3A_702 = tpu.bitcast %gather3A_701 : vector<16xf32> -> vector<16xi32>
      %or3A_703 = arith.constant -2147483648 : i32
      %or3A_704 = vector.broadcast %or3A_703 : i32 to vector<16xi32>
      %or3A_705 = arith.ori %bitcast_convert_type3A_702, %or3A_704 : vector<16xi32>
      %bitcast_convert_type3A_706 = tpu.bitcast %or3A_705 : vector<16xi32> -> vector<16xf32>
      tpu.vector_store_idx %arg14[%shift_right_logical3A_693], %bitcast_convert_type3A_706 masked %or3A_698 : memref<10000xf32, #tpu.memory_space<vmem>>[vector<16xi32>], vector<16xf32>, vector<16xi1>
      %mul3A_707 = arith.constant 10 : i32
      %mul3A_708 = arith.muli %scan3A_150, %mul3A_707 : i32
      %add3A_709 = arith.constant 8 : i32
      %add3A_710 = arith.addi %mul3A_708, %add3A_709 : i32
      %mul3A_711 = arith.constant 16 : i32
      %mul3A_712 = arith.muli %add3A_710, %mul3A_711 : i32
      %get3A_713 = arith.index_cast %mul3A_712 : i32 to index
      %get3A_714 = tpu.vector_load %arg16[%get3A_713] {strides = array<i32>} : memref<4000xi32, #tpu.memory_space<vmem>>, vector<16xi32>,
      %mul3A_715 = arith.constant 16 : i32
      %mul3A_716 = arith.muli %add3A_710, %mul3A_715 : i32
      %get3A_717 = arith.index_cast %mul3A_716 : i32 to index
      %get3A_718 = tpu.vector_load %arg18[%get3A_717] {strides = array<i32>} : memref<4000xi32, #tpu.memory_space<vmem>>, vector<16xi32>,
      %mul3A_719 = arith.constant 16 : i32
      %mul3A_720 = arith.muli %add3A_710, %mul3A_719 : i32
      %get3A_721 = arith.index_cast %mul3A_720 : i32 to index
      %get3A_722 = tpu.vector_load %arg20[%get3A_721] {strides = array<i32>} : memref<4000xf32, #tpu.memory_space<vmem>>, vector<16xf32>,
      %mul3A_723 = arith.constant 16 : i32
      %mul3A_724 = arith.muli %add3A_710, %mul3A_723 : i32
      %get3A_725 = arith.index_cast %mul3A_724 : i32 to index
      %get3A_726 = tpu.vector_load %arg22[%get3A_725] {strides = array<i32>} : memref<4000xf32, #tpu.memory_space<vmem>>, vector<16xf32>,
      %gather3A_727 = tpu.vector_load_idx %arg11[%get3A_714] : memref<10000xf32, #tpu.memory_space<vmem>>[vector<16xi32>], vector<16xf32>,
      %gather3A_728 = tpu.vector_load_idx %arg11[%get3A_718] : memref<10000xf32, #tpu.memory_space<vmem>>[vector<16xi32>], vector<16xf32>,
      %gather3A_729 = tpu.vector_load_idx %arg12[%get3A_714] : memref<10000xf32, #tpu.memory_space<vmem>>[vector<16xi32>], vector<16xf32>,
      %gather3A_730 = tpu.vector_load_idx %arg12[%get3A_718] : memref<10000xf32, #tpu.memory_space<vmem>>[vector<16xi32>], vector<16xf32>,
      %gather3A_731 = tpu.vector_load_idx %arg13[%get3A_714] : memref<10000xf32, #tpu.memory_space<vmem>>[vector<16xi32>], vector<16xf32>,
      %gather3A_732 = tpu.vector_load_idx %arg13[%get3A_718] : memref<10000xf32, #tpu.memory_space<vmem>>[vector<16xi32>], vector<16xf32>,
      %mul3A_733 = arith.mulf %get3A_726, %get3A_726 : vector<16xf32>
      %div3A_734 = arith.constant 1.000000e+00 : f32
      %div3A_735 = vector.broadcast %div3A_734 : f32 to vector<16xf32>
      %div3A_736 = arith.divf %div3A_735, %mul3A_733 : vector<16xf32>
      %mul3A_737 = arith.mulf %get3A_722, %div3A_736 : vector<16xf32>
      %mul3A_738 = arith.mulf %mul3A_737, %div3A_736 : vector<16xf32>
      %sub3A_739 = arith.subf %gather3A_727, %gather3A_728 : vector<16xf32>
      %mul3A_740 = arith.mulf %mul3A_738, %sub3A_739 : vector<16xf32>
      %sub3A_741 = arith.subf %mul3A_740, %sub3A_674 : vector<16xf32>
      %add3A_742 = arith.addf %add3A_672, %sub3A_741 : vector<16xf32>
      %sub3A_743 = arith.subf %add3A_742, %add3A_672 : vector<16xf32>
      %sub3A_744 = arith.subf %sub3A_743, %sub3A_741 : vector<16xf32>
      %sub3A_745 = arith.subf %gather3A_729, %gather3A_730 : vector<16xf32>
      %mul3A_746 = arith.mulf %mul3A_737, %sub3A_745 : vector<16xf32>
      %sub3A_747 = arith.subf %mul3A_746, %sub3A_680 : vector<16xf32>
      %add3A_748 = arith.addf %add3A_678, %sub3A_747 : vector<16xf32>
      %sub3A_749 = arith.subf %add3A_748, %add3A_678 : vector<16xf32>
      %sub3A_750 = arith.subf %sub3A_749, %sub3A_747 : vector<16xf32>
      %sub3A_751 = arith.subf %gather3A_731, %gather3A_732 : vector<16xf32>
      %add3A_752 = arith.addf %add3A_682, %sub3A_751 : vector<16xf32>
      %mul3A_753 = arith.constant 16 : i32
      %mul3A_754 = vector.broadcast %mul3A_753 : i32 to vector<16xi32>
      %mul3A_755 = arith.muli %get3A_718, %mul3A_754 : vector<16xi32>
      %add3A_756 = arith.addi %mul3A_755, %iota3A : vector<16xi32>
      %masked_sort3A_757 = arith.constant dense<true> : vector<16xi1>
      %masked_sort3A_758, %masked_sort3A_759, %masked_sort3A_760 = tpu.sort %add3A_756, %iota3A masked %masked_sort3A_757 : (vector<16xi32>, vector<16xi32>, vector<16xi1>) -> (vector<16xi1>, vector<16xi32>, vector<16xi32>)
      %shift_right_logical3A_761 = arith.constant 4 : i32
      %shift_right_logical3A_762 = vector.broadcast %shift_right_logical3A_761 : i32 to vector<16xi32>
      %shift_right_logical3A_763 = arith.shrui %masked_sort3A_759, %shift_right_logical3A_762 : vector<16xi32>
      %broadcast_in_dim3A_764 = vector.shape_cast %min3A_16 : vector<16xi32> to vector<16x1xi32>
      %gather3A_765 = vector.shape_cast %broadcast_in_dim3A_764 : vector<16x1xi32> to vector<16xi32>
      %gather3A_766 = tpu.dynamic_gather %shift_right_logical3A_763[%gather3A_765] in [0] : vector<16xi32>, vector<16xi32> -> vector<16xi32>
      %ne3A_767 = arith.cmpi ne, %shift_right_logical3A_763, %gather3A_766 : vector<16xi32>
      %or3A_768 = arith.ori %ne3A_767, %eq3A_18 : vector<16xi1>
      %broadcast_in_dim3A_769 = vector.shape_cast %masked_sort3A_760 : vector<16xi32> to vector<16x1xi32>
      %gather3A_770 = vector.shape_cast %broadcast_in_dim3A_769 : vector<16x1xi32> to vector<16xi32>
      %gather3A_771 = tpu.dynamic_gather %get3A_726[%gather3A_770] in [0] : vector<16xf32>, vector<16xi32> -> vector<16xf32>
      %bitcast_convert_type3A_772 = tpu.bitcast %gather3A_771 : vector<16xf32> -> vector<16xi32>
      %or3A_773 = arith.constant -2147483648 : i32
      %or3A_774 = vector.broadcast %or3A_773 : i32 to vector<16xi32>
      %or3A_775 = arith.ori %bitcast_convert_type3A_772, %or3A_774 : vector<16xi32>
      %bitcast_convert_type3A_776 = tpu.bitcast %or3A_775 : vector<16xi32> -> vector<16xf32>
      tpu.vector_store_idx %arg14[%shift_right_logical3A_763], %bitcast_convert_type3A_776 masked %or3A_768 : memref<10000xf32, #tpu.memory_space<vmem>>[vector<16xi32>], vector<16xf32>, vector<16xi1>
      %mul3A_777 = arith.constant 10 : i32
      %mul3A_778 = arith.muli %scan3A_150, %mul3A_777 : i32
      %add3A_779 = arith.constant 9 : i32
      %add3A_780 = arith.addi %mul3A_778, %add3A_779 : i32
      %mul3A_781 = arith.constant 16 : i32
      %mul3A_782 = arith.muli %add3A_780, %mul3A_781 : i32
      %get3A_783 = arith.index_cast %mul3A_782 : i32 to index
      %get3A_784 = tpu.vector_load %arg16[%get3A_783] {strides = array<i32>} : memref<4000xi32, #tpu.memory_space<vmem>>, vector<16xi32>,
      %mul3A_785 = arith.constant 16 : i32
      %mul3A_786 = arith.muli %add3A_780, %mul3A_785 : i32
      %get3A_787 = arith.index_cast %mul3A_786 : i32 to index
      %get3A_788 = tpu.vector_load %arg18[%get3A_787] {strides = array<i32>} : memref<4000xi32, #tpu.memory_space<vmem>>, vector<16xi32>,
      %mul3A_789 = arith.constant 16 : i32
      %mul3A_790 = arith.muli %add3A_780, %mul3A_789 : i32
      %get3A_791 = arith.index_cast %mul3A_790 : i32 to index
      %get3A_792 = tpu.vector_load %arg20[%get3A_791] {strides = array<i32>} : memref<4000xf32, #tpu.memory_space<vmem>>, vector<16xf32>,
      %mul3A_793 = arith.constant 16 : i32
      %mul3A_794 = arith.muli %add3A_780, %mul3A_793 : i32
      %get3A_795 = arith.index_cast %mul3A_794 : i32 to index
      %get3A_796 = tpu.vector_load %arg22[%get3A_795] {strides = array<i32>} : memref<4000xf32, #tpu.memory_space<vmem>>, vector<16xf32>,
      %gather3A_797 = tpu.vector_load_idx %arg11[%get3A_784] : memref<10000xf32, #tpu.memory_space<vmem>>[vector<16xi32>], vector<16xf32>,
      %gather3A_798 = tpu.vector_load_idx %arg11[%get3A_788] : memref<10000xf32, #tpu.memory_space<vmem>>[vector<16xi32>], vector<16xf32>,
      %gather3A_799 = tpu.vector_load_idx %arg12[%get3A_784] : memref<10000xf32, #tpu.memory_space<vmem>>[vector<16xi32>], vector<16xf32>,
      %gather3A_800 = tpu.vector_load_idx %arg12[%get3A_788] : memref<10000xf32, #tpu.memory_space<vmem>>[vector<16xi32>], vector<16xf32>,
      %gather3A_801 = tpu.vector_load_idx %arg13[%get3A_784] : memref<10000xf32, #tpu.memory_space<vmem>>[vector<16xi32>], vector<16xf32>,
      %gather3A_802 = tpu.vector_load_idx %arg13[%get3A_788] : memref<10000xf32, #tpu.memory_space<vmem>>[vector<16xi32>], vector<16xf32>,
      %mul3A_803 = arith.mulf %get3A_796, %get3A_796 : vector<16xf32>
      %div3A_804 = arith.constant 1.000000e+00 : f32
      %div3A_805 = vector.broadcast %div3A_804 : f32 to vector<16xf32>
      %div3A_806 = arith.divf %div3A_805, %mul3A_803 : vector<16xf32>
      %mul3A_807 = arith.mulf %get3A_792, %div3A_806 : vector<16xf32>
      %mul3A_808 = arith.mulf %mul3A_807, %div3A_806 : vector<16xf32>
      %sub3A_809 = arith.subf %gather3A_797, %gather3A_798 : vector<16xf32>
      %mul3A_810 = arith.mulf %mul3A_808, %sub3A_809 : vector<16xf32>
      %sub3A_811 = arith.subf %mul3A_810, %sub3A_744 : vector<16xf32>
      %add3A_812 = arith.addf %add3A_742, %sub3A_811 : vector<16xf32>
      %sub3A_813 = arith.subf %add3A_812, %add3A_742 : vector<16xf32>
      %sub3A_814 = arith.subf %sub3A_813, %sub3A_811 : vector<16xf32>
      %sub3A_815 = arith.subf %gather3A_799, %gather3A_800 : vector<16xf32>
      %mul3A_816 = arith.mulf %mul3A_807, %sub3A_815 : vector<16xf32>
      %sub3A_817 = arith.subf %mul3A_816, %sub3A_750 : vector<16xf32>
      %add3A_818 = arith.addf %add3A_748, %sub3A_817 : vector<16xf32>
      %sub3A_819 = arith.subf %add3A_818, %add3A_748 : vector<16xf32>
      %sub3A_820 = arith.subf %sub3A_819, %sub3A_817 : vector<16xf32>
      %sub3A_821 = arith.subf %gather3A_801, %gather3A_802 : vector<16xf32>
      %add3A_822 = arith.addf %add3A_752, %sub3A_821 : vector<16xf32>
      %mul3A_823 = arith.constant 16 : i32
      %mul3A_824 = vector.broadcast %mul3A_823 : i32 to vector<16xi32>
      %mul3A_825 = arith.muli %get3A_788, %mul3A_824 : vector<16xi32>
      %add3A_826 = arith.addi %mul3A_825, %iota3A : vector<16xi32>
      %masked_sort3A_827 = arith.constant dense<true> : vector<16xi1>
      %masked_sort3A_828, %masked_sort3A_829, %masked_sort3A_830 = tpu.sort %add3A_826, %iota3A masked %masked_sort3A_827 : (vector<16xi32>, vector<16xi32>, vector<16xi1>) -> (vector<16xi1>, vector<16xi32>, vector<16xi32>)
      %shift_right_logical3A_831 = arith.constant 4 : i32
      %shift_right_logical3A_832 = vector.broadcast %shift_right_logical3A_831 : i32 to vector<16xi32>
      %shift_right_logical3A_833 = arith.shrui %masked_sort3A_829, %shift_right_logical3A_832 : vector<16xi32>
      %broadcast_in_dim3A_834 = vector.shape_cast %min3A_16 : vector<16xi32> to vector<16x1xi32>
      %gather3A_835 = vector.shape_cast %broadcast_in_dim3A_834 : vector<16x1xi32> to vector<16xi32>
      %gather3A_836 = tpu.dynamic_gather %shift_right_logical3A_833[%gather3A_835] in [0] : vector<16xi32>, vector<16xi32> -> vector<16xi32>
      %ne3A_837 = arith.cmpi ne, %shift_right_logical3A_833, %gather3A_836 : vector<16xi32>
      %or3A_838 = arith.ori %ne3A_837, %eq3A_18 : vector<16xi1>
      %broadcast_in_dim3A_839 = vector.shape_cast %masked_sort3A_830 : vector<16xi32> to vector<16x1xi32>
      %gather3A_840 = vector.shape_cast %broadcast_in_dim3A_839 : vector<16x1xi32> to vector<16xi32>
      %gather3A_841 = tpu.dynamic_gather %get3A_796[%gather3A_840] in [0] : vector<16xf32>, vector<16xi32> -> vector<16xf32>
      %bitcast_convert_type3A_842 = tpu.bitcast %gather3A_841 : vector<16xf32> -> vector<16xi32>
      %or3A_843 = arith.constant -2147483648 : i32
      %or3A_844 = vector.broadcast %or3A_843 : i32 to vector<16xi32>
      %or3A_845 = arith.ori %bitcast_convert_type3A_842, %or3A_844 : vector<16xi32>
      %bitcast_convert_type3A_846 = tpu.bitcast %or3A_845 : vector<16xi32> -> vector<16xf32>
      tpu.vector_store_idx %arg14[%shift_right_logical3A_833], %bitcast_convert_type3A_846 masked %or3A_838 : memref<10000xf32, #tpu.memory_space<vmem>>[vector<16xi32>], vector<16xf32>, vector<16xi1>
      scf.yield %add3A_812, %sub3A_814, %add3A_818, %sub3A_820, %add3A_822 : vector<16xf32>, vector<16xf32>, vector<16xf32>, vector<16xf32>, vector<16xf32>
    }
    %scan3A_130 = arith.constant 25 : i32
    %dma_wait3A_131 = tpu.memref_slice %arg3[%add3A_108] : memref<640000xi32, #tpu.memory_space<hbm>> -> memref<4000xi32, #tpu.memory_space<hbm>>
    %dma_wait3A_132 = tpu.memref_slice %arg3[%add3A_108] : memref<640000xi32, #tpu.memory_space<hbm>> -> memref<4000xi32, #tpu.memory_space<hbm>>
    tpu.wait_dma2 semaphore(%arg24 : memref<!tpu.dma_semaphore, #tpu.memory_space<semaphore_mem>>) src(%dma_wait3A_132 : memref<4000xi32, #tpu.memory_space<hbm>>) dst(%arg15 : memref<4000xi32, #tpu.memory_space<vmem>>)
    %dma_wait3A_133 = tpu.memref_slice %arg4[%add3A_108] : memref<640000xi32, #tpu.memory_space<hbm>> -> memref<4000xi32, #tpu.memory_space<hbm>>
    %dma_wait3A_134 = tpu.memref_slice %arg4[%add3A_108] : memref<640000xi32, #tpu.memory_space<hbm>> -> memref<4000xi32, #tpu.memory_space<hbm>>
    tpu.wait_dma2 semaphore(%arg24 : memref<!tpu.dma_semaphore, #tpu.memory_space<semaphore_mem>>) src(%dma_wait3A_134 : memref<4000xi32, #tpu.memory_space<hbm>>) dst(%arg17 : memref<4000xi32, #tpu.memory_space<vmem>>)
    %dma_wait3A_135 = tpu.memref_slice %arg5[%add3A_108] : memref<640000xf32, #tpu.memory_space<hbm>> -> memref<4000xf32, #tpu.memory_space<hbm>>
    %dma_wait3A_136 = tpu.memref_slice %arg5[%add3A_108] : memref<640000xf32, #tpu.memory_space<hbm>> -> memref<4000xf32, #tpu.memory_space<hbm>>
    tpu.wait_dma2 semaphore(%arg24 : memref<!tpu.dma_semaphore, #tpu.memory_space<semaphore_mem>>) src(%dma_wait3A_136 : memref<4000xf32, #tpu.memory_space<hbm>>) dst(%arg19 : memref<4000xf32, #tpu.memory_space<vmem>>)
    %dma_wait3A_137 = tpu.memref_slice %arg6[%add3A_108] : memref<640000xf32, #tpu.memory_space<hbm>> -> memref<4000xf32, #tpu.memory_space<hbm>>
    %dma_wait3A_138 = tpu.memref_slice %arg6[%add3A_108] : memref<640000xf32, #tpu.memory_space<hbm>> -> memref<4000xf32, #tpu.memory_space<hbm>>
    tpu.wait_dma2 semaphore(%arg24 : memref<!tpu.dma_semaphore, #tpu.memory_space<semaphore_mem>>) src(%dma_wait3A_138 : memref<4000xf32, #tpu.memory_space<hbm>>) dst(%arg21 : memref<4000xf32, #tpu.memory_space<vmem>>)
    %scan3A_139 = arith.constant 0 : i32
    %scan3A_140 = arith.constant 25 : i32
    %scan3A_141 = arith.addi %scan3A_139, %scan3A_140 : i32
    %scan3A_142 = arith.constant 1 : i32
    %scan3A_143:5 = scf.for %scan3A_150 = %scan3A_139 to %scan3A_141 step %scan3A_142 iter_args(%scan3A_151 = %scan3A_129#0, %scan3A_152 = %scan3A_129#1, %scan3A_153 = %scan3A_129#2, %scan3A_154 = %scan3A_129#3, %scan3A_155 = %scan3A_129#4) -> (vector<16xf32>, vector<16xf32>, vector<16xf32>, vector<16xf32>, vector<16xf32>)  : i32 {
      %mul3A_156 = arith.constant 10 : i32
      %mul3A_157 = arith.muli %scan3A_150, %mul3A_156 : i32
      %add3A_158 = arith.constant 0 : i32
      %add3A_159 = arith.addi %mul3A_157, %add3A_158 : i32
      %mul3A_160 = arith.constant 16 : i32
      %mul3A_161 = arith.muli %add3A_159, %mul3A_160 : i32
      %get3A = arith.index_cast %mul3A_161 : i32 to index
      %get3A_162 = tpu.vector_load %arg15[%get3A] {strides = array<i32>} : memref<4000xi32, #tpu.memory_space<vmem>>, vector<16xi32>,
      %mul3A_163 = arith.constant 16 : i32
      %mul3A_164 = arith.muli %add3A_159, %mul3A_163 : i32
      %get3A_165 = arith.index_cast %mul3A_164 : i32 to index
      %get3A_166 = tpu.vector_load %arg17[%get3A_165] {strides = array<i32>} : memref<4000xi32, #tpu.memory_space<vmem>>, vector<16xi32>,
      %mul3A_167 = arith.constant 16 : i32
      %mul3A_168 = arith.muli %add3A_159, %mul3A_167 : i32
      %get3A_169 = arith.index_cast %mul3A_168 : i32 to index
      %get3A_170 = tpu.vector_load %arg19[%get3A_169] {strides = array<i32>} : memref<4000xf32, #tpu.memory_space<vmem>>, vector<16xf32>,
      %mul3A_171 = arith.constant 16 : i32
      %mul3A_172 = arith.muli %add3A_159, %mul3A_171 : i32
      %get3A_173 = arith.index_cast %mul3A_172 : i32 to index
      %get3A_174 = tpu.vector_load %arg21[%get3A_173] {strides = array<i32>} : memref<4000xf32, #tpu.memory_space<vmem>>, vector<16xf32>,
      %gather3A = tpu.vector_load_idx %arg11[%get3A_162] : memref<10000xf32, #tpu.memory_space<vmem>>[vector<16xi32>], vector<16xf32>,
      %gather3A_175 = tpu.vector_load_idx %arg11[%get3A_166] : memref<10000xf32, #tpu.memory_space<vmem>>[vector<16xi32>], vector<16xf32>,
      %gather3A_176 = tpu.vector_load_idx %arg12[%get3A_162] : memref<10000xf32, #tpu.memory_space<vmem>>[vector<16xi32>], vector<16xf32>,
      %gather3A_177 = tpu.vector_load_idx %arg12[%get3A_166] : memref<10000xf32, #tpu.memory_space<vmem>>[vector<16xi32>], vector<16xf32>,
      %gather3A_178 = tpu.vector_load_idx %arg13[%get3A_162] : memref<10000xf32, #tpu.memory_space<vmem>>[vector<16xi32>], vector<16xf32>,
      %gather3A_179 = tpu.vector_load_idx %arg13[%get3A_166] : memref<10000xf32, #tpu.memory_space<vmem>>[vector<16xi32>], vector<16xf32>,
      %mul3A_180 = arith.mulf %get3A_174, %get3A_174 : vector<16xf32>
      %div3A = arith.constant 1.000000e+00 : f32
      %div3A_181 = vector.broadcast %div3A : f32 to vector<16xf32>
      %div3A_182 = arith.divf %div3A_181, %mul3A_180 : vector<16xf32>
      %mul3A_183 = arith.mulf %get3A_170, %div3A_182 : vector<16xf32>
      %mul3A_184 = arith.mulf %mul3A_183, %div3A_182 : vector<16xf32>
      %sub3A = arith.subf %gather3A, %gather3A_175 : vector<16xf32>
      %mul3A_185 = arith.mulf %mul3A_184, %sub3A : vector<16xf32>
      %sub3A_186 = arith.subf %mul3A_185, %scan3A_152 : vector<16xf32>
      %add3A_187 = arith.addf %scan3A_151, %sub3A_186 : vector<16xf32>
      %sub3A_188 = arith.subf %add3A_187, %scan3A_151 : vector<16xf32>
      %sub3A_189 = arith.subf %sub3A_188, %sub3A_186 : vector<16xf32>
      %sub3A_190 = arith.subf %gather3A_176, %gather3A_177 : vector<16xf32>
      %mul3A_191 = arith.mulf %mul3A_183, %sub3A_190 : vector<16xf32>
      %sub3A_192 = arith.subf %mul3A_191, %scan3A_154 : vector<16xf32>
      %add3A_193 = arith.addf %scan3A_153, %sub3A_192 : vector<16xf32>
      %sub3A_194 = arith.subf %add3A_193, %scan3A_153 : vector<16xf32>
      %sub3A_195 = arith.subf %sub3A_194, %sub3A_192 : vector<16xf32>
      %sub3A_196 = arith.subf %gather3A_178, %gather3A_179 : vector<16xf32>
      %add3A_197 = arith.addf %scan3A_155, %sub3A_196 : vector<16xf32>
      %mul3A_198 = arith.constant 16 : i32
      %mul3A_199 = vector.broadcast %mul3A_198 : i32 to vector<16xi32>
      %mul3A_200 = arith.muli %get3A_166, %mul3A_199 : vector<16xi32>
      %add3A_201 = arith.addi %mul3A_200, %iota3A : vector<16xi32>
      %masked_sort3A = arith.constant dense<true> : vector<16xi1>
      %masked_sort3A_202, %masked_sort3A_203, %masked_sort3A_204 = tpu.sort %add3A_201, %iota3A masked %masked_sort3A : (vector<16xi32>, vector<16xi32>, vector<16xi1>) -> (vector<16xi1>, vector<16xi32>, vector<16xi32>)
      %shift_right_logical3A = arith.constant 4 : i32
      %shift_right_logical3A_205 = vector.broadcast %shift_right_logical3A : i32 to vector<16xi32>
      %shift_right_logical3A_206 = arith.shrui %masked_sort3A_203, %shift_right_logical3A_205 : vector<16xi32>
      %broadcast_in_dim3A_207 = vector.shape_cast %min3A_16 : vector<16xi32> to vector<16x1xi32>
      %gather3A_208 = vector.shape_cast %broadcast_in_dim3A_207 : vector<16x1xi32> to vector<16xi32>
      %gather3A_209 = tpu.dynamic_gather %shift_right_logical3A_206[%gather3A_208] in [0] : vector<16xi32>, vector<16xi32> -> vector<16xi32>
      %ne3A = arith.cmpi ne, %shift_right_logical3A_206, %gather3A_209 : vector<16xi32>
      %or3A = arith.ori %ne3A, %eq3A_18 : vector<16xi1>
      %broadcast_in_dim3A_210 = vector.shape_cast %masked_sort3A_204 : vector<16xi32> to vector<16x1xi32>
      %gather3A_211 = vector.shape_cast %broadcast_in_dim3A_210 : vector<16x1xi32> to vector<16xi32>
      %gather3A_212 = tpu.dynamic_gather %get3A_174[%gather3A_211] in [0] : vector<16xf32>, vector<16xi32> -> vector<16xf32>
      %bitcast_convert_type3A = tpu.bitcast %gather3A_212 : vector<16xf32> -> vector<16xi32>
      %or3A_213 = arith.constant -2147483648 : i32
      %or3A_214 = vector.broadcast %or3A_213 : i32 to vector<16xi32>
      %or3A_215 = arith.ori %bitcast_convert_type3A, %or3A_214 : vector<16xi32>
      %bitcast_convert_type3A_216 = tpu.bitcast %or3A_215 : vector<16xi32> -> vector<16xf32>
      tpu.vector_store_idx %arg14[%shift_right_logical3A_206], %bitcast_convert_type3A_216 masked %or3A : memref<10000xf32, #tpu.memory_space<vmem>>[vector<16xi32>], vector<16xf32>, vector<16xi1>
      %mul3A_217 = arith.constant 10 : i32
      %mul3A_218 = arith.muli %scan3A_150, %mul3A_217 : i32
      %add3A_219 = arith.constant 1 : i32
      %add3A_220 = arith.addi %mul3A_218, %add3A_219 : i32
      %mul3A_221 = arith.constant 16 : i32
      %mul3A_222 = arith.muli %add3A_220, %mul3A_221 : i32
      %get3A_223 = arith.index_cast %mul3A_222 : i32 to index
      %get3A_224 = tpu.vector_load %arg15[%get3A_223] {strides = array<i32>} : memref<4000xi32, #tpu.memory_space<vmem>>, vector<16xi32>,
      %mul3A_225 = arith.constant 16 : i32
      %mul3A_226 = arith.muli %add3A_220, %mul3A_225 : i32
      %get3A_227 = arith.index_cast %mul3A_226 : i32 to index
      %get3A_228 = tpu.vector_load %arg17[%get3A_227] {strides = array<i32>} : memref<4000xi32, #tpu.memory_space<vmem>>, vector<16xi32>,
      %mul3A_229 = arith.constant 16 : i32
      %mul3A_230 = arith.muli %add3A_220, %mul3A_229 : i32
      %get3A_231 = arith.index_cast %mul3A_230 : i32 to index
      %get3A_232 = tpu.vector_load %arg19[%get3A_231] {strides = array<i32>} : memref<4000xf32, #tpu.memory_space<vmem>>, vector<16xf32>,
      %mul3A_233 = arith.constant 16 : i32
      %mul3A_234 = arith.muli %add3A_220, %mul3A_233 : i32
      %get3A_235 = arith.index_cast %mul3A_234 : i32 to index
      %get3A_236 = tpu.vector_load %arg21[%get3A_235] {strides = array<i32>} : memref<4000xf32, #tpu.memory_space<vmem>>, vector<16xf32>,
      %gather3A_237 = tpu.vector_load_idx %arg11[%get3A_224] : memref<10000xf32, #tpu.memory_space<vmem>>[vector<16xi32>], vector<16xf32>,
      %gather3A_238 = tpu.vector_load_idx %arg11[%get3A_228] : memref<10000xf32, #tpu.memory_space<vmem>>[vector<16xi32>], vector<16xf32>,
      %gather3A_239 = tpu.vector_load_idx %arg12[%get3A_224] : memref<10000xf32, #tpu.memory_space<vmem>>[vector<16xi32>], vector<16xf32>,
      %gather3A_240 = tpu.vector_load_idx %arg12[%get3A_228] : memref<10000xf32, #tpu.memory_space<vmem>>[vector<16xi32>], vector<16xf32>,
      %gather3A_241 = tpu.vector_load_idx %arg13[%get3A_224] : memref<10000xf32, #tpu.memory_space<vmem>>[vector<16xi32>], vector<16xf32>,
      %gather3A_242 = tpu.vector_load_idx %arg13[%get3A_228] : memref<10000xf32, #tpu.memory_space<vmem>>[vector<16xi32>], vector<16xf32>,
      %mul3A_243 = arith.mulf %get3A_236, %get3A_236 : vector<16xf32>
      %div3A_244 = arith.constant 1.000000e+00 : f32
      %div3A_245 = vector.broadcast %div3A_244 : f32 to vector<16xf32>
      %div3A_246 = arith.divf %div3A_245, %mul3A_243 : vector<16xf32>
      %mul3A_247 = arith.mulf %get3A_232, %div3A_246 : vector<16xf32>
      %mul3A_248 = arith.mulf %mul3A_247, %div3A_246 : vector<16xf32>
      %sub3A_249 = arith.subf %gather3A_237, %gather3A_238 : vector<16xf32>
      %mul3A_250 = arith.mulf %mul3A_248, %sub3A_249 : vector<16xf32>
      %sub3A_251 = arith.subf %mul3A_250, %sub3A_189 : vector<16xf32>
      %add3A_252 = arith.addf %add3A_187, %sub3A_251 : vector<16xf32>
      %sub3A_253 = arith.subf %add3A_252, %add3A_187 : vector<16xf32>
      %sub3A_254 = arith.subf %sub3A_253, %sub3A_251 : vector<16xf32>
      %sub3A_255 = arith.subf %gather3A_239, %gather3A_240 : vector<16xf32>
      %mul3A_256 = arith.mulf %mul3A_247, %sub3A_255 : vector<16xf32>
      %sub3A_257 = arith.subf %mul3A_256, %sub3A_195 : vector<16xf32>
      %add3A_258 = arith.addf %add3A_193, %sub3A_257 : vector<16xf32>
      %sub3A_259 = arith.subf %add3A_258, %add3A_193 : vector<16xf32>
      %sub3A_260 = arith.subf %sub3A_259, %sub3A_257 : vector<16xf32>
      %sub3A_261 = arith.subf %gather3A_241, %gather3A_242 : vector<16xf32>
      %add3A_262 = arith.addf %add3A_197, %sub3A_261 : vector<16xf32>
      %mul3A_263 = arith.constant 16 : i32
      %mul3A_264 = vector.broadcast %mul3A_263 : i32 to vector<16xi32>
      %mul3A_265 = arith.muli %get3A_228, %mul3A_264 : vector<16xi32>
      %add3A_266 = arith.addi %mul3A_265, %iota3A : vector<16xi32>
      %masked_sort3A_267 = arith.constant dense<true> : vector<16xi1>
      %masked_sort3A_268, %masked_sort3A_269, %masked_sort3A_270 = tpu.sort %add3A_266, %iota3A masked %masked_sort3A_267 : (vector<16xi32>, vector<16xi32>, vector<16xi1>) -> (vector<16xi1>, vector<16xi32>, vector<16xi32>)
      %shift_right_logical3A_271 = arith.constant 4 : i32
      %shift_right_logical3A_272 = vector.broadcast %shift_right_logical3A_271 : i32 to vector<16xi32>
      %shift_right_logical3A_273 = arith.shrui %masked_sort3A_269, %shift_right_logical3A_272 : vector<16xi32>
      %broadcast_in_dim3A_274 = vector.shape_cast %min3A_16 : vector<16xi32> to vector<16x1xi32>
      %gather3A_275 = vector.shape_cast %broadcast_in_dim3A_274 : vector<16x1xi32> to vector<16xi32>
      %gather3A_276 = tpu.dynamic_gather %shift_right_logical3A_273[%gather3A_275] in [0] : vector<16xi32>, vector<16xi32> -> vector<16xi32>
      %ne3A_277 = arith.cmpi ne, %shift_right_logical3A_273, %gather3A_276 : vector<16xi32>
      %or3A_278 = arith.ori %ne3A_277, %eq3A_18 : vector<16xi1>
      %broadcast_in_dim3A_279 = vector.shape_cast %masked_sort3A_270 : vector<16xi32> to vector<16x1xi32>
      %gather3A_280 = vector.shape_cast %broadcast_in_dim3A_279 : vector<16x1xi32> to vector<16xi32>
      %gather3A_281 = tpu.dynamic_gather %get3A_236[%gather3A_280] in [0] : vector<16xf32>, vector<16xi32> -> vector<16xf32>
      %bitcast_convert_type3A_282 = tpu.bitcast %gather3A_281 : vector<16xf32> -> vector<16xi32>
      %or3A_283 = arith.constant -2147483648 : i32
      %or3A_284 = vector.broadcast %or3A_283 : i32 to vector<16xi32>
      %or3A_285 = arith.ori %bitcast_convert_type3A_282, %or3A_284 : vector<16xi32>
      %bitcast_convert_type3A_286 = tpu.bitcast %or3A_285 : vector<16xi32> -> vector<16xf32>
      tpu.vector_store_idx %arg14[%shift_right_logical3A_273], %bitcast_convert_type3A_286 masked %or3A_278 : memref<10000xf32, #tpu.memory_space<vmem>>[vector<16xi32>], vector<16xf32>, vector<16xi1>
      %mul3A_287 = arith.constant 10 : i32
      %mul3A_288 = arith.muli %scan3A_150, %mul3A_287 : i32
      %add3A_289 = arith.constant 2 : i32
      %add3A_290 = arith.addi %mul3A_288, %add3A_289 : i32
      %mul3A_291 = arith.constant 16 : i32
      %mul3A_292 = arith.muli %add3A_290, %mul3A_291 : i32
      %get3A_293 = arith.index_cast %mul3A_292 : i32 to index
      %get3A_294 = tpu.vector_load %arg15[%get3A_293] {strides = array<i32>} : memref<4000xi32, #tpu.memory_space<vmem>>, vector<16xi32>,
      %mul3A_295 = arith.constant 16 : i32
      %mul3A_296 = arith.muli %add3A_290, %mul3A_295 : i32
      %get3A_297 = arith.index_cast %mul3A_296 : i32 to index
      %get3A_298 = tpu.vector_load %arg17[%get3A_297] {strides = array<i32>} : memref<4000xi32, #tpu.memory_space<vmem>>, vector<16xi32>,
      %mul3A_299 = arith.constant 16 : i32
      %mul3A_300 = arith.muli %add3A_290, %mul3A_299 : i32
      %get3A_301 = arith.index_cast %mul3A_300 : i32 to index
      %get3A_302 = tpu.vector_load %arg19[%get3A_301] {strides = array<i32>} : memref<4000xf32, #tpu.memory_space<vmem>>, vector<16xf32>,
      %mul3A_303 = arith.constant 16 : i32
      %mul3A_304 = arith.muli %add3A_290, %mul3A_303 : i32
      %get3A_305 = arith.index_cast %mul3A_304 : i32 to index
      %get3A_306 = tpu.vector_load %arg21[%get3A_305] {strides = array<i32>} : memref<4000xf32, #tpu.memory_space<vmem>>, vector<16xf32>,
      %gather3A_307 = tpu.vector_load_idx %arg11[%get3A_294] : memref<10000xf32, #tpu.memory_space<vmem>>[vector<16xi32>], vector<16xf32>,
      %gather3A_308 = tpu.vector_load_idx %arg11[%get3A_298] : memref<10000xf32, #tpu.memory_space<vmem>>[vector<16xi32>], vector<16xf32>,
      %gather3A_309 = tpu.vector_load_idx %arg12[%get3A_294] : memref<10000xf32, #tpu.memory_space<vmem>>[vector<16xi32>], vector<16xf32>,
      %gather3A_310 = tpu.vector_load_idx %arg12[%get3A_298] : memref<10000xf32, #tpu.memory_space<vmem>>[vector<16xi32>], vector<16xf32>,
      %gather3A_311 = tpu.vector_load_idx %arg13[%get3A_294] : memref<10000xf32, #tpu.memory_space<vmem>>[vector<16xi32>], vector<16xf32>,
      %gather3A_312 = tpu.vector_load_idx %arg13[%get3A_298] : memref<10000xf32, #tpu.memory_space<vmem>>[vector<16xi32>], vector<16xf32>,
      %mul3A_313 = arith.mulf %get3A_306, %get3A_306 : vector<16xf32>
      %div3A_314 = arith.constant 1.000000e+00 : f32
      %div3A_315 = vector.broadcast %div3A_314 : f32 to vector<16xf32>
      %div3A_316 = arith.divf %div3A_315, %mul3A_313 : vector<16xf32>
      %mul3A_317 = arith.mulf %get3A_302, %div3A_316 : vector<16xf32>
      %mul3A_318 = arith.mulf %mul3A_317, %div3A_316 : vector<16xf32>
      %sub3A_319 = arith.subf %gather3A_307, %gather3A_308 : vector<16xf32>
      %mul3A_320 = arith.mulf %mul3A_318, %sub3A_319 : vector<16xf32>
      %sub3A_321 = arith.subf %mul3A_320, %sub3A_254 : vector<16xf32>
      %add3A_322 = arith.addf %add3A_252, %sub3A_321 : vector<16xf32>
      %sub3A_323 = arith.subf %add3A_322, %add3A_252 : vector<16xf32>
      %sub3A_324 = arith.subf %sub3A_323, %sub3A_321 : vector<16xf32>
      %sub3A_325 = arith.subf %gather3A_309, %gather3A_310 : vector<16xf32>
      %mul3A_326 = arith.mulf %mul3A_317, %sub3A_325 : vector<16xf32>
      %sub3A_327 = arith.subf %mul3A_326, %sub3A_260 : vector<16xf32>
      %add3A_328 = arith.addf %add3A_258, %sub3A_327 : vector<16xf32>
      %sub3A_329 = arith.subf %add3A_328, %add3A_258 : vector<16xf32>
      %sub3A_330 = arith.subf %sub3A_329, %sub3A_327 : vector<16xf32>
      %sub3A_331 = arith.subf %gather3A_311, %gather3A_312 : vector<16xf32>
      %add3A_332 = arith.addf %add3A_262, %sub3A_331 : vector<16xf32>
      %mul3A_333 = arith.constant 16 : i32
      %mul3A_334 = vector.broadcast %mul3A_333 : i32 to vector<16xi32>
      %mul3A_335 = arith.muli %get3A_298, %mul3A_334 : vector<16xi32>
      %add3A_336 = arith.addi %mul3A_335, %iota3A : vector<16xi32>
      %masked_sort3A_337 = arith.constant dense<true> : vector<16xi1>
      %masked_sort3A_338, %masked_sort3A_339, %masked_sort3A_340 = tpu.sort %add3A_336, %iota3A masked %masked_sort3A_337 : (vector<16xi32>, vector<16xi32>, vector<16xi1>) -> (vector<16xi1>, vector<16xi32>, vector<16xi32>)
      %shift_right_logical3A_341 = arith.constant 4 : i32
      %shift_right_logical3A_342 = vector.broadcast %shift_right_logical3A_341 : i32 to vector<16xi32>
      %shift_right_logical3A_343 = arith.shrui %masked_sort3A_339, %shift_right_logical3A_342 : vector<16xi32>
      %broadcast_in_dim3A_344 = vector.shape_cast %min3A_16 : vector<16xi32> to vector<16x1xi32>
      %gather3A_345 = vector.shape_cast %broadcast_in_dim3A_344 : vector<16x1xi32> to vector<16xi32>
      %gather3A_346 = tpu.dynamic_gather %shift_right_logical3A_343[%gather3A_345] in [0] : vector<16xi32>, vector<16xi32> -> vector<16xi32>
      %ne3A_347 = arith.cmpi ne, %shift_right_logical3A_343, %gather3A_346 : vector<16xi32>
      %or3A_348 = arith.ori %ne3A_347, %eq3A_18 : vector<16xi1>
      %broadcast_in_dim3A_349 = vector.shape_cast %masked_sort3A_340 : vector<16xi32> to vector<16x1xi32>
      %gather3A_350 = vector.shape_cast %broadcast_in_dim3A_349 : vector<16x1xi32> to vector<16xi32>
      %gather3A_351 = tpu.dynamic_gather %get3A_306[%gather3A_350] in [0] : vector<16xf32>, vector<16xi32> -> vector<16xf32>
      %bitcast_convert_type3A_352 = tpu.bitcast %gather3A_351 : vector<16xf32> -> vector<16xi32>
      %or3A_353 = arith.constant -2147483648 : i32
      %or3A_354 = vector.broadcast %or3A_353 : i32 to vector<16xi32>
      %or3A_355 = arith.ori %bitcast_convert_type3A_352, %or3A_354 : vector<16xi32>
      %bitcast_convert_type3A_356 = tpu.bitcast %or3A_355 : vector<16xi32> -> vector<16xf32>
      tpu.vector_store_idx %arg14[%shift_right_logical3A_343], %bitcast_convert_type3A_356 masked %or3A_348 : memref<10000xf32, #tpu.memory_space<vmem>>[vector<16xi32>], vector<16xf32>, vector<16xi1>
      %mul3A_357 = arith.constant 10 : i32
      %mul3A_358 = arith.muli %scan3A_150, %mul3A_357 : i32
      %add3A_359 = arith.constant 3 : i32
      %add3A_360 = arith.addi %mul3A_358, %add3A_359 : i32
      %mul3A_361 = arith.constant 16 : i32
      %mul3A_362 = arith.muli %add3A_360, %mul3A_361 : i32
      %get3A_363 = arith.index_cast %mul3A_362 : i32 to index
      %get3A_364 = tpu.vector_load %arg15[%get3A_363] {strides = array<i32>} : memref<4000xi32, #tpu.memory_space<vmem>>, vector<16xi32>,
      %mul3A_365 = arith.constant 16 : i32
      %mul3A_366 = arith.muli %add3A_360, %mul3A_365 : i32
      %get3A_367 = arith.index_cast %mul3A_366 : i32 to index
      %get3A_368 = tpu.vector_load %arg17[%get3A_367] {strides = array<i32>} : memref<4000xi32, #tpu.memory_space<vmem>>, vector<16xi32>,
      %mul3A_369 = arith.constant 16 : i32
      %mul3A_370 = arith.muli %add3A_360, %mul3A_369 : i32
      %get3A_371 = arith.index_cast %mul3A_370 : i32 to index
      %get3A_372 = tpu.vector_load %arg19[%get3A_371] {strides = array<i32>} : memref<4000xf32, #tpu.memory_space<vmem>>, vector<16xf32>,
      %mul3A_373 = arith.constant 16 : i32
      %mul3A_374 = arith.muli %add3A_360, %mul3A_373 : i32
      %get3A_375 = arith.index_cast %mul3A_374 : i32 to index
      %get3A_376 = tpu.vector_load %arg21[%get3A_375] {strides = array<i32>} : memref<4000xf32, #tpu.memory_space<vmem>>, vector<16xf32>,
      %gather3A_377 = tpu.vector_load_idx %arg11[%get3A_364] : memref<10000xf32, #tpu.memory_space<vmem>>[vector<16xi32>], vector<16xf32>,
      %gather3A_378 = tpu.vector_load_idx %arg11[%get3A_368] : memref<10000xf32, #tpu.memory_space<vmem>>[vector<16xi32>], vector<16xf32>,
      %gather3A_379 = tpu.vector_load_idx %arg12[%get3A_364] : memref<10000xf32, #tpu.memory_space<vmem>>[vector<16xi32>], vector<16xf32>,
      %gather3A_380 = tpu.vector_load_idx %arg12[%get3A_368] : memref<10000xf32, #tpu.memory_space<vmem>>[vector<16xi32>], vector<16xf32>,
      %gather3A_381 = tpu.vector_load_idx %arg13[%get3A_364] : memref<10000xf32, #tpu.memory_space<vmem>>[vector<16xi32>], vector<16xf32>,
      %gather3A_382 = tpu.vector_load_idx %arg13[%get3A_368] : memref<10000xf32, #tpu.memory_space<vmem>>[vector<16xi32>], vector<16xf32>,
      %mul3A_383 = arith.mulf %get3A_376, %get3A_376 : vector<16xf32>
      %div3A_384 = arith.constant 1.000000e+00 : f32
      %div3A_385 = vector.broadcast %div3A_384 : f32 to vector<16xf32>
      %div3A_386 = arith.divf %div3A_385, %mul3A_383 : vector<16xf32>
      %mul3A_387 = arith.mulf %get3A_372, %div3A_386 : vector<16xf32>
      %mul3A_388 = arith.mulf %mul3A_387, %div3A_386 : vector<16xf32>
      %sub3A_389 = arith.subf %gather3A_377, %gather3A_378 : vector<16xf32>
      %mul3A_390 = arith.mulf %mul3A_388, %sub3A_389 : vector<16xf32>
      %sub3A_391 = arith.subf %mul3A_390, %sub3A_324 : vector<16xf32>
      %add3A_392 = arith.addf %add3A_322, %sub3A_391 : vector<16xf32>
      %sub3A_393 = arith.subf %add3A_392, %add3A_322 : vector<16xf32>
      %sub3A_394 = arith.subf %sub3A_393, %sub3A_391 : vector<16xf32>
      %sub3A_395 = arith.subf %gather3A_379, %gather3A_380 : vector<16xf32>
      %mul3A_396 = arith.mulf %mul3A_387, %sub3A_395 : vector<16xf32>
      %sub3A_397 = arith.subf %mul3A_396, %sub3A_330 : vector<16xf32>
      %add3A_398 = arith.addf %add3A_328, %sub3A_397 : vector<16xf32>
      %sub3A_399 = arith.subf %add3A_398, %add3A_328 : vector<16xf32>
      %sub3A_400 = arith.subf %sub3A_399, %sub3A_397 : vector<16xf32>
      %sub3A_401 = arith.subf %gather3A_381, %gather3A_382 : vector<16xf32>
      %add3A_402 = arith.addf %add3A_332, %sub3A_401 : vector<16xf32>
      %mul3A_403 = arith.constant 16 : i32
      %mul3A_404 = vector.broadcast %mul3A_403 : i32 to vector<16xi32>
      %mul3A_405 = arith.muli %get3A_368, %mul3A_404 : vector<16xi32>
      %add3A_406 = arith.addi %mul3A_405, %iota3A : vector<16xi32>
      %masked_sort3A_407 = arith.constant dense<true> : vector<16xi1>
      %masked_sort3A_408, %masked_sort3A_409, %masked_sort3A_410 = tpu.sort %add3A_406, %iota3A masked %masked_sort3A_407 : (vector<16xi32>, vector<16xi32>, vector<16xi1>) -> (vector<16xi1>, vector<16xi32>, vector<16xi32>)
      %shift_right_logical3A_411 = arith.constant 4 : i32
      %shift_right_logical3A_412 = vector.broadcast %shift_right_logical3A_411 : i32 to vector<16xi32>
      %shift_right_logical3A_413 = arith.shrui %masked_sort3A_409, %shift_right_logical3A_412 : vector<16xi32>
      %broadcast_in_dim3A_414 = vector.shape_cast %min3A_16 : vector<16xi32> to vector<16x1xi32>
      %gather3A_415 = vector.shape_cast %broadcast_in_dim3A_414 : vector<16x1xi32> to vector<16xi32>
      %gather3A_416 = tpu.dynamic_gather %shift_right_logical3A_413[%gather3A_415] in [0] : vector<16xi32>, vector<16xi32> -> vector<16xi32>
      %ne3A_417 = arith.cmpi ne, %shift_right_logical3A_413, %gather3A_416 : vector<16xi32>
      %or3A_418 = arith.ori %ne3A_417, %eq3A_18 : vector<16xi1>
      %broadcast_in_dim3A_419 = vector.shape_cast %masked_sort3A_410 : vector<16xi32> to vector<16x1xi32>
      %gather3A_420 = vector.shape_cast %broadcast_in_dim3A_419 : vector<16x1xi32> to vector<16xi32>
      %gather3A_421 = tpu.dynamic_gather %get3A_376[%gather3A_420] in [0] : vector<16xf32>, vector<16xi32> -> vector<16xf32>
      %bitcast_convert_type3A_422 = tpu.bitcast %gather3A_421 : vector<16xf32> -> vector<16xi32>
      %or3A_423 = arith.constant -2147483648 : i32
      %or3A_424 = vector.broadcast %or3A_423 : i32 to vector<16xi32>
      %or3A_425 = arith.ori %bitcast_convert_type3A_422, %or3A_424 : vector<16xi32>
      %bitcast_convert_type3A_426 = tpu.bitcast %or3A_425 : vector<16xi32> -> vector<16xf32>
      tpu.vector_store_idx %arg14[%shift_right_logical3A_413], %bitcast_convert_type3A_426 masked %or3A_418 : memref<10000xf32, #tpu.memory_space<vmem>>[vector<16xi32>], vector<16xf32>, vector<16xi1>
      %mul3A_427 = arith.constant 10 : i32
      %mul3A_428 = arith.muli %scan3A_150, %mul3A_427 : i32
      %add3A_429 = arith.constant 4 : i32
      %add3A_430 = arith.addi %mul3A_428, %add3A_429 : i32
      %mul3A_431 = arith.constant 16 : i32
      %mul3A_432 = arith.muli %add3A_430, %mul3A_431 : i32
      %get3A_433 = arith.index_cast %mul3A_432 : i32 to index
      %get3A_434 = tpu.vector_load %arg15[%get3A_433] {strides = array<i32>} : memref<4000xi32, #tpu.memory_space<vmem>>, vector<16xi32>,
      %mul3A_435 = arith.constant 16 : i32
      %mul3A_436 = arith.muli %add3A_430, %mul3A_435 : i32
      %get3A_437 = arith.index_cast %mul3A_436 : i32 to index
      %get3A_438 = tpu.vector_load %arg17[%get3A_437] {strides = array<i32>} : memref<4000xi32, #tpu.memory_space<vmem>>, vector<16xi32>,
      %mul3A_439 = arith.constant 16 : i32
      %mul3A_440 = arith.muli %add3A_430, %mul3A_439 : i32
      %get3A_441 = arith.index_cast %mul3A_440 : i32 to index
      %get3A_442 = tpu.vector_load %arg19[%get3A_441] {strides = array<i32>} : memref<4000xf32, #tpu.memory_space<vmem>>, vector<16xf32>,
      %mul3A_443 = arith.constant 16 : i32
      %mul3A_444 = arith.muli %add3A_430, %mul3A_443 : i32
      %get3A_445 = arith.index_cast %mul3A_444 : i32 to index
      %get3A_446 = tpu.vector_load %arg21[%get3A_445] {strides = array<i32>} : memref<4000xf32, #tpu.memory_space<vmem>>, vector<16xf32>,
      %gather3A_447 = tpu.vector_load_idx %arg11[%get3A_434] : memref<10000xf32, #tpu.memory_space<vmem>>[vector<16xi32>], vector<16xf32>,
      %gather3A_448 = tpu.vector_load_idx %arg11[%get3A_438] : memref<10000xf32, #tpu.memory_space<vmem>>[vector<16xi32>], vector<16xf32>,
      %gather3A_449 = tpu.vector_load_idx %arg12[%get3A_434] : memref<10000xf32, #tpu.memory_space<vmem>>[vector<16xi32>], vector<16xf32>,
      %gather3A_450 = tpu.vector_load_idx %arg12[%get3A_438] : memref<10000xf32, #tpu.memory_space<vmem>>[vector<16xi32>], vector<16xf32>,
      %gather3A_451 = tpu.vector_load_idx %arg13[%get3A_434] : memref<10000xf32, #tpu.memory_space<vmem>>[vector<16xi32>], vector<16xf32>,
      %gather3A_452 = tpu.vector_load_idx %arg13[%get3A_438] : memref<10000xf32, #tpu.memory_space<vmem>>[vector<16xi32>], vector<16xf32>,
      %mul3A_453 = arith.mulf %get3A_446, %get3A_446 : vector<16xf32>
      %div3A_454 = arith.constant 1.000000e+00 : f32
      %div3A_455 = vector.broadcast %div3A_454 : f32 to vector<16xf32>
      %div3A_456 = arith.divf %div3A_455, %mul3A_453 : vector<16xf32>
      %mul3A_457 = arith.mulf %get3A_442, %div3A_456 : vector<16xf32>
      %mul3A_458 = arith.mulf %mul3A_457, %div3A_456 : vector<16xf32>
      %sub3A_459 = arith.subf %gather3A_447, %gather3A_448 : vector<16xf32>
      %mul3A_460 = arith.mulf %mul3A_458, %sub3A_459 : vector<16xf32>
      %sub3A_461 = arith.subf %mul3A_460, %sub3A_394 : vector<16xf32>
      %add3A_462 = arith.addf %add3A_392, %sub3A_461 : vector<16xf32>
      %sub3A_463 = arith.subf %add3A_462, %add3A_392 : vector<16xf32>
      %sub3A_464 = arith.subf %sub3A_463, %sub3A_461 : vector<16xf32>
      %sub3A_465 = arith.subf %gather3A_449, %gather3A_450 : vector<16xf32>
      %mul3A_466 = arith.mulf %mul3A_457, %sub3A_465 : vector<16xf32>
      %sub3A_467 = arith.subf %mul3A_466, %sub3A_400 : vector<16xf32>
      %add3A_468 = arith.addf %add3A_398, %sub3A_467 : vector<16xf32>
      %sub3A_469 = arith.subf %add3A_468, %add3A_398 : vector<16xf32>
      %sub3A_470 = arith.subf %sub3A_469, %sub3A_467 : vector<16xf32>
      %sub3A_471 = arith.subf %gather3A_451, %gather3A_452 : vector<16xf32>
      %add3A_472 = arith.addf %add3A_402, %sub3A_471 : vector<16xf32>
      %mul3A_473 = arith.constant 16 : i32
      %mul3A_474 = vector.broadcast %mul3A_473 : i32 to vector<16xi32>
      %mul3A_475 = arith.muli %get3A_438, %mul3A_474 : vector<16xi32>
      %add3A_476 = arith.addi %mul3A_475, %iota3A : vector<16xi32>
      %masked_sort3A_477 = arith.constant dense<true> : vector<16xi1>
      %masked_sort3A_478, %masked_sort3A_479, %masked_sort3A_480 = tpu.sort %add3A_476, %iota3A masked %masked_sort3A_477 : (vector<16xi32>, vector<16xi32>, vector<16xi1>) -> (vector<16xi1>, vector<16xi32>, vector<16xi32>)
      %shift_right_logical3A_481 = arith.constant 4 : i32
      %shift_right_logical3A_482 = vector.broadcast %shift_right_logical3A_481 : i32 to vector<16xi32>
      %shift_right_logical3A_483 = arith.shrui %masked_sort3A_479, %shift_right_logical3A_482 : vector<16xi32>
      %broadcast_in_dim3A_484 = vector.shape_cast %min3A_16 : vector<16xi32> to vector<16x1xi32>
      %gather3A_485 = vector.shape_cast %broadcast_in_dim3A_484 : vector<16x1xi32> to vector<16xi32>
      %gather3A_486 = tpu.dynamic_gather %shift_right_logical3A_483[%gather3A_485] in [0] : vector<16xi32>, vector<16xi32> -> vector<16xi32>
      %ne3A_487 = arith.cmpi ne, %shift_right_logical3A_483, %gather3A_486 : vector<16xi32>
      %or3A_488 = arith.ori %ne3A_487, %eq3A_18 : vector<16xi1>
      %broadcast_in_dim3A_489 = vector.shape_cast %masked_sort3A_480 : vector<16xi32> to vector<16x1xi32>
      %gather3A_490 = vector.shape_cast %broadcast_in_dim3A_489 : vector<16x1xi32> to vector<16xi32>
      %gather3A_491 = tpu.dynamic_gather %get3A_446[%gather3A_490] in [0] : vector<16xf32>, vector<16xi32> -> vector<16xf32>
      %bitcast_convert_type3A_492 = tpu.bitcast %gather3A_491 : vector<16xf32> -> vector<16xi32>
      %or3A_493 = arith.constant -2147483648 : i32
      %or3A_494 = vector.broadcast %or3A_493 : i32 to vector<16xi32>
      %or3A_495 = arith.ori %bitcast_convert_type3A_492, %or3A_494 : vector<16xi32>
      %bitcast_convert_type3A_496 = tpu.bitcast %or3A_495 : vector<16xi32> -> vector<16xf32>
      tpu.vector_store_idx %arg14[%shift_right_logical3A_483], %bitcast_convert_type3A_496 masked %or3A_488 : memref<10000xf32, #tpu.memory_space<vmem>>[vector<16xi32>], vector<16xf32>, vector<16xi1>
      %mul3A_497 = arith.constant 10 : i32
      %mul3A_498 = arith.muli %scan3A_150, %mul3A_497 : i32
      %add3A_499 = arith.constant 5 : i32
      %add3A_500 = arith.addi %mul3A_498, %add3A_499 : i32
      %mul3A_501 = arith.constant 16 : i32
      %mul3A_502 = arith.muli %add3A_500, %mul3A_501 : i32
      %get3A_503 = arith.index_cast %mul3A_502 : i32 to index
      %get3A_504 = tpu.vector_load %arg15[%get3A_503] {strides = array<i32>} : memref<4000xi32, #tpu.memory_space<vmem>>, vector<16xi32>,
      %mul3A_505 = arith.constant 16 : i32
      %mul3A_506 = arith.muli %add3A_500, %mul3A_505 : i32
      %get3A_507 = arith.index_cast %mul3A_506 : i32 to index
      %get3A_508 = tpu.vector_load %arg17[%get3A_507] {strides = array<i32>} : memref<4000xi32, #tpu.memory_space<vmem>>, vector<16xi32>,
      %mul3A_509 = arith.constant 16 : i32
      %mul3A_510 = arith.muli %add3A_500, %mul3A_509 : i32
      %get3A_511 = arith.index_cast %mul3A_510 : i32 to index
      %get3A_512 = tpu.vector_load %arg19[%get3A_511] {strides = array<i32>} : memref<4000xf32, #tpu.memory_space<vmem>>, vector<16xf32>,
      %mul3A_513 = arith.constant 16 : i32
      %mul3A_514 = arith.muli %add3A_500, %mul3A_513 : i32
      %get3A_515 = arith.index_cast %mul3A_514 : i32 to index
      %get3A_516 = tpu.vector_load %arg21[%get3A_515] {strides = array<i32>} : memref<4000xf32, #tpu.memory_space<vmem>>, vector<16xf32>,
      %gather3A_517 = tpu.vector_load_idx %arg11[%get3A_504] : memref<10000xf32, #tpu.memory_space<vmem>>[vector<16xi32>], vector<16xf32>,
      %gather3A_518 = tpu.vector_load_idx %arg11[%get3A_508] : memref<10000xf32, #tpu.memory_space<vmem>>[vector<16xi32>], vector<16xf32>,
      %gather3A_519 = tpu.vector_load_idx %arg12[%get3A_504] : memref<10000xf32, #tpu.memory_space<vmem>>[vector<16xi32>], vector<16xf32>,
      %gather3A_520 = tpu.vector_load_idx %arg12[%get3A_508] : memref<10000xf32, #tpu.memory_space<vmem>>[vector<16xi32>], vector<16xf32>,
      %gather3A_521 = tpu.vector_load_idx %arg13[%get3A_504] : memref<10000xf32, #tpu.memory_space<vmem>>[vector<16xi32>], vector<16xf32>,
      %gather3A_522 = tpu.vector_load_idx %arg13[%get3A_508] : memref<10000xf32, #tpu.memory_space<vmem>>[vector<16xi32>], vector<16xf32>,
      %mul3A_523 = arith.mulf %get3A_516, %get3A_516 : vector<16xf32>
      %div3A_524 = arith.constant 1.000000e+00 : f32
      %div3A_525 = vector.broadcast %div3A_524 : f32 to vector<16xf32>
      %div3A_526 = arith.divf %div3A_525, %mul3A_523 : vector<16xf32>
      %mul3A_527 = arith.mulf %get3A_512, %div3A_526 : vector<16xf32>
      %mul3A_528 = arith.mulf %mul3A_527, %div3A_526 : vector<16xf32>
      %sub3A_529 = arith.subf %gather3A_517, %gather3A_518 : vector<16xf32>
      %mul3A_530 = arith.mulf %mul3A_528, %sub3A_529 : vector<16xf32>
      %sub3A_531 = arith.subf %mul3A_530, %sub3A_464 : vector<16xf32>
      %add3A_532 = arith.addf %add3A_462, %sub3A_531 : vector<16xf32>
      %sub3A_533 = arith.subf %add3A_532, %add3A_462 : vector<16xf32>
      %sub3A_534 = arith.subf %sub3A_533, %sub3A_531 : vector<16xf32>
      %sub3A_535 = arith.subf %gather3A_519, %gather3A_520 : vector<16xf32>
      %mul3A_536 = arith.mulf %mul3A_527, %sub3A_535 : vector<16xf32>
      %sub3A_537 = arith.subf %mul3A_536, %sub3A_470 : vector<16xf32>
      %add3A_538 = arith.addf %add3A_468, %sub3A_537 : vector<16xf32>
      %sub3A_539 = arith.subf %add3A_538, %add3A_468 : vector<16xf32>
      %sub3A_540 = arith.subf %sub3A_539, %sub3A_537 : vector<16xf32>
      %sub3A_541 = arith.subf %gather3A_521, %gather3A_522 : vector<16xf32>
      %add3A_542 = arith.addf %add3A_472, %sub3A_541 : vector<16xf32>
      %mul3A_543 = arith.constant 16 : i32
      %mul3A_544 = vector.broadcast %mul3A_543 : i32 to vector<16xi32>
      %mul3A_545 = arith.muli %get3A_508, %mul3A_544 : vector<16xi32>
      %add3A_546 = arith.addi %mul3A_545, %iota3A : vector<16xi32>
      %masked_sort3A_547 = arith.constant dense<true> : vector<16xi1>
      %masked_sort3A_548, %masked_sort3A_549, %masked_sort3A_550 = tpu.sort %add3A_546, %iota3A masked %masked_sort3A_547 : (vector<16xi32>, vector<16xi32>, vector<16xi1>) -> (vector<16xi1>, vector<16xi32>, vector<16xi32>)
      %shift_right_logical3A_551 = arith.constant 4 : i32
      %shift_right_logical3A_552 = vector.broadcast %shift_right_logical3A_551 : i32 to vector<16xi32>
      %shift_right_logical3A_553 = arith.shrui %masked_sort3A_549, %shift_right_logical3A_552 : vector<16xi32>
      %broadcast_in_dim3A_554 = vector.shape_cast %min3A_16 : vector<16xi32> to vector<16x1xi32>
      %gather3A_555 = vector.shape_cast %broadcast_in_dim3A_554 : vector<16x1xi32> to vector<16xi32>
      %gather3A_556 = tpu.dynamic_gather %shift_right_logical3A_553[%gather3A_555] in [0] : vector<16xi32>, vector<16xi32> -> vector<16xi32>
      %ne3A_557 = arith.cmpi ne, %shift_right_logical3A_553, %gather3A_556 : vector<16xi32>
      %or3A_558 = arith.ori %ne3A_557, %eq3A_18 : vector<16xi1>
      %broadcast_in_dim3A_559 = vector.shape_cast %masked_sort3A_550 : vector<16xi32> to vector<16x1xi32>
      %gather3A_560 = vector.shape_cast %broadcast_in_dim3A_559 : vector<16x1xi32> to vector<16xi32>
      %gather3A_561 = tpu.dynamic_gather %get3A_516[%gather3A_560] in [0] : vector<16xf32>, vector<16xi32> -> vector<16xf32>
      %bitcast_convert_type3A_562 = tpu.bitcast %gather3A_561 : vector<16xf32> -> vector<16xi32>
      %or3A_563 = arith.constant -2147483648 : i32
      %or3A_564 = vector.broadcast %or3A_563 : i32 to vector<16xi32>
      %or3A_565 = arith.ori %bitcast_convert_type3A_562, %or3A_564 : vector<16xi32>
      %bitcast_convert_type3A_566 = tpu.bitcast %or3A_565 : vector<16xi32> -> vector<16xf32>
      tpu.vector_store_idx %arg14[%shift_right_logical3A_553], %bitcast_convert_type3A_566 masked %or3A_558 : memref<10000xf32, #tpu.memory_space<vmem>>[vector<16xi32>], vector<16xf32>, vector<16xi1>
      %mul3A_567 = arith.constant 10 : i32
      %mul3A_568 = arith.muli %scan3A_150, %mul3A_567 : i32
      %add3A_569 = arith.constant 6 : i32
      %add3A_570 = arith.addi %mul3A_568, %add3A_569 : i32
      %mul3A_571 = arith.constant 16 : i32
      %mul3A_572 = arith.muli %add3A_570, %mul3A_571 : i32
      %get3A_573 = arith.index_cast %mul3A_572 : i32 to index
      %get3A_574 = tpu.vector_load %arg15[%get3A_573] {strides = array<i32>} : memref<4000xi32, #tpu.memory_space<vmem>>, vector<16xi32>,
      %mul3A_575 = arith.constant 16 : i32
      %mul3A_576 = arith.muli %add3A_570, %mul3A_575 : i32
      %get3A_577 = arith.index_cast %mul3A_576 : i32 to index
      %get3A_578 = tpu.vector_load %arg17[%get3A_577] {strides = array<i32>} : memref<4000xi32, #tpu.memory_space<vmem>>, vector<16xi32>,
      %mul3A_579 = arith.constant 16 : i32
      %mul3A_580 = arith.muli %add3A_570, %mul3A_579 : i32
      %get3A_581 = arith.index_cast %mul3A_580 : i32 to index
      %get3A_582 = tpu.vector_load %arg19[%get3A_581] {strides = array<i32>} : memref<4000xf32, #tpu.memory_space<vmem>>, vector<16xf32>,
      %mul3A_583 = arith.constant 16 : i32
      %mul3A_584 = arith.muli %add3A_570, %mul3A_583 : i32
      %get3A_585 = arith.index_cast %mul3A_584 : i32 to index
      %get3A_586 = tpu.vector_load %arg21[%get3A_585] {strides = array<i32>} : memref<4000xf32, #tpu.memory_space<vmem>>, vector<16xf32>,
      %gather3A_587 = tpu.vector_load_idx %arg11[%get3A_574] : memref<10000xf32, #tpu.memory_space<vmem>>[vector<16xi32>], vector<16xf32>,
      %gather3A_588 = tpu.vector_load_idx %arg11[%get3A_578] : memref<10000xf32, #tpu.memory_space<vmem>>[vector<16xi32>], vector<16xf32>,
      %gather3A_589 = tpu.vector_load_idx %arg12[%get3A_574] : memref<10000xf32, #tpu.memory_space<vmem>>[vector<16xi32>], vector<16xf32>,
      %gather3A_590 = tpu.vector_load_idx %arg12[%get3A_578] : memref<10000xf32, #tpu.memory_space<vmem>>[vector<16xi32>], vector<16xf32>,
      %gather3A_591 = tpu.vector_load_idx %arg13[%get3A_574] : memref<10000xf32, #tpu.memory_space<vmem>>[vector<16xi32>], vector<16xf32>,
      %gather3A_592 = tpu.vector_load_idx %arg13[%get3A_578] : memref<10000xf32, #tpu.memory_space<vmem>>[vector<16xi32>], vector<16xf32>,
      %mul3A_593 = arith.mulf %get3A_586, %get3A_586 : vector<16xf32>
      %div3A_594 = arith.constant 1.000000e+00 : f32
      %div3A_595 = vector.broadcast %div3A_594 : f32 to vector<16xf32>
      %div3A_596 = arith.divf %div3A_595, %mul3A_593 : vector<16xf32>
      %mul3A_597 = arith.mulf %get3A_582, %div3A_596 : vector<16xf32>
      %mul3A_598 = arith.mulf %mul3A_597, %div3A_596 : vector<16xf32>
      %sub3A_599 = arith.subf %gather3A_587, %gather3A_588 : vector<16xf32>
      %mul3A_600 = arith.mulf %mul3A_598, %sub3A_599 : vector<16xf32>
      %sub3A_601 = arith.subf %mul3A_600, %sub3A_534 : vector<16xf32>
      %add3A_602 = arith.addf %add3A_532, %sub3A_601 : vector<16xf32>
      %sub3A_603 = arith.subf %add3A_602, %add3A_532 : vector<16xf32>
      %sub3A_604 = arith.subf %sub3A_603, %sub3A_601 : vector<16xf32>
      %sub3A_605 = arith.subf %gather3A_589, %gather3A_590 : vector<16xf32>
      %mul3A_606 = arith.mulf %mul3A_597, %sub3A_605 : vector<16xf32>
      %sub3A_607 = arith.subf %mul3A_606, %sub3A_540 : vector<16xf32>
      %add3A_608 = arith.addf %add3A_538, %sub3A_607 : vector<16xf32>
      %sub3A_609 = arith.subf %add3A_608, %add3A_538 : vector<16xf32>
      %sub3A_610 = arith.subf %sub3A_609, %sub3A_607 : vector<16xf32>
      %sub3A_611 = arith.subf %gather3A_591, %gather3A_592 : vector<16xf32>
      %add3A_612 = arith.addf %add3A_542, %sub3A_611 : vector<16xf32>
      %mul3A_613 = arith.constant 16 : i32
      %mul3A_614 = vector.broadcast %mul3A_613 : i32 to vector<16xi32>
      %mul3A_615 = arith.muli %get3A_578, %mul3A_614 : vector<16xi32>
      %add3A_616 = arith.addi %mul3A_615, %iota3A : vector<16xi32>
      %masked_sort3A_617 = arith.constant dense<true> : vector<16xi1>
      %masked_sort3A_618, %masked_sort3A_619, %masked_sort3A_620 = tpu.sort %add3A_616, %iota3A masked %masked_sort3A_617 : (vector<16xi32>, vector<16xi32>, vector<16xi1>) -> (vector<16xi1>, vector<16xi32>, vector<16xi32>)
      %shift_right_logical3A_621 = arith.constant 4 : i32
      %shift_right_logical3A_622 = vector.broadcast %shift_right_logical3A_621 : i32 to vector<16xi32>
      %shift_right_logical3A_623 = arith.shrui %masked_sort3A_619, %shift_right_logical3A_622 : vector<16xi32>
      %broadcast_in_dim3A_624 = vector.shape_cast %min3A_16 : vector<16xi32> to vector<16x1xi32>
      %gather3A_625 = vector.shape_cast %broadcast_in_dim3A_624 : vector<16x1xi32> to vector<16xi32>
      %gather3A_626 = tpu.dynamic_gather %shift_right_logical3A_623[%gather3A_625] in [0] : vector<16xi32>, vector<16xi32> -> vector<16xi32>
      %ne3A_627 = arith.cmpi ne, %shift_right_logical3A_623, %gather3A_626 : vector<16xi32>
      %or3A_628 = arith.ori %ne3A_627, %eq3A_18 : vector<16xi1>
      %broadcast_in_dim3A_629 = vector.shape_cast %masked_sort3A_620 : vector<16xi32> to vector<16x1xi32>
      %gather3A_630 = vector.shape_cast %broadcast_in_dim3A_629 : vector<16x1xi32> to vector<16xi32>
      %gather3A_631 = tpu.dynamic_gather %get3A_586[%gather3A_630] in [0] : vector<16xf32>, vector<16xi32> -> vector<16xf32>
      %bitcast_convert_type3A_632 = tpu.bitcast %gather3A_631 : vector<16xf32> -> vector<16xi32>
      %or3A_633 = arith.constant -2147483648 : i32
      %or3A_634 = vector.broadcast %or3A_633 : i32 to vector<16xi32>
      %or3A_635 = arith.ori %bitcast_convert_type3A_632, %or3A_634 : vector<16xi32>
      %bitcast_convert_type3A_636 = tpu.bitcast %or3A_635 : vector<16xi32> -> vector<16xf32>
      tpu.vector_store_idx %arg14[%shift_right_logical3A_623], %bitcast_convert_type3A_636 masked %or3A_628 : memref<10000xf32, #tpu.memory_space<vmem>>[vector<16xi32>], vector<16xf32>, vector<16xi1>
      %mul3A_637 = arith.constant 10 : i32
      %mul3A_638 = arith.muli %scan3A_150, %mul3A_637 : i32
      %add3A_639 = arith.constant 7 : i32
      %add3A_640 = arith.addi %mul3A_638, %add3A_639 : i32
      %mul3A_641 = arith.constant 16 : i32
      %mul3A_642 = arith.muli %add3A_640, %mul3A_641 : i32
      %get3A_643 = arith.index_cast %mul3A_642 : i32 to index
      %get3A_644 = tpu.vector_load %arg15[%get3A_643] {strides = array<i32>} : memref<4000xi32, #tpu.memory_space<vmem>>, vector<16xi32>,
      %mul3A_645 = arith.constant 16 : i32
      %mul3A_646 = arith.muli %add3A_640, %mul3A_645 : i32
      %get3A_647 = arith.index_cast %mul3A_646 : i32 to index
      %get3A_648 = tpu.vector_load %arg17[%get3A_647] {strides = array<i32>} : memref<4000xi32, #tpu.memory_space<vmem>>, vector<16xi32>,
      %mul3A_649 = arith.constant 16 : i32
      %mul3A_650 = arith.muli %add3A_640, %mul3A_649 : i32
      %get3A_651 = arith.index_cast %mul3A_650 : i32 to index
      %get3A_652 = tpu.vector_load %arg19[%get3A_651] {strides = array<i32>} : memref<4000xf32, #tpu.memory_space<vmem>>, vector<16xf32>,
      %mul3A_653 = arith.constant 16 : i32
      %mul3A_654 = arith.muli %add3A_640, %mul3A_653 : i32
      %get3A_655 = arith.index_cast %mul3A_654 : i32 to index
      %get3A_656 = tpu.vector_load %arg21[%get3A_655] {strides = array<i32>} : memref<4000xf32, #tpu.memory_space<vmem>>, vector<16xf32>,
      %gather3A_657 = tpu.vector_load_idx %arg11[%get3A_644] : memref<10000xf32, #tpu.memory_space<vmem>>[vector<16xi32>], vector<16xf32>,
      %gather3A_658 = tpu.vector_load_idx %arg11[%get3A_648] : memref<10000xf32, #tpu.memory_space<vmem>>[vector<16xi32>], vector<16xf32>,
      %gather3A_659 = tpu.vector_load_idx %arg12[%get3A_644] : memref<10000xf32, #tpu.memory_space<vmem>>[vector<16xi32>], vector<16xf32>,
      %gather3A_660 = tpu.vector_load_idx %arg12[%get3A_648] : memref<10000xf32, #tpu.memory_space<vmem>>[vector<16xi32>], vector<16xf32>,
      %gather3A_661 = tpu.vector_load_idx %arg13[%get3A_644] : memref<10000xf32, #tpu.memory_space<vmem>>[vector<16xi32>], vector<16xf32>,
      %gather3A_662 = tpu.vector_load_idx %arg13[%get3A_648] : memref<10000xf32, #tpu.memory_space<vmem>>[vector<16xi32>], vector<16xf32>,
      %mul3A_663 = arith.mulf %get3A_656, %get3A_656 : vector<16xf32>
      %div3A_664 = arith.constant 1.000000e+00 : f32
      %div3A_665 = vector.broadcast %div3A_664 : f32 to vector<16xf32>
      %div3A_666 = arith.divf %div3A_665, %mul3A_663 : vector<16xf32>
      %mul3A_667 = arith.mulf %get3A_652, %div3A_666 : vector<16xf32>
      %mul3A_668 = arith.mulf %mul3A_667, %div3A_666 : vector<16xf32>
      %sub3A_669 = arith.subf %gather3A_657, %gather3A_658 : vector<16xf32>
      %mul3A_670 = arith.mulf %mul3A_668, %sub3A_669 : vector<16xf32>
      %sub3A_671 = arith.subf %mul3A_670, %sub3A_604 : vector<16xf32>
      %add3A_672 = arith.addf %add3A_602, %sub3A_671 : vector<16xf32>
      %sub3A_673 = arith.subf %add3A_672, %add3A_602 : vector<16xf32>
      %sub3A_674 = arith.subf %sub3A_673, %sub3A_671 : vector<16xf32>
      %sub3A_675 = arith.subf %gather3A_659, %gather3A_660 : vector<16xf32>
      %mul3A_676 = arith.mulf %mul3A_667, %sub3A_675 : vector<16xf32>
      %sub3A_677 = arith.subf %mul3A_676, %sub3A_610 : vector<16xf32>
      %add3A_678 = arith.addf %add3A_608, %sub3A_677 : vector<16xf32>
      %sub3A_679 = arith.subf %add3A_678, %add3A_608 : vector<16xf32>
      %sub3A_680 = arith.subf %sub3A_679, %sub3A_677 : vector<16xf32>
      %sub3A_681 = arith.subf %gather3A_661, %gather3A_662 : vector<16xf32>
      %add3A_682 = arith.addf %add3A_612, %sub3A_681 : vector<16xf32>
      %mul3A_683 = arith.constant 16 : i32
      %mul3A_684 = vector.broadcast %mul3A_683 : i32 to vector<16xi32>
      %mul3A_685 = arith.muli %get3A_648, %mul3A_684 : vector<16xi32>
      %add3A_686 = arith.addi %mul3A_685, %iota3A : vector<16xi32>
      %masked_sort3A_687 = arith.constant dense<true> : vector<16xi1>
      %masked_sort3A_688, %masked_sort3A_689, %masked_sort3A_690 = tpu.sort %add3A_686, %iota3A masked %masked_sort3A_687 : (vector<16xi32>, vector<16xi32>, vector<16xi1>) -> (vector<16xi1>, vector<16xi32>, vector<16xi32>)
      %shift_right_logical3A_691 = arith.constant 4 : i32
      %shift_right_logical3A_692 = vector.broadcast %shift_right_logical3A_691 : i32 to vector<16xi32>
      %shift_right_logical3A_693 = arith.shrui %masked_sort3A_689, %shift_right_logical3A_692 : vector<16xi32>
      %broadcast_in_dim3A_694 = vector.shape_cast %min3A_16 : vector<16xi32> to vector<16x1xi32>
      %gather3A_695 = vector.shape_cast %broadcast_in_dim3A_694 : vector<16x1xi32> to vector<16xi32>
      %gather3A_696 = tpu.dynamic_gather %shift_right_logical3A_693[%gather3A_695] in [0] : vector<16xi32>, vector<16xi32> -> vector<16xi32>
      %ne3A_697 = arith.cmpi ne, %shift_right_logical3A_693, %gather3A_696 : vector<16xi32>
      %or3A_698 = arith.ori %ne3A_697, %eq3A_18 : vector<16xi1>
      %broadcast_in_dim3A_699 = vector.shape_cast %masked_sort3A_690 : vector<16xi32> to vector<16x1xi32>
      %gather3A_700 = vector.shape_cast %broadcast_in_dim3A_699 : vector<16x1xi32> to vector<16xi32>
      %gather3A_701 = tpu.dynamic_gather %get3A_656[%gather3A_700] in [0] : vector<16xf32>, vector<16xi32> -> vector<16xf32>
      %bitcast_convert_type3A_702 = tpu.bitcast %gather3A_701 : vector<16xf32> -> vector<16xi32>
      %or3A_703 = arith.constant -2147483648 : i32
      %or3A_704 = vector.broadcast %or3A_703 : i32 to vector<16xi32>
      %or3A_705 = arith.ori %bitcast_convert_type3A_702, %or3A_704 : vector<16xi32>
      %bitcast_convert_type3A_706 = tpu.bitcast %or3A_705 : vector<16xi32> -> vector<16xf32>
      tpu.vector_store_idx %arg14[%shift_right_logical3A_693], %bitcast_convert_type3A_706 masked %or3A_698 : memref<10000xf32, #tpu.memory_space<vmem>>[vector<16xi32>], vector<16xf32>, vector<16xi1>
      %mul3A_707 = arith.constant 10 : i32
      %mul3A_708 = arith.muli %scan3A_150, %mul3A_707 : i32
      %add3A_709 = arith.constant 8 : i32
      %add3A_710 = arith.addi %mul3A_708, %add3A_709 : i32
      %mul3A_711 = arith.constant 16 : i32
      %mul3A_712 = arith.muli %add3A_710, %mul3A_711 : i32
      %get3A_713 = arith.index_cast %mul3A_712 : i32 to index
      %get3A_714 = tpu.vector_load %arg15[%get3A_713] {strides = array<i32>} : memref<4000xi32, #tpu.memory_space<vmem>>, vector<16xi32>,
      %mul3A_715 = arith.constant 16 : i32
      %mul3A_716 = arith.muli %add3A_710, %mul3A_715 : i32
      %get3A_717 = arith.index_cast %mul3A_716 : i32 to index
      %get3A_718 = tpu.vector_load %arg17[%get3A_717] {strides = array<i32>} : memref<4000xi32, #tpu.memory_space<vmem>>, vector<16xi32>,
      %mul3A_719 = arith.constant 16 : i32
      %mul3A_720 = arith.muli %add3A_710, %mul3A_719 : i32
      %get3A_721 = arith.index_cast %mul3A_720 : i32 to index
      %get3A_722 = tpu.vector_load %arg19[%get3A_721] {strides = array<i32>} : memref<4000xf32, #tpu.memory_space<vmem>>, vector<16xf32>,
      %mul3A_723 = arith.constant 16 : i32
      %mul3A_724 = arith.muli %add3A_710, %mul3A_723 : i32
      %get3A_725 = arith.index_cast %mul3A_724 : i32 to index
      %get3A_726 = tpu.vector_load %arg21[%get3A_725] {strides = array<i32>} : memref<4000xf32, #tpu.memory_space<vmem>>, vector<16xf32>,
      %gather3A_727 = tpu.vector_load_idx %arg11[%get3A_714] : memref<10000xf32, #tpu.memory_space<vmem>>[vector<16xi32>], vector<16xf32>,
      %gather3A_728 = tpu.vector_load_idx %arg11[%get3A_718] : memref<10000xf32, #tpu.memory_space<vmem>>[vector<16xi32>], vector<16xf32>,
      %gather3A_729 = tpu.vector_load_idx %arg12[%get3A_714] : memref<10000xf32, #tpu.memory_space<vmem>>[vector<16xi32>], vector<16xf32>,
      %gather3A_730 = tpu.vector_load_idx %arg12[%get3A_718] : memref<10000xf32, #tpu.memory_space<vmem>>[vector<16xi32>], vector<16xf32>,
      %gather3A_731 = tpu.vector_load_idx %arg13[%get3A_714] : memref<10000xf32, #tpu.memory_space<vmem>>[vector<16xi32>], vector<16xf32>,
      %gather3A_732 = tpu.vector_load_idx %arg13[%get3A_718] : memref<10000xf32, #tpu.memory_space<vmem>>[vector<16xi32>], vector<16xf32>,
      %mul3A_733 = arith.mulf %get3A_726, %get3A_726 : vector<16xf32>
      %div3A_734 = arith.constant 1.000000e+00 : f32
      %div3A_735 = vector.broadcast %div3A_734 : f32 to vector<16xf32>
      %div3A_736 = arith.divf %div3A_735, %mul3A_733 : vector<16xf32>
      %mul3A_737 = arith.mulf %get3A_722, %div3A_736 : vector<16xf32>
      %mul3A_738 = arith.mulf %mul3A_737, %div3A_736 : vector<16xf32>
      %sub3A_739 = arith.subf %gather3A_727, %gather3A_728 : vector<16xf32>
      %mul3A_740 = arith.mulf %mul3A_738, %sub3A_739 : vector<16xf32>
      %sub3A_741 = arith.subf %mul3A_740, %sub3A_674 : vector<16xf32>
      %add3A_742 = arith.addf %add3A_672, %sub3A_741 : vector<16xf32>
      %sub3A_743 = arith.subf %add3A_742, %add3A_672 : vector<16xf32>
      %sub3A_744 = arith.subf %sub3A_743, %sub3A_741 : vector<16xf32>
      %sub3A_745 = arith.subf %gather3A_729, %gather3A_730 : vector<16xf32>
      %mul3A_746 = arith.mulf %mul3A_737, %sub3A_745 : vector<16xf32>
      %sub3A_747 = arith.subf %mul3A_746, %sub3A_680 : vector<16xf32>
      %add3A_748 = arith.addf %add3A_678, %sub3A_747 : vector<16xf32>
      %sub3A_749 = arith.subf %add3A_748, %add3A_678 : vector<16xf32>
      %sub3A_750 = arith.subf %sub3A_749, %sub3A_747 : vector<16xf32>
      %sub3A_751 = arith.subf %gather3A_731, %gather3A_732 : vector<16xf32>
      %add3A_752 = arith.addf %add3A_682, %sub3A_751 : vector<16xf32>
      %mul3A_753 = arith.constant 16 : i32
      %mul3A_754 = vector.broadcast %mul3A_753 : i32 to vector<16xi32>
      %mul3A_755 = arith.muli %get3A_718, %mul3A_754 : vector<16xi32>
      %add3A_756 = arith.addi %mul3A_755, %iota3A : vector<16xi32>
      %masked_sort3A_757 = arith.constant dense<true> : vector<16xi1>
      %masked_sort3A_758, %masked_sort3A_759, %masked_sort3A_760 = tpu.sort %add3A_756, %iota3A masked %masked_sort3A_757 : (vector<16xi32>, vector<16xi32>, vector<16xi1>) -> (vector<16xi1>, vector<16xi32>, vector<16xi32>)
      %shift_right_logical3A_761 = arith.constant 4 : i32
      %shift_right_logical3A_762 = vector.broadcast %shift_right_logical3A_761 : i32 to vector<16xi32>
      %shift_right_logical3A_763 = arith.shrui %masked_sort3A_759, %shift_right_logical3A_762 : vector<16xi32>
      %broadcast_in_dim3A_764 = vector.shape_cast %min3A_16 : vector<16xi32> to vector<16x1xi32>
      %gather3A_765 = vector.shape_cast %broadcast_in_dim3A_764 : vector<16x1xi32> to vector<16xi32>
      %gather3A_766 = tpu.dynamic_gather %shift_right_logical3A_763[%gather3A_765] in [0] : vector<16xi32>, vector<16xi32> -> vector<16xi32>
      %ne3A_767 = arith.cmpi ne, %shift_right_logical3A_763, %gather3A_766 : vector<16xi32>
      %or3A_768 = arith.ori %ne3A_767, %eq3A_18 : vector<16xi1>
      %broadcast_in_dim3A_769 = vector.shape_cast %masked_sort3A_760 : vector<16xi32> to vector<16x1xi32>
      %gather3A_770 = vector.shape_cast %broadcast_in_dim3A_769 : vector<16x1xi32> to vector<16xi32>
      %gather3A_771 = tpu.dynamic_gather %get3A_726[%gather3A_770] in [0] : vector<16xf32>, vector<16xi32> -> vector<16xf32>
      %bitcast_convert_type3A_772 = tpu.bitcast %gather3A_771 : vector<16xf32> -> vector<16xi32>
      %or3A_773 = arith.constant -2147483648 : i32
      %or3A_774 = vector.broadcast %or3A_773 : i32 to vector<16xi32>
      %or3A_775 = arith.ori %bitcast_convert_type3A_772, %or3A_774 : vector<16xi32>
      %bitcast_convert_type3A_776 = tpu.bitcast %or3A_775 : vector<16xi32> -> vector<16xf32>
      tpu.vector_store_idx %arg14[%shift_right_logical3A_763], %bitcast_convert_type3A_776 masked %or3A_768 : memref<10000xf32, #tpu.memory_space<vmem>>[vector<16xi32>], vector<16xf32>, vector<16xi1>
      %mul3A_777 = arith.constant 10 : i32
      %mul3A_778 = arith.muli %scan3A_150, %mul3A_777 : i32
      %add3A_779 = arith.constant 9 : i32
      %add3A_780 = arith.addi %mul3A_778, %add3A_779 : i32
      %mul3A_781 = arith.constant 16 : i32
      %mul3A_782 = arith.muli %add3A_780, %mul3A_781 : i32
      %get3A_783 = arith.index_cast %mul3A_782 : i32 to index
      %get3A_784 = tpu.vector_load %arg15[%get3A_783] {strides = array<i32>} : memref<4000xi32, #tpu.memory_space<vmem>>, vector<16xi32>,
      %mul3A_785 = arith.constant 16 : i32
      %mul3A_786 = arith.muli %add3A_780, %mul3A_785 : i32
      %get3A_787 = arith.index_cast %mul3A_786 : i32 to index
      %get3A_788 = tpu.vector_load %arg17[%get3A_787] {strides = array<i32>} : memref<4000xi32, #tpu.memory_space<vmem>>, vector<16xi32>,
      %mul3A_789 = arith.constant 16 : i32
      %mul3A_790 = arith.muli %add3A_780, %mul3A_789 : i32
      %get3A_791 = arith.index_cast %mul3A_790 : i32 to index
      %get3A_792 = tpu.vector_load %arg19[%get3A_791] {strides = array<i32>} : memref<4000xf32, #tpu.memory_space<vmem>>, vector<16xf32>,
      %mul3A_793 = arith.constant 16 : i32
      %mul3A_794 = arith.muli %add3A_780, %mul3A_793 : i32
      %get3A_795 = arith.index_cast %mul3A_794 : i32 to index
      %get3A_796 = tpu.vector_load %arg21[%get3A_795] {strides = array<i32>} : memref<4000xf32, #tpu.memory_space<vmem>>, vector<16xf32>,
      %gather3A_797 = tpu.vector_load_idx %arg11[%get3A_784] : memref<10000xf32, #tpu.memory_space<vmem>>[vector<16xi32>], vector<16xf32>,
      %gather3A_798 = tpu.vector_load_idx %arg11[%get3A_788] : memref<10000xf32, #tpu.memory_space<vmem>>[vector<16xi32>], vector<16xf32>,
      %gather3A_799 = tpu.vector_load_idx %arg12[%get3A_784] : memref<10000xf32, #tpu.memory_space<vmem>>[vector<16xi32>], vector<16xf32>,
      %gather3A_800 = tpu.vector_load_idx %arg12[%get3A_788] : memref<10000xf32, #tpu.memory_space<vmem>>[vector<16xi32>], vector<16xf32>,
      %gather3A_801 = tpu.vector_load_idx %arg13[%get3A_784] : memref<10000xf32, #tpu.memory_space<vmem>>[vector<16xi32>], vector<16xf32>,
      %gather3A_802 = tpu.vector_load_idx %arg13[%get3A_788] : memref<10000xf32, #tpu.memory_space<vmem>>[vector<16xi32>], vector<16xf32>,
      %mul3A_803 = arith.mulf %get3A_796, %get3A_796 : vector<16xf32>
      %div3A_804 = arith.constant 1.000000e+00 : f32
      %div3A_805 = vector.broadcast %div3A_804 : f32 to vector<16xf32>
      %div3A_806 = arith.divf %div3A_805, %mul3A_803 : vector<16xf32>
      %mul3A_807 = arith.mulf %get3A_792, %div3A_806 : vector<16xf32>
      %mul3A_808 = arith.mulf %mul3A_807, %div3A_806 : vector<16xf32>
      %sub3A_809 = arith.subf %gather3A_797, %gather3A_798 : vector<16xf32>
      %mul3A_810 = arith.mulf %mul3A_808, %sub3A_809 : vector<16xf32>
      %sub3A_811 = arith.subf %mul3A_810, %sub3A_744 : vector<16xf32>
      %add3A_812 = arith.addf %add3A_742, %sub3A_811 : vector<16xf32>
      %sub3A_813 = arith.subf %add3A_812, %add3A_742 : vector<16xf32>
      %sub3A_814 = arith.subf %sub3A_813, %sub3A_811 : vector<16xf32>
      %sub3A_815 = arith.subf %gather3A_799, %gather3A_800 : vector<16xf32>
      %mul3A_816 = arith.mulf %mul3A_807, %sub3A_815 : vector<16xf32>
      %sub3A_817 = arith.subf %mul3A_816, %sub3A_750 : vector<16xf32>
      %add3A_818 = arith.addf %add3A_748, %sub3A_817 : vector<16xf32>
      %sub3A_819 = arith.subf %add3A_818, %add3A_748 : vector<16xf32>
      %sub3A_820 = arith.subf %sub3A_819, %sub3A_817 : vector<16xf32>
      %sub3A_821 = arith.subf %gather3A_801, %gather3A_802 : vector<16xf32>
      %add3A_822 = arith.addf %add3A_752, %sub3A_821 : vector<16xf32>
      %mul3A_823 = arith.constant 16 : i32
      %mul3A_824 = vector.broadcast %mul3A_823 : i32 to vector<16xi32>
      %mul3A_825 = arith.muli %get3A_788, %mul3A_824 : vector<16xi32>
      %add3A_826 = arith.addi %mul3A_825, %iota3A : vector<16xi32>
      %masked_sort3A_827 = arith.constant dense<true> : vector<16xi1>
      %masked_sort3A_828, %masked_sort3A_829, %masked_sort3A_830 = tpu.sort %add3A_826, %iota3A masked %masked_sort3A_827 : (vector<16xi32>, vector<16xi32>, vector<16xi1>) -> (vector<16xi1>, vector<16xi32>, vector<16xi32>)
      %shift_right_logical3A_831 = arith.constant 4 : i32
      %shift_right_logical3A_832 = vector.broadcast %shift_right_logical3A_831 : i32 to vector<16xi32>
      %shift_right_logical3A_833 = arith.shrui %masked_sort3A_829, %shift_right_logical3A_832 : vector<16xi32>
      %broadcast_in_dim3A_834 = vector.shape_cast %min3A_16 : vector<16xi32> to vector<16x1xi32>
      %gather3A_835 = vector.shape_cast %broadcast_in_dim3A_834 : vector<16x1xi32> to vector<16xi32>
      %gather3A_836 = tpu.dynamic_gather %shift_right_logical3A_833[%gather3A_835] in [0] : vector<16xi32>, vector<16xi32> -> vector<16xi32>
      %ne3A_837 = arith.cmpi ne, %shift_right_logical3A_833, %gather3A_836 : vector<16xi32>
      %or3A_838 = arith.ori %ne3A_837, %eq3A_18 : vector<16xi1>
      %broadcast_in_dim3A_839 = vector.shape_cast %masked_sort3A_830 : vector<16xi32> to vector<16x1xi32>
      %gather3A_840 = vector.shape_cast %broadcast_in_dim3A_839 : vector<16x1xi32> to vector<16xi32>
      %gather3A_841 = tpu.dynamic_gather %get3A_796[%gather3A_840] in [0] : vector<16xf32>, vector<16xi32> -> vector<16xf32>
      %bitcast_convert_type3A_842 = tpu.bitcast %gather3A_841 : vector<16xf32> -> vector<16xi32>
      %or3A_843 = arith.constant -2147483648 : i32
      %or3A_844 = vector.broadcast %or3A_843 : i32 to vector<16xi32>
      %or3A_845 = arith.ori %bitcast_convert_type3A_842, %or3A_844 : vector<16xi32>
      %bitcast_convert_type3A_846 = tpu.bitcast %or3A_845 : vector<16xi32> -> vector<16xf32>
      tpu.vector_store_idx %arg14[%shift_right_logical3A_833], %bitcast_convert_type3A_846 masked %or3A_838 : memref<10000xf32, #tpu.memory_space<vmem>>[vector<16xi32>], vector<16xf32>, vector<16xi1>
      scf.yield %add3A_812, %sub3A_814, %add3A_818, %sub3A_820, %add3A_822 : vector<16xf32>, vector<16xf32>, vector<16xf32>, vector<16xf32>, vector<16xf32>
    }
    %scan3A_144 = arith.constant 25 : i32
    %swap3A = arith.constant 0 : index
    %swap3A_145 = tpu.vector_load %arg23[%swap3A] {strides = array<i32>} : memref<16xf32, #tpu.memory_space<vmem>>, vector<16xf32>,
    tpu.vector_store %arg23[%swap3A], %scan3A_143#0 {strides = array<i32>} : memref<16xf32, #tpu.memory_space<vmem>>, vector<16xf32>,
    "tpu.region"() ({
      %run_scoped3A_150 = tpu.sem_alloc : memref<!tpu.dma_semaphore, #tpu.memory_space<semaphore_mem>>
      %dma_start3A_151 = arith.constant 0 : i32
      %dma_start3A_152 = tpu.memref_slice %arg7[%add3A, %dma_start3A_151] : memref<32x16xf32, #tpu.memory_space<hbm>> -> memref<1x16xf32, #tpu.memory_space<hbm>>
      %dma_start3A_153 = tpu.memref_squeeze %dma_start3A_152 : memref<1x16xf32, #tpu.memory_space<hbm>> -> memref<16xf32, #tpu.memory_space<hbm>>
      %dma_start3A_154 = arith.constant 0 : i32
      %dma_start3A_155 = tpu.memref_slice %arg7[%add3A, %dma_start3A_154] : memref<32x16xf32, #tpu.memory_space<hbm>> -> memref<1x16xf32, #tpu.memory_space<hbm>>
      %dma_start3A_156 = tpu.memref_squeeze %dma_start3A_155 : memref<1x16xf32, #tpu.memory_space<hbm>> -> memref<16xf32, #tpu.memory_space<hbm>>
      tpu.enqueue_dma source(%arg23 : memref<16xf32, #tpu.memory_space<vmem>>) target(%dma_start3A_156 : memref<16xf32, #tpu.memory_space<hbm>>) target_semaphore(%run_scoped3A_150 : memref<!tpu.dma_semaphore, #tpu.memory_space<semaphore_mem>>)
      %dma_wait3A_157 = arith.constant 0 : i32
      %dma_wait3A_158 = tpu.memref_slice %arg7[%add3A, %dma_wait3A_157] : memref<32x16xf32, #tpu.memory_space<hbm>> -> memref<1x16xf32, #tpu.memory_space<hbm>>
      %dma_wait3A_159 = tpu.memref_squeeze %dma_wait3A_158 : memref<1x16xf32, #tpu.memory_space<hbm>> -> memref<16xf32, #tpu.memory_space<hbm>>
      %dma_wait3A_160 = arith.constant 0 : i32
      %dma_wait3A_161 = tpu.memref_slice %arg7[%add3A, %dma_wait3A_160] : memref<32x16xf32, #tpu.memory_space<hbm>> -> memref<1x16xf32, #tpu.memory_space<hbm>>
      %dma_wait3A_162 = tpu.memref_squeeze %dma_wait3A_161 : memref<1x16xf32, #tpu.memory_space<hbm>> -> memref<16xf32, #tpu.memory_space<hbm>>
      tpu.wait_dma2 semaphore(%run_scoped3A_150 : memref<!tpu.dma_semaphore, #tpu.memory_space<semaphore_mem>>) src(%arg23 : memref<16xf32, #tpu.memory_space<vmem>>) dst(%dma_wait3A_162 : memref<16xf32, #tpu.memory_space<hbm>>)
      tpu.yield
    }) : () -> ()
    %swap3A_146 = arith.constant 0 : index
    %swap3A_147 = tpu.vector_load %arg23[%swap3A_146] {strides = array<i32>} : memref<16xf32, #tpu.memory_space<vmem>>, vector<16xf32>,
    tpu.vector_store %arg23[%swap3A_146], %scan3A_143#2 {strides = array<i32>} : memref<16xf32, #tpu.memory_space<vmem>>, vector<16xf32>,
    "tpu.region"() ({
      %run_scoped3A_150 = tpu.sem_alloc : memref<!tpu.dma_semaphore, #tpu.memory_space<semaphore_mem>>
      %dma_start3A_151 = arith.constant 0 : i32
      %dma_start3A_152 = tpu.memref_slice %arg8[%add3A, %dma_start3A_151] : memref<32x16xf32, #tpu.memory_space<hbm>> -> memref<1x16xf32, #tpu.memory_space<hbm>>
      %dma_start3A_153 = tpu.memref_squeeze %dma_start3A_152 : memref<1x16xf32, #tpu.memory_space<hbm>> -> memref<16xf32, #tpu.memory_space<hbm>>
      %dma_start3A_154 = arith.constant 0 : i32
      %dma_start3A_155 = tpu.memref_slice %arg8[%add3A, %dma_start3A_154] : memref<32x16xf32, #tpu.memory_space<hbm>> -> memref<1x16xf32, #tpu.memory_space<hbm>>
      %dma_start3A_156 = tpu.memref_squeeze %dma_start3A_155 : memref<1x16xf32, #tpu.memory_space<hbm>> -> memref<16xf32, #tpu.memory_space<hbm>>
      tpu.enqueue_dma source(%arg23 : memref<16xf32, #tpu.memory_space<vmem>>) target(%dma_start3A_156 : memref<16xf32, #tpu.memory_space<hbm>>) target_semaphore(%run_scoped3A_150 : memref<!tpu.dma_semaphore, #tpu.memory_space<semaphore_mem>>)
      %dma_wait3A_157 = arith.constant 0 : i32
      %dma_wait3A_158 = tpu.memref_slice %arg8[%add3A, %dma_wait3A_157] : memref<32x16xf32, #tpu.memory_space<hbm>> -> memref<1x16xf32, #tpu.memory_space<hbm>>
      %dma_wait3A_159 = tpu.memref_squeeze %dma_wait3A_158 : memref<1x16xf32, #tpu.memory_space<hbm>> -> memref<16xf32, #tpu.memory_space<hbm>>
      %dma_wait3A_160 = arith.constant 0 : i32
      %dma_wait3A_161 = tpu.memref_slice %arg8[%add3A, %dma_wait3A_160] : memref<32x16xf32, #tpu.memory_space<hbm>> -> memref<1x16xf32, #tpu.memory_space<hbm>>
      %dma_wait3A_162 = tpu.memref_squeeze %dma_wait3A_161 : memref<1x16xf32, #tpu.memory_space<hbm>> -> memref<16xf32, #tpu.memory_space<hbm>>
      tpu.wait_dma2 semaphore(%run_scoped3A_150 : memref<!tpu.dma_semaphore, #tpu.memory_space<semaphore_mem>>) src(%arg23 : memref<16xf32, #tpu.memory_space<vmem>>) dst(%dma_wait3A_162 : memref<16xf32, #tpu.memory_space<hbm>>)
      tpu.yield
    }) : () -> ()
    %swap3A_148 = arith.constant 0 : index
    %swap3A_149 = tpu.vector_load %arg23[%swap3A_148] {strides = array<i32>} : memref<16xf32, #tpu.memory_space<vmem>>, vector<16xf32>,
    tpu.vector_store %arg23[%swap3A_148], %scan3A_143#4 {strides = array<i32>} : memref<16xf32, #tpu.memory_space<vmem>>, vector<16xf32>,
    "tpu.region"() ({
      %run_scoped3A_150 = tpu.sem_alloc : memref<!tpu.dma_semaphore, #tpu.memory_space<semaphore_mem>>
      %dma_start3A_151 = arith.constant 0 : i32
      %dma_start3A_152 = tpu.memref_slice %arg9[%add3A, %dma_start3A_151] : memref<32x16xf32, #tpu.memory_space<hbm>> -> memref<1x16xf32, #tpu.memory_space<hbm>>
      %dma_start3A_153 = tpu.memref_squeeze %dma_start3A_152 : memref<1x16xf32, #tpu.memory_space<hbm>> -> memref<16xf32, #tpu.memory_space<hbm>>
      %dma_start3A_154 = arith.constant 0 : i32
      %dma_start3A_155 = tpu.memref_slice %arg9[%add3A, %dma_start3A_154] : memref<32x16xf32, #tpu.memory_space<hbm>> -> memref<1x16xf32, #tpu.memory_space<hbm>>
      %dma_start3A_156 = tpu.memref_squeeze %dma_start3A_155 : memref<1x16xf32, #tpu.memory_space<hbm>> -> memref<16xf32, #tpu.memory_space<hbm>>
      tpu.enqueue_dma source(%arg23 : memref<16xf32, #tpu.memory_space<vmem>>) target(%dma_start3A_156 : memref<16xf32, #tpu.memory_space<hbm>>) target_semaphore(%run_scoped3A_150 : memref<!tpu.dma_semaphore, #tpu.memory_space<semaphore_mem>>)
      %dma_wait3A_157 = arith.constant 0 : i32
      %dma_wait3A_158 = tpu.memref_slice %arg9[%add3A, %dma_wait3A_157] : memref<32x16xf32, #tpu.memory_space<hbm>> -> memref<1x16xf32, #tpu.memory_space<hbm>>
      %dma_wait3A_159 = tpu.memref_squeeze %dma_wait3A_158 : memref<1x16xf32, #tpu.memory_space<hbm>> -> memref<16xf32, #tpu.memory_space<hbm>>
      %dma_wait3A_160 = arith.constant 0 : i32
      %dma_wait3A_161 = tpu.memref_slice %arg9[%add3A, %dma_wait3A_160] : memref<32x16xf32, #tpu.memory_space<hbm>> -> memref<1x16xf32, #tpu.memory_space<hbm>>
      %dma_wait3A_162 = tpu.memref_squeeze %dma_wait3A_161 : memref<1x16xf32, #tpu.memory_space<hbm>> -> memref<16xf32, #tpu.memory_space<hbm>>
      tpu.wait_dma2 semaphore(%run_scoped3A_150 : memref<!tpu.dma_semaphore, #tpu.memory_space<semaphore_mem>>) src(%arg23 : memref<16xf32, #tpu.memory_space<vmem>>) dst(%dma_wait3A_162 : memref<16xf32, #tpu.memory_space<hbm>>)
      tpu.yield
    }) : () -> ()
    "tpu.region"() ({
      %run_scoped3A_150 = tpu.sem_alloc : memref<!tpu.dma_semaphore, #tpu.memory_space<semaphore_mem>>
      %dma_start3A_151 = arith.constant 0 : i32
      %dma_start3A_152 = tpu.memref_slice %arg10[%add3A, %dma_start3A_151] : memref<32x10000xf32, #tpu.memory_space<hbm>> -> memref<1x10000xf32, #tpu.memory_space<hbm>>
      %dma_start3A_153 = tpu.memref_squeeze %dma_start3A_152 : memref<1x10000xf32, #tpu.memory_space<hbm>> -> memref<10000xf32, #tpu.memory_space<hbm>>
      %dma_start3A_154 = arith.constant 0 : i32
      %dma_start3A_155 = tpu.memref_slice %arg10[%add3A, %dma_start3A_154] : memref<32x10000xf32, #tpu.memory_space<hbm>> -> memref<1x10000xf32, #tpu.memory_space<hbm>>
      %dma_start3A_156 = tpu.memref_squeeze %dma_start3A_155 : memref<1x10000xf32, #tpu.memory_space<hbm>> -> memref<10000xf32, #tpu.memory_space<hbm>>
      tpu.enqueue_dma source(%arg14 : memref<10000xf32, #tpu.memory_space<vmem>>) target(%dma_start3A_156 : memref<10000xf32, #tpu.memory_space<hbm>>) target_semaphore(%run_scoped3A_150 : memref<!tpu.dma_semaphore, #tpu.memory_space<semaphore_mem>>)
      %dma_wait3A_157 = arith.constant 0 : i32
      %dma_wait3A_158 = tpu.memref_slice %arg10[%add3A, %dma_wait3A_157] : memref<32x10000xf32, #tpu.memory_space<hbm>> -> memref<1x10000xf32, #tpu.memory_space<hbm>>
      %dma_wait3A_159 = tpu.memref_squeeze %dma_wait3A_158 : memref<1x10000xf32, #tpu.memory_space<hbm>> -> memref<10000xf32, #tpu.memory_space<hbm>>
      %dma_wait3A_160 = arith.constant 0 : i32
      %dma_wait3A_161 = tpu.memref_slice %arg10[%add3A, %dma_wait3A_160] : memref<32x10000xf32, #tpu.memory_space<hbm>> -> memref<1x10000xf32, #tpu.memory_space<hbm>>
      %dma_wait3A_162 = tpu.memref_squeeze %dma_wait3A_161 : memref<1x10000xf32, #tpu.memory_space<hbm>> -> memref<10000xf32, #tpu.memory_space<hbm>>
      tpu.wait_dma2 semaphore(%run_scoped3A_150 : memref<!tpu.dma_semaphore, #tpu.memory_space<semaphore_mem>>) src(%arg14 : memref<10000xf32, #tpu.memory_space<vmem>>) dst(%dma_wait3A_162 : memref<10000xf32, #tpu.memory_space<hbm>>)
      tpu.yield
    }) : () -> ()
    return
  }
}

module attributes {stable_mosaic.version = 14 : i64} {
  func.func @body(%arg0: memref<10000x100xf32, #tpu.memory_space<vmem>>, %arg1: memref<10000x100xf32, #tpu.memory_space<vmem>>, %arg2: memref<4x10000xf32, #tpu.memory_space<vmem>>) attributes {dimension_semantics = [], scalar_prefetch = 0 : i64, scratch_operands = 0 : i64, tpu.core_type = #tpu.core_type<tc>} {
    %get3A = arith.constant 0 : index
    %get3A_0 = arith.constant 0 : index
    %get3A_1 = vector.load %arg0[%get3A, %get3A_0] : memref<10000x100xf32, #tpu.memory_space<vmem>>, vector<10000x100xf32>
    %get3A_2 = arith.constant 0 : index
    %get3A_3 = arith.constant 0 : index
    %get3A_4 = vector.load %arg1[%get3A_2, %get3A_3] : memref<10000x100xf32, #tpu.memory_space<vmem>>, vector<10000x100xf32>
    %iota3A = tpu.iota {dimensions = array<i32: 0>} : vector<2x100xi32>
    %iota3A_5 = tpu.iota {dimensions = array<i32: 1>} : vector<2x100xi32>
    %eq3A = arith.constant 0 : i32
    %eq3A_6 = vector.broadcast %eq3A : i32 to vector<2x100xi32>
    %eq3A_7 = arith.cmpi eq, %iota3A, %eq3A_6 : vector<2x100xi32>
    %eq3A_8 = arith.constant 99 : i32
    %eq3A_9 = vector.broadcast %eq3A_8 : i32 to vector<2x100xi32>
    %eq3A_10 = arith.cmpi eq, %iota3A_5, %eq3A_9 : vector<2x100xi32>
    %eq3A_11 = arith.constant 0 : i32
    %eq3A_12 = vector.broadcast %eq3A_11 : i32 to vector<2x100xi32>
    %eq3A_13 = arith.cmpi eq, %iota3A_5, %eq3A_12 : vector<2x100xi32>
    %jit3A = arith.constant -1.000000e+00 : f32
    %jit3A_14 = arith.constant 0.000000e+00 : f32
    %broadcast_in_dim3A = vector.broadcast %jit3A : f32 to vector<2x100xf32>
    %broadcast_in_dim3A_15 = vector.broadcast %jit3A_14 : f32 to vector<2x100xf32>
    %select_n3A = arith.select %eq3A_13, %broadcast_in_dim3A, %broadcast_in_dim3A_15 : vector<2x100xi1>, vector<2x100xf32>
    %jit3A_16 = arith.constant 1.000000e+00 : f32
    %broadcast_in_dim3A_17 = vector.broadcast %jit3A_16 : f32 to vector<2x100xf32>
    %select_n3A_18 = arith.select %eq3A_10, %broadcast_in_dim3A_17, %select_n3A : vector<2x100xi1>, vector<2x100xf32>
    %jit3A_19 = arith.constant 1.000000e+00 : f32
    %broadcast_in_dim3A_20 = vector.broadcast %jit3A_19 : f32 to vector<2x100xf32>
    %select_n3A_21 = arith.select %eq3A_7, %broadcast_in_dim3A_20, %select_n3A_18 : vector<2x100xi1>, vector<2x100xf32>
    %broadcast_in_dim3A_22 = arith.constant 1.000000e+00 : f32
    %broadcast_in_dim3A_23 = vector.broadcast %broadcast_in_dim3A_22 : f32 to vector<1x100xf32>
    %dot_general3A = arith.constant dense<0.000000e+00> : vector<2x10000xf32>
    %dot_general3A_24 = tpu.matmul %select_n3A_21, %get3A_1, %dot_general3A {dimension_numbers = #tpu.dot_dimension_numbers<[1], [1], [0], [0], [0, 0, 1, 0], [], []>, transpose_lhs_hint = false} : vector<2x100xf32>, vector<10000x100xf32>, vector<2x10000xf32> -> vector<2x10000xf32>
    %mul3A = arith.mulf %get3A_1, %get3A_1 : vector<10000x100xf32>
    %dot_general3A_25 = arith.constant dense<0.000000e+00> : vector<1x10000xf32>
    %dot_general3A_26 = tpu.matmul %broadcast_in_dim3A_23, %mul3A, %dot_general3A_25 {dimension_numbers = #tpu.dot_dimension_numbers<[1], [1], [0], [0], [0, 0, 1, 0], [], []>, transpose_lhs_hint = false} : vector<1x100xf32>, vector<10000x100xf32>, vector<1x10000xf32> -> vector<1x10000xf32>
    %dot_general3A_27 = arith.constant dense<0.000000e+00> : vector<1x10000xf32>
    %dot_general3A_28 = tpu.matmul %broadcast_in_dim3A_23, %get3A_4, %dot_general3A_27 {dimension_numbers = #tpu.dot_dimension_numbers<[1], [1], [0], [0], [0, 0, 1, 0], [], []>, transpose_lhs_hint = false} : vector<1x100xf32>, vector<10000x100xf32>, vector<1x10000xf32> -> vector<1x10000xf32>
    %slice3A = vector.extract_strided_slice %dot_general3A_24 {offsets = [0, 0], sizes = [1, 10000], strides = [1, 1]} : vector<2x10000xf32> to vector<1x10000xf32>
    %slice3A_29 = vector.extract_strided_slice %dot_general3A_24 {offsets = [1, 0], sizes = [1, 10000], strides = [1, 1]} : vector<2x10000xf32> to vector<1x10000xf32>
    %concatenate3A = tpu.concatenate %slice3A, %dot_general3A_26, %slice3A_29, %dot_general3A_28 in 0 : vector<1x10000xf32>, vector<1x10000xf32>, vector<1x10000xf32>, vector<1x10000xf32> -> vector<4x10000xf32>
    %swap3A = arith.constant 0 : index
    %swap3A_30 = arith.constant 0 : index
    %swap3A_31 = vector.load %arg2[%swap3A, %swap3A_30] : memref<4x10000xf32, #tpu.memory_space<vmem>>, vector<4x10000xf32>
    tpu.vector_store %arg2[%swap3A, %swap3A_30], %concatenate3A {strides = array<i32>} : memref<4x10000xf32, #tpu.memory_space<vmem>>, vector<4x10000xf32>,
    return
  }
}

module attributes {stable_mosaic.version = 14 : i64} {
  func.func @body(%arg0: memref<4x10000xf32, #tpu.memory_space<vmem>>, %arg1: memref<32x10000xf32, #tpu.memory_space<vmem>>, %arg2: memref<32x16xf32, #tpu.memory_space<vmem>>, %arg3: memref<32x16xf32, #tpu.memory_space<vmem>>, %arg4: memref<32x16xf32, #tpu.memory_space<vmem>>, %arg5: memref<1x1xf32, #tpu.memory_space<vmem>>, %arg6: memref<1x1xf32, #tpu.memory_space<vmem>>, %arg7: memref<1x1xf32, #tpu.memory_space<vmem>>, %arg8: memref<1x1xf32, #tpu.memory_space<vmem>>) attributes {dimension_semantics = [], scalar_prefetch = 0 : i64, scratch_operands = 0 : i64, tpu.core_type = #tpu.core_type<tc>} {
    %broadcast_in_dim3A = arith.constant 0 : i32
    %broadcast_in_dim3A_0 = vector.broadcast %broadcast_in_dim3A : i32 to vector<1x10000xi32>
    %get3A = arith.constant 0 : index
    %get3A_1 = arith.constant 0 : index
    %get3A_2 = vector.load %arg1[%get3A, %get3A_1] : memref<32x10000xf32, #tpu.memory_space<vmem>>, vector<1x10000xf32>
    %bitcast_convert_type3A = tpu.bitcast %get3A_2 : vector<1x10000xf32> -> vector<1x10000xi32>
    %lt3A = arith.constant 0 : i32
    %lt3A_3 = vector.broadcast %lt3A : i32 to vector<1x10000xi32>
    %lt3A_4 = arith.cmpi slt, %bitcast_convert_type3A, %lt3A_3 : vector<1x10000xi32>
    %select_n3A = arith.select %lt3A_4, %bitcast_convert_type3A, %broadcast_in_dim3A_0 : vector<1x10000xi1>, vector<1x10000xi32>
    %get3A_5 = arith.constant 1 : index
    %get3A_6 = arith.constant 0 : index
    %get3A_7 = vector.load %arg1[%get3A_5, %get3A_6] : memref<32x10000xf32, #tpu.memory_space<vmem>>, vector<1x10000xf32>
    %bitcast_convert_type3A_8 = tpu.bitcast %get3A_7 : vector<1x10000xf32> -> vector<1x10000xi32>
    %lt3A_9 = arith.constant 0 : i32
    %lt3A_10 = vector.broadcast %lt3A_9 : i32 to vector<1x10000xi32>
    %lt3A_11 = arith.cmpi slt, %bitcast_convert_type3A_8, %lt3A_10 : vector<1x10000xi32>
    %select_n3A_12 = arith.select %lt3A_11, %bitcast_convert_type3A_8, %select_n3A : vector<1x10000xi1>, vector<1x10000xi32>
    %get3A_13 = arith.constant 2 : index
    %get3A_14 = arith.constant 0 : index
    %get3A_15 = vector.load %arg1[%get3A_13, %get3A_14] : memref<32x10000xf32, #tpu.memory_space<vmem>>, vector<1x10000xf32>
    %bitcast_convert_type3A_16 = tpu.bitcast %get3A_15 : vector<1x10000xf32> -> vector<1x10000xi32>
    %lt3A_17 = arith.constant 0 : i32
    %lt3A_18 = vector.broadcast %lt3A_17 : i32 to vector<1x10000xi32>
    %lt3A_19 = arith.cmpi slt, %bitcast_convert_type3A_16, %lt3A_18 : vector<1x10000xi32>
    %select_n3A_20 = arith.select %lt3A_19, %bitcast_convert_type3A_16, %select_n3A_12 : vector<1x10000xi1>, vector<1x10000xi32>
    %get3A_21 = arith.constant 3 : index
    %get3A_22 = arith.constant 0 : index
    %get3A_23 = vector.load %arg1[%get3A_21, %get3A_22] : memref<32x10000xf32, #tpu.memory_space<vmem>>, vector<1x10000xf32>
    %bitcast_convert_type3A_24 = tpu.bitcast %get3A_23 : vector<1x10000xf32> -> vector<1x10000xi32>
    %lt3A_25 = arith.constant 0 : i32
    %lt3A_26 = vector.broadcast %lt3A_25 : i32 to vector<1x10000xi32>
    %lt3A_27 = arith.cmpi slt, %bitcast_convert_type3A_24, %lt3A_26 : vector<1x10000xi32>
    %select_n3A_28 = arith.select %lt3A_27, %bitcast_convert_type3A_24, %select_n3A_20 : vector<1x10000xi1>, vector<1x10000xi32>
    %get3A_29 = arith.constant 4 : index
    %get3A_30 = arith.constant 0 : index
    %get3A_31 = vector.load %arg1[%get3A_29, %get3A_30] : memref<32x10000xf32, #tpu.memory_space<vmem>>, vector<1x10000xf32>
    %bitcast_convert_type3A_32 = tpu.bitcast %get3A_31 : vector<1x10000xf32> -> vector<1x10000xi32>
    %lt3A_33 = arith.constant 0 : i32
    %lt3A_34 = vector.broadcast %lt3A_33 : i32 to vector<1x10000xi32>
    %lt3A_35 = arith.cmpi slt, %bitcast_convert_type3A_32, %lt3A_34 : vector<1x10000xi32>
    %select_n3A_36 = arith.select %lt3A_35, %bitcast_convert_type3A_32, %select_n3A_28 : vector<1x10000xi1>, vector<1x10000xi32>
    %get3A_37 = arith.constant 5 : index
    %get3A_38 = arith.constant 0 : index
    %get3A_39 = vector.load %arg1[%get3A_37, %get3A_38] : memref<32x10000xf32, #tpu.memory_space<vmem>>, vector<1x10000xf32>
    %bitcast_convert_type3A_40 = tpu.bitcast %get3A_39 : vector<1x10000xf32> -> vector<1x10000xi32>
    %lt3A_41 = arith.constant 0 : i32
    %lt3A_42 = vector.broadcast %lt3A_41 : i32 to vector<1x10000xi32>
    %lt3A_43 = arith.cmpi slt, %bitcast_convert_type3A_40, %lt3A_42 : vector<1x10000xi32>
    %select_n3A_44 = arith.select %lt3A_43, %bitcast_convert_type3A_40, %select_n3A_36 : vector<1x10000xi1>, vector<1x10000xi32>
    %get3A_45 = arith.constant 6 : index
    %get3A_46 = arith.constant 0 : index
    %get3A_47 = vector.load %arg1[%get3A_45, %get3A_46] : memref<32x10000xf32, #tpu.memory_space<vmem>>, vector<1x10000xf32>
    %bitcast_convert_type3A_48 = tpu.bitcast %get3A_47 : vector<1x10000xf32> -> vector<1x10000xi32>
    %lt3A_49 = arith.constant 0 : i32
    %lt3A_50 = vector.broadcast %lt3A_49 : i32 to vector<1x10000xi32>
    %lt3A_51 = arith.cmpi slt, %bitcast_convert_type3A_48, %lt3A_50 : vector<1x10000xi32>
    %select_n3A_52 = arith.select %lt3A_51, %bitcast_convert_type3A_48, %select_n3A_44 : vector<1x10000xi1>, vector<1x10000xi32>
    %get3A_53 = arith.constant 7 : index
    %get3A_54 = arith.constant 0 : index
    %get3A_55 = vector.load %arg1[%get3A_53, %get3A_54] : memref<32x10000xf32, #tpu.memory_space<vmem>>, vector<1x10000xf32>
    %bitcast_convert_type3A_56 = tpu.bitcast %get3A_55 : vector<1x10000xf32> -> vector<1x10000xi32>
    %lt3A_57 = arith.constant 0 : i32
    %lt3A_58 = vector.broadcast %lt3A_57 : i32 to vector<1x10000xi32>
    %lt3A_59 = arith.cmpi slt, %bitcast_convert_type3A_56, %lt3A_58 : vector<1x10000xi32>
    %select_n3A_60 = arith.select %lt3A_59, %bitcast_convert_type3A_56, %select_n3A_52 : vector<1x10000xi1>, vector<1x10000xi32>
    %get3A_61 = arith.constant 8 : index
    %get3A_62 = arith.constant 0 : index
    %get3A_63 = vector.load %arg1[%get3A_61, %get3A_62] : memref<32x10000xf32, #tpu.memory_space<vmem>>, vector<1x10000xf32>
    %bitcast_convert_type3A_64 = tpu.bitcast %get3A_63 : vector<1x10000xf32> -> vector<1x10000xi32>
    %lt3A_65 = arith.constant 0 : i32
    %lt3A_66 = vector.broadcast %lt3A_65 : i32 to vector<1x10000xi32>
    %lt3A_67 = arith.cmpi slt, %bitcast_convert_type3A_64, %lt3A_66 : vector<1x10000xi32>
    %select_n3A_68 = arith.select %lt3A_67, %bitcast_convert_type3A_64, %select_n3A_60 : vector<1x10000xi1>, vector<1x10000xi32>
    %get3A_69 = arith.constant 9 : index
    %get3A_70 = arith.constant 0 : index
    %get3A_71 = vector.load %arg1[%get3A_69, %get3A_70] : memref<32x10000xf32, #tpu.memory_space<vmem>>, vector<1x10000xf32>
    %bitcast_convert_type3A_72 = tpu.bitcast %get3A_71 : vector<1x10000xf32> -> vector<1x10000xi32>
    %lt3A_73 = arith.constant 0 : i32
    %lt3A_74 = vector.broadcast %lt3A_73 : i32 to vector<1x10000xi32>
    %lt3A_75 = arith.cmpi slt, %bitcast_convert_type3A_72, %lt3A_74 : vector<1x10000xi32>
    %select_n3A_76 = arith.select %lt3A_75, %bitcast_convert_type3A_72, %select_n3A_68 : vector<1x10000xi1>, vector<1x10000xi32>
    %get3A_77 = arith.constant 10 : index
    %get3A_78 = arith.constant 0 : index
    %get3A_79 = vector.load %arg1[%get3A_77, %get3A_78] : memref<32x10000xf32, #tpu.memory_space<vmem>>, vector<1x10000xf32>
    %bitcast_convert_type3A_80 = tpu.bitcast %get3A_79 : vector<1x10000xf32> -> vector<1x10000xi32>
    %lt3A_81 = arith.constant 0 : i32
    %lt3A_82 = vector.broadcast %lt3A_81 : i32 to vector<1x10000xi32>
    %lt3A_83 = arith.cmpi slt, %bitcast_convert_type3A_80, %lt3A_82 : vector<1x10000xi32>
    %select_n3A_84 = arith.select %lt3A_83, %bitcast_convert_type3A_80, %select_n3A_76 : vector<1x10000xi1>, vector<1x10000xi32>
    %get3A_85 = arith.constant 11 : index
    %get3A_86 = arith.constant 0 : index
    %get3A_87 = vector.load %arg1[%get3A_85, %get3A_86] : memref<32x10000xf32, #tpu.memory_space<vmem>>, vector<1x10000xf32>
    %bitcast_convert_type3A_88 = tpu.bitcast %get3A_87 : vector<1x10000xf32> -> vector<1x10000xi32>
    %lt3A_89 = arith.constant 0 : i32
    %lt3A_90 = vector.broadcast %lt3A_89 : i32 to vector<1x10000xi32>
    %lt3A_91 = arith.cmpi slt, %bitcast_convert_type3A_88, %lt3A_90 : vector<1x10000xi32>
    %select_n3A_92 = arith.select %lt3A_91, %bitcast_convert_type3A_88, %select_n3A_84 : vector<1x10000xi1>, vector<1x10000xi32>
    %get3A_93 = arith.constant 12 : index
    %get3A_94 = arith.constant 0 : index
    %get3A_95 = vector.load %arg1[%get3A_93, %get3A_94] : memref<32x10000xf32, #tpu.memory_space<vmem>>, vector<1x10000xf32>
    %bitcast_convert_type3A_96 = tpu.bitcast %get3A_95 : vector<1x10000xf32> -> vector<1x10000xi32>
    %lt3A_97 = arith.constant 0 : i32
    %lt3A_98 = vector.broadcast %lt3A_97 : i32 to vector<1x10000xi32>
    %lt3A_99 = arith.cmpi slt, %bitcast_convert_type3A_96, %lt3A_98 : vector<1x10000xi32>
    %select_n3A_100 = arith.select %lt3A_99, %bitcast_convert_type3A_96, %select_n3A_92 : vector<1x10000xi1>, vector<1x10000xi32>
    %get3A_101 = arith.constant 13 : index
    %get3A_102 = arith.constant 0 : index
    %get3A_103 = vector.load %arg1[%get3A_101, %get3A_102] : memref<32x10000xf32, #tpu.memory_space<vmem>>, vector<1x10000xf32>
    %bitcast_convert_type3A_104 = tpu.bitcast %get3A_103 : vector<1x10000xf32> -> vector<1x10000xi32>
    %lt3A_105 = arith.constant 0 : i32
    %lt3A_106 = vector.broadcast %lt3A_105 : i32 to vector<1x10000xi32>
    %lt3A_107 = arith.cmpi slt, %bitcast_convert_type3A_104, %lt3A_106 : vector<1x10000xi32>
    %select_n3A_108 = arith.select %lt3A_107, %bitcast_convert_type3A_104, %select_n3A_100 : vector<1x10000xi1>, vector<1x10000xi32>
    %get3A_109 = arith.constant 14 : index
    %get3A_110 = arith.constant 0 : index
    %get3A_111 = vector.load %arg1[%get3A_109, %get3A_110] : memref<32x10000xf32, #tpu.memory_space<vmem>>, vector<1x10000xf32>
    %bitcast_convert_type3A_112 = tpu.bitcast %get3A_111 : vector<1x10000xf32> -> vector<1x10000xi32>
    %lt3A_113 = arith.constant 0 : i32
    %lt3A_114 = vector.broadcast %lt3A_113 : i32 to vector<1x10000xi32>
    %lt3A_115 = arith.cmpi slt, %bitcast_convert_type3A_112, %lt3A_114 : vector<1x10000xi32>
    %select_n3A_116 = arith.select %lt3A_115, %bitcast_convert_type3A_112, %select_n3A_108 : vector<1x10000xi1>, vector<1x10000xi32>
    %get3A_117 = arith.constant 15 : index
    %get3A_118 = arith.constant 0 : index
    %get3A_119 = vector.load %arg1[%get3A_117, %get3A_118] : memref<32x10000xf32, #tpu.memory_space<vmem>>, vector<1x10000xf32>
    %bitcast_convert_type3A_120 = tpu.bitcast %get3A_119 : vector<1x10000xf32> -> vector<1x10000xi32>
    %lt3A_121 = arith.constant 0 : i32
    %lt3A_122 = vector.broadcast %lt3A_121 : i32 to vector<1x10000xi32>
    %lt3A_123 = arith.cmpi slt, %bitcast_convert_type3A_120, %lt3A_122 : vector<1x10000xi32>
    %select_n3A_124 = arith.select %lt3A_123, %bitcast_convert_type3A_120, %select_n3A_116 : vector<1x10000xi1>, vector<1x10000xi32>
    %get3A_125 = arith.constant 16 : index
    %get3A_126 = arith.constant 0 : index
    %get3A_127 = vector.load %arg1[%get3A_125, %get3A_126] : memref<32x10000xf32, #tpu.memory_space<vmem>>, vector<1x10000xf32>
    %bitcast_convert_type3A_128 = tpu.bitcast %get3A_127 : vector<1x10000xf32> -> vector<1x10000xi32>
    %lt3A_129 = arith.constant 0 : i32
    %lt3A_130 = vector.broadcast %lt3A_129 : i32 to vector<1x10000xi32>
    %lt3A_131 = arith.cmpi slt, %bitcast_convert_type3A_128, %lt3A_130 : vector<1x10000xi32>
    %select_n3A_132 = arith.select %lt3A_131, %bitcast_convert_type3A_128, %select_n3A_124 : vector<1x10000xi1>, vector<1x10000xi32>
    %get3A_133 = arith.constant 17 : index
    %get3A_134 = arith.constant 0 : index
    %get3A_135 = vector.load %arg1[%get3A_133, %get3A_134] : memref<32x10000xf32, #tpu.memory_space<vmem>>, vector<1x10000xf32>
    %bitcast_convert_type3A_136 = tpu.bitcast %get3A_135 : vector<1x10000xf32> -> vector<1x10000xi32>
    %lt3A_137 = arith.constant 0 : i32
    %lt3A_138 = vector.broadcast %lt3A_137 : i32 to vector<1x10000xi32>
    %lt3A_139 = arith.cmpi slt, %bitcast_convert_type3A_136, %lt3A_138 : vector<1x10000xi32>
    %select_n3A_140 = arith.select %lt3A_139, %bitcast_convert_type3A_136, %select_n3A_132 : vector<1x10000xi1>, vector<1x10000xi32>
    %get3A_141 = arith.constant 18 : index
    %get3A_142 = arith.constant 0 : index
    %get3A_143 = vector.load %arg1[%get3A_141, %get3A_142] : memref<32x10000xf32, #tpu.memory_space<vmem>>, vector<1x10000xf32>
    %bitcast_convert_type3A_144 = tpu.bitcast %get3A_143 : vector<1x10000xf32> -> vector<1x10000xi32>
    %lt3A_145 = arith.constant 0 : i32
    %lt3A_146 = vector.broadcast %lt3A_145 : i32 to vector<1x10000xi32>
    %lt3A_147 = arith.cmpi slt, %bitcast_convert_type3A_144, %lt3A_146 : vector<1x10000xi32>
    %select_n3A_148 = arith.select %lt3A_147, %bitcast_convert_type3A_144, %select_n3A_140 : vector<1x10000xi1>, vector<1x10000xi32>
    %get3A_149 = arith.constant 19 : index
    %get3A_150 = arith.constant 0 : index
    %get3A_151 = vector.load %arg1[%get3A_149, %get3A_150] : memref<32x10000xf32, #tpu.memory_space<vmem>>, vector<1x10000xf32>
    %bitcast_convert_type3A_152 = tpu.bitcast %get3A_151 : vector<1x10000xf32> -> vector<1x10000xi32>
    %lt3A_153 = arith.constant 0 : i32
    %lt3A_154 = vector.broadcast %lt3A_153 : i32 to vector<1x10000xi32>
    %lt3A_155 = arith.cmpi slt, %bitcast_convert_type3A_152, %lt3A_154 : vector<1x10000xi32>
    %select_n3A_156 = arith.select %lt3A_155, %bitcast_convert_type3A_152, %select_n3A_148 : vector<1x10000xi1>, vector<1x10000xi32>
    %get3A_157 = arith.constant 20 : index
    %get3A_158 = arith.constant 0 : index
    %get3A_159 = vector.load %arg1[%get3A_157, %get3A_158] : memref<32x10000xf32, #tpu.memory_space<vmem>>, vector<1x10000xf32>
    %bitcast_convert_type3A_160 = tpu.bitcast %get3A_159 : vector<1x10000xf32> -> vector<1x10000xi32>
    %lt3A_161 = arith.constant 0 : i32
    %lt3A_162 = vector.broadcast %lt3A_161 : i32 to vector<1x10000xi32>
    %lt3A_163 = arith.cmpi slt, %bitcast_convert_type3A_160, %lt3A_162 : vector<1x10000xi32>
    %select_n3A_164 = arith.select %lt3A_163, %bitcast_convert_type3A_160, %select_n3A_156 : vector<1x10000xi1>, vector<1x10000xi32>
    %get3A_165 = arith.constant 21 : index
    %get3A_166 = arith.constant 0 : index
    %get3A_167 = vector.load %arg1[%get3A_165, %get3A_166] : memref<32x10000xf32, #tpu.memory_space<vmem>>, vector<1x10000xf32>
    %bitcast_convert_type3A_168 = tpu.bitcast %get3A_167 : vector<1x10000xf32> -> vector<1x10000xi32>
    %lt3A_169 = arith.constant 0 : i32
    %lt3A_170 = vector.broadcast %lt3A_169 : i32 to vector<1x10000xi32>
    %lt3A_171 = arith.cmpi slt, %bitcast_convert_type3A_168, %lt3A_170 : vector<1x10000xi32>
    %select_n3A_172 = arith.select %lt3A_171, %bitcast_convert_type3A_168, %select_n3A_164 : vector<1x10000xi1>, vector<1x10000xi32>
    %get3A_173 = arith.constant 22 : index
    %get3A_174 = arith.constant 0 : index
    %get3A_175 = vector.load %arg1[%get3A_173, %get3A_174] : memref<32x10000xf32, #tpu.memory_space<vmem>>, vector<1x10000xf32>
    %bitcast_convert_type3A_176 = tpu.bitcast %get3A_175 : vector<1x10000xf32> -> vector<1x10000xi32>
    %lt3A_177 = arith.constant 0 : i32
    %lt3A_178 = vector.broadcast %lt3A_177 : i32 to vector<1x10000xi32>
    %lt3A_179 = arith.cmpi slt, %bitcast_convert_type3A_176, %lt3A_178 : vector<1x10000xi32>
    %select_n3A_180 = arith.select %lt3A_179, %bitcast_convert_type3A_176, %select_n3A_172 : vector<1x10000xi1>, vector<1x10000xi32>
    %get3A_181 = arith.constant 23 : index
    %get3A_182 = arith.constant 0 : index
    %get3A_183 = vector.load %arg1[%get3A_181, %get3A_182] : memref<32x10000xf32, #tpu.memory_space<vmem>>, vector<1x10000xf32>
    %bitcast_convert_type3A_184 = tpu.bitcast %get3A_183 : vector<1x10000xf32> -> vector<1x10000xi32>
    %lt3A_185 = arith.constant 0 : i32
    %lt3A_186 = vector.broadcast %lt3A_185 : i32 to vector<1x10000xi32>
    %lt3A_187 = arith.cmpi slt, %bitcast_convert_type3A_184, %lt3A_186 : vector<1x10000xi32>
    %select_n3A_188 = arith.select %lt3A_187, %bitcast_convert_type3A_184, %select_n3A_180 : vector<1x10000xi1>, vector<1x10000xi32>
    %get3A_189 = arith.constant 24 : index
    %get3A_190 = arith.constant 0 : index
    %get3A_191 = vector.load %arg1[%get3A_189, %get3A_190] : memref<32x10000xf32, #tpu.memory_space<vmem>>, vector<1x10000xf32>
    %bitcast_convert_type3A_192 = tpu.bitcast %get3A_191 : vector<1x10000xf32> -> vector<1x10000xi32>
    %lt3A_193 = arith.constant 0 : i32
    %lt3A_194 = vector.broadcast %lt3A_193 : i32 to vector<1x10000xi32>
    %lt3A_195 = arith.cmpi slt, %bitcast_convert_type3A_192, %lt3A_194 : vector<1x10000xi32>
    %select_n3A_196 = arith.select %lt3A_195, %bitcast_convert_type3A_192, %select_n3A_188 : vector<1x10000xi1>, vector<1x10000xi32>
    %get3A_197 = arith.constant 25 : index
    %get3A_198 = arith.constant 0 : index
    %get3A_199 = vector.load %arg1[%get3A_197, %get3A_198] : memref<32x10000xf32, #tpu.memory_space<vmem>>, vector<1x10000xf32>
    %bitcast_convert_type3A_200 = tpu.bitcast %get3A_199 : vector<1x10000xf32> -> vector<1x10000xi32>
    %lt3A_201 = arith.constant 0 : i32
    %lt3A_202 = vector.broadcast %lt3A_201 : i32 to vector<1x10000xi32>
    %lt3A_203 = arith.cmpi slt, %bitcast_convert_type3A_200, %lt3A_202 : vector<1x10000xi32>
    %select_n3A_204 = arith.select %lt3A_203, %bitcast_convert_type3A_200, %select_n3A_196 : vector<1x10000xi1>, vector<1x10000xi32>
    %get3A_205 = arith.constant 26 : index
    %get3A_206 = arith.constant 0 : index
    %get3A_207 = vector.load %arg1[%get3A_205, %get3A_206] : memref<32x10000xf32, #tpu.memory_space<vmem>>, vector<1x10000xf32>
    %bitcast_convert_type3A_208 = tpu.bitcast %get3A_207 : vector<1x10000xf32> -> vector<1x10000xi32>
    %lt3A_209 = arith.constant 0 : i32
    %lt3A_210 = vector.broadcast %lt3A_209 : i32 to vector<1x10000xi32>
    %lt3A_211 = arith.cmpi slt, %bitcast_convert_type3A_208, %lt3A_210 : vector<1x10000xi32>
    %select_n3A_212 = arith.select %lt3A_211, %bitcast_convert_type3A_208, %select_n3A_204 : vector<1x10000xi1>, vector<1x10000xi32>
    %get3A_213 = arith.constant 27 : index
    %get3A_214 = arith.constant 0 : index
    %get3A_215 = vector.load %arg1[%get3A_213, %get3A_214] : memref<32x10000xf32, #tpu.memory_space<vmem>>, vector<1x10000xf32>
    %bitcast_convert_type3A_216 = tpu.bitcast %get3A_215 : vector<1x10000xf32> -> vector<1x10000xi32>
    %lt3A_217 = arith.constant 0 : i32
    %lt3A_218 = vector.broadcast %lt3A_217 : i32 to vector<1x10000xi32>
    %lt3A_219 = arith.cmpi slt, %bitcast_convert_type3A_216, %lt3A_218 : vector<1x10000xi32>
    %select_n3A_220 = arith.select %lt3A_219, %bitcast_convert_type3A_216, %select_n3A_212 : vector<1x10000xi1>, vector<1x10000xi32>
    %get3A_221 = arith.constant 28 : index
    %get3A_222 = arith.constant 0 : index
    %get3A_223 = vector.load %arg1[%get3A_221, %get3A_222] : memref<32x10000xf32, #tpu.memory_space<vmem>>, vector<1x10000xf32>
    %bitcast_convert_type3A_224 = tpu.bitcast %get3A_223 : vector<1x10000xf32> -> vector<1x10000xi32>
    %lt3A_225 = arith.constant 0 : i32
    %lt3A_226 = vector.broadcast %lt3A_225 : i32 to vector<1x10000xi32>
    %lt3A_227 = arith.cmpi slt, %bitcast_convert_type3A_224, %lt3A_226 : vector<1x10000xi32>
    %select_n3A_228 = arith.select %lt3A_227, %bitcast_convert_type3A_224, %select_n3A_220 : vector<1x10000xi1>, vector<1x10000xi32>
    %get3A_229 = arith.constant 29 : index
    %get3A_230 = arith.constant 0 : index
    %get3A_231 = vector.load %arg1[%get3A_229, %get3A_230] : memref<32x10000xf32, #tpu.memory_space<vmem>>, vector<1x10000xf32>
    %bitcast_convert_type3A_232 = tpu.bitcast %get3A_231 : vector<1x10000xf32> -> vector<1x10000xi32>
    %lt3A_233 = arith.constant 0 : i32
    %lt3A_234 = vector.broadcast %lt3A_233 : i32 to vector<1x10000xi32>
    %lt3A_235 = arith.cmpi slt, %bitcast_convert_type3A_232, %lt3A_234 : vector<1x10000xi32>
    %select_n3A_236 = arith.select %lt3A_235, %bitcast_convert_type3A_232, %select_n3A_228 : vector<1x10000xi1>, vector<1x10000xi32>
    %get3A_237 = arith.constant 30 : index
    %get3A_238 = arith.constant 0 : index
    %get3A_239 = vector.load %arg1[%get3A_237, %get3A_238] : memref<32x10000xf32, #tpu.memory_space<vmem>>, vector<1x10000xf32>
    %bitcast_convert_type3A_240 = tpu.bitcast %get3A_239 : vector<1x10000xf32> -> vector<1x10000xi32>
    %lt3A_241 = arith.constant 0 : i32
    %lt3A_242 = vector.broadcast %lt3A_241 : i32 to vector<1x10000xi32>
    %lt3A_243 = arith.cmpi slt, %bitcast_convert_type3A_240, %lt3A_242 : vector<1x10000xi32>
    %select_n3A_244 = arith.select %lt3A_243, %bitcast_convert_type3A_240, %select_n3A_236 : vector<1x10000xi1>, vector<1x10000xi32>
    %get3A_245 = arith.constant 31 : index
    %get3A_246 = arith.constant 0 : index
    %get3A_247 = vector.load %arg1[%get3A_245, %get3A_246] : memref<32x10000xf32, #tpu.memory_space<vmem>>, vector<1x10000xf32>
    %bitcast_convert_type3A_248 = tpu.bitcast %get3A_247 : vector<1x10000xf32> -> vector<1x10000xi32>
    %lt3A_249 = arith.constant 0 : i32
    %lt3A_250 = vector.broadcast %lt3A_249 : i32 to vector<1x10000xi32>
    %lt3A_251 = arith.cmpi slt, %bitcast_convert_type3A_248, %lt3A_250 : vector<1x10000xi32>
    %select_n3A_252 = arith.select %lt3A_251, %bitcast_convert_type3A_248, %select_n3A_244 : vector<1x10000xi1>, vector<1x10000xi32>
    %and3A = arith.constant 2147483647 : i32
    %and3A_253 = vector.broadcast %and3A : i32 to vector<1x10000xi32>
    %and3A_254 = arith.andi %select_n3A_252, %and3A_253 : vector<1x10000xi32>
    %bitcast_convert_type3A_255 = tpu.bitcast %and3A_254 : vector<1x10000xi32> -> vector<1x10000xf32>
    %iota3A = tpu.iota {dimensions = array<i32: 1>} : vector<1x10000xi32>
    %eq3A = arith.constant 1 : i32
    %eq3A_256 = vector.broadcast %eq3A : i32 to vector<1x10000xi32>
    %eq3A_257 = arith.cmpi eq, %iota3A, %eq3A_256 : vector<1x10000xi32>
    %jit3A = arith.constant 0.000000e+00 : f32
    %broadcast_in_dim3A_258 = vector.broadcast %jit3A : f32 to vector<1x10000xf32>
    %select_n3A_259 = arith.select %eq3A_257, %bitcast_convert_type3A_255, %broadcast_in_dim3A_258 : vector<1x10000xi1>, vector<1x10000xf32>
    %reduce_sum3A = vector.shape_cast %select_n3A_259 : vector<1x10000xf32> to vector<1x1x10000xf32>
    %reduce_sum3A_260 = arith.constant dense<0.000000e+00> : vector<1xf32>
    %reduce_sum3A_261 = vector.multi_reduction <add>, %reduce_sum3A, %reduce_sum3A_260 [1, 2] : vector<1x1x10000xf32> to vector<1xf32>
    %reduce_sum3A_262 = vector.shape_cast %reduce_sum3A_261 : vector<1xf32> to vector<1x1x1xf32>
    %reduce_sum3A_263 = vector.extract %reduce_sum3A_262[0, 0, 0] : f32 from vector<1x1x1xf32>
    %eq3A_264 = arith.constant 0 : i32
    %eq3A_265 = vector.broadcast %eq3A_264 : i32 to vector<1x10000xi32>
    %eq3A_266 = arith.cmpi eq, %iota3A, %eq3A_265 : vector<1x10000xi32>
    %broadcast_in_dim3A_267 = vector.broadcast %reduce_sum3A_263 : f32 to vector<1x10000xf32>
    %select_n3A_268 = arith.select %eq3A_266, %broadcast_in_dim3A_267, %bitcast_convert_type3A_255 : vector<1x10000xi1>, vector<1x10000xf32>
    %get3A_269 = arith.constant 0 : index
    %get3A_270 = arith.constant 0 : index
    %get3A_271 = vector.load %arg5[%get3A_269, %get3A_270] : memref<1x1xf32, #tpu.memory_space<vmem>>, vector<1x1xf32>
    %get3A_272 = vector.extract %get3A_271[0, 0] : f32 from vector<1x1xf32>
    %get3A_273 = arith.constant 0 : index
    %get3A_274 = arith.constant 0 : index
    %get3A_275 = vector.load %arg6[%get3A_273, %get3A_274] : memref<1x1xf32, #tpu.memory_space<vmem>>, vector<1x1xf32>
    %get3A_276 = vector.extract %get3A_275[0, 0] : f32 from vector<1x1xf32>
    %get3A_277 = arith.constant 0 : index
    %get3A_278 = arith.constant 0 : index
    %get3A_279 = vector.load %arg7[%get3A_277, %get3A_278] : memref<1x1xf32, #tpu.memory_space<vmem>>, vector<1x1xf32>
    %get3A_280 = vector.extract %get3A_279[0, 0] : f32 from vector<1x1xf32>
    %mul3A = arith.mulf %select_n3A_268, %select_n3A_268 : vector<1x10000xf32>
    %mul3A_281 = arith.mulf %mul3A, %mul3A : vector<1x10000xf32>
    %mul3A_282 = arith.constant 1.600000e+01 : f32
    %mul3A_283 = arith.mulf %mul3A_282, %get3A_272 : f32
    %mul3A_284 = arith.constant 9.86960411 : f32
    %mul3A_285 = vector.broadcast %mul3A_284 : f32 to vector<1x10000xf32>
    %mul3A_286 = arith.mulf %mul3A_285, %mul3A_281 : vector<1x10000xf32>
    %div3A = vector.broadcast %mul3A_283 : f32 to vector<1x10000xf32>
    %div3A_287 = arith.divf %div3A, %mul3A_286 : vector<1x10000xf32>
    %get3A_288 = arith.constant 1 : index
    %get3A_289 = arith.constant 0 : index
    %get3A_290 = vector.load %arg0[%get3A_288, %get3A_289] : memref<4x10000xf32, #tpu.memory_space<vmem>>, vector<1x10000xf32>
    %mul3A_291 = arith.mulf %div3A_287, %get3A_290 : vector<1x10000xf32>
    %reduce_sum3A_292 = vector.shape_cast %mul3A_291 : vector<1x10000xf32> to vector<1x1x10000xf32>
    %reduce_sum3A_293 = arith.constant dense<0.000000e+00> : vector<1xf32>
    %reduce_sum3A_294 = vector.multi_reduction <add>, %reduce_sum3A_292, %reduce_sum3A_293 [1, 2] : vector<1x1x10000xf32> to vector<1xf32>
    %reduce_sum3A_295 = vector.shape_cast %reduce_sum3A_294 : vector<1xf32> to vector<1x1x1xf32>
    %reduce_sum3A_296 = vector.extract %reduce_sum3A_295[0, 0, 0] : f32 from vector<1x1x1xf32>
    %mul3A_297 = arith.constant 9.99999997E-7 : f32
    %mul3A_298 = arith.mulf %reduce_sum3A_296, %mul3A_297 : f32
    %get3A_299 = arith.constant 0 : index
    %get3A_300 = arith.constant 0 : index
    %get3A_301 = vector.load %arg2[%get3A_299, %get3A_300] : memref<32x16xf32, #tpu.memory_space<vmem>>, vector<32x16xf32>
    %reduce_sum3A_302 = vector.shape_cast %get3A_301 : vector<32x16xf32> to vector<1x32x16xf32>
    %reduce_sum3A_303 = arith.constant dense<0.000000e+00> : vector<1xf32>
    %reduce_sum3A_304 = vector.multi_reduction <add>, %reduce_sum3A_302, %reduce_sum3A_303 [1, 2] : vector<1x32x16xf32> to vector<1xf32>
    %reduce_sum3A_305 = vector.shape_cast %reduce_sum3A_304 : vector<1xf32> to vector<1x1x1xf32>
    %reduce_sum3A_306 = vector.extract %reduce_sum3A_305[0, 0, 0] : f32 from vector<1x1x1xf32>
    %mul3A_307 = arith.constant 1.280000e+02 : f32
    %mul3A_308 = arith.mulf %mul3A_307, %get3A_276 : f32
    %div3A_309 = arith.constant 3.1415925 : f32
    %div3A_310 = arith.divf %mul3A_308, %div3A_309 : f32
    %mul3A_311 = arith.mulf %reduce_sum3A_306, %div3A_310 : f32
    %mul3A_312 = arith.constant 1.562500e-08 : f32
    %mul3A_313 = arith.mulf %mul3A_311, %mul3A_312 : f32
    %add3A = arith.addf %mul3A_298, %mul3A_313 : f32
    %get3A_314 = arith.constant 0 : index
    %get3A_315 = arith.constant 0 : index
    %get3A_316 = vector.load %arg3[%get3A_314, %get3A_315] : memref<32x16xf32, #tpu.memory_space<vmem>>, vector<32x16xf32>
    %reduce_sum3A_317 = vector.shape_cast %get3A_316 : vector<32x16xf32> to vector<1x32x16xf32>
    %reduce_sum3A_318 = arith.constant dense<0.000000e+00> : vector<1xf32>
    %reduce_sum3A_319 = vector.multi_reduction <add>, %reduce_sum3A_317, %reduce_sum3A_318 [1, 2] : vector<1x32x16xf32> to vector<1xf32>
    %reduce_sum3A_320 = vector.shape_cast %reduce_sum3A_319 : vector<1xf32> to vector<1x1x1xf32>
    %reduce_sum3A_321 = vector.extract %reduce_sum3A_320[0, 0, 0] : f32 from vector<1x1x1xf32>
    %mul3A_322 = arith.constant 4.000000e+00 : f32
    %mul3A_323 = arith.mulf %mul3A_322, %get3A_272 : f32
    %mul3A_324 = arith.constant 3.1415925 : f32
    %mul3A_325 = arith.mulf %mul3A_324, %get3A_280 : f32
    %div3A_326 = arith.divf %mul3A_323, %mul3A_325 : f32
    %mul3A_327 = arith.mulf %reduce_sum3A_321, %div3A_326 : f32
    %mul3A_328 = arith.constant 1.562500e-06 : f32
    %mul3A_329 = arith.mulf %mul3A_327, %mul3A_328 : f32
    %add3A_330 = arith.addf %add3A, %mul3A_329 : f32
    %get3A_331 = arith.constant 0 : index
    %get3A_332 = arith.constant 0 : index
    %get3A_333 = vector.load %arg4[%get3A_331, %get3A_332] : memref<32x16xf32, #tpu.memory_space<vmem>>, vector<32x16xf32>
    %reduce_sum3A_334 = vector.shape_cast %get3A_333 : vector<32x16xf32> to vector<1x32x16xf32>
    %reduce_sum3A_335 = arith.constant dense<0.000000e+00> : vector<1xf32>
    %reduce_sum3A_336 = vector.multi_reduction <add>, %reduce_sum3A_334, %reduce_sum3A_335 [1, 2] : vector<1x32x16xf32> to vector<1xf32>
    %reduce_sum3A_337 = vector.shape_cast %reduce_sum3A_336 : vector<1xf32> to vector<1x1x1xf32>
    %reduce_sum3A_338 = vector.extract %reduce_sum3A_337[0, 0, 0] : f32 from vector<1x1x1xf32>
    %mul3A_339 = arith.constant 1.562500e-08 : f32
    %mul3A_340 = arith.mulf %reduce_sum3A_338, %mul3A_339 : f32
    %add3A_341 = arith.addf %add3A_330, %mul3A_340 : f32
    %reshape3A = vector.broadcast %add3A_341 : f32 to vector<1x1xf32>
    %swap3A = arith.constant 0 : index
    %swap3A_342 = arith.constant 0 : index
    %swap3A_343 = vector.load %arg8[%swap3A, %swap3A_342] : memref<1x1xf32, #tpu.memory_space<vmem>>, vector<1x1xf32>
    tpu.vector_store %arg8[%swap3A, %swap3A_342], %reshape3A {strides = array<i32>} : memref<1x1xf32, #tpu.memory_space<vmem>>, vector<1x1xf32>,
    return
  }
}

</mosaic_0001>

<sc_bundles>
// kernel: kernel.5.cloned.1.call-start
scs
__scs_entry_jumppad:
0x0: {  	(pc) =	sbr.rel $0x88, $3  }
0x1: {  	(tag) =	ssettag $0x0;
	lr =	simm.s32 $0x1  }
0x2: {  	[smem:$0x3F9A] =	sst lr;
	_ =	strace $0xD0000000  }
0x3: {  	_ = 	snop  }
0x4: {  	_ = 	snop  }
0x5: {  	_ = 	snop  }
0x6: {  	_ = 	snop  }
0x7: {  	_ = 	snop  }
__scs_overlays_trampoline_lowered:
0x8: {  	[smem:$0x3FA9] =	sst s0  }
0x9: {  	[smem:$0x3FAA] =	sst s1  }
0xa: {  	[smem:$0x3FAB] =	sst s2  }
0xb: {  	[smem:$0x3FAC] =	sst s3  }
0xc: {  	[smem:$0x3FAD] =	sst s4  }
0xd: {  	[smem:$0x3FAE] =	sst s5  }
0xe: {  	[smem:$0x3FAF] =	sst s6  }
0xf: {  	[smem:$0x3FB0] =	sst s7  }
0x10: {  	[smem:$0x3FB1] =	sst s8  }
0x11: {  	[smem:$0x3FB2] =	sst s9;
	s0 =	simm.s32 @!p0 $0x0  }
0x12: {  	s1 =	sld [smem:$0x3F98];
	s0 =	simm.s32 @p0 $0x1  }
0x13: {  	[smem:$0x3FB3] =	sst s0;
	s0 =	simm.s32 @!p1 $0x0  }
0x14: {  	s2 =	sld [smem:$0x3F97];
	s0 =	simm.s32 @p1 $0x1  }
0x15: {  	[smem:$0x3FB4] =	sst s0;
	s0 =	simm.s32 @!p2 $0x0  }
0x16: {  	s3 =	sld [smem:$0x3FDB];
	s0 =	simm.s32 @p2 $0x1  }
0x17: {  	s4 =	simm.s32 $0x1BF5;
	[smem:$0x3FB6] =	sst s0  }
0x18: {  	s0 =	sld [smem:$0x3F99];
	_ =	swait.ge [sflag:s4], $0x0  }
0x19: {  	s7 =	sld [smem:$0x3F9A]  }
0x1a: {  	s8 =	sadd.s32 $0xFFFFE003, lr  }
0x1b: {  	s9 =	sadd.s32 $0xFFFFFEF7, lr;
	s5 =	simm.s32 $0xFFFFFFFF;
	p2 =	slt.u32 s8, $0xFFFFF086  }
0x1c: {  	p1 =	slt.u32 s9, $0xF7A;
	s5 =	simm.s32 @!p2 $0x0  }
0x1d: {  	s5 =	simm.s32 @p1 $0x1;
	p0 =	seq.s32 s7, s2  }
0x1e: {  	s7 =	smul.u32 @!p0 $0xF7A, s2;
	p2 =	seq.s32 @!p0 s5, $0x0  }
0x1f: {  	s9 =	smul.u32 $0xF7A, s1;
	s8 =	simm.s32 @!p0 $0x1BF5;
	p2 =	por !p2, p0  }
0x20: {  	[sflag:s8] =	ssyncset.s32 @!p0 $0xFFFFF086;
	s6 =	sadd.s32 @!p0 s3, s7;
	s7 =	simm.s32 @!p0 $0x108  }
0x21: {  	s3 =	sadd.s32 s3, s9;
	s6 =	sadd.s32 @!p0 $0x88, s6;
	s7 =	simm.s32 @p2 $0x1082  }
0x22: {  	[simem:s7], [sflag:s8] =	dma.local @!p0 [hbm:s6], $0xF7A  }
0x23: {  	s9 =	sor.u32 $0xD0000000, s2;
	s6 =	simm.s32 $0x108;
	_ =	swait.ge @!p0 [sflag:s8], $0x0  }
0x24: {  	s3 =	sadd.s32 $0x88, s3;
	s6 =	simm.s32 @!p1 $0x1082;
	[sflag:s4] =	ssyncset.s32 $0xFFFFF086  }
0x25: {  	[simem:s6], [sflag:s4] =	dma.local [hbm:s3], $0xF7A  }
0x26: {  	[smem:$0x3F9A] =	sst s1;
	(tag) =	ssettag s2;
	_ =	strace s9  }
0x27: {  	s1 =	sld [smem:$0x3FAA]  }
0x28: {  	s2 =	sld [smem:$0x3FAB]  }
0x29: {  	s4 =	sld [smem:$0x3FAD]  }
0x2a: {  	p0 =	seq.s32 s5, $0x0;
	s5 =	sld [smem:$0x3FAE]  }
0x2b: {  	s6 =	sld [smem:$0x3FAF]  }
0x2c: {  	s7 =	sld [smem:$0x3FB0]  }
0x2d: {  	s3 =	simm.s32 $0x108;
	s8 =	sld [smem:$0x3FB1]  }
0x2e: {  	s3 =	simm.s32 @!p0 $0x1082;
	s9 =	sld [smem:$0x3FB2]  }
0x2f: {  	lr =	sadd.s32 s0, s3;
	s0 =	sld [smem:$0x3FA9]  }
0x30: {  	s3 =	sld [smem:$0x3FAC]  }
0x31: {  	[smem:$0x3FB5] =	sst s10  }
0x32: {  	s10 =	sld [smem:$0x3FB3];
	_ =	sdelay $0x3  }
0x33: {  	p0 =	seq.s32 s10, $0x1;
	s10 =	sld [smem:$0x3FB5];
	_ =	sdelay $0x3  }
0x34: {  	[smem:$0x3FB5] =	sst s10  }
0x35: {  	s10 =	sld [smem:$0x3FB4];
	_ =	sdelay $0x3  }
0x36: {  	p1 =	seq.s32 s10, $0x1;
	s10 =	sld [smem:$0x3FB5];
	_ =	sdelay $0x3  }
0x37: {  	[smem:$0x3FB5] =	sst s10  }
0x38: {  	s10 =	sld [smem:$0x3FB6]  }
0x39: {  	_ = 	snop;
	(pc) =	sbr.ind lr, $3  }
0x3a: {  	_ = 	snop  }
0x3b: {  	_ = 	snop  }
0x3c: {  	p2 =	seq.s32 s10, $0x1;
	s10 =	sld [smem:$0x3FB5]  }
0x3d: {  	_ =	shalt  }
0x3e: {  	_ =	shalt  }
0x3f: {  	_ =	shalt  }
0x40: {  	_ =	shalt  }
0x41: {  	_ =	shalt  }
0x42: {  	_ =	shalt  }
0x43: {  	_ =	shalt  }
0x44: {  	_ =	shalt  }
0x45: {  	_ =	shalt  }
0x46: {  	_ =	shalt  }
0x47: {  	_ =	shalt  }
0x48: {  	_ =	shalt  }
0x49: {  	_ =	shalt  }
0x4a: {  	_ =	shalt  }
0x4b: {  	_ =	shalt  }
0x4c: {  	_ =	shalt  }
0x4d: {  	_ =	shalt  }
0x4e: {  	_ =	shalt  }
0x4f: {  	_ =	shalt  }
0x50: {  	_ =	shalt  }
0x51: {  	_ =	shalt  }
0x52: {  	_ =	shalt  }
0x53: {  	_ =	shalt  }
0x54: {  	_ =	shalt  }
0x55: {  	_ =	shalt  }
0x56: {  	_ =	shalt  }
0x57: {  	_ =	shalt  }
0x58: {  	_ =	shalt  }
0x59: {  	_ =	shalt  }
0x5a: {  	_ =	shalt  }
0x5b: {  	_ =	shalt  }
0x5c: {  	_ =	shalt  }
0x5d: {  	_ =	shalt  }
0x5e: {  	_ =	shalt  }
0x5f: {  	_ =	shalt  }
0x60: {  	_ =	shalt  }
0x61: {  	_ =	shalt  }
0x62: {  	_ =	shalt  }
0x63: {  	_ =	shalt  }
0x64: {  	_ =	shalt  }
0x65: {  	_ =	shalt  }
0x66: {  	_ =	shalt  }
0x67: {  	_ =	shalt  }
0x68: {  	_ =	shalt  }
0x69: {  	_ =	shalt  }
0x6a: {  	_ =	shalt  }
0x6b: {  	_ =	shalt  }
0x6c: {  	_ =	shalt  }
0x6d: {  	_ =	shalt  }
0x6e: {  	_ =	shalt  }
0x6f: {  	_ =	shalt  }
0x70: {  	_ =	shalt  }
0x71: {  	_ =	shalt  }
0x72: {  	_ =	shalt  }
0x73: {  	_ =	shalt  }
0x74: {  	_ =	shalt  }
0x75: {  	_ =	shalt  }
0x76: {  	_ =	shalt  }
0x77: {  	_ =	shalt  }
0x78: {  	_ =	shalt  }
0x79: {  	_ =	shalt  }
0x7a: {  	_ =	shalt  }
0x7b: {  	_ =	shalt  }
0x7c: {  	_ =	shalt  }
0x7d: {  	_ =	shalt  }
0x7e: {  	_ =	shalt  }
0x7f: {  	_ =	shalt  }
0x80: {  	_ =	shalt  }
0x81: {  	_ =	shalt  }
0x82: {  	_ =	shalt  }
0x83: {  	_ =	shalt  }
0x84: {  	_ =	shalt  }
0x85: {  	_ =	shalt  }
0x86: {  	_ =	shalt  }
0x87: {  	_ =	shalt  }
.Lfunc_end0:
.L_simem_size_0:
called_computation_lowered:
.L_overlay_start_0:
0x88: {  	s2 =	sld [smem:$0x3FD9]  }
0x89: {  	s3 =	sld [smem:$0x3FFE];
	_ =	sdelay $0x1  }
0x8a: {  	s1 =	srdreg.scid  }
0x8b: {  	s0 =	sand.u32 $0x1, s1  }
0x8c: {  	s16 =	sshll.u32 s0, $0xA;
	s2 =	sadd.s32 s3, s2  }
0x8d: {  	s2 =	sadd.s32 s2, s16  }
0x8e: {  	[smem:$0x3FC1] =	sst s2  }
0x8f: {  	_ = 	snop  }
0x90: {  	(tm) =	ssettm $0x1  }
0x91: {  	s17 =	sld [smem:$0x3FFB];
	_ =	sdelay $0x3  }
0x92: {  	_ =	strace s17  }
0x93: {  	s2 =	sld [smem:$0x3FFC];
	_ =	sdelay $0x3  }
0x94: {  	_ =	strace s2  }
0x95: {  	s2 =	sld [smem:$0x3FFD];
	_ =	sdelay $0x3  }
0x96: {  	_ =	strace s2  }
0x97: {  	_ =	strace $0x8FFFFFFF  }
0x98: {  	s18 =	sld [smem:$0x3FDB];
	_ =	sdelay $0x1  }
0x99: {  	s19 =	simm.s32 $_scs_section_size  }
0x9a: {  	s4 =	simm.s32 $_size__tile_overlayer_lowered;
	s5 =	simm.s32 $_tile_overlayer_lowered  }
0x9b: {  	s22 =	simm.s32 $0x1BFF;
	s21 =	sshll.u32 s5, $0x1;
	s2 =	sadd.s32 s19, s18  }
0x9c: {  	s6 =	simm.s32 $0x0;
	s20 =	sshll.u32 s4, $0x1;
	s4 =	sadd.s32 s21, s2  }
0x9d: {  	[timem:s6], [sflag:s22] =	dma.local [hbm:s4], s20  }
0x9e: {  	_ =	swait.ge [sflag:s22], s20  }
0x9f: {  	s3 =	ssub.s32 $0x0, s20;
	[sflag:s22] =	ssyncset.done $0x0  }
0xa0: {  	[sflag:s22] =	ssyncadd.s32 s3;
	_ =	sdelay $0x1  }
0xa1: {  	s23 =	simm.s32 $0x1B8B  }
0xa2: {  	_ =	swait.ge [sflag:s23], $0x1  }
0xa3: {  	[sflag:s23] =	ssyncset.done $0x0  }
0xa4: {  	s25 =	simm.s32 $0x1B8E;
	s24 =	sld [smem:$0x3FFE];
	[sflag:s23] =	ssyncadd.s32 $0xFFFFFFFF  }
0xa5: {  	s26 =	simm.s32 $execute0_lowered;
	[smem:$0x3FD2] =	sst s25  }
0xa6: {  	s4 =	sshll.u32 s26, $0x1;
	_ =	strace $0x80000046;
	[dreg:$0x1] =	wrdreg $0xFFFFFFFF  }
0xa7: {  	s28 =	simm.s32 $_size_execute0_lowered;
	s2 =	sadd.s32 s2, s4;
	[dreg:$0x0] =	wrdreg $0x0  }
0xa8: {  	s4 =	sshll.u32 s28, $0x1;
	[dreg:$0x2] =	wrdreg s2  }
0xa9: {  	[dreg:$0x3] =	wrdreg s4  }
0xaa: {  	[dreg:$0x4] =	wrdreg $0xC0  }
0xab: {  	_ =	task [dreg:s6], $0x5FFFF  }
0xac: {  	[dreg:$0x1] =	wrdreg $0xFFFFFFFF  }
0xad: {  	[dreg:$0x0] =	wrdreg $0x60  }
0xae: {  	[dreg:$0x2] =	wrdreg s24  }
0xaf: {  	[dreg:$0x3] =	wrdreg $0x9  }
0xb0: {  	_ =	task.clear_ibuf [dreg:s6], $0x4FFFF;
	_ =	strace $0x90000046  }
0xb1: {  	s29 =	simm.s32 $0x9;
	_ =	strace $0x80000048  }
0xb2: {  	_ =	swait.ge [sflag:s29], $0x1  }
0xb3: {  	[sflag:s29] =	ssyncadd.s32 $0xFFFFFFFF  }
0xb4: {  	_ =	strace $0x90000048  }
0xb5: {  	_ =	sfence  }
0xb6: {  	s30 =	sld [smem:$0x0];
	_ =	sdelay $0x2  }
0xb7: {  	s31 =	sshll.u32 s1, $0xD;
	s1 =	sshrl.u32 s1, $0x2  }
0xb8: {  	s3 =	sand.u32 $0x4000, s31;
	s1 =	sadd.s32 s1, s30  }
0xb9: {  	s0 =	sor.u32 s3, s0;
	s1 =	sshll.u32 s1, $0x11  }
0xba: {  	s0 =	sor.u32 s1, s0  }
0xbb: {  	s0 =	sadd.s32 $0x8F2B, s0  }
0xbc: {  	[sflag:s0] =	ssyncadd.remote.s32 $0x1  }
0xbd: {  	_ =	sfence.sel $0xFFFF  }
0xbe: {  	[dreg:$0x0] =	wrdreg $0xFFFFFFFF;
	(pc) =	sbr.abs _section_cstart, $3  }
0xbf: {  	[dreg:$0x1] =	wrdreg $0xFFFFFFFF  }
0xc0: {  	_ =	task.clear_ibuf [dreg:s6], $0x2FFFF;
	_ =	strace $0x9FFFFFFF  }
0xc1: {  	(tm) =	ssettm $0x7FFFFFFF  }
tec
execute0_lowered:
.L_overlay_start_1:
0x0: {  	(tag) =	ssettag $0x1  }
0x1: {  	s0 =	rddreg [dreg:$0x0];
	s2 =	simm.s32 $0x0;
	s1 =	srdreg.scid  }
0x2: {  	s6 =	stileid.u32;
	[smem:$0x7FF] =	sst s2;
	s1 =	sand.u32 $0x1, s1  }
0x3: {  	s3 =	sshll.u32 s6, $0x1;
	s4 =	sadd.s32 $0x51200, s0;
	s5 =	sadd.s32 $0x2A00, s0  }
0x4: {  	s6 =	sshrl.u32 s6, $0x2;
	s9 =	sadd.s32 $0x3D800, s0;
	s10 =	sadd.s32 $0x29E00, s0  }
0x5: {  	s25 =	sadd.s32 $0x51220, s0;
	_ =	strace $0x80000047;
	[dreg:$0x2] =	wrdreg s4  }
0x6: {  	s3 =	sor.u32 s1, s3;
	s8 =	sshll.u32 s6, $0xA;
	s6 =	smul.u32 $0x13C00, s6  }
0x7: {  	s4 =	sadd.s32 $0x16400, s0;
	s7 =	sshll.u32 s3, $0x7;
	s3 =	smul.u32 $0x4E20, s3  }
0x8: {  	s1 =	ssub.s32 $0x2, s1;
	[dreg:$0x3] =	wrdreg s25;
	s7 =	sand.u32 $0x380, s7  }
0x9: {  	s24 =	sshrl.u32 s1, $0x1;
	s8 =	sor.u32 s8, s7;
	s26 =	sshrl.u32 s3, $0x3  }
0xa: {  	s6 =	sor.u32 s6, s7;
	s8 =	sshrl.u32 s8, $0x3;
	s3 =	sadd.s32 s4, s26  }
0xb: {  	s6 =	sshrl.u32 s6, $0x3;
	s11 =	sadd.s32 s5, s26;
	[dreg:$0x5] =	wrdreg s3  }
0xc: {  	s12 =	sadd.s32 $0x1F4, s26;
	s13 =	sadd.s32 s9, s26;
	[dreg:$0x6] =	wrdreg s11  }
0xd: {  	s14 =	sadd.s32 s10, s26;
	s8 =	sadd.s32 s8, s0;
	[dreg:$0x7] =	wrdreg s13  }
0xe: {  	s6 =	sadd.s32 s6, s0;
	s0 =	sadd.s32 $0x51230, s0;
	[dreg:$0x8] =	wrdreg s14  }
0xf: {  	s1 =	ssub.s32 s1, s24;
	s15 =	sadd.s32 s4, s12;
	[dreg:$0x4] =	wrdreg s0  }
0x10: {  	s31 =	smax.u32 s1, $0x1;
	s16 =	sadd.s32 s5, s12;
	[dreg:$0x9] =	wrdreg s15  }
0x11: {  	s1 =	simm.s32 $0x200;
	s17 =	sadd.s32 s9, s12;
	[dreg:$0xa] =	wrdreg s16  }
0x12: {  	s18 =	sadd.s32 $0x3E8, s26;
	s3 =	sadd.s32 s10, s12;
	[dreg:$0xb] =	wrdreg s17  }
0x13: {  	s7 =	simm.s32 $0xBE00;
	s19 =	sadd.s32 s4, s18;
	[dreg:$0xc] =	wrdreg s3  }
0x14: {  	s23 =	sadd.s32 $0x5DC, s26;
	s20 =	sadd.s32 s5, s18;
	[dreg:$0xd] =	wrdreg s19  }
0x15: {  	s21 =	sadd.s32 s9, s18;
	s22 =	sadd.s32 s10, s18;
	[dreg:$0xe] =	wrdreg s20  }
0x16: {  	s24 =	sadd.s32 s4, s23;
	s25 =	sadd.s32 s5, s23;
	[dreg:$0xf] =	wrdreg s21  }
0x17: {  	s13 =	simm.s32 $0x1;
	s14 =	simm.s32 $0x7680;
	[dreg:$0x10] =	wrdreg s22  }
0x18: {  	v0 =	vimm.s32 $0xFFEDCBA9;
	v1 =	vimm.s32 $0x87654321;
	s11 =	simm.s32 $0x2;
	s12 =	simm.s32 $0x0;
	[dreg:$0x11] =	wrdreg s24  }
0x19: {  	v0 =	vunpack.c.l.s4.s8 v0;
	v1 =	vunpack.c.l.s4.s8 v1;
	s0 =	sadd.s32 $0x7D0, s26;
	[dreg:$0x12] =	wrdreg s25;
	s26 =	sadd.s32 s9, s23  }
0x1a: {  	s21 =	sadd.s32 s10, s23;
	s25 =	sadd.s32 $0x5C400, s8;
	s28 =	sadd.s32 $0x5C600, s8  }
0x1b: {  	v0 =	vunpack.c.0.s8.s32 v0;
	v1 =	vunpack.c.0.s8.s32 v1;
	s29 =	sadd.s32 $0x5C800, s8;
	s30 =	sadd.s32 $0x52600, s6;
	s3 =	simm.s32 $0x3  }
0x1c: {  	s6 =	simm.s32 $0x9E00;
	s8 =	simm.s32 $0xDE00;
	s15 =	simm.s32 $0x11E00  }
0x1d: {  	v2 =	vcombine.low v1, v0;
	[dreg:$0x13] =	wrdreg s26;
	s22 =	sadd.s32 s4, s0;
	s23 =	sadd.s32 s5, s0  }
0x1e: {  	vm0 =	vcmask $0x3F3C;
	s24 =	sadd.s32 s9, s0;
	s26 =	sadd.s32 s10, s0;
	s0 =	simm.s32 $0x80  }
0x1f: {  	v0 =	vimm.f32 $0.0e+00;
	v1 =	vlaneseq.u32;
	v2 =	vand.u32 $0xF, v2;
	s4 =	simm.s32 $0x2780;
	s5 =	simm.s32 $0x4F00;
	s9 =	simm.s32 $0xFE00  }
.LBB2_1:
0x20: {  	s10 =	simm.s32 $0x40;
	s16 =	simm.s32 $0x0  }
.LBB2_2:
0x21: {  	p0 =	sne.s32 s10, $0x9C00;
	[tilespmem:s16+$0x7680] =	vst v0;
	s16 =	smov.u32 s10;
	s10 =	sadd.s32 $0x40, s10  }
.Ltmp0:
0x22: {  	(pc) =	sbr.rel @p0 .LBB2_2-.Ltmp0, $2  }
0x23: {  	_ =	sdelay $0x2  }
0x24: {  	s16 =	sshra.s32 s16, $0x2  }
0x25: {  	[tilespmem:s16+$0x7680] =	vst v0;
	s16 =	simm.s32 $0x0;
	s10 =	rddreg [dreg:$0x2]  }
0x26: {  	[tilespmem:s16], [sflag:$0x3] =	stream.strided.gather [hbm4b:s10+s0], $0x2780, s1, s0, $0x38;
	[tilespmem:$0x11E80] =	vst v63  }
0x27: {  	_ =	swait.ge [sflag:s3], $0x2780  }
0x28: {  	[sflag:s3] =	ssyncset.done $0x0  }
0x29: {  	s20 =	rddreg [dreg:$0x3];
	[sflag:s3] =	ssyncadd.s32 $0xFFFFD880  }
0x2a: {  	[tilespmem:s4], [sflag:$0x3] =	stream.strided.gather [hbm4b:s20+s0], $0x2780, s1, s0, $0x38;
	[tilespmem:$0x11E80] =	vst v63  }
0x2b: {  	_ =	swait.ge [sflag:s3], $0x2780  }
0x2c: {  	[sflag:s3] =	ssyncset.done $0x0  }
0x2d: {  	s17 =	rddreg [dreg:$0x4];
	[sflag:s3] =	ssyncadd.s32 $0xFFFFD880  }
0x2e: {  	[tilespmem:s5], [sflag:$0x3] =	stream.strided.gather [hbm4b:s17+s0], $0x2780, s1, s0, $0x38;
	[tilespmem:$0x11E80] =	vst v63  }
0x2f: {  	_ =	swait.ge [sflag:s3], $0x2780  }
0x30: {  	[sflag:s3] =	ssyncset.done $0x0  }
0x31: {  	s18 =	rddreg [dreg:$0x5];
	[sflag:s3] =	ssyncadd.s32 $0xFFFFD880  }
0x32: {  	[tilespmem:s6], [sflag:$0x1] =	stream.linear.gather [hbm4b:s18+s16], $0xFA0, $0x38;
	[tilespmem:$0x11E80] =	vst v63  }
0x33: {  	s19 =	rddreg [dreg:$0x6]  }
0x34: {  	[tilespmem:s7], [sflag:$0x1] =	stream.linear.gather [hbm4b:s19+s16], $0xFA0, $0x38;
	[tilespmem:$0x11E80] =	vst v63  }
0x35: {  	s20 =	rddreg [dreg:$0x7]  }
0x36: {  	[tilespmem:s8], [sflag:$0x1] =	stream.linear.gather [hbm4b:s20+s16], $0xFA0, $0x38;
	[tilespmem:$0x11E80] =	vst v63  }
0x37: {  	s17 =	rddreg [dreg:$0x8]  }
0x38: {  	[tilespmem:s9], [sflag:$0x1] =	stream.linear.gather [hbm4b:s17+s16], $0xFA0, $0x38;
	[tilespmem:$0x11E80] =	vst v63  }
0x39: {  	s18 =	rddreg [dreg:$0x9];
	s17 =	simm.s32 $0xAE00  }
0x3a: {  	[tilespmem:s17], [sflag:$0x2] =	stream.linear.gather [hbm4b:s18+s16], $0xFA0, $0x38;
	[tilespmem:$0x11E80] =	vst v63  }
0x3b: {  	s19 =	rddreg [dreg:$0xa];
	s20 =	simm.s32 $0xCE00  }
0x3c: {  	[tilespmem:s20], [sflag:$0x2] =	stream.linear.gather [hbm4b:s19+s16], $0xFA0, $0x38;
	[tilespmem:$0x11E80] =	vst v63  }
0x3d: {  	s17 =	rddreg [dreg:$0xb];
	s18 =	simm.s32 $0xEE00  }
0x3e: {  	[tilespmem:s18], [sflag:$0x2] =	stream.linear.gather [hbm4b:s17+s16], $0xFA0, $0x38;
	[tilespmem:$0x11E80] =	vst v63  }
0x3f: {  	s19 =	rddreg [dreg:$0xc];
	s20 =	simm.s32 $0x10E00  }
0x40: {  	[tilespmem:s20], [sflag:$0x2] =	stream.linear.gather [hbm4b:s19+s16], $0xFA0, $0x38;
	[tilespmem:$0x11E80] =	vst v63  }
0x41: {  	_ =	swait.ge [sflag:s13], $0xFA0  }
0x42: {  	[sflag:s13] =	ssyncset.done $0x0  }
0x43: {  	[sflag:s13] =	ssyncadd.s32 $0xFFFFF060  }
0x44: {  	_ =	swait.ge [sflag:s13], $0xFA0  }
0x45: {  	[sflag:s13] =	ssyncset.done $0x0  }
0x46: {  	[sflag:s13] =	ssyncadd.s32 $0xFFFFF060  }
0x47: {  	_ =	swait.ge [sflag:s13], $0xFA0  }
0x48: {  	[sflag:s13] =	ssyncset.done $0x0  }
0x49: {  	[sflag:s13] =	ssyncadd.s32 $0xFFFFF060  }
0x4a: {  	_ =	swait.ge [sflag:s13], $0xFA0  }
0x4b: {  	v38 =	vimm.f32 $0.0e+00;
	v6 =	vimm.f32 $0.0e+00;
	s10 =	simm.s32 $0x9E50;
	s17 =	simm.s32 $0xBE50;
	[sflag:s13] =	ssyncset.done $0x0  }
0x4c: {  	v4 =	vimm.f32 $0.0e+00;
	v7 =	vimm.f32 $0.0e+00;
	v5 =	vimm.f32 $0.0e+00;
	s18 =	simm.s32 $0xDE50;
	s19 =	simm.s32 $0xFE50;
	[sflag:s13] =	ssyncadd.s32 $0xFFFFF060  }
.LBB2_4:
0x4d: {  	v9 =	vld [tilespmem:s17+$0xFFFFFFB0];
	_ =	sdelay $0x4  }
0x4e: {  	v8 =	vshll.u32 v9, $0x4  }
0x4f: {  	v8 =	vor.u32 v1, v8  }
0x50: {  	(xrf1) =	vsort.ascd.msk.u32 $0xffff, v8, v1;
	_ =	sdelay $0xd  }
0x51: {  	v10, v11, _ =	vpop (xrf1)  }
0x52: {  	v8 =	vld [tilespmem:s10+$0xFFFFFFB0];
	v10 =	vshrl.u32 v10, $0x4  }
0x53: {  	v20 =	vld [tilespmem:s19+$0xFFFFFFB0];
	v12 =	vperm.xlane v10, v2;
	_ =	sdelay $0x1  }
0x54: {  	vm1 =	vne.s32 v10, v12  }
0x55: {  	v30 =	vld [tilespmem:s18+$0xFFFFFFB0];
	vm1 =	vmor vm1, vm0  }
0x56: {  	v40 =	vld.idx.msk [tilespmem:v9+s2+$0x0], $0xffff  }
0x57: {  	v37 =	vld.idx.msk [tilespmem:v9+s4+$0x0], $0xffff;
	v11 =	vperm.xlane v20, v11  }
0x58: {  	v9 =	vld.idx.msk [tilespmem:v9+s5+$0x0], $0xffff  }
0x59: {  	v33 =	vld.idx.msk [tilespmem:v8+s2+$0x0], $0xffff;
	v11 =	vand.u32 $0x7FFFFFFF, v11  }
0x5a: {  	v31 =	vld.idx.msk [tilespmem:v8+s4+$0x0], $0xffff;
	v11 =	vxor.u32 $0x80000000, v11  }
0x5b: {  	v0 =	vld.idx.msk [tilespmem:v8+s5+$0x0], $0xffff;
	[tilespmem:v10+s14+$0x0] =	vst.idx.msk vm1, v11  }
0x5c: {  	v11 =	vld [tilespmem:s17+$0xFFFFFFC0];
	_ =	sdelay $0x4  }
0x5d: {  	v29 =	vshll.u32 v11, $0x4  }
0x5e: {  	v10 =	vor.u32 v1, v29  }
0x5f: {  	(xrf1) =	vsort.ascd.msk.u32 $0xffff, v10, v1;
	_ =	sdelay $0xb  }
0x60: {  	v32 =	vld [tilespmem:s10+$0xFFFFFFC0];
	_ =	sdelay $0x1  }
0x61: {  	v34, v13, _ =	vpop (xrf1)  }
0x62: {  	v12 =	vshrl.u32 v34, $0x4  }
0x63: {  	v57 =	vld [tilespmem:s19+$0xFFFFFFC0];
	v14 =	vperm.xlane v12, v2;
	_ =	sdelay $0x1  }
0x64: {  	vm1 =	vne.s32 v12, v14  }
0x65: {  	v54 =	vld [tilespmem:s18+$0xFFFFFFC0];
	vm1 =	vmor vm1, vm0  }
0x66: {  	v48 =	vld.idx.msk [tilespmem:v32+s2+$0x0], $0xffff  }
0x67: {  	v52 =	vld.idx.msk [tilespmem:v11+s2+$0x0], $0xffff;
	v13 =	vperm.xlane v57, v13  }
0x68: {  	v43 =	vld.idx.msk [tilespmem:v32+s4+$0x0], $0xffff  }
0x69: {  	v45 =	vld.idx.msk [tilespmem:v11+s4+$0x0], $0xffff;
	v13 =	vand.u32 $0x7FFFFFFF, v13  }
0x6a: {  	v10 =	vld.idx.msk [tilespmem:v32+s5+$0x0], $0xffff;
	v13 =	vxor.u32 $0x80000000, v13  }
0x6b: {  	v11 =	vld.idx.msk [tilespmem:v11+s5+$0x0], $0xffff;
	[tilespmem:v12+s14+$0x0] =	vst.idx.msk vm1, v13  }
0x6c: {  	v13 =	vld [tilespmem:s17+$0xFFFFFFD0];
	_ =	sdelay $0x4  }
0x6d: {  	v35 =	vshll.u32 v13, $0x4  }
0x6e: {  	v12 =	vor.u32 v1, v35  }
0x6f: {  	(xrf1) =	vsort.ascd.msk.u32 $0xffff, v12, v1;
	_ =	sdelay $0xb  }
0x70: {  	v36 =	vld [tilespmem:s10+$0xFFFFFFD0];
	_ =	sdelay $0x1  }
0x71: {  	v39, v15, _ =	vpop (xrf1)  }
0x72: {  	v14 =	vshrl.u32 v39, $0x4  }
0x73: {  	v58 =	vld [tilespmem:s19+$0xFFFFFFD0];
	v16 =	vperm.xlane v14, v2;
	_ =	sdelay $0x1  }
0x74: {  	vm1 =	vne.s32 v14, v16  }
0x75: {  	v55 =	vld [tilespmem:s18+$0xFFFFFFD0];
	vm1 =	vmor vm1, vm0  }
0x76: {  	v44 =	vld.idx.msk [tilespmem:v36+s2+$0x0], $0xffff  }
0x77: {  	v47 =	vld.idx.msk [tilespmem:v13+s2+$0x0], $0xffff;
	v15 =	vperm.xlane v58, v15  }
0x78: {  	v28 =	vld.idx.msk [tilespmem:v36+s4+$0x0], $0xffff  }
0x79: {  	v34 =	vld.idx.msk [tilespmem:v13+s4+$0x0], $0xffff;
	v15 =	vand.u32 $0x7FFFFFFF, v15  }
0x7a: {  	v12 =	vld.idx.msk [tilespmem:v36+s5+$0x0], $0xffff;
	v15 =	vxor.u32 $0x80000000, v15  }
0x7b: {  	v13 =	vld.idx.msk [tilespmem:v13+s5+$0x0], $0xffff;
	[tilespmem:v14+s14+$0x0] =	vst.idx.msk vm1, v15  }
0x7c: {  	v15 =	vld [tilespmem:s17+$0xFFFFFFE0];
	_ =	sdelay $0x4  }
0x7d: {  	v41 =	vshll.u32 v15, $0x4  }
0x7e: {  	v14 =	vor.u32 v1, v41  }
0x7f: {  	(xrf1) =	vsort.ascd.msk.u32 $0xffff, v14, v1;
	_ =	sdelay $0xb  }
0x80: {  	v42 =	vld [tilespmem:s10+$0xFFFFFFE0];
	_ =	sdelay $0x1  }
0x81: {  	v46, v17, _ =	vpop (xrf1)  }
0x82: {  	v16 =	vshrl.u32 v46, $0x4  }
0x83: {  	v59 =	vld [tilespmem:s19+$0xFFFFFFE0];
	v18 =	vperm.xlane v16, v2;
	_ =	sdelay $0x1  }
0x84: {  	vm1 =	vne.s32 v16, v18  }
0x85: {  	v24 =	vld [tilespmem:s18+$0xFFFFFFE0];
	vm1 =	vmor vm1, vm0  }
0x86: {  	v29 =	vld.idx.msk [tilespmem:v42+s2+$0x0], $0xffff  }
0x87: {  	v35 =	vld.idx.msk [tilespmem:v15+s2+$0x0], $0xffff;
	v17 =	vperm.xlane v59, v17  }
0x88: {  	v8 =	vld.idx.msk [tilespmem:v42+s4+$0x0], $0xffff  }
0x89: {  	v26 =	vld.idx.msk [tilespmem:v15+s4+$0x0], $0xffff;
	v17 =	vand.u32 $0x7FFFFFFF, v17  }
0x8a: {  	v14 =	vld.idx.msk [tilespmem:v42+s5+$0x0], $0xffff;
	v17 =	vxor.u32 $0x80000000, v17  }
0x8b: {  	v15 =	vld.idx.msk [tilespmem:v15+s5+$0x0], $0xffff;
	[tilespmem:v16+s14+$0x0] =	vst.idx.msk vm1, v17  }
0x8c: {  	v17 =	vld [tilespmem:s17+$0xFFFFFFF0];
	_ =	sdelay $0x4  }
0x8d: {  	v49 =	vshll.u32 v17, $0x4  }
0x8e: {  	v16 =	vor.u32 v1, v49  }
0x8f: {  	(xrf1) =	vsort.ascd.msk.u32 $0xffff, v16, v1;
	_ =	sdelay $0xb  }
0x90: {  	v50 =	vld [tilespmem:s10+$0xFFFFFFF0];
	_ =	sdelay $0x1  }
0x91: {  	v51, v19, _ =	vpop (xrf1)  }
0x92: {  	v18 =	vshrl.u32 v51, $0x4  }
0x93: {  	v60 =	vld [tilespmem:s19+$0xFFFFFFF0];
	v21 =	vperm.xlane v18, v2;
	_ =	sdelay $0x1  }
0x94: {  	vm1 =	vne.s32 v18, v21  }
0x95: {  	v41 =	vld [tilespmem:s18+$0xFFFFFFF0];
	vm1 =	vmor vm1, vm0  }
0x96: {  	v36 =	vld.idx.msk [tilespmem:v50+s2+$0x0], $0xffff  }
0x97: {  	v42 =	vld.idx.msk [tilespmem:v17+s2+$0x0], $0xffff;
	v19 =	vperm.xlane v60, v19  }
0x98: {  	v32 =	vld.idx.msk [tilespmem:v50+s4+$0x0], $0xffff  }
0x99: {  	v39 =	vld.idx.msk [tilespmem:v17+s4+$0x0], $0xffff;
	v19 =	vand.u32 $0x7FFFFFFF, v19  }
0x9a: {  	v16 =	vld.idx.msk [tilespmem:v50+s5+$0x0], $0xffff;
	v19 =	vxor.u32 $0x80000000, v19  }
0x9b: {  	v17 =	vld.idx.msk [tilespmem:v17+s5+$0x0], $0xffff;
	[tilespmem:v18+s14+$0x0] =	vst.idx.msk vm1, v19  }
0x9c: {  	v19 =	vld [tilespmem:s17+$0x0];
	_ =	sdelay $0x4  }
0x9d: {  	v53 =	vshll.u32 v19, $0x4  }
0x9e: {  	v18 =	vor.u32 v1, v53  }
0x9f: {  	(xrf1) =	vsort.ascd.msk.u32 $0xffff, v18, v1;
	_ =	sdelay $0xb  }
0xa0: {  	v56 =	vld [tilespmem:s10+$0x0];
	_ =	sdelay $0x1  }
0xa1: {  	v61, v22, _ =	vpop (xrf1)  }
0xa2: {  	v21 =	vshrl.u32 v61, $0x4  }
0xa3: {  	v61 =	vld [tilespmem:s19+$0x0];
	v23 =	vperm.xlane v21, v2;
	_ =	sdelay $0x1  }
0xa4: {  	vm1 =	vne.s32 v21, v23  }
0xa5: {  	v49 =	vld [tilespmem:s18+$0x0];
	vm1 =	vmor vm1, vm0  }
0xa6: {  	v46 =	vld.idx.msk [tilespmem:v56+s2+$0x0], $0xffff  }
0xa7: {  	v50 =	vld.idx.msk [tilespmem:v19+s2+$0x0], $0xffff;
	v22 =	vperm.xlane v61, v22  }
0xa8: {  	v25 =	vld.idx.msk [tilespmem:v56+s4+$0x0], $0xffff  }
0xa9: {  	v27 =	vld.idx.msk [tilespmem:v19+s4+$0x0], $0xffff;
	v22 =	vand.u32 $0x7FFFFFFF, v22  }
0xaa: {  	v18 =	vld.idx.msk [tilespmem:v56+s5+$0x0], $0xffff;
	v22 =	vxor.u32 $0x80000000, v22  }
0xab: {  	v19 =	vld.idx.msk [tilespmem:v19+s5+$0x0], $0xffff;
	[tilespmem:v21+s14+$0x0] =	vst.idx.msk vm1, v22  }
0xac: {  	v21 =	vld [tilespmem:s17+$0x10];
	_ =	sdelay $0x4  }
0xad: {  	v62 =	vshll.u32 v21, $0x4  }
0xae: {  	v22 =	vor.u32 v1, v62  }
0xaf: {  	(xrf1) =	vsort.ascd.msk.u32 $0xffff, v22, v1;
	_ =	sdelay $0xc  }
0xb0: {  	v62 =	vld [tilespmem:s10+$0x10]  }
0xb1: {  	v22, v23, _ =	vpop (xrf1)  }
0xb2: {  	v63 =	vshrl.u32 v22, $0x4  }
0xb3: {  	[tilespmem:$0x1FFF0] =	vst v0;
	v0 =	vld [tilespmem:s19+$0x10];
	v22 =	vperm.xlane v63, v2;
	_ =	sdelay $0x1  }
0xb4: {  	vm1 =	vne.s32 v63, v22  }
0xb5: {  	v56 =	vld [tilespmem:s18+$0x10];
	vm1 =	vmor vm1, vm0  }
0xb6: {  	v53 =	vld.idx.msk [tilespmem:v21+s2+$0x0], $0xffff  }
0xb7: {  	v51 =	vld.idx.msk [tilespmem:v62+s2+$0x0], $0xffff;
	v3 =	vperm.xlane v0, v23  }
0xb8: {  	v23 =	vld.idx.msk [tilespmem:v21+s4+$0x0], $0xffff  }
0xb9: {  	v20 =	vmul.f32 v20, v20;
	v21 =	vld.idx.msk [tilespmem:v21+s5+$0x0], $0xffff;
	v3 =	vand.u32 $0x7FFFFFFF, v3  }
0xba: {  	v22 =	vld.idx.msk [tilespmem:v62+s4+$0x0], $0xffff;
	v3 =	vxor.u32 $0x80000000, v3  }
0xbb: {  	(erf) = vrcp.f32 v20;
	v62 =	vld.idx.msk [tilespmem:v62+s5+$0x0], $0xffff;
	[tilespmem:v63+s14+$0x0] =	vst.idx.msk vm1, v3  }
0xbc: {  	v3 =	vld [tilespmem:s17+$0x20];
	_ =	sdelay $0x4  }
0xbd: {  	v20 =	vmul.f32 v57, v57;
	v63 =	vshll.u32 v3, $0x4  }
0xbe: {  	v57 =	vor.u32 v1, v63  }
0xbf: {  	(erf) = vrcp.f32 v20;
	(xrf1) =	vsort.ascd.msk.u32 $0xffff, v57, v1  }
0xc0: {  	v63 =	vpop (erf)  }
0xc1: {  	v30 =	vmul.f32 v63, v30;
	_ =	sdelay $0x1  }
0xc2: {  	v33 =	vsub.f32 v33, v40;
	v20 =	vmul.f32 v30, v63;
	_ =	sdelay $0x1  }
0xc3: {  	v40 =	vmul.f32 v58, v58;
	v20 =	vmul.f32 v20, v33  }
0xc4: {  	v31 =	vsub.f32 v31, v37  }
0xc5: {  	(erf) = vrcp.f32 v40;
	v7 =	vsub.f32 v20, v7  }
0xc6: {  	v58 =	vpop (erf);
	v57 =	vmul.f32 v31, v30  }
0xc7: {  	v63 =	vmul.f32 v58, v54;
	v31 =	vadd.f32 v7, v5  }
0xc8: {  	v6 =	vsub.f32 v57, v6  }
0xc9: {  	v54 =	vsub.f32 v48, v52;
	v30 =	vmul.f32 v63, v58;
	v5 =	vsub.f32 v31, v5  }
0xca: {  	v40 =	vadd.f32 v6, v4  }
0xcb: {  	v43 =	vsub.f32 v43, v45;
	v20 =	vld [tilespmem:s10+$0x20];
	v5 =	vsub.f32 v5, v7;
	v7 =	vmul.f32 v30, v54;
	v58, v48, _ =	vpop (xrf1)  }
0xcc: {  	v57 =	vmul.f32 v59, v59;
	v4 =	vsub.f32 v40, v4;
	v37 =	vshrl.u32 v58, $0x4  }
0xcd: {  	v30 =	vld [tilespmem:s19+$0x20];
	v5 =	vsub.f32 v7, v5;
	v59 =	vperm.xlane v37, v2  }
0xce: {  	(erf) = vrcp.f32 v57;
	v4 =	vsub.f32 v4, v6;
	v6 =	vmul.f32 v43, v63;
	v63 =	vpop (erf)  }
0xcf: {  	v52 =	vmul.f32 v63, v55;
	v43 =	vadd.f32 v5, v31;
	vm1 =	vne.s32 v37, v59  }
0xd0: {  	v55 =	vld.idx.msk [tilespmem:v3+s4+$0x0], $0xffff;
	v45 =	vsub.f32 v6, v4;
	vm1 =	vmor vm1, vm0  }
0xd1: {  	v57 =	vmul.f32 v52, v63;
	v58 =	vsub.f32 v44, v47;
	v44 =	vld.idx.msk [tilespmem:v3+s2+$0x0], $0xffff;
	v4 =	vsub.f32 v43, v31  }
0xd2: {  	v7 =	vld [tilespmem:s18+$0x20];
	v47 =	vadd.f32 v45, v40;
	v48 =	vperm.xlane v30, v48  }
0xd3: {  	v28 =	vsub.f32 v28, v34;
	v6 =	vld.idx.msk [tilespmem:v20+s2+$0x0], $0xffff;
	v31 =	vmul.f32 v57, v58;
	v5 =	vsub.f32 v4, v5  }
0xd4: {  	v54 =	vld.idx.msk [tilespmem:v20+s4+$0x0], $0xffff;
	v59 =	vmul.f32 v60, v60;
	v60 =	vsub.f32 v47, v40;
	v63 =	vand.u32 $0x7FFFFFFF, v48  }
0xd5: {  	v31 =	vsub.f32 v31, v5;
	v5 =	vld.idx.msk [tilespmem:v3+s5+$0x0], $0xffff;
	v3 =	vxor.u32 $0x80000000, v63  }
0xd6: {  	s20 =	sand.u32 $0x1FE0, s16;
	v28 =	vmul.f32 v28, v52;
	v40 =	vsub.f32 v60, v45;
	v4 =	vld.idx.msk [tilespmem:v20+s5+$0x0], $0xffff;
	[tilespmem:v37+s14+$0x0] =	vst.idx.msk vm1, v3  }
0xd7: {  	(erf) = vrcp.f32 v59;
	v37 =	vld [tilespmem:s20+$0xBE80]  }
0xd8: {  	v20 =	vsub.f32 v28, v40;
	v3 =	vpop (erf)  }
0xd9: {  	v45 =	vadd.f32 v31, v43;
	v48 =	vmul.f32 v3, v24  }
0xda: {  	v29 =	vsub.f32 v29, v35;
	v58 =	vmul.f32 v61, v61;
	v57 =	vadd.f32 v20, v47  }
0xdb: {  	v8 =	vsub.f32 v8, v26;
	v52 =	vsub.f32 v45, v43;
	v3 =	vmul.f32 v48, v3  }
0xdc: {  	v59 =	vsub.f32 v57, v47;
	(erf) = vrcp.f32 v58;
	v60 =	vshll.u32 v37, $0x4  }
0xdd: {  	v28 =	vsub.f32 v52, v31;
	v3 =	vmul.f32 v3, v29;
	v26 =	vor.u32 v1, v60  }
0xde: {  	v20 =	vsub.f32 v59, v20;
	v8 =	vmul.f32 v8, v48;
	(xrf1) =	vsort.ascd.msk.u32 $0xffff, v26, v1  }
0xdf: {  	v3 =	vsub.f32 v3, v28  }
0xe0: {  	v61 =	vpop (erf);
	v8 =	vsub.f32 v8, v20  }
0xe1: {  	v24 =	vmul.f32 v61, v41;
	v63 =	vadd.f32 v3, v45  }
0xe2: {  	v41 =	vsub.f32 v36, v42;
	v42 =	vadd.f32 v8, v57  }
0xe3: {  	v28 =	vmul.f32 v24, v61;
	v40 =	vsub.f32 v63, v45  }
0xe4: {  	v0 =	vmul.f32 v0, v0;
	v47 =	vsub.f32 v42, v57  }
0xe5: {  	v43 =	vmul.f32 v28, v41;
	v45 =	vsub.f32 v32, v39;
	v3 =	vsub.f32 v40, v3  }
0xe6: {  	v52 =	vpop (erf);
	(erf) = vrcp.f32 v0  }
0xe7: {  	v8 =	vsub.f32 v47, v8;
	v48 =	vmul.f32 v45, v24;
	v3 =	vsub.f32 v43, v3  }
0xe8: {  	v57 =	vmul.f32 v52, v49  }
0xe9: {  	v8 =	vsub.f32 v48, v8;
	v0 =	vadd.f32 v3, v63  }
0xea: {  	v60 =	vsub.f32 v46, v50;
	v59 =	vmul.f32 v57, v52  }
0xeb: {  	v58 =	vsub.f32 v0, v63;
	v63 =	vadd.f32 v8, v42  }
0xec: {  	v30 =	vmul.f32 v30, v30;
	v61 =	vld [tilespmem:s20+$0x9E80];
	v36 =	vmul.f32 v59, v60;
	v40, v41, _ =	vpop (xrf1)  }
0xed: {  	v3 =	vsub.f32 v58, v3;
	v39 =	vsub.f32 v63, v42;
	v42 =	vshrl.u32 v40, $0x4  }
0xee: {  	v25 =	vsub.f32 v25, v27;
	v43 =	vld [tilespmem:s20+$0xFE80];
	v28 =	vperm.xlane v42, v2  }
0xef: {  	v49 =	vsub.f32 v51, v53;
	(erf) = vrcp.f32 v30;
	v3 =	vsub.f32 v36, v3  }
0xf0: {  	v51 =	vld.idx.msk [tilespmem:v37+s2+$0x0], $0xffff;
	v25 =	vmul.f32 v25, v57;
	v46 =	vpop (erf);
	v8 =	vsub.f32 v39, v8;
	vm1 =	vne.s32 v42, v28  }
0xf1: {  	v53 =	vld.idx.msk [tilespmem:v37+s4+$0x0], $0xffff;
	v47 =	vmul.f32 v46, v56;
	v45 =	vadd.f32 v3, v0;
	vm1 =	vmor vm1, vm0  }
0xf2: {  	v57 =	vld [tilespmem:$0x1FFF0];
	v8 =	vsub.f32 v25, v8  }
0xf3: {  	v48 =	vld [tilespmem:s20+$0xDE80];
	v27 =	vmul.f32 v47, v46;
	v33 =	vperm.xlane v43, v41;
	v0 =	vsub.f32 v45, v0  }
0xf4: {  	v50 =	vld.idx.msk [tilespmem:v61+s2+$0x0], $0xffff;
	v56 =	vadd.f32 v8, v63  }
0xf5: {  	v52 =	vld.idx.msk [tilespmem:v61+s4+$0x0], $0xffff;
	v33 =	vand.u32 $0x7FFFFFFF, v33;
	v0 =	vsub.f32 v0, v3;
	v3 =	vmul.f32 v27, v49  }
0xf6: {  	v31 =	vld.idx.msk [tilespmem:v61+s5+$0x0], $0xffff;
	v58 =	vsub.f32 v22, v23;
	v33 =	vxor.u32 $0x80000000, v33;
	v59 =	vsub.f32 v56, v63  }
0xf7: {  	v60 =	vmul.f32 v43, v43;
	v0 =	vsub.f32 v3, v0;
	v3 =	vld.idx.msk [tilespmem:v37+s5+$0x0], $0xffff;
	[tilespmem:v42+s14+$0x0] =	vst.idx.msk vm1, v33  }
0xf8: {  	v20 =	vmul.f32 v58, v47;
	v8 =	vsub.f32 v59, v8;
	v63 =	vld [tilespmem:s17+$0x40]  }
0xf9: {  	v35 =	vsub.f32 v14, v15;
	v6 =	vsub.f32 v6, v44;
	(erf) = vrcp.f32 v60;
	v33 =	vpop (erf)  }
0xfa: {  	v9 =	vsub.f32 v57, v9;
	v34 =	vld [tilespmem:s19+$0x40];
	v7 =	vmul.f32 v33, v7;
	v8 =	vsub.f32 v20, v8  }
0xfb: {  	v26 =	vsub.f32 v12, v13;
	v61 =	vadd.f32 v0, v45  }
0xfc: {  	v9 =	vadd.f32 v9, v38;
	v12 =	vmul.f32 v7, v33;
	v37 =	vadd.f32 v8, v56  }
0xfd: {  	v40 =	vsub.f32 v54, v55;
	v41 =	vld [tilespmem:s10+$0x40];
	v32 =	vsub.f32 v61, v45;
	v38 =	vshll.u32 v63, $0x4  }
0xfe: {  	v6 =	vmul.f32 v12, v6;
	v39 =	vsub.f32 v37, v56;
	v14 =	vor.u32 v1, v38  }
0xff: {  	v0 =	vsub.f32 v32, v0;
	v42 =	vmul.f32 v34, v34;
	(xrf1) =	vsort.ascd.msk.u32 $0xffff, v14, v1  }
0x100: {  	v10 =	vsub.f32 v10, v11;
	v7 =	vmul.f32 v40, v7;
	v8 =	vsub.f32 v39, v8  }
0x101: {  	v0 =	vsub.f32 v6, v0;
	(erf) = vrcp.f32 v42  }
0x102: {  	v9 =	vadd.f32 v10, v9;
	v6 =	vpop (erf);
	v7 =	vsub.f32 v7, v8  }
0x103: {  	v18 =	vsub.f32 v18, v19;
	v8 =	vadd.f32 v0, v61;
	v44 =	vmul.f32 v6, v48  }
0x104: {  	v9 =	vadd.f32 v26, v9;
	v45 =	vadd.f32 v7, v37  }
0x105: {  	v47 =	vsub.f32 v50, v51;
	v50 =	vld.idx.msk [tilespmem:v41+s2+$0x0], $0xffff;
	v46 =	vsub.f32 v8, v61;
	v6 =	vmul.f32 v44, v6  }
0x106: {  	v49 =	vsub.f32 v52, v53;
	v48 =	vld [tilespmem:s18+$0x40];
	v11 =	vsub.f32 v45, v37  }
0x107: {  	v43 =	vsub.f32 v16, v17;
	v51 =	vld.idx.msk [tilespmem:v63+s2+$0x0], $0xffff;
	v0 =	vsub.f32 v46, v0;
	v6 =	vmul.f32 v6, v47  }
0x108: {  	v9 =	vadd.f32 v35, v9;
	v53 =	vld.idx.msk [tilespmem:v41+s4+$0x0], $0xffff;
	v52 =	vmul.f32 v49, v44;
	v7 =	vsub.f32 v11, v7  }
0x109: {  	v4 =	vsub.f32 v4, v5;
	v0 =	vsub.f32 v6, v0;
	v6 =	vld.idx.msk [tilespmem:v63+s4+$0x0], $0xffff  }
0x10a: {  	v9 =	vadd.f32 v43, v9;
	v55 =	vpop (erf);
	v7 =	vsub.f32 v52, v7  }
0x10b: {  	v54 =	vsub.f32 v62, v21;
	v56 =	vadd.f32 v0, v8;
	v16 =	vmul.f32 v55, v48  }
0x10c: {  	v9 =	vadd.f32 v18, v9;
	v57 =	vadd.f32 v7, v45  }
0x10d: {  	v14 =	vsub.f32 v50, v51;
	v8 =	vsub.f32 v56, v8;
	v11 =	vmul.f32 v16, v55;
	v58, v19, _ =	vpop (xrf1)  }
0x10e: {  	v6 =	vsub.f32 v53, v6;
	v10 =	vsub.f32 v57, v45;
	v59 =	vshrl.u32 v58, $0x4  }
0x10f: {  	v0 =	vsub.f32 v8, v0;
	v8 =	vmul.f32 v11, v14;
	v60 =	vperm.xlane v59, v2  }
0x110: {  	v9 =	vadd.f32 v54, v9;
	v6 =	vmul.f32 v6, v16;
	v5 =	vsub.f32 v10, v7;
	v7 =	vld.idx.msk [tilespmem:v41+s5+$0x0], $0xffff  }
0x111: {  	v0 =	vsub.f32 v8, v0;
	v8 =	vld.idx.msk [tilespmem:v63+s5+$0x0], $0xffff;
	vm1 =	vne.s32 v59, v60  }
0x112: {  	v9 =	vadd.f32 v4, v9;
	v6 =	vsub.f32 v6, v5;
	vm1 =	vmor vm1, vm0  }
0x113: {  	p0 =	sne.s32 s16, $0xF00;
	v3 =	vsub.f32 v31, v3;
	v5 =	vadd.f32 v0, v56  }
.Ltmp1:
0x114: {  	v61 =	vperm.xlane v34, v19;
	v4 =	vadd.f32 v6, v57;
	(pc) =	sbr.rel @p0 .LBB2_4-.Ltmp1, $4  }
0x115: {  	v3 =	vadd.f32 v3, v9;
	v62 =	vsub.f32 v5, v56  }
0x116: {  	v10 =	vand.u32 $0x7FFFFFFF, v61;
	v8 =	vsub.f32 v7, v8;
	v63 =	vsub.f32 v4, v57  }
0x117: {  	s16 =	sadd.s32 $0xA0, s16;
	s10 =	sadd.s32 $0xA0, s10;
	v7 =	vsub.f32 v62, v0;
	v0 =	vxor.u32 $0x80000000, v10  }
0x118: {  	s17 =	sadd.s32 $0xA0, s17;
	s19 =	sadd.s32 $0xA0, s19;
	s18 =	sadd.s32 $0xA0, s18;
	v38 =	vadd.f32 v8, v3;
	v6 =	vsub.f32 v63, v6;
	[tilespmem:v59+s14+$0x0] =	vst.idx.msk vm1, v0  }
0x119: {  	s16 =	simm.s32 $0x0;
	s10 =	rddreg [dreg:$0xd]  }
0x11a: {  	[tilespmem:s6], [sflag:$0x1] =	stream.linear.gather [hbm4b:s10+s16], $0xFA0, $0x38;
	[tilespmem:$0x11E80] =	vst v63  }
0x11b: {  	s18 =	rddreg [dreg:$0xe]  }
0x11c: {  	[tilespmem:s7], [sflag:$0x1] =	stream.linear.gather [hbm4b:s18+s16], $0xFA0, $0x38;
	[tilespmem:$0x11E80] =	vst v63  }
0x11d: {  	s19 =	rddreg [dreg:$0xf]  }
0x11e: {  	[tilespmem:s8], [sflag:$0x1] =	stream.linear.gather [hbm4b:s19+s16], $0xFA0, $0x38;
	[tilespmem:$0x11E80] =	vst v63  }
0x11f: {  	s20 =	rddreg [dreg:$0x10]  }
0x120: {  	[tilespmem:s9], [sflag:$0x1] =	stream.linear.gather [hbm4b:s20+s16], $0xFA0, $0x38;
	[tilespmem:$0x11E80] =	vst v63  }
0x121: {  	_ =	swait.ge [sflag:s11], $0xFA0  }
0x122: {  	[sflag:s11] =	ssyncset.done $0x0  }
0x123: {  	[sflag:s11] =	ssyncadd.s32 $0xFFFFF060  }
0x124: {  	_ =	swait.ge [sflag:s11], $0xFA0  }
0x125: {  	[sflag:s11] =	ssyncset.done $0x0  }
0x126: {  	[sflag:s11] =	ssyncadd.s32 $0xFFFFF060  }
0x127: {  	_ =	swait.ge [sflag:s11], $0xFA0  }
0x128: {  	[sflag:s11] =	ssyncset.done $0x0  }
0x129: {  	[sflag:s11] =	ssyncadd.s32 $0xFFFFF060  }
0x12a: {  	_ =	swait.ge [sflag:s11], $0xFA0  }
0x12b: {  	s17 =	simm.s32 $0xCE50;
	s10 =	simm.s32 $0xAE50;
	[sflag:s11] =	ssyncset.done $0x0  }
0x12c: {  	s18 =	simm.s32 $0xEE50;
	s19 =	simm.s32 $0x10E50;
	[sflag:s11] =	ssyncadd.s32 $0xFFFFF060  }
.LBB2_6:
0x12d: {  	v0 =	vld [tilespmem:s17+$0xFFFFFFB0];
	_ =	sdelay $0x4  }
0x12e: {  	v3 =	vshll.u32 v0, $0x4  }
0x12f: {  	v3 =	vor.u32 v1, v3  }
0x130: {  	(xrf1) =	vsort.ascd.msk.u32 $0xffff, v3, v1;
	_ =	sdelay $0x7  }
0x131: {  	v3 =	vld [tilespmem:s10+$0xFFFFFFB0];
	_ =	sdelay $0x4  }
0x132: {  	v20 =	vld [tilespmem:s19+$0xFFFFFFB0]  }
0x133: {  	v40 =	vld.idx.msk [tilespmem:v0+s2+$0x0], $0xffff;
	v8, v9, _ =	vpop (xrf1)  }
0x134: {  	v37 =	vld.idx.msk [tilespmem:v0+s4+$0x0], $0xffff;
	v10 =	vshrl.u32 v8, $0x4  }
0x135: {  	v33 =	vld.idx.msk [tilespmem:v3+s2+$0x0], $0xffff;
	v8 =	vperm.xlane v10, v2  }
0x136: {  	v31 =	vld.idx.msk [tilespmem:v3+s4+$0x0], $0xffff  }
0x137: {  	v3 =	vld.idx.msk [tilespmem:v3+s5+$0x0], $0xffff;
	vm1 =	vne.s32 v10, v8  }
0x138: {  	v0 =	vld.idx.msk [tilespmem:v0+s5+$0x0], $0xffff;
	vm1 =	vmor vm1, vm0;
	_ =	sdelay $0x1  }
0x139: {  	v9 =	vperm.xlane v20, v9;
	_ =	sdelay $0x1  }
0x13a: {  	[tilespmem:$0x1FFD0] =	vst v3;
	v3 =	vand.u32 $0x7FFFFFFF, v9  }
0x13b: {  	[tilespmem:$0x1FFE0] =	vst v0;
	v0 =	vxor.u32 $0x80000000, v3  }
0x13c: {  	v30 =	vld [tilespmem:s18+$0xFFFFFFB0];
	[tilespmem:v10+s14+$0x0] =	vst.idx.msk vm1, v0  }
0x13d: {  	v0 =	vld [tilespmem:s17+$0xFFFFFFC0];
	_ =	sdelay $0x4  }
0x13e: {  	v3 =	vshll.u32 v0, $0x4  }
0x13f: {  	v3 =	vor.u32 v1, v3  }
0x140: {  	(xrf1) =	vsort.ascd.msk.u32 $0xffff, v3, v1;
	_ =	sdelay $0xc  }
0x141: {  	v3 =	vld [tilespmem:s10+$0xFFFFFFC0]  }
0x142: {  	v43, v11, _ =	vpop (xrf1)  }
0x143: {  	v12 =	vshrl.u32 v43, $0x4  }
0x144: {  	v57 =	vld [tilespmem:s19+$0xFFFFFFC0];
	v10 =	vperm.xlane v12, v2;
	_ =	sdelay $0x1  }
0x145: {  	vm1 =	vne.s32 v12, v10  }
0x146: {  	v52 =	vld.idx.msk [tilespmem:v0+s2+$0x0], $0xffff;
	vm1 =	vmor vm1, vm0  }
0x147: {  	v45 =	vld.idx.msk [tilespmem:v0+s4+$0x0], $0xffff  }
0x148: {  	v48 =	vld.idx.msk [tilespmem:v3+s2+$0x0], $0xffff;
	v11 =	vperm.xlane v57, v11  }
0x149: {  	v43 =	vld.idx.msk [tilespmem:v3+s4+$0x0], $0xffff  }
0x14a: {  	v10 =	vld.idx.msk [tilespmem:v3+s5+$0x0], $0xffff;
	v3 =	vand.u32 $0x7FFFFFFF, v11  }
0x14b: {  	v11 =	vld.idx.msk [tilespmem:v0+s5+$0x0], $0xffff;
	v0 =	vxor.u32 $0x80000000, v3  }
0x14c: {  	v54 =	vld [tilespmem:s18+$0xFFFFFFC0];
	[tilespmem:v12+s14+$0x0] =	vst.idx.msk vm1, v0  }
0x14d: {  	v0 =	vld [tilespmem:s17+$0xFFFFFFD0];
	_ =	sdelay $0x4  }
0x14e: {  	v3 =	vshll.u32 v0, $0x4  }
0x14f: {  	v3 =	vor.u32 v1, v3  }
0x150: {  	(xrf1) =	vsort.ascd.msk.u32 $0xffff, v3, v1;
	_ =	sdelay $0xc  }
0x151: {  	v3 =	vld [tilespmem:s10+$0xFFFFFFD0]  }
0x152: {  	v44, v13, _ =	vpop (xrf1)  }
0x153: {  	v14 =	vshrl.u32 v44, $0x4  }
0x154: {  	v58 =	vld [tilespmem:s19+$0xFFFFFFD0];
	v12 =	vperm.xlane v14, v2;
	_ =	sdelay $0x1  }
0x155: {  	vm1 =	vne.s32 v14, v12  }
0x156: {  	v47 =	vld.idx.msk [tilespmem:v0+s2+$0x0], $0xffff;
	vm1 =	vmor vm1, vm0  }
0x157: {  	v34 =	vld.idx.msk [tilespmem:v0+s4+$0x0], $0xffff  }
0x158: {  	v28 =	vld.idx.msk [tilespmem:v3+s4+$0x0], $0xffff;
	v13 =	vperm.xlane v58, v13  }
0x159: {  	v44 =	vld.idx.msk [tilespmem:v3+s2+$0x0], $0xffff  }
0x15a: {  	v12 =	vld.idx.msk [tilespmem:v3+s5+$0x0], $0xffff;
	v3 =	vand.u32 $0x7FFFFFFF, v13  }
0x15b: {  	v13 =	vld.idx.msk [tilespmem:v0+s5+$0x0], $0xffff;
	v0 =	vxor.u32 $0x80000000, v3  }
0x15c: {  	v55 =	vld [tilespmem:s18+$0xFFFFFFD0];
	[tilespmem:v14+s14+$0x0] =	vst.idx.msk vm1, v0  }
0x15d: {  	v3 =	vld [tilespmem:s17+$0xFFFFFFE0];
	_ =	sdelay $0x4  }
0x15e: {  	v0 =	vshll.u32 v3, $0x4  }
0x15f: {  	v0 =	vor.u32 v1, v0  }
0x160: {  	(xrf1) =	vsort.ascd.msk.u32 $0xffff, v0, v1;
	_ =	sdelay $0xb  }
0x161: {  	v14 =	vld [tilespmem:s10+$0xFFFFFFE0];
	_ =	sdelay $0x1  }
0x162: {  	v0, v15, _ =	vpop (xrf1)  }
0x163: {  	v16 =	vshrl.u32 v0, $0x4  }
0x164: {  	v59 =	vld [tilespmem:s19+$0xFFFFFFE0];
	v0 =	vperm.xlane v16, v2;
	_ =	sdelay $0x1  }
0x165: {  	vm1 =	vne.s32 v16, v0  }
0x166: {  	v8 =	vld [tilespmem:s18+$0xFFFFFFE0];
	vm1 =	vmor vm1, vm0  }
0x167: {  	v29 =	vld.idx.msk [tilespmem:v14+s2+$0x0], $0xffff  }
0x168: {  	v35 =	vld.idx.msk [tilespmem:v3+s2+$0x0], $0xffff;
	v15 =	vperm.xlane v59, v15  }
0x169: {  	v9 =	vld.idx.msk [tilespmem:v14+s4+$0x0], $0xffff  }
0x16a: {  	v26 =	vld.idx.msk [tilespmem:v3+s4+$0x0], $0xffff;
	v17 =	vand.u32 $0x7FFFFFFF, v15  }
0x16b: {  	v15 =	vld.idx.msk [tilespmem:v3+s5+$0x0], $0xffff;
	v3 =	vxor.u32 $0x80000000, v17  }
0x16c: {  	v14 =	vld.idx.msk [tilespmem:v14+s5+$0x0], $0xffff;
	[tilespmem:v16+s14+$0x0] =	vst.idx.msk vm1, v3  }
0x16d: {  	v3 =	vld [tilespmem:s17+$0xFFFFFFF0];
	_ =	sdelay $0x4  }
0x16e: {  	v46 =	vshll.u32 v3, $0x4  }
0x16f: {  	v16 =	vor.u32 v1, v46  }
0x170: {  	(xrf1) =	vsort.ascd.msk.u32 $0xffff, v16, v1;
	_ =	sdelay $0xb  }
0x171: {  	v49 =	vld [tilespmem:s10+$0xFFFFFFF0];
	_ =	sdelay $0x1  }
0x172: {  	v50, v18, _ =	vpop (xrf1)  }
0x173: {  	v19 =	vshrl.u32 v50, $0x4  }
0x174: {  	v60 =	vld [tilespmem:s19+$0xFFFFFFF0];
	v17 =	vperm.xlane v19, v2;
	_ =	sdelay $0x1  }
0x175: {  	vm1 =	vne.s32 v19, v17  }
0x176: {  	v41 =	vld [tilespmem:s18+$0xFFFFFFF0];
	vm1 =	vmor vm1, vm0  }
0x177: {  	v36 =	vld.idx.msk [tilespmem:v49+s2+$0x0], $0xffff  }
0x178: {  	v42 =	vld.idx.msk [tilespmem:v3+s2+$0x0], $0xffff;
	v51 =	vperm.xlane v60, v18  }
0x179: {  	v32 =	vld.idx.msk [tilespmem:v49+s4+$0x0], $0xffff  }
0x17a: {  	v39 =	vld.idx.msk [tilespmem:v3+s4+$0x0], $0xffff;
	v18 =	vand.u32 $0x7FFFFFFF, v51  }
0x17b: {  	v17 =	vld.idx.msk [tilespmem:v3+s5+$0x0], $0xffff;
	v3 =	vxor.u32 $0x80000000, v18  }
0x17c: {  	v16 =	vld.idx.msk [tilespmem:v49+s5+$0x0], $0xffff;
	[tilespmem:v19+s14+$0x0] =	vst.idx.msk vm1, v3  }
0x17d: {  	v3 =	vld [tilespmem:s17+$0x0];
	_ =	sdelay $0x4  }
0x17e: {  	v53 =	vshll.u32 v3, $0x4  }
0x17f: {  	v18 =	vor.u32 v1, v53  }
0x180: {  	(xrf1) =	vsort.ascd.msk.u32 $0xffff, v18, v1;
	_ =	sdelay $0xb  }
0x181: {  	v56 =	vld [tilespmem:s10+$0x0];
	_ =	sdelay $0x1  }
0x182: {  	v50, v21, _ =	vpop (xrf1)  }
0x183: {  	v22 =	vshrl.u32 v50, $0x4  }
0x184: {  	v61 =	vld [tilespmem:s19+$0x0];
	v19 =	vperm.xlane v22, v2;
	_ =	sdelay $0x1  }
0x185: {  	vm1 =	vne.s32 v22, v19  }
0x186: {  	v49 =	vld [tilespmem:s18+$0x0];
	vm1 =	vmor vm1, vm0  }
0x187: {  	v46 =	vld.idx.msk [tilespmem:v56+s2+$0x0], $0xffff  }
0x188: {  	v25 =	vld.idx.msk [tilespmem:v56+s4+$0x0], $0xffff;
	v51 =	vperm.xlane v61, v21  }
0x189: {  	v27 =	vld.idx.msk [tilespmem:v3+s4+$0x0], $0xffff  }
0x18a: {  	v50 =	vld.idx.msk [tilespmem:v3+s2+$0x0], $0xffff;
	v21 =	vand.u32 $0x7FFFFFFF, v51  }
0x18b: {  	v19 =	vld.idx.msk [tilespmem:v3+s5+$0x0], $0xffff;
	v3 =	vxor.u32 $0x80000000, v21  }
0x18c: {  	v18 =	vld.idx.msk [tilespmem:v56+s5+$0x0], $0xffff;
	[tilespmem:v22+s14+$0x0] =	vst.idx.msk vm1, v3  }
0x18d: {  	v3 =	vld [tilespmem:s17+$0x10];
	_ =	sdelay $0x4  }
0x18e: {  	v53 =	vshll.u32 v3, $0x4  }
0x18f: {  	v21 =	vor.u32 v1, v53  }
0x190: {  	(xrf1) =	vsort.ascd.msk.u32 $0xffff, v21, v1;
	_ =	sdelay $0xb  }
0x191: {  	v21 =	vld [tilespmem:s10+$0x10];
	_ =	sdelay $0x1  }
0x192: {  	v56, v23, _ =	vpop (xrf1)  }
0x193: {  	v62 =	vshrl.u32 v56, $0x4  }
0x194: {  	v63 =	vld [tilespmem:s19+$0x10];
	v22 =	vperm.xlane v62, v2;
	_ =	sdelay $0x1  }
0x195: {  	vm1 =	vne.s32 v62, v22  }
0x196: {  	v53 =	vld.idx.msk [tilespmem:v3+s2+$0x0], $0xffff;
	vm1 =	vmor vm1, vm0  }
0x197: {  	v51 =	vld.idx.msk [tilespmem:v21+s2+$0x0], $0xffff  }
0x198: {  	v24 =	vmul.f32 v20, v20;
	v20 =	vld.idx.msk [tilespmem:v21+s5+$0x0], $0xffff;
	v0 =	vperm.xlane v63, v23  }
0x199: {  	v56 =	vld [tilespmem:s18+$0x10]  }
0x19a: {  	(erf) = vrcp.f32 v24;
	v23 =	vld.idx.msk [tilespmem:v3+s4+$0x0], $0xffff;
	v0 =	vand.u32 $0x7FFFFFFF, v0  }
0x19b: {  	v22 =	vld.idx.msk [tilespmem:v21+s4+$0x0], $0xffff;
	v0 =	vxor.u32 $0x80000000, v0  }
0x19c: {  	v21 =	vld.idx.msk [tilespmem:v3+s5+$0x0], $0xffff;
	[tilespmem:v62+s14+$0x0] =	vst.idx.msk vm1, v0  }
0x19d: {  	v0 =	vld [tilespmem:s17+$0x20];
	_ =	sdelay $0x1  }
0x19e: {  	v3 =	vmul.f32 v57, v57;
	_ =	sdelay $0x2  }
0x19f: {  	(erf) = vrcp.f32 v3;
	v62 =	vshll.u32 v0, $0x4  }
0x1a0: {  	v3 =	vpop (erf);
	v24 =	vor.u32 v1, v62  }
0x1a1: {  	v57 =	vmul.f32 v3, v30;
	(xrf1) =	vsort.ascd.msk.u32 $0xffff, v24, v1;
	_ =	sdelay $0x1  }
0x1a2: {  	v3 =	vmul.f32 v57, v3;
	v62 =	vsub.f32 v33, v40;
	_ =	sdelay $0x1  }
0x1a3: {  	v33 =	vmul.f32 v58, v58;
	v3 =	vmul.f32 v3, v62  }
0x1a4: {  	v31 =	vsub.f32 v31, v37  }
0x1a5: {  	(erf) = vrcp.f32 v33;
	v3 =	vsub.f32 v3, v7  }
0x1a6: {  	v40 =	vpop (erf);
	v7 =	vmul.f32 v31, v57  }
0x1a7: {  	v57 =	vmul.f32 v40, v54;
	v30 =	vadd.f32 v3, v5  }
0x1a8: {  	v6 =	vsub.f32 v7, v6  }
0x1a9: {  	v58 =	vsub.f32 v48, v52;
	v7 =	vmul.f32 v57, v40;
	v5 =	vsub.f32 v30, v5  }
0x1aa: {  	v37 =	vadd.f32 v6, v4  }
0x1ab: {  	v3 =	vsub.f32 v5, v3;
	v5 =	vmul.f32 v7, v58;
	v7 =	vmul.f32 v59, v59  }
0x1ac: {  	v43 =	vsub.f32 v43, v45;
	v33 =	vld [tilespmem:s10+$0x20];
	v4 =	vsub.f32 v37, v4  }
0x1ad: {  	v45 =	vld [tilespmem:s19+$0x20];
	v3 =	vsub.f32 v5, v3;
	(erf) = vrcp.f32 v7;
	v59, v40, _ =	vpop (xrf1)  }
0x1ae: {  	v62 =	vpop (erf);
	v4 =	vsub.f32 v4, v6;
	v6 =	vmul.f32 v43, v57;
	v24 =	vshrl.u32 v59, $0x4  }
0x1af: {  	v48 =	vmul.f32 v62, v55;
	v43 =	vadd.f32 v3, v30;
	v5 =	vperm.xlane v24, v2  }
0x1b0: {  	v58 =	vsub.f32 v44, v47;
	v57 =	vsub.f32 v6, v4  }
0x1b1: {  	v4 =	vsub.f32 v43, v30;
	vm1 =	vne.s32 v24, v5;
	v5 =	vmul.f32 v48, v62  }
0x1b2: {  	v31 =	vld.idx.msk [tilespmem:v0+s2+$0x0], $0xffff;
	v59 =	vadd.f32 v57, v37;
	v40 =	vperm.xlane v45, v40;
	vm1 =	vmor vm1, vm0  }
0x1b3: {  	v54 =	vld.idx.msk [tilespmem:v0+s4+$0x0], $0xffff;
	v3 =	vsub.f32 v4, v3;
	v5 =	vmul.f32 v5, v58  }
0x1b4: {  	v60 =	vmul.f32 v60, v60;
	v47 =	vld.idx.msk [tilespmem:v33+s4+$0x0], $0xffff;
	v62 =	vsub.f32 v59, v37;
	v37 =	vand.u32 $0x7FFFFFFF, v40  }
0x1b5: {  	v3 =	vsub.f32 v5, v3;
	v5 =	vld.idx.msk [tilespmem:v0+s5+$0x0], $0xffff;
	v0 =	vxor.u32 $0x80000000, v37  }
0x1b6: {  	v28 =	vsub.f32 v28, v34;
	v7 =	vld [tilespmem:s18+$0x20];
	(erf) = vrcp.f32 v60  }
0x1b7: {  	v6 =	vld.idx.msk [tilespmem:v33+s2+$0x0], $0xffff  }
0x1b8: {  	s20 =	sand.u32 $0x1FE0, s16;
	v28 =	vmul.f32 v28, v48;
	v4 =	vld.idx.msk [tilespmem:v33+s5+$0x0], $0xffff;
	[tilespmem:v24+s14+$0x0] =	vst.idx.msk vm1, v0;
	v0 =	vpop (erf)  }
0x1b9: {  	v40 =	vsub.f32 v62, v57;
	v52 =	vadd.f32 v3, v43;
	v8 =	vmul.f32 v0, v8;
	v33 =	vld [tilespmem:s20+$0xCE80]  }
0x1ba: {  	v29 =	vsub.f32 v29, v35  }
0x1bb: {  	v28 =	vsub.f32 v28, v40;
	v55 =	vsub.f32 v52, v43;
	v0 =	vmul.f32 v8, v0  }
0x1bc: {  	v58 =	vmul.f32 v61, v61  }
0x1bd: {  	v57 =	vadd.f32 v28, v59;
	v3 =	vsub.f32 v55, v3;
	v0 =	vmul.f32 v0, v29  }
0x1be: {  	v9 =	vsub.f32 v9, v26;
	(erf) = vrcp.f32 v58;
	v60 =	vshll.u32 v33, $0x4  }
0x1bf: {  	v59 =	vsub.f32 v57, v59;
	v62 =	vpop (erf);
	v0 =	vsub.f32 v0, v3;
	v3 =	vor.u32 v1, v60  }
0x1c0: {  	v35 =	vmul.f32 v62, v41;
	(xrf1) =	vsort.ascd.msk.u32 $0xffff, v3, v1  }
0x1c1: {  	v61 =	vsub.f32 v59, v28;
	v8 =	vmul.f32 v9, v8;
	v3 =	vadd.f32 v0, v52  }
0x1c2: {  	v37 =	vsub.f32 v36, v42  }
0x1c3: {  	v9 =	vmul.f32 v35, v62;
	v8 =	vsub.f32 v8, v61;
	v24 =	vsub.f32 v3, v52;
	_ =	sdelay $0x1  }
0x1c4: {  	v9 =	vmul.f32 v9, v37;
	v40 =	vadd.f32 v8, v57;
	v0 =	vsub.f32 v24, v0  }
0x1c5: {  	v41 =	vsub.f32 v32, v39  }
0x1c6: {  	v42 =	vsub.f32 v40, v57;
	v0 =	vsub.f32 v9, v0  }
0x1c7: {  	v43 =	vmul.f32 v63, v63;
	v44 =	vmul.f32 v41, v35;
	v48 =	vpop (erf)  }
0x1c8: {  	v55 =	vmul.f32 v48, v49;
	v8 =	vsub.f32 v42, v8;
	v52 =	vadd.f32 v0, v3  }
0x1c9: {  	v58 =	vsub.f32 v46, v50;
	v59 =	vld [tilespmem:s20+$0xAE80];
	(erf) = vrcp.f32 v43  }
0x1ca: {  	v57 =	vmul.f32 v55, v48;
	v8 =	vsub.f32 v44, v8;
	v3 =	vsub.f32 v52, v3;
	_ =	sdelay $0x1  }
0x1cb: {  	v32 =	vadd.f32 v8, v40;
	v0 =	vsub.f32 v3, v0;
	v3 =	vmul.f32 v57, v58  }
0x1cc: {  	v25 =	vsub.f32 v25, v27;
	v61, v62, _ =	vpop (xrf1)  }
0x1cd: {  	v60 =	vsub.f32 v32, v40;
	v0 =	vsub.f32 v3, v0;
	v3 =	vshrl.u32 v61, $0x4  }
0x1ce: {  	v63 =	vld [tilespmem:s20+$0x10E80];
	v24 =	vperm.xlane v3, v2  }
0x1cf: {  	v49 =	vsub.f32 v51, v53;
	v51 =	vld.idx.msk [tilespmem:v33+s2+$0x0], $0xffff;
	v25 =	vmul.f32 v25, v55;
	v8 =	vsub.f32 v60, v8  }
0x1d0: {  	v46 =	vmul.f32 v45, v45;
	v50 =	vld.idx.msk [tilespmem:v59+s2+$0x0], $0xffff;
	vm1 =	vne.s32 v3, v24  }
0x1d1: {  	v30 =	vld.idx.msk [tilespmem:v59+s5+$0x0], $0xffff;
	v8 =	vsub.f32 v25, v8;
	vm1 =	vmor vm1, vm0  }
0x1d2: {  	(erf) = vrcp.f32 v46;
	v48 =	vld [tilespmem:s20+$0xEE80];
	v43 =	vpop (erf)  }
0x1d3: {  	v55 =	vld.idx.msk [tilespmem:v33+s4+$0x0], $0xffff;
	v44 =	vmul.f32 v43, v56;
	v29 =	vperm.xlane v63, v62;
	v56 =	vadd.f32 v8, v32  }
0x1d4: {  	v57 =	vld [tilespmem:$0x1FFD0];
	v34 =	vadd.f32 v0, v52  }
0x1d5: {  	v58 =	vld [tilespmem:$0x1FFE0];
	v29 =	vand.u32 $0x7FFFFFFF, v29;
	v60 =	vsub.f32 v56, v32  }
0x1d6: {  	v27 =	vmul.f32 v44, v43;
	v29 =	vxor.u32 $0x80000000, v29;
	v26 =	vsub.f32 v34, v52;
	v52 =	vld.idx.msk [tilespmem:v59+s4+$0x0], $0xffff  }
0x1d7: {  	v59 =	vld.idx.msk [tilespmem:v33+s5+$0x0], $0xffff;
	v8 =	vsub.f32 v60, v8;
	[tilespmem:v3+s14+$0x0] =	vst.idx.msk vm1, v29;
	v3 =	vsub.f32 v22, v23  }
0x1d8: {  	v9 =	vmul.f32 v63, v63  }
0x1d9: {  	v53 =	vmul.f32 v27, v49;
	v0 =	vsub.f32 v26, v0;
	v3 =	vmul.f32 v3, v44  }
0x1da: {  	v63 =	vld [tilespmem:s17+$0x40]  }
0x1db: {  	(erf) = vrcp.f32 v9;
	v0 =	vsub.f32 v53, v0;
	v3 =	vsub.f32 v3, v8;
	v8 =	vpop (erf)  }
0x1dc: {  	v6 =	vsub.f32 v6, v31;
	v39 =	vsub.f32 v57, v58;
	v33 =	vld [tilespmem:s19+$0x40];
	v7 =	vmul.f32 v8, v7  }
0x1dd: {  	v40 =	vsub.f32 v47, v54;
	v62 =	vadd.f32 v0, v34  }
0x1de: {  	v61 =	vadd.f32 v39, v38;
	v35 =	vadd.f32 v3, v56;
	v8 =	vmul.f32 v7, v8  }
0x1df: {  	v32 =	vsub.f32 v62, v34;
	v34 =	vsub.f32 v14, v15;
	v38 =	vshll.u32 v63, $0x4  }
0x1e0: {  	v41 =	vld [tilespmem:s10+$0x40];
	v14 =	vor.u32 v1, v38;
	v39 =	vsub.f32 v35, v56;
	v6 =	vmul.f32 v8, v6  }
0x1e1: {  	v0 =	vsub.f32 v32, v0;
	(xrf1) =	vsort.ascd.msk.u32 $0xffff, v14, v1;
	v8 =	vmul.f32 v33, v33  }
0x1e2: {  	v10 =	vsub.f32 v10, v11;
	v7 =	vmul.f32 v40, v7;
	v3 =	vsub.f32 v39, v3  }
0x1e3: {  	v12 =	vsub.f32 v12, v13;
	v0 =	vsub.f32 v6, v0;
	(erf) = vrcp.f32 v8  }
0x1e4: {  	v10 =	vadd.f32 v10, v61;
	v3 =	vsub.f32 v7, v3;
	v6 =	vpop (erf)  }
0x1e5: {  	v7 =	vadd.f32 v0, v62;
	v42 =	vmul.f32 v6, v48  }
0x1e6: {  	v10 =	vadd.f32 v12, v10;
	v43 =	vadd.f32 v3, v35  }
0x1e7: {  	v45 =	vld [tilespmem:s18+$0x40];
	v44 =	vsub.f32 v50, v51;
	v11 =	vsub.f32 v7, v62;
	v6 =	vmul.f32 v42, v6  }
0x1e8: {  	v46 =	vsub.f32 v52, v55;
	v47 =	vld.idx.msk [tilespmem:v41+s2+$0x0], $0xffff;
	v9 =	vsub.f32 v43, v35  }
0x1e9: {  	v10 =	vadd.f32 v34, v10;
	v50 =	vld.idx.msk [tilespmem:v41+s4+$0x0], $0xffff;
	v0 =	vsub.f32 v11, v0;
	v6 =	vmul.f32 v6, v44  }
0x1ea: {  	v8 =	vsub.f32 v16, v17;
	v48 =	vld.idx.msk [tilespmem:v63+s2+$0x0], $0xffff;
	v49 =	vmul.f32 v46, v42;
	v3 =	vsub.f32 v9, v3  }
0x1eb: {  	v18 =	vsub.f32 v18, v19;
	v0 =	vsub.f32 v6, v0;
	v6 =	vld.idx.msk [tilespmem:v63+s4+$0x0], $0xffff  }
0x1ec: {  	v8 =	vadd.f32 v8, v10;
	v3 =	vsub.f32 v49, v3;
	v52 =	vpop (erf)  }
0x1ed: {  	v51 =	vsub.f32 v20, v21;
	v15 =	vmul.f32 v52, v45;
	v53 =	vadd.f32 v0, v7  }
0x1ee: {  	v8 =	vadd.f32 v18, v8;
	v54 =	vadd.f32 v3, v43  }
0x1ef: {  	v11 =	vsub.f32 v47, v48;
	v56, v55, _ =	vpop (xrf1);
	v9 =	vmul.f32 v15, v52;
	v7 =	vsub.f32 v53, v7  }
0x1f0: {  	v57 =	vshrl.u32 v56, $0x4;
	v10 =	vsub.f32 v54, v43;
	v6 =	vsub.f32 v50, v6  }
0x1f1: {  	v58 =	vperm.xlane v57, v2;
	v0 =	vsub.f32 v7, v0;
	v7 =	vmul.f32 v9, v11  }
0x1f2: {  	v4 =	vsub.f32 v4, v5;
	v3 =	vsub.f32 v10, v3;
	v5 =	vmul.f32 v6, v15;
	v6 =	vld.idx.msk [tilespmem:v41+s5+$0x0], $0xffff  }
0x1f3: {  	v8 =	vadd.f32 v51, v8;
	vm1 =	vne.s32 v57, v58;
	v0 =	vsub.f32 v7, v0;
	v7 =	vld.idx.msk [tilespmem:v63+s5+$0x0], $0xffff  }
0x1f4: {  	v59 =	vsub.f32 v30, v59;
	vm1 =	vmor vm1, vm0;
	v3 =	vsub.f32 v5, v3  }
0x1f5: {  	p0 =	sne.s32 s16, $0xF00;
	v8 =	vadd.f32 v4, v8;
	v5 =	vadd.f32 v0, v53  }
.Ltmp2:
0x1f6: {  	v60 =	vperm.xlane v33, v55;
	v4 =	vadd.f32 v3, v54;
	(pc) =	sbr.rel @p0 .LBB2_6-.Ltmp2, $4  }
0x1f7: {  	v8 =	vadd.f32 v59, v8;
	v61 =	vsub.f32 v5, v53  }
0x1f8: {  	v62 =	vsub.f32 v4, v54;
	v63 =	vsub.f32 v6, v7;
	v6 =	vand.u32 $0x7FFFFFFF, v60  }
0x1f9: {  	s16 =	sadd.s32 $0xA0, s16;
	s10 =	sadd.s32 $0xA0, s10;
	v7 =	vsub.f32 v61, v0;
	v0 =	vxor.u32 $0x80000000, v6  }
0x1fa: {  	s17 =	sadd.s32 $0xA0, s17;
	s18 =	sadd.s32 $0xA0, s18;
	s19 =	sadd.s32 $0xA0, s19;
	v6 =	vsub.f32 v62, v3;
	v38 =	vadd.f32 v63, v8;
	[tilespmem:v57+s14+$0x0] =	vst.idx.msk vm1, v0  }
0x1fb: {  	s16 =	simm.s32 $0x0;
	s10 =	rddreg [dreg:$0x11];
	s17 =	simm.s32 $0xAE00  }
0x1fc: {  	[tilespmem:s17], [sflag:$0x2] =	stream.linear.gather [hbm4b:s10+s16], $0xFA0, $0x38;
	[tilespmem:$0x11E80] =	vst v63  }
0x1fd: {  	s19 =	rddreg [dreg:$0x12];
	s20 =	simm.s32 $0xCE00  }
0x1fe: {  	[tilespmem:s20], [sflag:$0x2] =	stream.linear.gather [hbm4b:s19+s16], $0xFA0, $0x38;
	[tilespmem:$0x11E80] =	vst v63  }
0x1ff: {  	s18 =	rddreg [dreg:$0x13];
	s19 =	simm.s32 $0xEE00  }
0x200: {  	[tilespmem:s19], [sflag:$0x2] =	stream.linear.gather [hbm4b:s18+s16], $0xFA0, $0x38;
	[tilespmem:$0x11E80] =	vst v63  }
0x201: {  	s20 =	simm.s32 $0x10E00  }
0x202: {  	[tilespmem:s20], [sflag:$0x2] =	stream.linear.gather [hbm4b:s21+s16], $0xFA0, $0x38;
	[tilespmem:$0x11E80] =	vst v63  }
0x203: {  	_ =	swait.ge [sflag:s13], $0xFA0  }
0x204: {  	[sflag:s13] =	ssyncset.done $0x0  }
0x205: {  	[sflag:s13] =	ssyncadd.s32 $0xFFFFF060  }
0x206: {  	_ =	swait.ge [sflag:s13], $0xFA0  }
0x207: {  	[sflag:s13] =	ssyncset.done $0x0  }
0x208: {  	[sflag:s13] =	ssyncadd.s32 $0xFFFFF060  }
0x209: {  	_ =	swait.ge [sflag:s13], $0xFA0  }
0x20a: {  	[sflag:s13] =	ssyncset.done $0x0  }
0x20b: {  	[sflag:s13] =	ssyncadd.s32 $0xFFFFF060  }
0x20c: {  	_ =	swait.ge [sflag:s13], $0xFA0  }
0x20d: {  	s10 =	simm.s32 $0x9E50;
	s17 =	simm.s32 $0xBE50;
	[sflag:s13] =	ssyncset.done $0x0  }
0x20e: {  	s18 =	simm.s32 $0xDE50;
	s19 =	simm.s32 $0xFE50;
	[sflag:s13] =	ssyncadd.s32 $0xFFFFF060  }
.LBB2_8:
0x20f: {  	v0 =	vld [tilespmem:s17+$0xFFFFFFB0];
	_ =	sdelay $0x4  }
0x210: {  	v3 =	vshll.u32 v0, $0x4  }
0x211: {  	v3 =	vor.u32 v1, v3  }
0x212: {  	(xrf1) =	vsort.ascd.msk.u32 $0xffff, v3, v1;
	_ =	sdelay $0x7  }
0x213: {  	v3 =	vld [tilespmem:s10+$0xFFFFFFB0];
	_ =	sdelay $0x5  }
0x214: {  	v8, v9, _ =	vpop (xrf1)  }
0x215: {  	v20 =	vld [tilespmem:s19+$0xFFFFFFB0];
	v10 =	vshrl.u32 v8, $0x4  }
0x216: {  	v33 =	vld.idx.msk [tilespmem:v3+s2+$0x0], $0xffff;
	v8 =	vperm.xlane v10, v2  }
0x217: {  	v31 =	vld.idx.msk [tilespmem:v3+s4+$0x0], $0xffff  }
0x218: {  	v3 =	vld.idx.msk [tilespmem:v3+s5+$0x0], $0xffff;
	vm1 =	vne.s32 v10, v8  }
0x219: {  	vm1 =	vmor vm1, vm0;
	_ =	sdelay $0x1  }
0x21a: {  	v9 =	vperm.xlane v20, v9  }
0x21b: {  	v40 =	vld.idx.msk [tilespmem:v0+s2+$0x0], $0xffff  }
0x21c: {  	v37 =	vld.idx.msk [tilespmem:v0+s4+$0x0], $0xffff;
	[tilespmem:$0x1FFC0] =	vst v3;
	v3 =	vand.u32 $0x7FFFFFFF, v9  }
0x21d: {  	v9 =	vld.idx.msk [tilespmem:v0+s5+$0x0], $0xffff;
	v0 =	vxor.u32 $0x80000000, v3  }
0x21e: {  	v30 =	vld [tilespmem:s18+$0xFFFFFFB0];
	[tilespmem:v10+s14+$0x0] =	vst.idx.msk vm1, v0  }
0x21f: {  	v0 =	vld [tilespmem:s17+$0xFFFFFFC0];
	_ =	sdelay $0x4  }
0x220: {  	v3 =	vshll.u32 v0, $0x4  }
0x221: {  	v3 =	vor.u32 v1, v3  }
0x222: {  	(xrf1) =	vsort.ascd.msk.u32 $0xffff, v3, v1;
	_ =	sdelay $0xc  }
0x223: {  	v3 =	vld [tilespmem:s10+$0xFFFFFFC0]  }
0x224: {  	v48, v11, _ =	vpop (xrf1)  }
0x225: {  	v12 =	vshrl.u32 v48, $0x4  }
0x226: {  	v24 =	vld [tilespmem:s19+$0xFFFFFFC0];
	v10 =	vperm.xlane v12, v2;
	_ =	sdelay $0x1  }
0x227: {  	vm1 =	vne.s32 v12, v10  }
0x228: {  	v52 =	vld.idx.msk [tilespmem:v0+s2+$0x0], $0xffff;
	vm1 =	vmor vm1, vm0  }
0x229: {  	v45 =	vld.idx.msk [tilespmem:v0+s4+$0x0], $0xffff  }
0x22a: {  	v43 =	vld.idx.msk [tilespmem:v3+s4+$0x0], $0xffff;
	v11 =	vperm.xlane v24, v11  }
0x22b: {  	v48 =	vld.idx.msk [tilespmem:v3+s2+$0x0], $0xffff  }
0x22c: {  	v10 =	vld.idx.msk [tilespmem:v3+s5+$0x0], $0xffff;
	v3 =	vand.u32 $0x7FFFFFFF, v11  }
0x22d: {  	v11 =	vld.idx.msk [tilespmem:v0+s5+$0x0], $0xffff;
	v0 =	vxor.u32 $0x80000000, v3  }
0x22e: {  	v54 =	vld [tilespmem:s18+$0xFFFFFFC0];
	[tilespmem:v12+s14+$0x0] =	vst.idx.msk vm1, v0  }
0x22f: {  	v0 =	vld [tilespmem:s17+$0xFFFFFFD0];
	_ =	sdelay $0x4  }
0x230: {  	v3 =	vshll.u32 v0, $0x4  }
0x231: {  	v3 =	vor.u32 v1, v3  }
0x232: {  	(xrf1) =	vsort.ascd.msk.u32 $0xffff, v3, v1;
	_ =	sdelay $0xc  }
0x233: {  	v3 =	vld [tilespmem:s10+$0xFFFFFFD0]  }
0x234: {  	v49, v13, _ =	vpop (xrf1)  }
0x235: {  	v14 =	vshrl.u32 v49, $0x4  }
0x236: {  	v57 =	vld [tilespmem:s19+$0xFFFFFFD0];
	v12 =	vperm.xlane v14, v2;
	_ =	sdelay $0x1  }
0x237: {  	vm1 =	vne.s32 v14, v12  }
0x238: {  	v47 =	vld.idx.msk [tilespmem:v0+s2+$0x0], $0xffff;
	vm1 =	vmor vm1, vm0  }
0x239: {  	v34 =	vld.idx.msk [tilespmem:v0+s4+$0x0], $0xffff  }
0x23a: {  	v44 =	vld.idx.msk [tilespmem:v3+s2+$0x0], $0xffff;
	v13 =	vperm.xlane v57, v13  }
0x23b: {  	v28 =	vld.idx.msk [tilespmem:v3+s4+$0x0], $0xffff  }
0x23c: {  	v12 =	vld.idx.msk [tilespmem:v3+s5+$0x0], $0xffff;
	v3 =	vand.u32 $0x7FFFFFFF, v13  }
0x23d: {  	v13 =	vld.idx.msk [tilespmem:v0+s5+$0x0], $0xffff;
	v0 =	vxor.u32 $0x80000000, v3  }
0x23e: {  	v55 =	vld [tilespmem:s18+$0xFFFFFFD0];
	[tilespmem:v14+s14+$0x0] =	vst.idx.msk vm1, v0  }
0x23f: {  	v15 =	vld [tilespmem:s17+$0xFFFFFFE0];
	_ =	sdelay $0x4  }
0x240: {  	v0 =	vshll.u32 v15, $0x4  }
0x241: {  	v0 =	vor.u32 v1, v0  }
0x242: {  	(xrf1) =	vsort.ascd.msk.u32 $0xffff, v0, v1;
	_ =	sdelay $0xb  }
0x243: {  	v14 =	vld [tilespmem:s10+$0xFFFFFFE0];
	_ =	sdelay $0x1  }
0x244: {  	v0, v16, _ =	vpop (xrf1)  }
0x245: {  	v17 =	vshrl.u32 v0, $0x4  }
0x246: {  	v58 =	vld [tilespmem:s19+$0xFFFFFFE0];
	v0 =	vperm.xlane v17, v2;
	_ =	sdelay $0x1  }
0x247: {  	vm1 =	vne.s32 v17, v0  }
0x248: {  	v3 =	vld [tilespmem:s18+$0xFFFFFFE0];
	vm1 =	vmor vm1, vm0  }
0x249: {  	v29 =	vld.idx.msk [tilespmem:v14+s2+$0x0], $0xffff  }
0x24a: {  	v35 =	vld.idx.msk [tilespmem:v15+s2+$0x0], $0xffff;
	v16 =	vperm.xlane v58, v16  }
0x24b: {  	v8 =	vld.idx.msk [tilespmem:v14+s4+$0x0], $0xffff  }
0x24c: {  	v26 =	vld.idx.msk [tilespmem:v15+s4+$0x0], $0xffff;
	v16 =	vand.u32 $0x7FFFFFFF, v16  }
0x24d: {  	v14 =	vld.idx.msk [tilespmem:v14+s5+$0x0], $0xffff;
	v16 =	vxor.u32 $0x80000000, v16  }
0x24e: {  	v15 =	vld.idx.msk [tilespmem:v15+s5+$0x0], $0xffff;
	[tilespmem:v17+s14+$0x0] =	vst.idx.msk vm1, v16  }
0x24f: {  	v17 =	vld [tilespmem:s17+$0xFFFFFFF0];
	_ =	sdelay $0x4  }
0x250: {  	v50 =	vshll.u32 v17, $0x4  }
0x251: {  	v16 =	vor.u32 v1, v50  }
0x252: {  	(xrf1) =	vsort.ascd.msk.u32 $0xffff, v16, v1;
	_ =	sdelay $0xb  }
0x253: {  	v51 =	vld [tilespmem:s10+$0xFFFFFFF0];
	_ =	sdelay $0x1  }
0x254: {  	v18, v19, _ =	vpop (xrf1)  }
0x255: {  	v18 =	vshrl.u32 v18, $0x4  }
0x256: {  	v59 =	vld [tilespmem:s19+$0xFFFFFFF0];
	v21 =	vperm.xlane v18, v2;
	_ =	sdelay $0x1  }
0x257: {  	vm1 =	vne.s32 v18, v21  }
0x258: {  	v41 =	vld [tilespmem:s18+$0xFFFFFFF0];
	vm1 =	vmor vm1, vm0  }
0x259: {  	v36 =	vld.idx.msk [tilespmem:v51+s2+$0x0], $0xffff  }
0x25a: {  	v42 =	vld.idx.msk [tilespmem:v17+s2+$0x0], $0xffff;
	v19 =	vperm.xlane v59, v19  }
0x25b: {  	v32 =	vld.idx.msk [tilespmem:v51+s4+$0x0], $0xffff  }
0x25c: {  	v39 =	vld.idx.msk [tilespmem:v17+s4+$0x0], $0xffff;
	v19 =	vand.u32 $0x7FFFFFFF, v19  }
0x25d: {  	v16 =	vld.idx.msk [tilespmem:v51+s5+$0x0], $0xffff;
	v19 =	vxor.u32 $0x80000000, v19  }
0x25e: {  	v17 =	vld.idx.msk [tilespmem:v17+s5+$0x0], $0xffff;
	[tilespmem:v18+s14+$0x0] =	vst.idx.msk vm1, v19  }
0x25f: {  	v19 =	vld [tilespmem:s17+$0x0];
	_ =	sdelay $0x4  }
0x260: {  	v53 =	vshll.u32 v19, $0x4  }
0x261: {  	v18 =	vor.u32 v1, v53  }
0x262: {  	(xrf1) =	vsort.ascd.msk.u32 $0xffff, v18, v1;
	_ =	sdelay $0xb  }
0x263: {  	v56 =	vld [tilespmem:s10+$0x0];
	_ =	sdelay $0x1  }
0x264: {  	v60, v22, _ =	vpop (xrf1)  }
0x265: {  	v21 =	vshrl.u32 v60, $0x4  }
0x266: {  	v60 =	vld [tilespmem:s19+$0x0];
	v23 =	vperm.xlane v21, v2;
	_ =	sdelay $0x1  }
0x267: {  	vm1 =	vne.s32 v21, v23  }
0x268: {  	v49 =	vld [tilespmem:s18+$0x0];
	vm1 =	vmor vm1, vm0  }
0x269: {  	v46 =	vld.idx.msk [tilespmem:v56+s2+$0x0], $0xffff  }
0x26a: {  	v50 =	vld.idx.msk [tilespmem:v19+s2+$0x0], $0xffff;
	v22 =	vperm.xlane v60, v22  }
0x26b: {  	v25 =	vld.idx.msk [tilespmem:v56+s4+$0x0], $0xffff  }
0x26c: {  	v27 =	vld.idx.msk [tilespmem:v19+s4+$0x0], $0xffff;
	v22 =	vand.u32 $0x7FFFFFFF, v22  }
0x26d: {  	v18 =	vld.idx.msk [tilespmem:v56+s5+$0x0], $0xffff;
	v22 =	vxor.u32 $0x80000000, v22  }
0x26e: {  	v19 =	vld.idx.msk [tilespmem:v19+s5+$0x0], $0xffff;
	[tilespmem:v21+s14+$0x0] =	vst.idx.msk vm1, v22  }
0x26f: {  	v21 =	vld [tilespmem:s17+$0x10];
	_ =	sdelay $0x4  }
0x270: {  	v61 =	vshll.u32 v21, $0x4  }
0x271: {  	v22 =	vor.u32 v1, v61  }
0x272: {  	(xrf1) =	vsort.ascd.msk.u32 $0xffff, v22, v1;
	_ =	sdelay $0xc  }
0x273: {  	v61 =	vld [tilespmem:s10+$0x10]  }
0x274: {  	v22, v23, _ =	vpop (xrf1)  }
0x275: {  	v62 =	vshrl.u32 v22, $0x4  }
0x276: {  	v63 =	vld [tilespmem:s19+$0x10];
	v22 =	vperm.xlane v62, v2;
	_ =	sdelay $0x1  }
0x277: {  	vm1 =	vne.s32 v62, v22  }
0x278: {  	v56 =	vld [tilespmem:s18+$0x10];
	vm1 =	vmor vm1, vm0  }
0x279: {  	v53 =	vld.idx.msk [tilespmem:v21+s2+$0x0], $0xffff  }
0x27a: {  	v20 =	vmul.f32 v20, v20;
	v51 =	vld.idx.msk [tilespmem:v61+s2+$0x0], $0xffff;
	v0 =	vperm.xlane v63, v23  }
0x27b: {  	v23 =	vld.idx.msk [tilespmem:v21+s4+$0x0], $0xffff  }
0x27c: {  	(erf) = vrcp.f32 v20;
	v21 =	vld.idx.msk [tilespmem:v21+s5+$0x0], $0xffff;
	v0 =	vand.u32 $0x7FFFFFFF, v0  }
0x27d: {  	v22 =	vld.idx.msk [tilespmem:v61+s4+$0x0], $0xffff;
	v0 =	vxor.u32 $0x80000000, v0  }
0x27e: {  	v61 =	vld.idx.msk [tilespmem:v61+s5+$0x0], $0xffff;
	[tilespmem:v62+s14+$0x0] =	vst.idx.msk vm1, v0  }
0x27f: {  	v0 =	vld [tilespmem:s17+$0x20];
	_ =	sdelay $0x1  }
0x280: {  	v20 =	vmul.f32 v24, v24;
	_ =	sdelay $0x2  }
0x281: {  	(erf) = vrcp.f32 v20;
	v62 =	vshll.u32 v0, $0x4  }
0x282: {  	v20 =	vpop (erf);
	v24 =	vor.u32 v1, v62  }
0x283: {  	(xrf1) =	vsort.ascd.msk.u32 $0xffff, v24, v1;
	v24 =	vmul.f32 v20, v30;
	_ =	sdelay $0x1  }
0x284: {  	v62 =	vsub.f32 v33, v40;
	v20 =	vmul.f32 v24, v20;
	_ =	sdelay $0x1  }
0x285: {  	v33 =	vmul.f32 v57, v57;
	v20 =	vmul.f32 v20, v62  }
0x286: {  	v31 =	vsub.f32 v31, v37  }
0x287: {  	(erf) = vrcp.f32 v33;
	v7 =	vsub.f32 v20, v7  }
0x288: {  	v40 =	vpop (erf);
	v37 =	vmul.f32 v31, v24  }
0x289: {  	v54 =	vmul.f32 v40, v54;
	v30 =	vadd.f32 v7, v5  }
0x28a: {  	v6 =	vsub.f32 v37, v6  }
0x28b: {  	v57 =	vsub.f32 v48, v52;
	v24 =	vmul.f32 v54, v40;
	v5 =	vsub.f32 v30, v5  }
0x28c: {  	v37 =	vadd.f32 v6, v4  }
0x28d: {  	v58 =	vmul.f32 v58, v58;
	v5 =	vsub.f32 v5, v7;
	v7 =	vmul.f32 v24, v57  }
0x28e: {  	v43 =	vsub.f32 v43, v45;
	v4 =	vsub.f32 v37, v4  }
0x28f: {  	(erf) = vrcp.f32 v58;
	v24 =	vld [tilespmem:s19+$0x20];
	v48, v62, _ =	vpop (xrf1);
	v5 =	vsub.f32 v7, v5  }
0x290: {  	v20 =	vld [tilespmem:s10+$0x20];
	v4 =	vsub.f32 v4, v6;
	v6 =	vmul.f32 v43, v54;
	v54 =	vpop (erf);
	v33 =	vshrl.u32 v48, $0x4  }
0x291: {  	v48 =	vmul.f32 v54, v55;
	v52 =	vperm.xlane v33, v2;
	v43 =	vadd.f32 v5, v30  }
0x292: {  	v58 =	vsub.f32 v44, v47;
	v45 =	vsub.f32 v6, v4  }
0x293: {  	v57 =	vmul.f32 v48, v54;
	vm1 =	vne.s32 v33, v52;
	v4 =	vsub.f32 v43, v30  }
0x294: {  	v44 =	vld.idx.msk [tilespmem:v0+s2+$0x0], $0xffff;
	v40 =	vperm.xlane v24, v62;
	vm1 =	vmor vm1, vm0  }
0x295: {  	v7 =	vld [tilespmem:s18+$0x20];
	v30 =	vmul.f32 v57, v58;
	v5 =	vsub.f32 v4, v5  }
0x296: {  	v47 =	vadd.f32 v45, v37;
	v54 =	vld.idx.msk [tilespmem:v0+s4+$0x0], $0xffff;
	v40 =	vand.u32 $0x7FFFFFFF, v40  }
0x297: {  	v62 =	vmul.f32 v59, v59;
	v30 =	vsub.f32 v30, v5;
	v5 =	vld.idx.msk [tilespmem:v0+s5+$0x0], $0xffff;
	v0 =	vxor.u32 $0x80000000, v40  }
0x298: {  	v28 =	vsub.f32 v28, v34;
	v6 =	vld.idx.msk [tilespmem:v20+s2+$0x0], $0xffff  }
0x299: {  	v37 =	vsub.f32 v47, v37;
	v52 =	vld.idx.msk [tilespmem:v20+s4+$0x0], $0xffff;
	(erf) = vrcp.f32 v62  }
0x29a: {  	s20 =	sand.u32 $0x1FE0, s16;
	v28 =	vmul.f32 v28, v48;
	v4 =	vld.idx.msk [tilespmem:v20+s5+$0x0], $0xffff;
	[tilespmem:v33+s14+$0x0] =	vst.idx.msk vm1, v0;
	v0 =	vpop (erf)  }
0x29b: {  	v55 =	vsub.f32 v37, v45;
	v57 =	vadd.f32 v30, v43;
	v3 =	vmul.f32 v0, v3;
	v33 =	vld [tilespmem:s20+$0xBE80]  }
0x29c: {  	v29 =	vsub.f32 v29, v35  }
0x29d: {  	v20 =	vsub.f32 v28, v55;
	v58 =	vsub.f32 v57, v43;
	v0 =	vmul.f32 v3, v0  }
0x29e: {  	v8 =	vsub.f32 v8, v26;
	v62 =	vmul.f32 v60, v60  }
0x29f: {  	v59 =	vadd.f32 v20, v47;
	v28 =	vsub.f32 v58, v30;
	v0 =	vmul.f32 v0, v29  }
0x2a0: {  	(erf) = vrcp.f32 v62;
	v37 =	vshll.u32 v33, $0x4  }
0x2a1: {  	v35 =	vsub.f32 v59, v47;
	v0 =	vsub.f32 v0, v28;
	v26 =	vor.u32 v1, v37  }
0x2a2: {  	v3 =	vmul.f32 v8, v3;
	v8 =	vpop (erf);
	(xrf1) =	vsort.ascd.msk.u32 $0xffff, v26, v1  }
0x2a3: {  	v20 =	vsub.f32 v35, v20;
	v41 =	vmul.f32 v8, v41;
	v40 =	vadd.f32 v0, v57  }
0x2a4: {  	v45 =	vsub.f32 v36, v42  }
0x2a5: {  	v3 =	vsub.f32 v3, v20;
	v8 =	vmul.f32 v41, v8;
	v43 =	vsub.f32 v40, v57;
	_ =	sdelay $0x1  }
0x2a6: {  	v47 =	vadd.f32 v3, v59;
	v8 =	vmul.f32 v8, v45;
	v0 =	vsub.f32 v43, v0  }
0x2a7: {  	v48 =	vsub.f32 v32, v39  }
0x2a8: {  	v55 =	vsub.f32 v47, v59;
	v58 =	vpop (erf);
	v0 =	vsub.f32 v8, v0  }
0x2a9: {  	v60 =	vmul.f32 v58, v49  }
0x2aa: {  	v3 =	vsub.f32 v55, v3;
	v8 =	vmul.f32 v48, v41;
	v59 =	vadd.f32 v0, v40  }
0x2ab: {  	v62 =	vsub.f32 v46, v50  }
0x2ac: {  	v20 =	vmul.f32 v60, v58;
	v3 =	vsub.f32 v8, v3;
	v8 =	vsub.f32 v59, v40  }
0x2ad: {  	v57 =	vmul.f32 v63, v63  }
0x2ae: {  	v63 =	vld [tilespmem:s20+$0x9E80];
	v0 =	vsub.f32 v8, v0;
	v8 =	vmul.f32 v20, v62  }
0x2af: {  	(erf) = vrcp.f32 v57;
	v42, v43, _ =	vpop (xrf1)  }
0x2b0: {  	v0 =	vsub.f32 v8, v0;
	v8 =	vshrl.u32 v42, $0x4  }
0x2b1: {  	v45 =	vld [tilespmem:s20+$0xFE80];
	v26 =	vperm.xlane v8, v2  }
0x2b2: {  	v40 =	vadd.f32 v3, v47  }
0x2b3: {  	v25 =	vsub.f32 v25, v27;
	vm1 =	vne.s32 v8, v26  }
0x2b4: {  	v50 =	vsub.f32 v51, v53;
	v53 =	vld.idx.msk [tilespmem:v33+s2+$0x0], $0xffff;
	v41 =	vsub.f32 v40, v47;
	vm1 =	vmor vm1, vm0  }
0x2b5: {  	v24 =	vmul.f32 v24, v24;
	v49 =	vld [tilespmem:s20+$0xDE80]  }
0x2b6: {  	v25 =	vmul.f32 v25, v60;
	v51 =	vld.idx.msk [tilespmem:v63+s2+$0x0], $0xffff;
	v3 =	vsub.f32 v41, v3;
	v30 =	vperm.xlane v45, v43  }
0x2b7: {  	(erf) = vrcp.f32 v24;
	v55 =	vld.idx.msk [tilespmem:v63+s4+$0x0], $0xffff;
	v46 =	vadd.f32 v0, v59  }
0x2b8: {  	v31 =	vld.idx.msk [tilespmem:v63+s5+$0x0], $0xffff;
	v47 =	vpop (erf);
	v3 =	vsub.f32 v25, v3;
	v30 =	vand.u32 $0x7FFFFFFF, v30  }
0x2b9: {  	v48 =	vmul.f32 v47, v56;
	v56 =	vld.idx.msk [tilespmem:v33+s4+$0x0], $0xffff;
	v30 =	vxor.u32 $0x80000000, v30;
	v28 =	vsub.f32 v46, v59  }
0x2ba: {  	v57 =	vadd.f32 v3, v40;
	v59 =	vld.idx.msk [tilespmem:v33+s5+$0x0], $0xffff;
	[tilespmem:v8+s14+$0x0] =	vst.idx.msk vm1, v30;
	v8 =	vsub.f32 v22, v23;
	_ =	sdelay $0x1  }
0x2bb: {  	v58 =	vld [tilespmem:$0x1FFC0];
	v27 =	vmul.f32 v48, v47;
	v60 =	vsub.f32 v57, v40;
	v8 =	vmul.f32 v8, v48  }
0x2bc: {  	v62 =	vmul.f32 v45, v45  }
0x2bd: {  	v27 =	vmul.f32 v27, v50;
	v0 =	vsub.f32 v28, v0;
	v3 =	vsub.f32 v60, v3  }
0x2be: {  	v30 =	vld [tilespmem:s17+$0x40]  }
0x2bf: {  	(erf) = vrcp.f32 v62;
	v0 =	vsub.f32 v27, v0;
	v3 =	vsub.f32 v8, v3;
	v8 =	vpop (erf)  }
0x2c0: {  	v32 =	vsub.f32 v12, v13;
	v9 =	vsub.f32 v58, v9;
	v34 =	vld [tilespmem:s19+$0x40];
	v7 =	vmul.f32 v8, v7  }
0x2c1: {  	v6 =	vsub.f32 v6, v44;
	v63 =	vadd.f32 v0, v46  }
0x2c2: {  	v9 =	vadd.f32 v9, v38;
	v37 =	vadd.f32 v3, v57;
	v8 =	vmul.f32 v7, v8  }
0x2c3: {  	v40 =	vsub.f32 v52, v54;
	v33 =	vsub.f32 v63, v46;
	v38 =	vshll.u32 v30, $0x4  }
0x2c4: {  	v41 =	vld [tilespmem:s10+$0x40];
	v13 =	vor.u32 v1, v38;
	v39 =	vsub.f32 v37, v57;
	v6 =	vmul.f32 v8, v6  }
0x2c5: {  	v0 =	vsub.f32 v33, v0;
	(xrf1) =	vsort.ascd.msk.u32 $0xffff, v13, v1;
	v8 =	vmul.f32 v34, v34  }
0x2c6: {  	v10 =	vsub.f32 v10, v11;
	v7 =	vmul.f32 v40, v7;
	v3 =	vsub.f32 v39, v3  }
0x2c7: {  	v0 =	vsub.f32 v6, v0;
	(erf) = vrcp.f32 v8  }
0x2c8: {  	v9 =	vadd.f32 v10, v9;
	v3 =	vsub.f32 v7, v3;
	v6 =	vpop (erf)  }
0x2c9: {  	v35 =	vsub.f32 v14, v15;
	v7 =	vadd.f32 v0, v63;
	v42 =	vmul.f32 v6, v49  }
0x2ca: {  	v9 =	vadd.f32 v32, v9;
	v43 =	vadd.f32 v3, v37  }
0x2cb: {  	v45 =	vsub.f32 v51, v53;
	v46 =	vld [tilespmem:s18+$0x40];
	v44 =	vsub.f32 v7, v63;
	v6 =	vmul.f32 v42, v6  }
0x2cc: {  	v47 =	vsub.f32 v55, v56;
	v48 =	vld.idx.msk [tilespmem:v41+s2+$0x0], $0xffff;
	v11 =	vsub.f32 v43, v37  }
0x2cd: {  	v9 =	vadd.f32 v35, v9;
	v50 =	vld.idx.msk [tilespmem:v41+s4+$0x0], $0xffff;
	v0 =	vsub.f32 v44, v0;
	v6 =	vmul.f32 v6, v45  }
0x2ce: {  	v8 =	vsub.f32 v16, v17;
	v49 =	vld.idx.msk [tilespmem:v30+s2+$0x0], $0xffff;
	v3 =	vsub.f32 v11, v3;
	v10 =	vmul.f32 v47, v42  }
0x2cf: {  	v18 =	vsub.f32 v18, v19;
	v0 =	vsub.f32 v6, v0;
	v6 =	vld.idx.msk [tilespmem:v30+s4+$0x0], $0xffff  }
0x2d0: {  	v8 =	vadd.f32 v8, v9;
	v3 =	vsub.f32 v10, v3;
	v52 =	vpop (erf)  }
0x2d1: {  	v51 =	vsub.f32 v61, v21;
	v15 =	vmul.f32 v52, v46;
	v53 =	vadd.f32 v0, v7  }
0x2d2: {  	v8 =	vadd.f32 v18, v8;
	v54 =	vadd.f32 v3, v43  }
0x2d3: {  	v13 =	vsub.f32 v48, v49;
	v56, v55, _ =	vpop (xrf1);
	v10 =	vmul.f32 v15, v52;
	v7 =	vsub.f32 v53, v7  }
0x2d4: {  	v57 =	vshrl.u32 v56, $0x4;
	v9 =	vsub.f32 v54, v43;
	v6 =	vsub.f32 v50, v6  }
0x2d5: {  	v58 =	vperm.xlane v57, v2;
	v0 =	vsub.f32 v7, v0;
	v7 =	vmul.f32 v10, v13  }
0x2d6: {  	v4 =	vsub.f32 v4, v5;
	v3 =	vsub.f32 v9, v3;
	v5 =	vmul.f32 v6, v15;
	v6 =	vld.idx.msk [tilespmem:v41+s5+$0x0], $0xffff  }
0x2d7: {  	v8 =	vadd.f32 v51, v8;
	vm1 =	vne.s32 v57, v58;
	v0 =	vsub.f32 v7, v0;
	v7 =	vld.idx.msk [tilespmem:v30+s5+$0x0], $0xffff  }
0x2d8: {  	v59 =	vsub.f32 v31, v59;
	vm1 =	vmor vm1, vm0;
	v3 =	vsub.f32 v5, v3  }
0x2d9: {  	p0 =	sne.s32 s16, $0xF00;
	v8 =	vadd.f32 v4, v8;
	v5 =	vadd.f32 v0, v53  }
.Ltmp3:
0x2da: {  	v60 =	vperm.xlane v34, v55;
	v4 =	vadd.f32 v3, v54;
	(pc) =	sbr.rel @p0 .LBB2_8-.Ltmp3, $4  }
0x2db: {  	v8 =	vadd.f32 v59, v8;
	v61 =	vsub.f32 v5, v53  }
0x2dc: {  	v62 =	vsub.f32 v4, v54;
	v63 =	vsub.f32 v6, v7;
	v6 =	vand.u32 $0x7FFFFFFF, v60  }
0x2dd: {  	s16 =	sadd.s32 $0xA0, s16;
	s10 =	sadd.s32 $0xA0, s10;
	v7 =	vsub.f32 v61, v0;
	v0 =	vxor.u32 $0x80000000, v6  }
0x2de: {  	s17 =	sadd.s32 $0xA0, s17;
	s19 =	sadd.s32 $0xA0, s19;
	s18 =	sadd.s32 $0xA0, s18;
	v6 =	vsub.f32 v62, v3;
	v38 =	vadd.f32 v63, v8;
	[tilespmem:v57+s14+$0x0] =	vst.idx.msk vm1, v0  }
0x2df: {  	s16 =	simm.s32 $0x0  }
0x2e0: {  	[tilespmem:s6], [sflag:$0x1] =	stream.linear.gather [hbm4b:s22+s16], $0xFA0, $0x38;
	[tilespmem:$0x11E80] =	vst v63  }
0x2e1: {  	_ = 	snop  }
0x2e2: {  	[tilespmem:s7], [sflag:$0x1] =	stream.linear.gather [hbm4b:s23+s16], $0xFA0, $0x38;
	[tilespmem:$0x11E80] =	vst v63  }
0x2e3: {  	_ = 	snop  }
0x2e4: {  	[tilespmem:s8], [sflag:$0x1] =	stream.linear.gather [hbm4b:s24+s16], $0xFA0, $0x38;
	[tilespmem:$0x11E80] =	vst v63  }
0x2e5: {  	_ = 	snop  }
0x2e6: {  	[tilespmem:s9], [sflag:$0x1] =	stream.linear.gather [hbm4b:s26+s16], $0xFA0, $0x38;
	[tilespmem:$0x11E80] =	vst v63  }
0x2e7: {  	_ =	swait.ge [sflag:s11], $0xFA0  }
0x2e8: {  	[sflag:s11] =	ssyncset.done $0x0  }
0x2e9: {  	[sflag:s11] =	ssyncadd.s32 $0xFFFFF060  }
0x2ea: {  	_ =	swait.ge [sflag:s11], $0xFA0  }
0x2eb: {  	[sflag:s11] =	ssyncset.done $0x0  }
0x2ec: {  	[sflag:s11] =	ssyncadd.s32 $0xFFFFF060  }
0x2ed: {  	_ =	swait.ge [sflag:s11], $0xFA0  }
0x2ee: {  	[sflag:s11] =	ssyncset.done $0x0  }
0x2ef: {  	[sflag:s11] =	ssyncadd.s32 $0xFFFFF060  }
0x2f0: {  	_ =	swait.ge [sflag:s11], $0xFA0  }
0x2f1: {  	s10 =	simm.s32 $0xAE50;
	s17 =	simm.s32 $0xCE50;
	[sflag:s11] =	ssyncset.done $0x0  }
0x2f2: {  	s18 =	simm.s32 $0xEE50;
	s19 =	simm.s32 $0x10E50;
	[sflag:s11] =	ssyncadd.s32 $0xFFFFF060  }
.LBB2_10:
0x2f3: {  	v0 =	vld [tilespmem:s17+$0xFFFFFFB0];
	_ =	sdelay $0x4  }
0x2f4: {  	v3 =	vshll.u32 v0, $0x4  }
0x2f5: {  	v3 =	vor.u32 v1, v3  }
0x2f6: {  	(xrf1) =	vsort.ascd.msk.u32 $0xffff, v3, v1;
	_ =	sdelay $0x7  }
0x2f7: {  	v3 =	vld [tilespmem:s10+$0xFFFFFFB0];
	_ =	sdelay $0x5  }
0x2f8: {  	v8, v9, _ =	vpop (xrf1)  }
0x2f9: {  	v20 =	vld [tilespmem:s19+$0xFFFFFFB0];
	v10 =	vshrl.u32 v8, $0x4  }
0x2fa: {  	v33 =	vld.idx.msk [tilespmem:v3+s2+$0x0], $0xffff;
	v8 =	vperm.xlane v10, v2  }
0x2fb: {  	v31 =	vld.idx.msk [tilespmem:v3+s4+$0x0], $0xffff  }
0x2fc: {  	v3 =	vld.idx.msk [tilespmem:v3+s5+$0x0], $0xffff;
	vm1 =	vne.s32 v10, v8  }
0x2fd: {  	vm1 =	vmor vm1, vm0;
	_ =	sdelay $0x1  }
0x2fe: {  	v9 =	vperm.xlane v20, v9  }
0x2ff: {  	v40 =	vld.idx.msk [tilespmem:v0+s2+$0x0], $0xffff  }
0x300: {  	v37 =	vld.idx.msk [tilespmem:v0+s4+$0x0], $0xffff;
	[tilespmem:$0x1FFB0] =	vst v3;
	v3 =	vand.u32 $0x7FFFFFFF, v9  }
0x301: {  	v9 =	vld.idx.msk [tilespmem:v0+s5+$0x0], $0xffff;
	v0 =	vxor.u32 $0x80000000, v3  }
0x302: {  	v30 =	vld [tilespmem:s18+$0xFFFFFFB0];
	[tilespmem:v10+s14+$0x0] =	vst.idx.msk vm1, v0  }
0x303: {  	v0 =	vld [tilespmem:s17+$0xFFFFFFC0];
	_ =	sdelay $0x4  }
0x304: {  	v3 =	vshll.u32 v0, $0x4  }
0x305: {  	v3 =	vor.u32 v1, v3  }
0x306: {  	(xrf1) =	vsort.ascd.msk.u32 $0xffff, v3, v1;
	_ =	sdelay $0xc  }
0x307: {  	v3 =	vld [tilespmem:s10+$0xFFFFFFC0]  }
0x308: {  	v48, v11, _ =	vpop (xrf1)  }
0x309: {  	v12 =	vshrl.u32 v48, $0x4  }
0x30a: {  	v24 =	vld [tilespmem:s19+$0xFFFFFFC0];
	v10 =	vperm.xlane v12, v2;
	_ =	sdelay $0x1  }
0x30b: {  	vm1 =	vne.s32 v12, v10  }
0x30c: {  	v52 =	vld.idx.msk [tilespmem:v0+s2+$0x0], $0xffff;
	vm1 =	vmor vm1, vm0  }
0x30d: {  	v45 =	vld.idx.msk [tilespmem:v0+s4+$0x0], $0xffff  }
0x30e: {  	v43 =	vld.idx.msk [tilespmem:v3+s4+$0x0], $0xffff;
	v11 =	vperm.xlane v24, v11  }
0x30f: {  	v48 =	vld.idx.msk [tilespmem:v3+s2+$0x0], $0xffff  }
0x310: {  	v10 =	vld.idx.msk [tilespmem:v3+s5+$0x0], $0xffff;
	v3 =	vand.u32 $0x7FFFFFFF, v11  }
0x311: {  	v11 =	vld.idx.msk [tilespmem:v0+s5+$0x0], $0xffff;
	v0 =	vxor.u32 $0x80000000, v3  }
0x312: {  	v54 =	vld [tilespmem:s18+$0xFFFFFFC0];
	[tilespmem:v12+s14+$0x0] =	vst.idx.msk vm1, v0  }
0x313: {  	v0 =	vld [tilespmem:s17+$0xFFFFFFD0];
	_ =	sdelay $0x4  }
0x314: {  	v3 =	vshll.u32 v0, $0x4  }
0x315: {  	v3 =	vor.u32 v1, v3  }
0x316: {  	(xrf1) =	vsort.ascd.msk.u32 $0xffff, v3, v1;
	_ =	sdelay $0xc  }
0x317: {  	v3 =	vld [tilespmem:s10+$0xFFFFFFD0]  }
0x318: {  	v49, v13, _ =	vpop (xrf1)  }
0x319: {  	v14 =	vshrl.u32 v49, $0x4  }
0x31a: {  	v57 =	vld [tilespmem:s19+$0xFFFFFFD0];
	v12 =	vperm.xlane v14, v2;
	_ =	sdelay $0x1  }
0x31b: {  	vm1 =	vne.s32 v14, v12  }
0x31c: {  	v47 =	vld.idx.msk [tilespmem:v0+s2+$0x0], $0xffff;
	vm1 =	vmor vm1, vm0  }
0x31d: {  	v34 =	vld.idx.msk [tilespmem:v0+s4+$0x0], $0xffff  }
0x31e: {  	v44 =	vld.idx.msk [tilespmem:v3+s2+$0x0], $0xffff;
	v13 =	vperm.xlane v57, v13  }
0x31f: {  	v28 =	vld.idx.msk [tilespmem:v3+s4+$0x0], $0xffff  }
0x320: {  	v12 =	vld.idx.msk [tilespmem:v3+s5+$0x0], $0xffff;
	v3 =	vand.u32 $0x7FFFFFFF, v13  }
0x321: {  	v13 =	vld.idx.msk [tilespmem:v0+s5+$0x0], $0xffff;
	v0 =	vxor.u32 $0x80000000, v3  }
0x322: {  	v55 =	vld [tilespmem:s18+$0xFFFFFFD0];
	[tilespmem:v14+s14+$0x0] =	vst.idx.msk vm1, v0  }
0x323: {  	v15 =	vld [tilespmem:s17+$0xFFFFFFE0];
	_ =	sdelay $0x4  }
0x324: {  	v0 =	vshll.u32 v15, $0x4  }
0x325: {  	v0 =	vor.u32 v1, v0  }
0x326: {  	(xrf1) =	vsort.ascd.msk.u32 $0xffff, v0, v1;
	_ =	sdelay $0xb  }
0x327: {  	v14 =	vld [tilespmem:s10+$0xFFFFFFE0];
	_ =	sdelay $0x1  }
0x328: {  	v0, v16, _ =	vpop (xrf1)  }
0x329: {  	v17 =	vshrl.u32 v0, $0x4  }
0x32a: {  	v58 =	vld [tilespmem:s19+$0xFFFFFFE0];
	v0 =	vperm.xlane v17, v2;
	_ =	sdelay $0x1  }
0x32b: {  	vm1 =	vne.s32 v17, v0  }
0x32c: {  	v3 =	vld [tilespmem:s18+$0xFFFFFFE0];
	vm1 =	vmor vm1, vm0  }
0x32d: {  	v29 =	vld.idx.msk [tilespmem:v14+s2+$0x0], $0xffff  }
0x32e: {  	v35 =	vld.idx.msk [tilespmem:v15+s2+$0x0], $0xffff;
	v16 =	vperm.xlane v58, v16  }
0x32f: {  	v8 =	vld.idx.msk [tilespmem:v14+s4+$0x0], $0xffff  }
0x330: {  	v26 =	vld.idx.msk [tilespmem:v15+s4+$0x0], $0xffff;
	v16 =	vand.u32 $0x7FFFFFFF, v16  }
0x331: {  	v14 =	vld.idx.msk [tilespmem:v14+s5+$0x0], $0xffff;
	v16 =	vxor.u32 $0x80000000, v16  }
0x332: {  	v15 =	vld.idx.msk [tilespmem:v15+s5+$0x0], $0xffff;
	[tilespmem:v17+s14+$0x0] =	vst.idx.msk vm1, v16  }
0x333: {  	v17 =	vld [tilespmem:s17+$0xFFFFFFF0];
	_ =	sdelay $0x4  }
0x334: {  	v50 =	vshll.u32 v17, $0x4  }
0x335: {  	v16 =	vor.u32 v1, v50  }
0x336: {  	(xrf1) =	vsort.ascd.msk.u32 $0xffff, v16, v1;
	_ =	sdelay $0xb  }
0x337: {  	v51 =	vld [tilespmem:s10+$0xFFFFFFF0];
	_ =	sdelay $0x1  }
0x338: {  	v18, v19, _ =	vpop (xrf1)  }
0x339: {  	v18 =	vshrl.u32 v18, $0x4  }
0x33a: {  	v59 =	vld [tilespmem:s19+$0xFFFFFFF0];
	v21 =	vperm.xlane v18, v2;
	_ =	sdelay $0x1  }
0x33b: {  	vm1 =	vne.s32 v18, v21  }
0x33c: {  	v41 =	vld [tilespmem:s18+$0xFFFFFFF0];
	vm1 =	vmor vm1, vm0  }
0x33d: {  	v36 =	vld.idx.msk [tilespmem:v51+s2+$0x0], $0xffff  }
0x33e: {  	v42 =	vld.idx.msk [tilespmem:v17+s2+$0x0], $0xffff;
	v19 =	vperm.xlane v59, v19  }
0x33f: {  	v32 =	vld.idx.msk [tilespmem:v51+s4+$0x0], $0xffff  }
0x340: {  	v39 =	vld.idx.msk [tilespmem:v17+s4+$0x0], $0xffff;
	v19 =	vand.u32 $0x7FFFFFFF, v19  }
0x341: {  	v16 =	vld.idx.msk [tilespmem:v51+s5+$0x0], $0xffff;
	v19 =	vxor.u32 $0x80000000, v19  }
0x342: {  	v17 =	vld.idx.msk [tilespmem:v17+s5+$0x0], $0xffff;
	[tilespmem:v18+s14+$0x0] =	vst.idx.msk vm1, v19  }
0x343: {  	v19 =	vld [tilespmem:s17+$0x0];
	_ =	sdelay $0x4  }
0x344: {  	v53 =	vshll.u32 v19, $0x4  }
0x345: {  	v18 =	vor.u32 v1, v53  }
0x346: {  	(xrf1) =	vsort.ascd.msk.u32 $0xffff, v18, v1;
	_ =	sdelay $0xb  }
0x347: {  	v56 =	vld [tilespmem:s10+$0x0];
	_ =	sdelay $0x1  }
0x348: {  	v60, v22, _ =	vpop (xrf1)  }
0x349: {  	v21 =	vshrl.u32 v60, $0x4  }
0x34a: {  	v60 =	vld [tilespmem:s19+$0x0];
	v23 =	vperm.xlane v21, v2;
	_ =	sdelay $0x1  }
0x34b: {  	vm1 =	vne.s32 v21, v23  }
0x34c: {  	v49 =	vld [tilespmem:s18+$0x0];
	vm1 =	vmor vm1, vm0  }
0x34d: {  	v46 =	vld.idx.msk [tilespmem:v56+s2+$0x0], $0xffff  }
0x34e: {  	v50 =	vld.idx.msk [tilespmem:v19+s2+$0x0], $0xffff;
	v22 =	vperm.xlane v60, v22  }
0x34f: {  	v25 =	vld.idx.msk [tilespmem:v56+s4+$0x0], $0xffff  }
0x350: {  	v27 =	vld.idx.msk [tilespmem:v19+s4+$0x0], $0xffff;
	v22 =	vand.u32 $0x7FFFFFFF, v22  }
0x351: {  	v18 =	vld.idx.msk [tilespmem:v56+s5+$0x0], $0xffff;
	v22 =	vxor.u32 $0x80000000, v22  }
0x352: {  	v19 =	vld.idx.msk [tilespmem:v19+s5+$0x0], $0xffff;
	[tilespmem:v21+s14+$0x0] =	vst.idx.msk vm1, v22  }
0x353: {  	v21 =	vld [tilespmem:s17+$0x10];
	_ =	sdelay $0x4  }
0x354: {  	v61 =	vshll.u32 v21, $0x4  }
0x355: {  	v22 =	vor.u32 v1, v61  }
0x356: {  	(xrf1) =	vsort.ascd.msk.u32 $0xffff, v22, v1;
	_ =	sdelay $0xc  }
0x357: {  	v61 =	vld [tilespmem:s10+$0x10]  }
0x358: {  	v22, v23, _ =	vpop (xrf1)  }
0x359: {  	v62 =	vshrl.u32 v22, $0x4  }
0x35a: {  	v63 =	vld [tilespmem:s19+$0x10];
	v22 =	vperm.xlane v62, v2;
	_ =	sdelay $0x1  }
0x35b: {  	vm1 =	vne.s32 v62, v22  }
0x35c: {  	v56 =	vld [tilespmem:s18+$0x10];
	vm1 =	vmor vm1, vm0  }
0x35d: {  	v53 =	vld.idx.msk [tilespmem:v21+s2+$0x0], $0xffff  }
0x35e: {  	v20 =	vmul.f32 v20, v20;
	v51 =	vld.idx.msk [tilespmem:v61+s2+$0x0], $0xffff;
	v0 =	vperm.xlane v63, v23  }
0x35f: {  	v23 =	vld.idx.msk [tilespmem:v21+s4+$0x0], $0xffff  }
0x360: {  	(erf) = vrcp.f32 v20;
	v21 =	vld.idx.msk [tilespmem:v21+s5+$0x0], $0xffff;
	v0 =	vand.u32 $0x7FFFFFFF, v0  }
0x361: {  	v22 =	vld.idx.msk [tilespmem:v61+s4+$0x0], $0xffff;
	v0 =	vxor.u32 $0x80000000, v0  }
0x362: {  	v61 =	vld.idx.msk [tilespmem:v61+s5+$0x0], $0xffff;
	[tilespmem:v62+s14+$0x0] =	vst.idx.msk vm1, v0  }
0x363: {  	v0 =	vld [tilespmem:s17+$0x20];
	_ =	sdelay $0x1  }
0x364: {  	v20 =	vmul.f32 v24, v24;
	_ =	sdelay $0x2  }
0x365: {  	(erf) = vrcp.f32 v20;
	v62 =	vshll.u32 v0, $0x4  }
0x366: {  	v20 =	vpop (erf);
	v24 =	vor.u32 v1, v62  }
0x367: {  	(xrf1) =	vsort.ascd.msk.u32 $0xffff, v24, v1;
	v24 =	vmul.f32 v20, v30;
	_ =	sdelay $0x1  }
0x368: {  	v62 =	vsub.f32 v33, v40;
	v20 =	vmul.f32 v24, v20;
	_ =	sdelay $0x1  }
0x369: {  	v33 =	vmul.f32 v57, v57;
	v20 =	vmul.f32 v20, v62  }
0x36a: {  	v31 =	vsub.f32 v31, v37  }
0x36b: {  	(erf) = vrcp.f32 v33;
	v7 =	vsub.f32 v20, v7  }
0x36c: {  	v40 =	vpop (erf);
	v37 =	vmul.f32 v31, v24  }
0x36d: {  	v54 =	vmul.f32 v40, v54;
	v30 =	vadd.f32 v7, v5  }
0x36e: {  	v6 =	vsub.f32 v37, v6  }
0x36f: {  	v57 =	vsub.f32 v48, v52;
	v24 =	vmul.f32 v54, v40;
	v5 =	vsub.f32 v30, v5  }
0x370: {  	v37 =	vadd.f32 v6, v4  }
0x371: {  	v58 =	vmul.f32 v58, v58;
	v5 =	vsub.f32 v5, v7;
	v7 =	vmul.f32 v24, v57  }
0x372: {  	v43 =	vsub.f32 v43, v45;
	v4 =	vsub.f32 v37, v4  }
0x373: {  	(erf) = vrcp.f32 v58;
	v24 =	vld [tilespmem:s19+$0x20];
	v48, v62, _ =	vpop (xrf1);
	v5 =	vsub.f32 v7, v5  }
0x374: {  	v20 =	vld [tilespmem:s10+$0x20];
	v4 =	vsub.f32 v4, v6;
	v6 =	vmul.f32 v43, v54;
	v54 =	vpop (erf);
	v33 =	vshrl.u32 v48, $0x4  }
0x375: {  	v48 =	vmul.f32 v54, v55;
	v52 =	vperm.xlane v33, v2;
	v43 =	vadd.f32 v5, v30  }
0x376: {  	v58 =	vsub.f32 v44, v47;
	v45 =	vsub.f32 v6, v4  }
0x377: {  	v57 =	vmul.f32 v48, v54;
	vm1 =	vne.s32 v33, v52;
	v4 =	vsub.f32 v43, v30  }
0x378: {  	v44 =	vld.idx.msk [tilespmem:v0+s2+$0x0], $0xffff;
	v40 =	vperm.xlane v24, v62;
	vm1 =	vmor vm1, vm0  }
0x379: {  	v7 =	vld [tilespmem:s18+$0x20];
	v30 =	vmul.f32 v57, v58;
	v5 =	vsub.f32 v4, v5  }
0x37a: {  	v47 =	vadd.f32 v45, v37;
	v54 =	vld.idx.msk [tilespmem:v0+s4+$0x0], $0xffff;
	v40 =	vand.u32 $0x7FFFFFFF, v40  }
0x37b: {  	v62 =	vmul.f32 v59, v59;
	v30 =	vsub.f32 v30, v5;
	v5 =	vld.idx.msk [tilespmem:v0+s5+$0x0], $0xffff;
	v0 =	vxor.u32 $0x80000000, v40  }
0x37c: {  	v28 =	vsub.f32 v28, v34;
	v6 =	vld.idx.msk [tilespmem:v20+s2+$0x0], $0xffff  }
0x37d: {  	v37 =	vsub.f32 v47, v37;
	v52 =	vld.idx.msk [tilespmem:v20+s4+$0x0], $0xffff;
	(erf) = vrcp.f32 v62  }
0x37e: {  	s20 =	sand.u32 $0x1FE0, s16;
	v28 =	vmul.f32 v28, v48;
	v4 =	vld.idx.msk [tilespmem:v20+s5+$0x0], $0xffff;
	[tilespmem:v33+s14+$0x0] =	vst.idx.msk vm1, v0;
	v0 =	vpop (erf)  }
0x37f: {  	v55 =	vsub.f32 v37, v45;
	v57 =	vadd.f32 v30, v43;
	v3 =	vmul.f32 v0, v3;
	v33 =	vld [tilespmem:s20+$0xCE80]  }
0x380: {  	v29 =	vsub.f32 v29, v35  }
0x381: {  	v20 =	vsub.f32 v28, v55;
	v58 =	vsub.f32 v57, v43;
	v0 =	vmul.f32 v3, v0  }
0x382: {  	v8 =	vsub.f32 v8, v26;
	v62 =	vmul.f32 v60, v60  }
0x383: {  	v59 =	vadd.f32 v20, v47;
	v28 =	vsub.f32 v58, v30;
	v0 =	vmul.f32 v0, v29  }
0x384: {  	(erf) = vrcp.f32 v62;
	v37 =	vshll.u32 v33, $0x4  }
0x385: {  	v35 =	vsub.f32 v59, v47;
	v0 =	vsub.f32 v0, v28;
	v26 =	vor.u32 v1, v37  }
0x386: {  	v3 =	vmul.f32 v8, v3;
	v8 =	vpop (erf);
	(xrf1) =	vsort.ascd.msk.u32 $0xffff, v26, v1  }
0x387: {  	v20 =	vsub.f32 v35, v20;
	v41 =	vmul.f32 v8, v41;
	v40 =	vadd.f32 v0, v57  }
0x388: {  	v45 =	vsub.f32 v36, v42  }
0x389: {  	v3 =	vsub.f32 v3, v20;
	v8 =	vmul.f32 v41, v8;
	v43 =	vsub.f32 v40, v57;
	_ =	sdelay $0x1  }
0x38a: {  	v47 =	vadd.f32 v3, v59;
	v8 =	vmul.f32 v8, v45;
	v0 =	vsub.f32 v43, v0  }
0x38b: {  	v48 =	vsub.f32 v32, v39  }
0x38c: {  	v55 =	vsub.f32 v47, v59;
	v58 =	vpop (erf);
	v0 =	vsub.f32 v8, v0  }
0x38d: {  	v60 =	vmul.f32 v58, v49  }
0x38e: {  	v3 =	vsub.f32 v55, v3;
	v8 =	vmul.f32 v48, v41;
	v59 =	vadd.f32 v0, v40  }
0x38f: {  	v62 =	vsub.f32 v46, v50  }
0x390: {  	v20 =	vmul.f32 v60, v58;
	v3 =	vsub.f32 v8, v3;
	v8 =	vsub.f32 v59, v40  }
0x391: {  	v57 =	vmul.f32 v63, v63  }
0x392: {  	v63 =	vld [tilespmem:s20+$0xAE80];
	v0 =	vsub.f32 v8, v0;
	v8 =	vmul.f32 v20, v62  }
0x393: {  	(erf) = vrcp.f32 v57;
	v42, v43, _ =	vpop (xrf1)  }
0x394: {  	v0 =	vsub.f32 v8, v0;
	v8 =	vshrl.u32 v42, $0x4  }
0x395: {  	v45 =	vld [tilespmem:s20+$0x10E80];
	v26 =	vperm.xlane v8, v2  }
0x396: {  	v40 =	vadd.f32 v3, v47  }
0x397: {  	v25 =	vsub.f32 v25, v27;
	vm1 =	vne.s32 v8, v26  }
0x398: {  	v50 =	vsub.f32 v51, v53;
	v53 =	vld.idx.msk [tilespmem:v33+s2+$0x0], $0xffff;
	v41 =	vsub.f32 v40, v47;
	vm1 =	vmor vm1, vm0  }
0x399: {  	v24 =	vmul.f32 v24, v24;
	v49 =	vld [tilespmem:s20+$0xEE80]  }
0x39a: {  	v25 =	vmul.f32 v25, v60;
	v51 =	vld.idx.msk [tilespmem:v63+s2+$0x0], $0xffff;
	v3 =	vsub.f32 v41, v3;
	v30 =	vperm.xlane v45, v43  }
0x39b: {  	(erf) = vrcp.f32 v24;
	v55 =	vld.idx.msk [tilespmem:v63+s4+$0x0], $0xffff;
	v46 =	vadd.f32 v0, v59  }
0x39c: {  	v31 =	vld.idx.msk [tilespmem:v63+s5+$0x0], $0xffff;
	v47 =	vpop (erf);
	v3 =	vsub.f32 v25, v3;
	v30 =	vand.u32 $0x7FFFFFFF, v30  }
0x39d: {  	v48 =	vmul.f32 v47, v56;
	v56 =	vld.idx.msk [tilespmem:v33+s4+$0x0], $0xffff;
	v30 =	vxor.u32 $0x80000000, v30;
	v28 =	vsub.f32 v46, v59  }
0x39e: {  	v57 =	vadd.f32 v3, v40;
	v59 =	vld.idx.msk [tilespmem:v33+s5+$0x0], $0xffff;
	[tilespmem:v8+s14+$0x0] =	vst.idx.msk vm1, v30;
	v8 =	vsub.f32 v22, v23;
	_ =	sdelay $0x1  }
0x39f: {  	v58 =	vld [tilespmem:$0x1FFB0];
	v27 =	vmul.f32 v48, v47;
	v60 =	vsub.f32 v57, v40;
	v8 =	vmul.f32 v8, v48  }
0x3a0: {  	v62 =	vmul.f32 v45, v45  }
0x3a1: {  	v27 =	vmul.f32 v27, v50;
	v0 =	vsub.f32 v28, v0;
	v3 =	vsub.f32 v60, v3  }
0x3a2: {  	v30 =	vld [tilespmem:s17+$0x40]  }
0x3a3: {  	(erf) = vrcp.f32 v62;
	v0 =	vsub.f32 v27, v0;
	v3 =	vsub.f32 v8, v3;
	v8 =	vpop (erf)  }
0x3a4: {  	v32 =	vsub.f32 v12, v13;
	v9 =	vsub.f32 v58, v9;
	v34 =	vld [tilespmem:s19+$0x40];
	v7 =	vmul.f32 v8, v7  }
0x3a5: {  	v6 =	vsub.f32 v6, v44;
	v63 =	vadd.f32 v0, v46  }
0x3a6: {  	v9 =	vadd.f32 v9, v38;
	v37 =	vadd.f32 v3, v57;
	v8 =	vmul.f32 v7, v8  }
0x3a7: {  	v40 =	vsub.f32 v52, v54;
	v33 =	vsub.f32 v63, v46;
	v38 =	vshll.u32 v30, $0x4  }
0x3a8: {  	v41 =	vld [tilespmem:s10+$0x40];
	v13 =	vor.u32 v1, v38;
	v39 =	vsub.f32 v37, v57;
	v6 =	vmul.f32 v8, v6  }
0x3a9: {  	v0 =	vsub.f32 v33, v0;
	(xrf1) =	vsort.ascd.msk.u32 $0xffff, v13, v1;
	v8 =	vmul.f32 v34, v34  }
0x3aa: {  	v10 =	vsub.f32 v10, v11;
	v7 =	vmul.f32 v40, v7;
	v3 =	vsub.f32 v39, v3  }
0x3ab: {  	v0 =	vsub.f32 v6, v0;
	(erf) = vrcp.f32 v8  }
0x3ac: {  	v9 =	vadd.f32 v10, v9;
	v3 =	vsub.f32 v7, v3;
	v6 =	vpop (erf)  }
0x3ad: {  	v35 =	vsub.f32 v14, v15;
	v7 =	vadd.f32 v0, v63;
	v42 =	vmul.f32 v6, v49  }
0x3ae: {  	v9 =	vadd.f32 v32, v9;
	v43 =	vadd.f32 v3, v37  }
0x3af: {  	v45 =	vsub.f32 v51, v53;
	v46 =	vld [tilespmem:s18+$0x40];
	v44 =	vsub.f32 v7, v63;
	v6 =	vmul.f32 v42, v6  }
0x3b0: {  	v47 =	vsub.f32 v55, v56;
	v48 =	vld.idx.msk [tilespmem:v41+s2+$0x0], $0xffff;
	v11 =	vsub.f32 v43, v37  }
0x3b1: {  	v9 =	vadd.f32 v35, v9;
	v50 =	vld.idx.msk [tilespmem:v41+s4+$0x0], $0xffff;
	v0 =	vsub.f32 v44, v0;
	v6 =	vmul.f32 v6, v45  }
0x3b2: {  	v8 =	vsub.f32 v16, v17;
	v49 =	vld.idx.msk [tilespmem:v30+s2+$0x0], $0xffff;
	v3 =	vsub.f32 v11, v3;
	v10 =	vmul.f32 v47, v42  }
0x3b3: {  	v18 =	vsub.f32 v18, v19;
	v0 =	vsub.f32 v6, v0;
	v6 =	vld.idx.msk [tilespmem:v30+s4+$0x0], $0xffff  }
0x3b4: {  	v8 =	vadd.f32 v8, v9;
	v3 =	vsub.f32 v10, v3;
	v52 =	vpop (erf)  }
0x3b5: {  	v51 =	vsub.f32 v61, v21;
	v15 =	vmul.f32 v52, v46;
	v53 =	vadd.f32 v0, v7  }
0x3b6: {  	v8 =	vadd.f32 v18, v8;
	v54 =	vadd.f32 v3, v43  }
0x3b7: {  	v13 =	vsub.f32 v48, v49;
	v56, v55, _ =	vpop (xrf1);
	v10 =	vmul.f32 v15, v52;
	v7 =	vsub.f32 v53, v7  }
0x3b8: {  	v57 =	vshrl.u32 v56, $0x4;
	v9 =	vsub.f32 v54, v43;
	v6 =	vsub.f32 v50, v6  }
0x3b9: {  	v58 =	vperm.xlane v57, v2;
	v0 =	vsub.f32 v7, v0;
	v7 =	vmul.f32 v10, v13  }
0x3ba: {  	v4 =	vsub.f32 v4, v5;
	v3 =	vsub.f32 v9, v3;
	v5 =	vmul.f32 v6, v15;
	v6 =	vld.idx.msk [tilespmem:v41+s5+$0x0], $0xffff  }
0x3bb: {  	v8 =	vadd.f32 v51, v8;
	vm1 =	vne.s32 v57, v58;
	v0 =	vsub.f32 v7, v0;
	v7 =	vld.idx.msk [tilespmem:v30+s5+$0x0], $0xffff  }
0x3bc: {  	v59 =	vsub.f32 v31, v59;
	vm1 =	vmor vm1, vm0;
	v3 =	vsub.f32 v5, v3  }
0x3bd: {  	p0 =	sne.s32 s16, $0xF00;
	v8 =	vadd.f32 v4, v8;
	v5 =	vadd.f32 v0, v53  }
.Ltmp4:
0x3be: {  	v60 =	vperm.xlane v34, v55;
	v4 =	vadd.f32 v3, v54;
	(pc) =	sbr.rel @p0 .LBB2_10-.Ltmp4, $4  }
0x3bf: {  	v8 =	vadd.f32 v59, v8;
	v61 =	vsub.f32 v5, v53  }
0x3c0: {  	v62 =	vsub.f32 v4, v54;
	v63 =	vsub.f32 v6, v7;
	v6 =	vand.u32 $0x7FFFFFFF, v60  }
0x3c1: {  	s16 =	sadd.s32 $0xA0, s16;
	s10 =	sadd.s32 $0xA0, s10;
	v7 =	vsub.f32 v61, v0;
	v0 =	vxor.u32 $0x80000000, v6  }
0x3c2: {  	s17 =	sadd.s32 $0xA0, s17;
	s19 =	sadd.s32 $0xA0, s19;
	s18 =	sadd.s32 $0xA0, s18;
	v6 =	vsub.f32 v62, v3;
	v38 =	vadd.f32 v63, v8;
	[tilespmem:v57+s14+$0x0] =	vst.idx.msk vm1, v0  }
0x3c3: {  	_ =	swait.ge [sflag:s13], $0xFA0  }
0x3c4: {  	[sflag:s13] =	ssyncset.done $0x0  }
0x3c5: {  	[sflag:s13] =	ssyncadd.s32 $0xFFFFF060  }
0x3c6: {  	_ =	swait.ge [sflag:s13], $0xFA0  }
0x3c7: {  	[sflag:s13] =	ssyncset.done $0x0  }
0x3c8: {  	[sflag:s13] =	ssyncadd.s32 $0xFFFFF060  }
0x3c9: {  	_ =	swait.ge [sflag:s13], $0xFA0  }
0x3ca: {  	[sflag:s13] =	ssyncset.done $0x0  }
0x3cb: {  	[sflag:s13] =	ssyncadd.s32 $0xFFFFF060  }
0x3cc: {  	s10 =	simm.s32 $0x0;
	_ =	swait.ge [sflag:s13], $0xFA0  }
0x3cd: {  	s16 =	simm.s32 $0x9E50;
	s17 =	simm.s32 $0xBE50;
	[sflag:s13] =	ssyncset.done $0x0  }
0x3ce: {  	s18 =	simm.s32 $0xDE50;
	s19 =	simm.s32 $0xFE50;
	[sflag:s13] =	ssyncadd.s32 $0xFFFFF060  }
.LBB2_12:
0x3cf: {  	v0 =	vld [tilespmem:s17+$0xFFFFFFB0];
	_ =	sdelay $0x4  }
0x3d0: {  	v3 =	vshll.u32 v0, $0x4  }
0x3d1: {  	v3 =	vor.u32 v1, v3  }
0x3d2: {  	(xrf1) =	vsort.ascd.msk.u32 $0xffff, v3, v1;
	_ =	sdelay $0x7  }
0x3d3: {  	v3 =	vld [tilespmem:s16+$0xFFFFFFB0];
	_ =	sdelay $0x5  }
0x3d4: {  	v8, v9, _ =	vpop (xrf1)  }
0x3d5: {  	v20 =	vld [tilespmem:s19+$0xFFFFFFB0];
	v10 =	vshrl.u32 v8, $0x4  }
0x3d6: {  	v33 =	vld.idx.msk [tilespmem:v3+s2+$0x0], $0xffff;
	v8 =	vperm.xlane v10, v2  }
0x3d7: {  	v31 =	vld.idx.msk [tilespmem:v3+s4+$0x0], $0xffff  }
0x3d8: {  	v3 =	vld.idx.msk [tilespmem:v3+s5+$0x0], $0xffff;
	vm1 =	vne.s32 v10, v8  }
0x3d9: {  	vm1 =	vmor vm1, vm0;
	_ =	sdelay $0x1  }
0x3da: {  	v9 =	vperm.xlane v20, v9  }
0x3db: {  	v40 =	vld.idx.msk [tilespmem:v0+s2+$0x0], $0xffff  }
0x3dc: {  	v37 =	vld.idx.msk [tilespmem:v0+s4+$0x0], $0xffff;
	[tilespmem:$0x1FFA0] =	vst v3;
	v3 =	vand.u32 $0x7FFFFFFF, v9  }
0x3dd: {  	v9 =	vld.idx.msk [tilespmem:v0+s5+$0x0], $0xffff;
	v0 =	vxor.u32 $0x80000000, v3  }
0x3de: {  	v30 =	vld [tilespmem:s18+$0xFFFFFFB0];
	[tilespmem:v10+s14+$0x0] =	vst.idx.msk vm1, v0  }
0x3df: {  	v0 =	vld [tilespmem:s17+$0xFFFFFFC0];
	_ =	sdelay $0x4  }
0x3e0: {  	v3 =	vshll.u32 v0, $0x4  }
0x3e1: {  	v3 =	vor.u32 v1, v3  }
0x3e2: {  	(xrf1) =	vsort.ascd.msk.u32 $0xffff, v3, v1;
	_ =	sdelay $0xc  }
0x3e3: {  	v3 =	vld [tilespmem:s16+$0xFFFFFFC0]  }
0x3e4: {  	v48, v11, _ =	vpop (xrf1)  }
0x3e5: {  	v12 =	vshrl.u32 v48, $0x4  }
0x3e6: {  	v24 =	vld [tilespmem:s19+$0xFFFFFFC0];
	v10 =	vperm.xlane v12, v2;
	_ =	sdelay $0x1  }
0x3e7: {  	vm1 =	vne.s32 v12, v10  }
0x3e8: {  	v52 =	vld.idx.msk [tilespmem:v0+s2+$0x0], $0xffff;
	vm1 =	vmor vm1, vm0  }
0x3e9: {  	v45 =	vld.idx.msk [tilespmem:v0+s4+$0x0], $0xffff  }
0x3ea: {  	v43 =	vld.idx.msk [tilespmem:v3+s4+$0x0], $0xffff;
	v11 =	vperm.xlane v24, v11  }
0x3eb: {  	v48 =	vld.idx.msk [tilespmem:v3+s2+$0x0], $0xffff  }
0x3ec: {  	v10 =	vld.idx.msk [tilespmem:v3+s5+$0x0], $0xffff;
	v3 =	vand.u32 $0x7FFFFFFF, v11  }
0x3ed: {  	v11 =	vld.idx.msk [tilespmem:v0+s5+$0x0], $0xffff;
	v0 =	vxor.u32 $0x80000000, v3  }
0x3ee: {  	v54 =	vld [tilespmem:s18+$0xFFFFFFC0];
	[tilespmem:v12+s14+$0x0] =	vst.idx.msk vm1, v0  }
0x3ef: {  	v0 =	vld [tilespmem:s17+$0xFFFFFFD0];
	_ =	sdelay $0x4  }
0x3f0: {  	v3 =	vshll.u32 v0, $0x4  }
0x3f1: {  	v3 =	vor.u32 v1, v3  }
0x3f2: {  	(xrf1) =	vsort.ascd.msk.u32 $0xffff, v3, v1;
	_ =	sdelay $0xc  }
0x3f3: {  	v3 =	vld [tilespmem:s16+$0xFFFFFFD0]  }
0x3f4: {  	v49, v13, _ =	vpop (xrf1)  }
0x3f5: {  	v14 =	vshrl.u32 v49, $0x4  }
0x3f6: {  	v57 =	vld [tilespmem:s19+$0xFFFFFFD0];
	v12 =	vperm.xlane v14, v2;
	_ =	sdelay $0x1  }
0x3f7: {  	vm1 =	vne.s32 v14, v12  }
0x3f8: {  	v47 =	vld.idx.msk [tilespmem:v0+s2+$0x0], $0xffff;
	vm1 =	vmor vm1, vm0  }
0x3f9: {  	v34 =	vld.idx.msk [tilespmem:v0+s4+$0x0], $0xffff  }
0x3fa: {  	v44 =	vld.idx.msk [tilespmem:v3+s2+$0x0], $0xffff;
	v13 =	vperm.xlane v57, v13  }
0x3fb: {  	v28 =	vld.idx.msk [tilespmem:v3+s4+$0x0], $0xffff  }
0x3fc: {  	v12 =	vld.idx.msk [tilespmem:v3+s5+$0x0], $0xffff;
	v3 =	vand.u32 $0x7FFFFFFF, v13  }
0x3fd: {  	v13 =	vld.idx.msk [tilespmem:v0+s5+$0x0], $0xffff;
	v0 =	vxor.u32 $0x80000000, v3  }
0x3fe: {  	v55 =	vld [tilespmem:s18+$0xFFFFFFD0];
	[tilespmem:v14+s14+$0x0] =	vst.idx.msk vm1, v0  }
0x3ff: {  	v15 =	vld [tilespmem:s17+$0xFFFFFFE0];
	_ =	sdelay $0x4  }
0x400: {  	v0 =	vshll.u32 v15, $0x4  }
0x401: {  	v0 =	vor.u32 v1, v0  }
0x402: {  	(xrf1) =	vsort.ascd.msk.u32 $0xffff, v0, v1;
	_ =	sdelay $0xb  }
0x403: {  	v14 =	vld [tilespmem:s16+$0xFFFFFFE0];
	_ =	sdelay $0x1  }
0x404: {  	v0, v16, _ =	vpop (xrf1)  }
0x405: {  	v17 =	vshrl.u32 v0, $0x4  }
0x406: {  	v58 =	vld [tilespmem:s19+$0xFFFFFFE0];
	v0 =	vperm.xlane v17, v2;
	_ =	sdelay $0x1  }
0x407: {  	vm1 =	vne.s32 v17, v0  }
0x408: {  	v3 =	vld [tilespmem:s18+$0xFFFFFFE0];
	vm1 =	vmor vm1, vm0  }
0x409: {  	v29 =	vld.idx.msk [tilespmem:v14+s2+$0x0], $0xffff  }
0x40a: {  	v35 =	vld.idx.msk [tilespmem:v15+s2+$0x0], $0xffff;
	v16 =	vperm.xlane v58, v16  }
0x40b: {  	v8 =	vld.idx.msk [tilespmem:v14+s4+$0x0], $0xffff  }
0x40c: {  	v26 =	vld.idx.msk [tilespmem:v15+s4+$0x0], $0xffff;
	v16 =	vand.u32 $0x7FFFFFFF, v16  }
0x40d: {  	v14 =	vld.idx.msk [tilespmem:v14+s5+$0x0], $0xffff;
	v16 =	vxor.u32 $0x80000000, v16  }
0x40e: {  	v15 =	vld.idx.msk [tilespmem:v15+s5+$0x0], $0xffff;
	[tilespmem:v17+s14+$0x0] =	vst.idx.msk vm1, v16  }
0x40f: {  	v17 =	vld [tilespmem:s17+$0xFFFFFFF0];
	_ =	sdelay $0x4  }
0x410: {  	v50 =	vshll.u32 v17, $0x4  }
0x411: {  	v16 =	vor.u32 v1, v50  }
0x412: {  	(xrf1) =	vsort.ascd.msk.u32 $0xffff, v16, v1;
	_ =	sdelay $0xb  }
0x413: {  	v51 =	vld [tilespmem:s16+$0xFFFFFFF0];
	_ =	sdelay $0x1  }
0x414: {  	v18, v19, _ =	vpop (xrf1)  }
0x415: {  	v18 =	vshrl.u32 v18, $0x4  }
0x416: {  	v59 =	vld [tilespmem:s19+$0xFFFFFFF0];
	v21 =	vperm.xlane v18, v2;
	_ =	sdelay $0x1  }
0x417: {  	vm1 =	vne.s32 v18, v21  }
0x418: {  	v41 =	vld [tilespmem:s18+$0xFFFFFFF0];
	vm1 =	vmor vm1, vm0  }
0x419: {  	v36 =	vld.idx.msk [tilespmem:v51+s2+$0x0], $0xffff  }
0x41a: {  	v42 =	vld.idx.msk [tilespmem:v17+s2+$0x0], $0xffff;
	v19 =	vperm.xlane v59, v19  }
0x41b: {  	v32 =	vld.idx.msk [tilespmem:v51+s4+$0x0], $0xffff  }
0x41c: {  	v39 =	vld.idx.msk [tilespmem:v17+s4+$0x0], $0xffff;
	v19 =	vand.u32 $0x7FFFFFFF, v19  }
0x41d: {  	v16 =	vld.idx.msk [tilespmem:v51+s5+$0x0], $0xffff;
	v19 =	vxor.u32 $0x80000000, v19  }
0x41e: {  	v17 =	vld.idx.msk [tilespmem:v17+s5+$0x0], $0xffff;
	[tilespmem:v18+s14+$0x0] =	vst.idx.msk vm1, v19  }
0x41f: {  	v19 =	vld [tilespmem:s17+$0x0];
	_ =	sdelay $0x4  }
0x420: {  	v53 =	vshll.u32 v19, $0x4  }
0x421: {  	v18 =	vor.u32 v1, v53  }
0x422: {  	(xrf1) =	vsort.ascd.msk.u32 $0xffff, v18, v1;
	_ =	sdelay $0xb  }
0x423: {  	v56 =	vld [tilespmem:s16+$0x0];
	_ =	sdelay $0x1  }
0x424: {  	v60, v22, _ =	vpop (xrf1)  }
0x425: {  	v21 =	vshrl.u32 v60, $0x4  }
0x426: {  	v60 =	vld [tilespmem:s19+$0x0];
	v23 =	vperm.xlane v21, v2;
	_ =	sdelay $0x1  }
0x427: {  	vm1 =	vne.s32 v21, v23  }
0x428: {  	v49 =	vld [tilespmem:s18+$0x0];
	vm1 =	vmor vm1, vm0  }
0x429: {  	v46 =	vld.idx.msk [tilespmem:v56+s2+$0x0], $0xffff  }
0x42a: {  	v50 =	vld.idx.msk [tilespmem:v19+s2+$0x0], $0xffff;
	v22 =	vperm.xlane v60, v22  }
0x42b: {  	v25 =	vld.idx.msk [tilespmem:v56+s4+$0x0], $0xffff  }
0x42c: {  	v27 =	vld.idx.msk [tilespmem:v19+s4+$0x0], $0xffff;
	v22 =	vand.u32 $0x7FFFFFFF, v22  }
0x42d: {  	v18 =	vld.idx.msk [tilespmem:v56+s5+$0x0], $0xffff;
	v22 =	vxor.u32 $0x80000000, v22  }
0x42e: {  	v19 =	vld.idx.msk [tilespmem:v19+s5+$0x0], $0xffff;
	[tilespmem:v21+s14+$0x0] =	vst.idx.msk vm1, v22  }
0x42f: {  	v21 =	vld [tilespmem:s17+$0x10];
	_ =	sdelay $0x4  }
0x430: {  	v61 =	vshll.u32 v21, $0x4  }
0x431: {  	v22 =	vor.u32 v1, v61  }
0x432: {  	(xrf1) =	vsort.ascd.msk.u32 $0xffff, v22, v1;
	_ =	sdelay $0xc  }
0x433: {  	v61 =	vld [tilespmem:s16+$0x10]  }
0x434: {  	v22, v23, _ =	vpop (xrf1)  }
0x435: {  	v62 =	vshrl.u32 v22, $0x4  }
0x436: {  	v63 =	vld [tilespmem:s19+$0x10];
	v22 =	vperm.xlane v62, v2;
	_ =	sdelay $0x1  }
0x437: {  	vm1 =	vne.s32 v62, v22  }
0x438: {  	v56 =	vld [tilespmem:s18+$0x10];
	vm1 =	vmor vm1, vm0  }
0x439: {  	v53 =	vld.idx.msk [tilespmem:v21+s2+$0x0], $0xffff  }
0x43a: {  	v20 =	vmul.f32 v20, v20;
	v51 =	vld.idx.msk [tilespmem:v61+s2+$0x0], $0xffff;
	v0 =	vperm.xlane v63, v23  }
0x43b: {  	v23 =	vld.idx.msk [tilespmem:v21+s4+$0x0], $0xffff  }
0x43c: {  	(erf) = vrcp.f32 v20;
	v21 =	vld.idx.msk [tilespmem:v21+s5+$0x0], $0xffff;
	v0 =	vand.u32 $0x7FFFFFFF, v0  }
0x43d: {  	v22 =	vld.idx.msk [tilespmem:v61+s4+$0x0], $0xffff;
	v0 =	vxor.u32 $0x80000000, v0  }
0x43e: {  	v61 =	vld.idx.msk [tilespmem:v61+s5+$0x0], $0xffff;
	[tilespmem:v62+s14+$0x0] =	vst.idx.msk vm1, v0  }
0x43f: {  	v0 =	vld [tilespmem:s17+$0x20];
	_ =	sdelay $0x1  }
0x440: {  	v20 =	vmul.f32 v24, v24;
	_ =	sdelay $0x2  }
0x441: {  	(erf) = vrcp.f32 v20;
	v62 =	vshll.u32 v0, $0x4  }
0x442: {  	v20 =	vpop (erf);
	v24 =	vor.u32 v1, v62  }
0x443: {  	(xrf1) =	vsort.ascd.msk.u32 $0xffff, v24, v1;
	v24 =	vmul.f32 v20, v30;
	_ =	sdelay $0x1  }
0x444: {  	v62 =	vsub.f32 v33, v40;
	v20 =	vmul.f32 v24, v20;
	_ =	sdelay $0x1  }
0x445: {  	v33 =	vmul.f32 v57, v57;
	v20 =	vmul.f32 v20, v62  }
0x446: {  	v31 =	vsub.f32 v31, v37  }
0x447: {  	(erf) = vrcp.f32 v33;
	v7 =	vsub.f32 v20, v7  }
0x448: {  	v40 =	vpop (erf);
	v37 =	vmul.f32 v31, v24  }
0x449: {  	v54 =	vmul.f32 v40, v54;
	v30 =	vadd.f32 v7, v5  }
0x44a: {  	v6 =	vsub.f32 v37, v6  }
0x44b: {  	v57 =	vsub.f32 v48, v52;
	v24 =	vmul.f32 v54, v40;
	v5 =	vsub.f32 v30, v5  }
0x44c: {  	v37 =	vadd.f32 v6, v4  }
0x44d: {  	v58 =	vmul.f32 v58, v58;
	v5 =	vsub.f32 v5, v7;
	v7 =	vmul.f32 v24, v57  }
0x44e: {  	v43 =	vsub.f32 v43, v45;
	v4 =	vsub.f32 v37, v4  }
0x44f: {  	(erf) = vrcp.f32 v58;
	v24 =	vld [tilespmem:s19+$0x20];
	v48, v62, _ =	vpop (xrf1);
	v5 =	vsub.f32 v7, v5  }
0x450: {  	v20 =	vld [tilespmem:s16+$0x20];
	v4 =	vsub.f32 v4, v6;
	v6 =	vmul.f32 v43, v54;
	v54 =	vpop (erf);
	v33 =	vshrl.u32 v48, $0x4  }
0x451: {  	v48 =	vmul.f32 v54, v55;
	v52 =	vperm.xlane v33, v2;
	v43 =	vadd.f32 v5, v30  }
0x452: {  	v58 =	vsub.f32 v44, v47;
	v45 =	vsub.f32 v6, v4  }
0x453: {  	v57 =	vmul.f32 v48, v54;
	vm1 =	vne.s32 v33, v52;
	v4 =	vsub.f32 v43, v30  }
0x454: {  	v44 =	vld.idx.msk [tilespmem:v0+s2+$0x0], $0xffff;
	v40 =	vperm.xlane v24, v62;
	vm1 =	vmor vm1, vm0  }
0x455: {  	v7 =	vld [tilespmem:s18+$0x20];
	v30 =	vmul.f32 v57, v58;
	v5 =	vsub.f32 v4, v5  }
0x456: {  	v47 =	vadd.f32 v45, v37;
	v54 =	vld.idx.msk [tilespmem:v0+s4+$0x0], $0xffff;
	v40 =	vand.u32 $0x7FFFFFFF, v40  }
0x457: {  	v62 =	vmul.f32 v59, v59;
	v30 =	vsub.f32 v30, v5;
	v5 =	vld.idx.msk [tilespmem:v0+s5+$0x0], $0xffff;
	v0 =	vxor.u32 $0x80000000, v40  }
0x458: {  	v28 =	vsub.f32 v28, v34;
	v6 =	vld.idx.msk [tilespmem:v20+s2+$0x0], $0xffff  }
0x459: {  	v37 =	vsub.f32 v47, v37;
	v52 =	vld.idx.msk [tilespmem:v20+s4+$0x0], $0xffff;
	(erf) = vrcp.f32 v62  }
0x45a: {  	s20 =	sand.u32 $0x1FE0, s10;
	v28 =	vmul.f32 v28, v48;
	v4 =	vld.idx.msk [tilespmem:v20+s5+$0x0], $0xffff;
	[tilespmem:v33+s14+$0x0] =	vst.idx.msk vm1, v0;
	v0 =	vpop (erf)  }
0x45b: {  	v55 =	vsub.f32 v37, v45;
	v57 =	vadd.f32 v30, v43;
	v3 =	vmul.f32 v0, v3;
	v33 =	vld [tilespmem:s20+$0xBE80]  }
0x45c: {  	v29 =	vsub.f32 v29, v35  }
0x45d: {  	v20 =	vsub.f32 v28, v55;
	v58 =	vsub.f32 v57, v43;
	v0 =	vmul.f32 v3, v0  }
0x45e: {  	v8 =	vsub.f32 v8, v26;
	v62 =	vmul.f32 v60, v60  }
0x45f: {  	v59 =	vadd.f32 v20, v47;
	v28 =	vsub.f32 v58, v30;
	v0 =	vmul.f32 v0, v29  }
0x460: {  	(erf) = vrcp.f32 v62;
	v37 =	vshll.u32 v33, $0x4  }
0x461: {  	v35 =	vsub.f32 v59, v47;
	v0 =	vsub.f32 v0, v28;
	v26 =	vor.u32 v1, v37  }
0x462: {  	v3 =	vmul.f32 v8, v3;
	v8 =	vpop (erf);
	(xrf1) =	vsort.ascd.msk.u32 $0xffff, v26, v1  }
0x463: {  	v20 =	vsub.f32 v35, v20;
	v41 =	vmul.f32 v8, v41;
	v40 =	vadd.f32 v0, v57  }
0x464: {  	v45 =	vsub.f32 v36, v42  }
0x465: {  	v3 =	vsub.f32 v3, v20;
	v8 =	vmul.f32 v41, v8;
	v43 =	vsub.f32 v40, v57;
	_ =	sdelay $0x1  }
0x466: {  	v47 =	vadd.f32 v3, v59;
	v8 =	vmul.f32 v8, v45;
	v0 =	vsub.f32 v43, v0  }
0x467: {  	v48 =	vsub.f32 v32, v39  }
0x468: {  	v55 =	vsub.f32 v47, v59;
	v58 =	vpop (erf);
	v0 =	vsub.f32 v8, v0  }
0x469: {  	v60 =	vmul.f32 v58, v49  }
0x46a: {  	v3 =	vsub.f32 v55, v3;
	v8 =	vmul.f32 v48, v41;
	v59 =	vadd.f32 v0, v40  }
0x46b: {  	v62 =	vsub.f32 v46, v50  }
0x46c: {  	v20 =	vmul.f32 v60, v58;
	v3 =	vsub.f32 v8, v3;
	v8 =	vsub.f32 v59, v40  }
0x46d: {  	v57 =	vmul.f32 v63, v63  }
0x46e: {  	v63 =	vld [tilespmem:s20+$0x9E80];
	v0 =	vsub.f32 v8, v0;
	v8 =	vmul.f32 v20, v62  }
0x46f: {  	(erf) = vrcp.f32 v57;
	v42, v43, _ =	vpop (xrf1)  }
0x470: {  	v0 =	vsub.f32 v8, v0;
	v8 =	vshrl.u32 v42, $0x4  }
0x471: {  	v45 =	vld [tilespmem:s20+$0xFE80];
	v26 =	vperm.xlane v8, v2  }
0x472: {  	v40 =	vadd.f32 v3, v47  }
0x473: {  	v25 =	vsub.f32 v25, v27;
	vm1 =	vne.s32 v8, v26  }
0x474: {  	v50 =	vsub.f32 v51, v53;
	v53 =	vld.idx.msk [tilespmem:v33+s2+$0x0], $0xffff;
	v41 =	vsub.f32 v40, v47;
	vm1 =	vmor vm1, vm0  }
0x475: {  	v24 =	vmul.f32 v24, v24;
	v49 =	vld [tilespmem:s20+$0xDE80]  }
0x476: {  	v25 =	vmul.f32 v25, v60;
	v51 =	vld.idx.msk [tilespmem:v63+s2+$0x0], $0xffff;
	v3 =	vsub.f32 v41, v3;
	v30 =	vperm.xlane v45, v43  }
0x477: {  	(erf) = vrcp.f32 v24;
	v55 =	vld.idx.msk [tilespmem:v63+s4+$0x0], $0xffff;
	v46 =	vadd.f32 v0, v59  }
0x478: {  	v31 =	vld.idx.msk [tilespmem:v63+s5+$0x0], $0xffff;
	v47 =	vpop (erf);
	v3 =	vsub.f32 v25, v3;
	v30 =	vand.u32 $0x7FFFFFFF, v30  }
0x479: {  	v48 =	vmul.f32 v47, v56;
	v56 =	vld.idx.msk [tilespmem:v33+s4+$0x0], $0xffff;
	v30 =	vxor.u32 $0x80000000, v30;
	v28 =	vsub.f32 v46, v59  }
0x47a: {  	v57 =	vadd.f32 v3, v40;
	v59 =	vld.idx.msk [tilespmem:v33+s5+$0x0], $0xffff;
	[tilespmem:v8+s14+$0x0] =	vst.idx.msk vm1, v30;
	v8 =	vsub.f32 v22, v23;
	_ =	sdelay $0x1  }
0x47b: {  	v58 =	vld [tilespmem:$0x1FFA0];
	v27 =	vmul.f32 v48, v47;
	v60 =	vsub.f32 v57, v40;
	v8 =	vmul.f32 v8, v48  }
0x47c: {  	v62 =	vmul.f32 v45, v45  }
0x47d: {  	v27 =	vmul.f32 v27, v50;
	v0 =	vsub.f32 v28, v0;
	v3 =	vsub.f32 v60, v3  }
0x47e: {  	v30 =	vld [tilespmem:s17+$0x40]  }
0x47f: {  	(erf) = vrcp.f32 v62;
	v0 =	vsub.f32 v27, v0;
	v3 =	vsub.f32 v8, v3;
	v8 =	vpop (erf)  }
0x480: {  	v32 =	vsub.f32 v12, v13;
	v9 =	vsub.f32 v58, v9;
	v34 =	vld [tilespmem:s19+$0x40];
	v7 =	vmul.f32 v8, v7  }
0x481: {  	v6 =	vsub.f32 v6, v44;
	v63 =	vadd.f32 v0, v46  }
0x482: {  	v9 =	vadd.f32 v9, v38;
	v37 =	vadd.f32 v3, v57;
	v8 =	vmul.f32 v7, v8  }
0x483: {  	v40 =	vsub.f32 v52, v54;
	v33 =	vsub.f32 v63, v46;
	v38 =	vshll.u32 v30, $0x4  }
0x484: {  	v41 =	vld [tilespmem:s16+$0x40];
	v13 =	vor.u32 v1, v38;
	v39 =	vsub.f32 v37, v57;
	v6 =	vmul.f32 v8, v6  }
0x485: {  	v0 =	vsub.f32 v33, v0;
	(xrf1) =	vsort.ascd.msk.u32 $0xffff, v13, v1;
	v8 =	vmul.f32 v34, v34  }
0x486: {  	v10 =	vsub.f32 v10, v11;
	v7 =	vmul.f32 v40, v7;
	v3 =	vsub.f32 v39, v3  }
0x487: {  	v0 =	vsub.f32 v6, v0;
	(erf) = vrcp.f32 v8  }
0x488: {  	v9 =	vadd.f32 v10, v9;
	v3 =	vsub.f32 v7, v3;
	v6 =	vpop (erf)  }
0x489: {  	v35 =	vsub.f32 v14, v15;
	v7 =	vadd.f32 v0, v63;
	v42 =	vmul.f32 v6, v49  }
0x48a: {  	v9 =	vadd.f32 v32, v9;
	v43 =	vadd.f32 v3, v37  }
0x48b: {  	v45 =	vsub.f32 v51, v53;
	v46 =	vld [tilespmem:s18+$0x40];
	v44 =	vsub.f32 v7, v63;
	v6 =	vmul.f32 v42, v6  }
0x48c: {  	v47 =	vsub.f32 v55, v56;
	v48 =	vld.idx.msk [tilespmem:v41+s2+$0x0], $0xffff;
	v11 =	vsub.f32 v43, v37  }
0x48d: {  	v9 =	vadd.f32 v35, v9;
	v50 =	vld.idx.msk [tilespmem:v41+s4+$0x0], $0xffff;
	v0 =	vsub.f32 v44, v0;
	v6 =	vmul.f32 v6, v45  }
0x48e: {  	v8 =	vsub.f32 v16, v17;
	v49 =	vld.idx.msk [tilespmem:v30+s2+$0x0], $0xffff;
	v3 =	vsub.f32 v11, v3;
	v10 =	vmul.f32 v47, v42  }
0x48f: {  	v18 =	vsub.f32 v18, v19;
	v0 =	vsub.f32 v6, v0;
	v6 =	vld.idx.msk [tilespmem:v30+s4+$0x0], $0xffff  }
0x490: {  	v8 =	vadd.f32 v8, v9;
	v3 =	vsub.f32 v10, v3;
	v52 =	vpop (erf)  }
0x491: {  	v51 =	vsub.f32 v61, v21;
	v15 =	vmul.f32 v52, v46;
	v53 =	vadd.f32 v0, v7  }
0x492: {  	v8 =	vadd.f32 v18, v8;
	v54 =	vadd.f32 v3, v43  }
0x493: {  	v13 =	vsub.f32 v48, v49;
	v56, v55, _ =	vpop (xrf1);
	v10 =	vmul.f32 v15, v52;
	v7 =	vsub.f32 v53, v7  }
0x494: {  	v57 =	vshrl.u32 v56, $0x4;
	v9 =	vsub.f32 v54, v43;
	v6 =	vsub.f32 v50, v6  }
0x495: {  	v58 =	vperm.xlane v57, v2;
	v0 =	vsub.f32 v7, v0;
	v7 =	vmul.f32 v10, v13  }
0x496: {  	v4 =	vsub.f32 v4, v5;
	v3 =	vsub.f32 v9, v3;
	v5 =	vmul.f32 v6, v15;
	v6 =	vld.idx.msk [tilespmem:v41+s5+$0x0], $0xffff  }
0x497: {  	v8 =	vadd.f32 v51, v8;
	vm1 =	vne.s32 v57, v58;
	v0 =	vsub.f32 v7, v0;
	v7 =	vld.idx.msk [tilespmem:v30+s5+$0x0], $0xffff  }
0x498: {  	v59 =	vsub.f32 v31, v59;
	vm1 =	vmor vm1, vm0;
	v3 =	vsub.f32 v5, v3  }
0x499: {  	p0 =	sne.s32 s10, $0xF00;
	v8 =	vadd.f32 v4, v8;
	v5 =	vadd.f32 v0, v53  }
.Ltmp5:
0x49a: {  	v60 =	vperm.xlane v34, v55;
	v4 =	vadd.f32 v3, v54;
	(pc) =	sbr.rel @p0 .LBB2_12-.Ltmp5, $4  }
0x49b: {  	v8 =	vadd.f32 v59, v8;
	v61 =	vsub.f32 v5, v53  }
0x49c: {  	v62 =	vsub.f32 v4, v54;
	v63 =	vsub.f32 v6, v7;
	v6 =	vand.u32 $0x7FFFFFFF, v60  }
0x49d: {  	s10 =	sadd.s32 $0xA0, s10;
	s16 =	sadd.s32 $0xA0, s16;
	v7 =	vsub.f32 v61, v0;
	v0 =	vxor.u32 $0x80000000, v6  }
0x49e: {  	s17 =	sadd.s32 $0xA0, s17;
	s19 =	sadd.s32 $0xA0, s19;
	s18 =	sadd.s32 $0xA0, s18;
	v6 =	vsub.f32 v62, v3;
	v38 =	vadd.f32 v63, v8;
	[tilespmem:v57+s14+$0x0] =	vst.idx.msk vm1, v0  }
0x49f: {  	[tilespmem:$0x11E00] =	vst v5  }
0x4a0: {  	[hbm4b:s25+s2] =	stream.linear.scatter [tilespmem:s15], [sflag:$0x3], $0x80, $0x38;
	[tilespmem:$0x11E80] =	vst v63  }
0x4a1: {  	_ =	swait.ge [sflag:s3], $0x80  }
0x4a2: {  	[sflag:s3] =	ssyncset.done $0x0  }
0x4a3: {  	[sflag:s3] =	ssyncadd.s32 $0xFFFFFF80  }
0x4a4: {  	[tilespmem:$0x11E00] =	vst v4  }
0x4a5: {  	[hbm4b:s28+s2] =	stream.linear.scatter [tilespmem:s15], [sflag:$0x3], $0x80, $0x38;
	[tilespmem:$0x11E80] =	vst v63  }
0x4a6: {  	_ =	swait.ge [sflag:s3], $0x80  }
0x4a7: {  	[sflag:s3] =	ssyncset.done $0x0  }
0x4a8: {  	[sflag:s3] =	ssyncadd.s32 $0xFFFFFF80  }
0x4a9: {  	[tilespmem:$0x11E00] =	vst v38  }
0x4aa: {  	[hbm4b:s29+s2] =	stream.linear.scatter [tilespmem:s15], [sflag:$0x3], $0x80, $0x38;
	[tilespmem:$0x11E80] =	vst v63  }
0x4ab: {  	s12 =	sadd.s32 $0x1, s12;
	_ =	swait.ge [sflag:s3], $0x80  }
0x4ac: {  	p0 =	sne.s32 s12, s31;
	[sflag:s3] =	ssyncset.done $0x0  }
.Ltmp6:
0x4ad: {  	s10 =	simm.s32 $0x400;
	[sflag:s3] =	ssyncadd.s32 $0xFFFFFF80;
	(pc) =	sbr.rel @p0 .LBB2_1-.Ltmp6, $4  }
0x4ae: {  	[hbm4b:s30+s0] =	stream.strided.scatter [tilespmem:s14], [sflag:$0x3], $0x2780, s10, s0, $0x38;
	[tilespmem:$0x11E80] =	vst v63  }
0x4af: {  	_ =	swait.ge [sflag:s3], $0x2780  }
0x4b0: {  	[sflag:s3] =	ssyncset.done $0x0  }
0x4b1: {  	v0 =	vimm.f32 $0.0e+00;
	[sflag:s3] =	ssyncadd.s32 $0xFFFFD880  }
0x4b2: {  	_ =	sfence.sel $0x180000  }
0x4b3: {  	[bflag:$0x0] =	sbarrier.arrive $0xFFFF  }
0x4b4: {  	_ =	strace $0x90000047  }
0x4b5: {  	s0 =	stileid.u32;
	[bflag:$0x2] =	sbarrier.arrive $0xFFFF  }
0x4b6: {  	p0 =	sne.s32 s0, $0x0;
	s0 =	rddreg [dreg:$0x1]  }
0x4b7: {  	s0 =	sadd.s32 @!p0 $0x100000, s0  }
0x4b8: {  	[sflag:s0] =	ssyncadd.tile.s32 @!p0 $0x1;
	_ =	shalt  }
.Lfunc_end2:
_tile_overlayer_lowered:
.L_overlay_start_2:
0x4b9: {  	(tag) =	ssettag $0x2  }
0x4ba: {  	s0 =	rddreg [dreg:$0x0];
	s2 =	stileid.u32  }
0x4bb: {  	s1 =	rddreg [dreg:$0x1];
	p0 =	sne.s32 s2, $0x0  }
0x4bc: {  	s3 =	rddreg [dreg:$0x2];
	[bflag:$0x3] =	sbarrier.arrive $0xFFFF;
	s2 =	simm.s32 @!p0 $0x1C03  }
0x4bd: {  	[timem:s3], [sflag:s2] =	dma.local @!p0 [hbm:s0], s1  }
0x4be: {  	s0 =	simm.s32 @!p0 $0x3  }
0x4bf: {  	_ =	swait.ge @!p0 [sflag:s0], s1  }
0x4c0: {  	s1 =	ssub.s32 @!p0 $0x0, s1;
	[sflag:s0] =	ssyncset.done @!p0 $0x0  }
0x4c1: {  	[sflag:s0] =	ssyncadd.s32 @!p0 s1  }
0x4c2: {  	[bflag:$0x3] =	sbarrier.arrive $0xFFFF  }
0x4c3: {  	_ =	shalt  }

</sc_bundles>
